<compile_context>
chip_gen: v7x
topology: tpu7x:2x2x1
jax: 0.10.2.dev20260603
libtpu: 0.0.44.dev20260713+nightly
codegen_flags: <defaults>
</compile_context>

<pallas_src>
import functools

import jax
import jax.numpy as jnp
from jax import lax
from jax.experimental import pallas as pl
from jax.experimental.pallas import tpu as pltpu
from jax.experimental.pallas import tpu_sc as plsc

_N = 10000
_E = 320000
_D = 128

_NC = 2
_NS = 16
_NW = _NC * _NS

_CHUNK = 64
_NCHT = 320
_PH = 40
_NCH0 = 320
_NCH1 = _NCHT - _NCH0
_EPAD = _CHUNK * _NCHT * _NS
_NP = 10240
_RPT = _NP // _NS

_mesh = plsc.VectorSubcoreMesh(core_axis_name="c", subcore_axis_name="s")


_EB = 8192
_NEB = _EPAD // _EB


def _deg_body(dst_ref, hist_ref):
    @pl.when(pl.program_id(0) == 0)
    def _():
        hist_ref[...] = jnp.zeros_like(hist_ref)

    d = dst_ref[0]
    a = (d // 128).astype(jnp.int16)
    b = (d % 128).astype(jnp.int16)
    ka = lax.broadcasted_iota(jnp.int16, (128, _EB), 0)
    one = jnp.ones((), jnp.bfloat16)
    zero = jnp.zeros((), jnp.bfloat16)
    oh_a = jnp.where(ka == a, one, zero)
    oh_b = jnp.where(ka == b, one, zero)
    hist_ref[...] += lax.dot_general(
        oh_a, oh_b, (((1,), (1,)), ((), ())),
        preferred_element_type=jnp.float32)


def _tc_deg(dst2d):
    return pl.pallas_call(
        _deg_body,
        grid=(_NEB,),
        in_specs=[pl.BlockSpec((1, 1, _EB), lambda i: (i, 0, 0))],
        out_specs=pl.BlockSpec((128, 128), lambda i: (0, 0)),
        out_shape=jax.ShapeDtypeStruct((128, 128), jnp.float32),
    )(dst2d)


def _agg_body(hp_hbm, src_hbm, dst_hbm, p_hbm, sem0, sem1, sem2, sem3,
              acc_sh):
    cid = lax.axis_index("c")
    sid = lax.axis_index("s")
    wid = cid * _NS + sid
    sems = (sem0, sem1, sem2, sem3)

    r0 = sid * _RPT

    def scoped(src_v, dst_v, rows0_v, rows1_v, rows2_v, rows3_v):
        _agg_inner(hp_hbm, src_hbm, dst_hbm, p_hbm, sems, acc_sh,
                   src_v, dst_v, (rows0_v, rows1_v, rows2_v, rows3_v),
                   cid, sid, wid, r0)

    pl.run_scoped(
        scoped,
        pltpu.VMEM((_PH, _CHUNK), jnp.int32),
        pltpu.VMEM((_PH, _CHUNK), jnp.int32),
        pltpu.VMEM((_CHUNK, _D), jnp.float32),
        pltpu.VMEM((_CHUNK, _D), jnp.float32),
        pltpu.VMEM((_CHUNK, _D), jnp.float32),
        pltpu.VMEM((_CHUNK, _D), jnp.float32),
    )


def _agg_inner(hp_hbm, src_hbm, dst_hbm, p_hbm, sems, acc_sh,
               src_v, dst_v, bufs, cid, sid, wid, r0):
    nbuf = len(bufs)

    def init_body(k, carry):
        rr = r0 + k * _CHUNK
        pltpu.sync_copy(hp_hbm.at[pl.ds(rr, _CHUNK)], bufs[0])
        pltpu.sync_copy(bufs[0], acc_sh.at[pl.ds(rr, _CHUNK)])
        return carry

    lax.fori_loop(0, _RPT // _CHUNK, init_body, 0)
    plsc.subcore_barrier()

    def fire(j, b):
        pltpu.async_copy(hp_hbm.at[src_v.at[j]], bufs[b], sems[b])

    def drain(j, b):
        pltpu.make_async_copy(hp_hbm.at[src_v.at[j]], bufs[b], sems[b]).wait()

    base = lax.select(cid == 0, jnp.int32(0), jnp.int32(_NCH0))
    nph = lax.select(cid == 0, jnp.int32(_NCH0 // _PH),
                     jnp.int32(_NCH1 // _PH))

    def run_phase():
        for b in range(nbuf):
            fire(b, b)

        def body(o, carry):
            j = nbuf * o
            for b in range(nbuf):
                drain(j + b, b)
                pltpu.sync_copy(bufs[b], acc_sh.at[dst_v.at[j + b]], add=True)

                @pl.when(o < _PH // nbuf - 1)
                def _():
                    fire(j + b + nbuf, b)
            return carry

        lax.fori_loop(0, _PH // nbuf, body, 0)

    for h in range(_NCH0 // _PH):
        @pl.when(h < nph)
        def _():
            pltpu.sync_copy(src_hbm.at[sid, pl.ds(base + h * _PH, _PH)],
                            src_v)
            pltpu.sync_copy(dst_hbm.at[sid, pl.ds(base + h * _PH, _PH)],
                            dst_v)
            run_phase()
    plsc.subcore_barrier()

    def out_body(k, carry):
        rr = r0 + k * _CHUNK
        pltpu.sync_copy(acc_sh.at[pl.ds(rr, _CHUNK)], bufs[0])
        pltpu.sync_copy(bufs[0], p_hbm.at[cid, pl.ds(rr, _CHUNK)])
        return carry

    lax.fori_loop(0, _RPT // _CHUNK, out_body, 0)


_sc_agg = functools.partial(
    pl.kernel,
    out_type=jax.ShapeDtypeStruct((_NC, _NP, _D), jnp.float32),
    mesh=_mesh,
    scratch_types=[
        pltpu.SemaphoreType.DMA,
        pltpu.SemaphoreType.DMA,
        pltpu.SemaphoreType.DMA,
        pltpu.SemaphoreType.DMA,
        pltpu.VMEM_SHARED((_NP, _D), jnp.float32),
    ],
)(_agg_body)


_BM = 1024


def _mm_body(x_ref, w_ref, deg_ref, hp_ref):
    deg = deg_ref[...] + 1.0
    dinv = lax.rsqrt(deg)
    h = jnp.dot(x_ref[...], w_ref[...], preferred_element_type=jnp.float32)
    hp_ref[...] = h * dinv


def _tc_mm(x, w, deg):
    return pl.pallas_call(
        _mm_body,
        grid=(_NP // _BM,),
        in_specs=[
            pl.BlockSpec((_BM, _D), lambda i: (i, 0)),
            pl.BlockSpec((_D, _D), lambda i: (0, 0)),
            pl.BlockSpec((_BM, 1), lambda i: (i, 0)),
        ],
        out_specs=pl.BlockSpec((_BM, _D), lambda i: (i, 0)),
        out_shape=jax.ShapeDtypeStruct((_NP, _D), jnp.float32),
    )(x, w, deg)


def _fin_body(p_ref, hp_ref, deg_ref, b_ref, out_ref):
    deg = deg_ref[...] + 1.0
    dinv = lax.rsqrt(deg)
    s = p_ref[0] + p_ref[1] - hp_ref[...]
    out_ref[...] = 0.5 * (dinv * s + b_ref[...])


def _tc_fin(p, hp, deg, b2):
    return pl.pallas_call(
        _fin_body,
        grid=(_NP // _BM,),
        in_specs=[
            pl.BlockSpec((_NC, _BM, _D), lambda i: (0, i, 0)),
            pl.BlockSpec((_BM, _D), lambda i: (i, 0)),
            pl.BlockSpec((_BM, 1), lambda i: (i, 0)),
            pl.BlockSpec((1, _D), lambda i: (0, 0)),
        ],
        out_specs=pl.BlockSpec((_BM, _D), lambda i: (i, 0)),
        out_shape=jax.ShapeDtypeStruct((_NP, _D), jnp.float32),
    )(p, hp, deg, b2)


def kernel(x, edge_index, W, b):
    src = edge_index[0].astype(jnp.int32)
    dst = edge_index[1].astype(jnp.int32)
    npad = _EPAD - _E
    srcp = jnp.concatenate([src, jnp.zeros((npad,), jnp.int32)])
    dstp = jnp.concatenate([dst, jnp.full((npad,), _N, jnp.int32)])
    srcp = srcp.reshape(_NS, _NCHT, _CHUNK)
    dstp = dstp.reshape(_NS, _NCHT, _CHUNK)

    x_pad = jnp.concatenate([x, jnp.zeros((_NP - _N, _D), x.dtype)])

    hist2d = _tc_deg(dstp.reshape(_NEB, 1, _EB))
    deg = hist2d.reshape(128 * 128)[:_NP].reshape(_NP, 1)
    hp = _tc_mm(x_pad, W, deg)
    p = _sc_agg(hp, srcp, dstp)
    out = _tc_fin(p, hp, deg, b.reshape(1, _D))
    return out[:_N]

# --- scband reference (transcript-rebuilt; emitter-appended) ---
"""Pipeline reference for scband-base-gcelayer-33509334843918 (READ-ONLY COPY).

The authoritative reference and input builder live on the scoring server;
editing this copy changes nothing except your own understanding.
"""

import jax, jax.numpy as jnp
import numpy as np

N = 10000
E = 320000
D_IN = 128
D_OUT = 128
COOCCURRENCE_WEIGHT = 0.5


def setup_inputs(seed: int = 0) -> dict:
    key = jax.random.key(seed)
    k1, k2, k3 = jax.random.split(key, 3)
    x = jax.random.normal(k1, (N, D_IN), dtype=jnp.float32)
    edge_index = jax.random.randint(k2, (2, E), 0, N)
    W = jax.random.normal(k3, (D_IN, D_OUT), dtype=jnp.float32) * 0.05
    b = jnp.zeros((D_OUT,), dtype=jnp.float32)
    return {"x": x, "edge_index": edge_index, "W": W, "b": b}


def reference(x, edge_index, W, b):
    # GCNConv (Kipf & Welling) as used by the graph_conv member of BaseGCELayer
    # (non-attention branch), scaled by cooccurrence_weight.
    n = x.shape[0]
    loop = jnp.arange(n, dtype=edge_index.dtype)
    src = jnp.concatenate([edge_index[0], loop])
    dst = jnp.concatenate([edge_index[1], loop])
    # degree from destination nodes (PyG default norm), self-loops included
    deg = jax.ops.segment_sum(jnp.ones(src.shape[0], dtype=x.dtype), dst, num_segments=n)
    dinv = jax.lax.rsqrt(jnp.maximum(deg, 1.0))
    norm = dinv[src] * dinv[dst]
    h = x @ W
    msg = h[src] * norm[:, None]
    out = jax.ops.segment_sum(msg, dst, num_segments=n) + b
    return COOCCURRENCE_WEIGHT * out

if __name__ == "__main__":
    import jax
    _d = setup_inputs()
    print(jax.jit(kernel)(*tuple(_d.values())))

</pallas_src>

<mosaic_0001>
#map = affine_map<(d0, d1) -> (0, 0)>
#map1 = affine_map<(d0, d1) -> (0, 0, 0)>
module attributes {stable_mosaic.version = 14 : i64} {
  func.func @_agg_body(%arg0: i32, %arg1: i32, %arg2: memref<10240x128xf32, #tpu.memory_space<hbm>>, %arg3: memref<16x320x64xi32, #tpu.memory_space<hbm>>, %arg4: memref<16x320x64xi32, #tpu.memory_space<hbm>>, %arg5: memref<2x10240x128xf32, #tpu.memory_space<hbm>>, %arg6: memref<!tpu.dma_semaphore, #tpu.memory_space<semaphore_mem>>, %arg7: memref<!tpu.dma_semaphore, #tpu.memory_space<semaphore_mem>>, %arg8: memref<!tpu.dma_semaphore, #tpu.memory_space<semaphore_mem>>, %arg9: memref<!tpu.dma_semaphore, #tpu.memory_space<semaphore_mem>>, %arg10: memref<10240x128xf32, #tpu.memory_space<vmem_shared>>) attributes {dimension_semantics = [#tpu.dimension_semantics<core_parallel>, #tpu.dimension_semantics<subcore_parallel>], iteration_bounds = array<i64: 2, 16>, scalar_prefetch = 0 : i64, scratch_operands = 5 : i64, tpu.core_type = #tpu.core_type<sc_vector_subcore>, window_params = [{transform_indices = #map}, {transform_indices = #map1}, {transform_indices = #map1}, {transform_indices = #map1}]} {
    %mul3A = arith.constant 16 : i32
    %mul3A_0 = arith.muli %arg0, %mul3A : i32
    %add3A = arith.addi %mul3A_0, %arg1 : i32
    %mul3A_1 = arith.constant 640 : i32
    %mul3A_2 = arith.muli %arg1, %mul3A_1 : i32
    "tpu.region"() ({
      %run_scoped3A = memref.alloca() : memref<40x64xi32, #tpu.memory_space<vmem>>
      %run_scoped3A_3 = memref.alloca() : memref<40x64xi32, #tpu.memory_space<vmem>>
      %run_scoped3A_4 = memref.alloca() : memref<64x128xf32, #tpu.memory_space<vmem>>
      %run_scoped3A_5 = memref.alloca() : memref<64x128xf32, #tpu.memory_space<vmem>>
      %run_scoped3A_6 = memref.alloca() : memref<64x128xf32, #tpu.memory_space<vmem>>
      %run_scoped3A_7 = memref.alloca() : memref<64x128xf32, #tpu.memory_space<vmem>>
      %scan3A = arith.constant 0 : i32
      %scan3A_8 = arith.constant 0 : i32
      %scan3A_9 = arith.constant 10 : i32
      %scan3A_10 = arith.addi %scan3A_8, %scan3A_9 : i32
      %scan3A_11 = arith.constant 1 : i32
      scf.for %scan3A_65 = %scan3A_8 to %scan3A_10 step %scan3A_11  : i32 {
        %mul3A_66 = arith.constant 64 : i32
        %mul3A_67 = arith.muli %scan3A_65, %mul3A_66 : i32
        %add3A_68 = arith.addi %mul3A_2, %mul3A_67 : i32
        "tpu.region"() ({
          %run_scoped3A_69 = tpu.sem_alloc : memref<!tpu.dma_semaphore, #tpu.memory_space<semaphore_mem>>
          %dma_start3A = arith.constant 0 : i32
          %dma_start3A_70 = tpu.memref_slice %arg2[%add3A_68, %dma_start3A] : memref<10240x128xf32, #tpu.memory_space<hbm>> -> memref<64x128xf32, #tpu.memory_space<hbm>>
          %dma_start3A_71 = arith.constant 0 : i32
          %dma_start3A_72 = tpu.memref_slice %arg2[%add3A_68, %dma_start3A_71] : memref<10240x128xf32, #tpu.memory_space<hbm>> -> memref<64x128xf32, #tpu.memory_space<hbm>>
          tpu.enqueue_dma source(%dma_start3A_72 : memref<64x128xf32, #tpu.memory_space<hbm>>) target(%run_scoped3A_4 : memref<64x128xf32, #tpu.memory_space<vmem>>) target_semaphore(%run_scoped3A_69 : memref<!tpu.dma_semaphore, #tpu.memory_space<semaphore_mem>>)
          %dma_wait3A = arith.constant 0 : i32
          %dma_wait3A_73 = tpu.memref_slice %arg2[%add3A_68, %dma_wait3A] : memref<10240x128xf32, #tpu.memory_space<hbm>> -> memref<64x128xf32, #tpu.memory_space<hbm>>
          %dma_wait3A_74 = arith.constant 0 : i32
          %dma_wait3A_75 = tpu.memref_slice %arg2[%add3A_68, %dma_wait3A_74] : memref<10240x128xf32, #tpu.memory_space<hbm>> -> memref<64x128xf32, #tpu.memory_space<hbm>>
          tpu.wait_dma2 semaphore(%run_scoped3A_69 : memref<!tpu.dma_semaphore, #tpu.memory_space<semaphore_mem>>) src(%dma_wait3A_75 : memref<64x128xf32, #tpu.memory_space<hbm>>) dst(%run_scoped3A_4 : memref<64x128xf32, #tpu.memory_space<vmem>>)
          tpu.yield
        }) : () -> ()
        "tpu.region"() ({
          %run_scoped3A_69 = tpu.sem_alloc : memref<!tpu.dma_semaphore, #tpu.memory_space<semaphore_mem>>
          %dma_start3A = arith.constant 0 : i32
          %dma_start3A_70 = tpu.memref_slice %arg10[%add3A_68, %dma_start3A] : memref<10240x128xf32, #tpu.memory_space<vmem_shared>> -> memref<64x128xf32, #tpu.memory_space<vmem_shared>>
          %dma_start3A_71 = arith.constant 0 : i32
          %dma_start3A_72 = tpu.memref_slice %arg10[%add3A_68, %dma_start3A_71] : memref<10240x128xf32, #tpu.memory_space<vmem_shared>> -> memref<64x128xf32, #tpu.memory_space<vmem_shared>>
          tpu.enqueue_dma source(%run_scoped3A_4 : memref<64x128xf32, #tpu.memory_space<vmem>>) target(%dma_start3A_72 : memref<64x128xf32, #tpu.memory_space<vmem_shared>>) target_semaphore(%run_scoped3A_69 : memref<!tpu.dma_semaphore, #tpu.memory_space<semaphore_mem>>)
          %dma_wait3A = arith.constant 0 : i32
          %dma_wait3A_73 = tpu.memref_slice %arg10[%add3A_68, %dma_wait3A] : memref<10240x128xf32, #tpu.memory_space<vmem_shared>> -> memref<64x128xf32, #tpu.memory_space<vmem_shared>>
          %dma_wait3A_74 = arith.constant 0 : i32
          %dma_wait3A_75 = tpu.memref_slice %arg10[%add3A_68, %dma_wait3A_74] : memref<10240x128xf32, #tpu.memory_space<vmem_shared>> -> memref<64x128xf32, #tpu.memory_space<vmem_shared>>
          tpu.wait_dma2 semaphore(%run_scoped3A_69 : memref<!tpu.dma_semaphore, #tpu.memory_space<semaphore_mem>>) src(%run_scoped3A_4 : memref<64x128xf32, #tpu.memory_space<vmem>>) dst(%dma_wait3A_75 : memref<64x128xf32, #tpu.memory_space<vmem_shared>>)
          tpu.yield
        }) : () -> ()
      }
      %scan3A_12 = arith.constant 10 : i32
      %barrier3A = arith.constant 0 : index
      tpu.barrier barrier_id(%barrier3A)
      %eq3A = arith.constant 0 : i32
      %eq3A_13 = arith.cmpi eq, %arg0, %eq3A : i32
      %select_n3A = arith.constant 320 : i32
      %select_n3A_14 = arith.constant 0 : i32
      %select_n3A_15 = arith.select %eq3A_13, %select_n3A_14, %select_n3A : i32
      %eq3A_16 = arith.constant 0 : i32
      %eq3A_17 = arith.cmpi eq, %arg0, %eq3A_16 : i32
      %select_n3A_18 = arith.constant 0 : i32
      %select_n3A_19 = arith.constant 8 : i32
      %select_n3A_20 = arith.select %eq3A_17, %select_n3A_19, %select_n3A_18 : i32
      %gt3A = arith.constant 0 : i32
      %gt3A_21 = arith.cmpi sgt, %select_n3A_20, %gt3A : i32
      %convert_element_type3A = arith.extui %gt3A_21 : i1 to i32
      %cond3A = arith.constant 0 : i32
      %cond3A_22 = arith.cmpi ne, %convert_element_type3A, %cond3A : i32
      scf.if %cond3A_22 {
        %add3A_65 = arith.constant 0 : i32
        %add3A_66 = arith.addi %select_n3A_15, %add3A_65 : i32
        "tpu.region"() ({
          %run_scoped3A_102 = tpu.sem_alloc : memref<!tpu.dma_semaphore, #tpu.memory_space<semaphore_mem>>
          %dma_start3A_103 = arith.constant 0 : i32
          %dma_start3A_104 = tpu.memref_slice %arg3[%arg1, %add3A_66, %dma_start3A_103] : memref<16x320x64xi32, #tpu.memory_space<hbm>> -> memref<1x40x64xi32, #tpu.memory_space<hbm>>
          %dma_start3A_105 = tpu.memref_squeeze %dma_start3A_104 : memref<1x40x64xi32, #tpu.memory_space<hbm>> -> memref<40x64xi32, #tpu.memory_space<hbm>>
          %dma_start3A_106 = arith.constant 0 : i32
          %dma_start3A_107 = tpu.memref_slice %arg3[%arg1, %add3A_66, %dma_start3A_106] : memref<16x320x64xi32, #tpu.memory_space<hbm>> -> memref<1x40x64xi32, #tpu.memory_space<hbm>>
          %dma_start3A_108 = tpu.memref_squeeze %dma_start3A_107 : memref<1x40x64xi32, #tpu.memory_space<hbm>> -> memref<40x64xi32, #tpu.memory_space<hbm>>
          tpu.enqueue_dma source(%dma_start3A_108 : memref<40x64xi32, #tpu.memory_space<hbm>>) target(%run_scoped3A : memref<40x64xi32, #tpu.memory_space<vmem>>) target_semaphore(%run_scoped3A_102 : memref<!tpu.dma_semaphore, #tpu.memory_space<semaphore_mem>>)
          %dma_wait3A = arith.constant 0 : i32
          %dma_wait3A_109 = tpu.memref_slice %arg3[%arg1, %add3A_66, %dma_wait3A] : memref<16x320x64xi32, #tpu.memory_space<hbm>> -> memref<1x40x64xi32, #tpu.memory_space<hbm>>
          %dma_wait3A_110 = tpu.memref_squeeze %dma_wait3A_109 : memref<1x40x64xi32, #tpu.memory_space<hbm>> -> memref<40x64xi32, #tpu.memory_space<hbm>>
          %dma_wait3A_111 = arith.constant 0 : i32
          %dma_wait3A_112 = tpu.memref_slice %arg3[%arg1, %add3A_66, %dma_wait3A_111] : memref<16x320x64xi32, #tpu.memory_space<hbm>> -> memref<1x40x64xi32, #tpu.memory_space<hbm>>
          %dma_wait3A_113 = tpu.memref_squeeze %dma_wait3A_112 : memref<1x40x64xi32, #tpu.memory_space<hbm>> -> memref<40x64xi32, #tpu.memory_space<hbm>>
          tpu.wait_dma2 semaphore(%run_scoped3A_102 : memref<!tpu.dma_semaphore, #tpu.memory_space<semaphore_mem>>) src(%dma_wait3A_113 : memref<40x64xi32, #tpu.memory_space<hbm>>) dst(%run_scoped3A : memref<40x64xi32, #tpu.memory_space<vmem>>)
          tpu.yield
        }) : () -> ()
        %add3A_67 = arith.constant 0 : i32
        %add3A_68 = arith.addi %select_n3A_15, %add3A_67 : i32
        "tpu.region"() ({
          %run_scoped3A_102 = tpu.sem_alloc : memref<!tpu.dma_semaphore, #tpu.memory_space<semaphore_mem>>
          %dma_start3A_103 = arith.constant 0 : i32
          %dma_start3A_104 = tpu.memref_slice %arg4[%arg1, %add3A_68, %dma_start3A_103] : memref<16x320x64xi32, #tpu.memory_space<hbm>> -> memref<1x40x64xi32, #tpu.memory_space<hbm>>
          %dma_start3A_105 = tpu.memref_squeeze %dma_start3A_104 : memref<1x40x64xi32, #tpu.memory_space<hbm>> -> memref<40x64xi32, #tpu.memory_space<hbm>>
          %dma_start3A_106 = arith.constant 0 : i32
          %dma_start3A_107 = tpu.memref_slice %arg4[%arg1, %add3A_68, %dma_start3A_106] : memref<16x320x64xi32, #tpu.memory_space<hbm>> -> memref<1x40x64xi32, #tpu.memory_space<hbm>>
          %dma_start3A_108 = tpu.memref_squeeze %dma_start3A_107 : memref<1x40x64xi32, #tpu.memory_space<hbm>> -> memref<40x64xi32, #tpu.memory_space<hbm>>
          tpu.enqueue_dma source(%dma_start3A_108 : memref<40x64xi32, #tpu.memory_space<hbm>>) target(%run_scoped3A_3 : memref<40x64xi32, #tpu.memory_space<vmem>>) target_semaphore(%run_scoped3A_102 : memref<!tpu.dma_semaphore, #tpu.memory_space<semaphore_mem>>)
          %dma_wait3A = arith.constant 0 : i32
          %dma_wait3A_109 = tpu.memref_slice %arg4[%arg1, %add3A_68, %dma_wait3A] : memref<16x320x64xi32, #tpu.memory_space<hbm>> -> memref<1x40x64xi32, #tpu.memory_space<hbm>>
          %dma_wait3A_110 = tpu.memref_squeeze %dma_wait3A_109 : memref<1x40x64xi32, #tpu.memory_space<hbm>> -> memref<40x64xi32, #tpu.memory_space<hbm>>
          %dma_wait3A_111 = arith.constant 0 : i32
          %dma_wait3A_112 = tpu.memref_slice %arg4[%arg1, %add3A_68, %dma_wait3A_111] : memref<16x320x64xi32, #tpu.memory_space<hbm>> -> memref<1x40x64xi32, #tpu.memory_space<hbm>>
          %dma_wait3A_113 = tpu.memref_squeeze %dma_wait3A_112 : memref<1x40x64xi32, #tpu.memory_space<hbm>> -> memref<40x64xi32, #tpu.memory_space<hbm>>
          tpu.wait_dma2 semaphore(%run_scoped3A_102 : memref<!tpu.dma_semaphore, #tpu.memory_space<semaphore_mem>>) src(%dma_wait3A_113 : memref<40x64xi32, #tpu.memory_space<hbm>>) dst(%run_scoped3A_3 : memref<40x64xi32, #tpu.memory_space<vmem>>)
          tpu.yield
        }) : () -> ()
        %dma_start3A = arith.constant 0 : i32
        %dma_start3A_69 = arith.constant 0 : i32
        %dma_start3A_70 = tpu.memref_slice %run_scoped3A[%dma_start3A, %dma_start3A_69] : memref<40x64xi32, #tpu.memory_space<vmem>> -> memref<1x64xi32, #tpu.memory_space<vmem>>
        %dma_start3A_71 = tpu.memref_squeeze %dma_start3A_70 : memref<1x64xi32, #tpu.memory_space<vmem>> -> memref<64xi32, #tpu.memory_space<vmem>>
        %dma_start3A_72 = arith.constant 0 : i32
        %dma_start3A_73 = arith.constant 0 : i32
        %dma_start3A_74 = tpu.memref_slice %arg2[%dma_start3A_72, %dma_start3A_73] : memref<10240x128xf32, #tpu.memory_space<hbm>> -> memref<10240x128xf32, #tpu.memory_space<hbm>>
        tpu.enqueue_indirect_dma source(%dma_start3A_74 : memref<10240x128xf32, #tpu.memory_space<hbm>>) target(%run_scoped3A_4 : memref<64x128xf32, #tpu.memory_space<vmem>>) offsets(%dma_start3A_71 : memref<64xi32, #tpu.memory_space<vmem>>) semaphore(%arg6 : memref<!tpu.dma_semaphore, #tpu.memory_space<semaphore_mem>>)
        %dma_start3A_75 = arith.constant 1 : i32
        %dma_start3A_76 = arith.constant 0 : i32
        %dma_start3A_77 = tpu.memref_slice %run_scoped3A[%dma_start3A_75, %dma_start3A_76] : memref<40x64xi32, #tpu.memory_space<vmem>> -> memref<1x64xi32, #tpu.memory_space<vmem>>
        %dma_start3A_78 = tpu.memref_squeeze %dma_start3A_77 : memref<1x64xi32, #tpu.memory_space<vmem>> -> memref<64xi32, #tpu.memory_space<vmem>>
        %dma_start3A_79 = arith.constant 0 : i32
        %dma_start3A_80 = arith.constant 0 : i32
        %dma_start3A_81 = tpu.memref_slice %arg2[%dma_start3A_79, %dma_start3A_80] : memref<10240x128xf32, #tpu.memory_space<hbm>> -> memref<10240x128xf32, #tpu.memory_space<hbm>>
        tpu.enqueue_indirect_dma source(%dma_start3A_81 : memref<10240x128xf32, #tpu.memory_space<hbm>>) target(%run_scoped3A_5 : memref<64x128xf32, #tpu.memory_space<vmem>>) offsets(%dma_start3A_78 : memref<64xi32, #tpu.memory_space<vmem>>) semaphore(%arg7 : memref<!tpu.dma_semaphore, #tpu.memory_space<semaphore_mem>>)
        %dma_start3A_82 = arith.constant 2 : i32
        %dma_start3A_83 = arith.constant 0 : i32
        %dma_start3A_84 = tpu.memref_slice %run_scoped3A[%dma_start3A_82, %dma_start3A_83] : memref<40x64xi32, #tpu.memory_space<vmem>> -> memref<1x64xi32, #tpu.memory_space<vmem>>
        %dma_start3A_85 = tpu.memref_squeeze %dma_start3A_84 : memref<1x64xi32, #tpu.memory_space<vmem>> -> memref<64xi32, #tpu.memory_space<vmem>>
        %dma_start3A_86 = arith.constant 0 : i32
        %dma_start3A_87 = arith.constant 0 : i32
        %dma_start3A_88 = tpu.memref_slice %arg2[%dma_start3A_86, %dma_start3A_87] : memref<10240x128xf32, #tpu.memory_space<hbm>> -> memref<10240x128xf32, #tpu.memory_space<hbm>>
        tpu.enqueue_indirect_dma source(%dma_start3A_88 : memref<10240x128xf32, #tpu.memory_space<hbm>>) target(%run_scoped3A_6 : memref<64x128xf32, #tpu.memory_space<vmem>>) offsets(%dma_start3A_85 : memref<64xi32, #tpu.memory_space<vmem>>) semaphore(%arg8 : memref<!tpu.dma_semaphore, #tpu.memory_space<semaphore_mem>>)
        %dma_start3A_89 = arith.constant 3 : i32
        %dma_start3A_90 = arith.constant 0 : i32
        %dma_start3A_91 = tpu.memref_slice %run_scoped3A[%dma_start3A_89, %dma_start3A_90] : memref<40x64xi32, #tpu.memory_space<vmem>> -> memref<1x64xi32, #tpu.memory_space<vmem>>
        %dma_start3A_92 = tpu.memref_squeeze %dma_start3A_91 : memref<1x64xi32, #tpu.memory_space<vmem>> -> memref<64xi32, #tpu.memory_space<vmem>>
        %dma_start3A_93 = arith.constant 0 : i32
        %dma_start3A_94 = arith.constant 0 : i32
        %dma_start3A_95 = tpu.memref_slice %arg2[%dma_start3A_93, %dma_start3A_94] : memref<10240x128xf32, #tpu.memory_space<hbm>> -> memref<10240x128xf32, #tpu.memory_space<hbm>>
        tpu.enqueue_indirect_dma source(%dma_start3A_95 : memref<10240x128xf32, #tpu.memory_space<hbm>>) target(%run_scoped3A_7 : memref<64x128xf32, #tpu.memory_space<vmem>>) offsets(%dma_start3A_92 : memref<64xi32, #tpu.memory_space<vmem>>) semaphore(%arg9 : memref<!tpu.dma_semaphore, #tpu.memory_space<semaphore_mem>>)
        %scan3A_96 = arith.constant 0 : i32
        %scan3A_97 = arith.constant 0 : i32
        %scan3A_98 = arith.constant 10 : i32
        %scan3A_99 = arith.addi %scan3A_97, %scan3A_98 : i32
        %scan3A_100 = arith.constant 1 : i32
        scf.for %scan3A_102 = %scan3A_97 to %scan3A_99 step %scan3A_100  : i32 {
          %mul3A_103 = arith.constant 4 : i32
          %mul3A_104 = arith.muli %mul3A_103, %scan3A_102 : i32
          %add3A_105 = arith.constant 0 : i32
          %add3A_106 = arith.addi %mul3A_104, %add3A_105 : i32
          %dma_wait3A = arith.constant 0 : i32
          %dma_wait3A_107 = tpu.memref_slice %run_scoped3A[%add3A_106, %dma_wait3A] : memref<40x64xi32, #tpu.memory_space<vmem>> -> memref<1x64xi32, #tpu.memory_space<vmem>>
          %dma_wait3A_108 = tpu.memref_squeeze %dma_wait3A_107 : memref<1x64xi32, #tpu.memory_space<vmem>> -> memref<64xi32, #tpu.memory_space<vmem>>
          %dma_wait3A_109 = arith.constant 0 : i32
          %dma_wait3A_110 = arith.constant 0 : i32
          %dma_wait3A_111 = tpu.memref_slice %arg2[%dma_wait3A_109, %dma_wait3A_110] : memref<10240x128xf32, #tpu.memory_space<hbm>> -> memref<10240x128xf32, #tpu.memory_space<hbm>>
          tpu.wait_indirect_dma semaphore(%arg6 : memref<!tpu.dma_semaphore, #tpu.memory_space<semaphore_mem>>) src(%dma_wait3A_111 : memref<10240x128xf32, #tpu.memory_space<hbm>>) dst(%run_scoped3A_4 : memref<64x128xf32, #tpu.memory_space<vmem>>)
          %add3A_112 = arith.constant 0 : i32
          %add3A_113 = arith.addi %mul3A_104, %add3A_112 : i32
          "tpu.region"() ({
            %run_scoped3A_163 = tpu.sem_alloc : memref<!tpu.dma_semaphore, #tpu.memory_space<semaphore_mem>>
            %dma_start3A_164 = arith.constant 0 : i32
            %dma_start3A_165 = tpu.memref_slice %run_scoped3A_3[%add3A_113, %dma_start3A_164] : memref<40x64xi32, #tpu.memory_space<vmem>> -> memref<1x64xi32, #tpu.memory_space<vmem>>
            %dma_start3A_166 = tpu.memref_squeeze %dma_start3A_165 : memref<1x64xi32, #tpu.memory_space<vmem>> -> memref<64xi32, #tpu.memory_space<vmem>>
            %dma_start3A_167 = arith.constant 0 : i32
            %dma_start3A_168 = arith.constant 0 : i32
            %dma_start3A_169 = tpu.memref_slice %arg10[%dma_start3A_167, %dma_start3A_168] : memref<10240x128xf32, #tpu.memory_space<vmem_shared>> -> memref<10240x128xf32, #tpu.memory_space<vmem_shared>>
            tpu.enqueue_indirect_dma source(%run_scoped3A_4 : memref<64x128xf32, #tpu.memory_space<vmem>>) target(%dma_start3A_169 : memref<10240x128xf32, #tpu.memory_space<vmem_shared>>) offsets(%dma_start3A_166 : memref<64xi32, #tpu.memory_space<vmem>>) semaphore(%run_scoped3A_163 : memref<!tpu.dma_semaphore, #tpu.memory_space<semaphore_mem>>) {add = true}
            %dma_wait3A_170 = arith.constant 0 : i32
            %dma_wait3A_171 = tpu.memref_slice %run_scoped3A_3[%add3A_113, %dma_wait3A_170] : memref<40x64xi32, #tpu.memory_space<vmem>> -> memref<1x64xi32, #tpu.memory_space<vmem>>
            %dma_wait3A_172 = tpu.memref_squeeze %dma_wait3A_171 : memref<1x64xi32, #tpu.memory_space<vmem>> -> memref<64xi32, #tpu.memory_space<vmem>>
            %dma_wait3A_173 = arith.constant 0 : i32
            %dma_wait3A_174 = arith.constant 0 : i32
            %dma_wait3A_175 = tpu.memref_slice %arg10[%dma_wait3A_173, %dma_wait3A_174] : memref<10240x128xf32, #tpu.memory_space<vmem_shared>> -> memref<10240x128xf32, #tpu.memory_space<vmem_shared>>
            tpu.wait_indirect_dma semaphore(%run_scoped3A_163 : memref<!tpu.dma_semaphore, #tpu.memory_space<semaphore_mem>>) src(%run_scoped3A_4 : memref<64x128xf32, #tpu.memory_space<vmem>>) dst(%dma_wait3A_175 : memref<10240x128xf32, #tpu.memory_space<vmem_shared>>)
            tpu.yield
          }) : () -> ()
          %lt3A = arith.constant 9 : i32
          %lt3A_114 = arith.cmpi slt, %scan3A_102, %lt3A : i32
          %convert_element_type3A_115 = arith.extui %lt3A_114 : i1 to i32
          %cond3A_116 = arith.constant 0 : i32
          %cond3A_117 = arith.cmpi ne, %convert_element_type3A_115, %cond3A_116 : i32
          scf.if %cond3A_117 {
            %add3A_163 = arith.constant 0 : i32
            %add3A_164 = arith.addi %mul3A_104, %add3A_163 : i32
            %add3A_165 = arith.constant 4 : i32
            %add3A_166 = arith.addi %add3A_164, %add3A_165 : i32
            %dma_start3A_167 = arith.constant 0 : i32
            %dma_start3A_168 = tpu.memref_slice %run_scoped3A[%add3A_166, %dma_start3A_167] : memref<40x64xi32, #tpu.memory_space<vmem>> -> memref<1x64xi32, #tpu.memory_space<vmem>>
            %dma_start3A_169 = tpu.memref_squeeze %dma_start3A_168 : memref<1x64xi32, #tpu.memory_space<vmem>> -> memref<64xi32, #tpu.memory_space<vmem>>
            %dma_start3A_170 = arith.constant 0 : i32
            %dma_start3A_171 = arith.constant 0 : i32
            %dma_start3A_172 = tpu.memref_slice %arg2[%dma_start3A_170, %dma_start3A_171] : memref<10240x128xf32, #tpu.memory_space<hbm>> -> memref<10240x128xf32, #tpu.memory_space<hbm>>
            tpu.enqueue_indirect_dma source(%dma_start3A_172 : memref<10240x128xf32, #tpu.memory_space<hbm>>) target(%run_scoped3A_4 : memref<64x128xf32, #tpu.memory_space<vmem>>) offsets(%dma_start3A_169 : memref<64xi32, #tpu.memory_space<vmem>>) semaphore(%arg6 : memref<!tpu.dma_semaphore, #tpu.memory_space<semaphore_mem>>)
          } else {
          }
          %add3A_118 = arith.constant 1 : i32
          %add3A_119 = arith.addi %mul3A_104, %add3A_118 : i32
          %dma_wait3A_120 = arith.constant 0 : i32
          %dma_wait3A_121 = tpu.memref_slice %run_scoped3A[%add3A_119, %dma_wait3A_120] : memref<40x64xi32, #tpu.memory_space<vmem>> -> memref<1x64xi32, #tpu.memory_space<vmem>>
          %dma_wait3A_122 = tpu.memref_squeeze %dma_wait3A_121 : memref<1x64xi32, #tpu.memory_space<vmem>> -> memref<64xi32, #tpu.memory_space<vmem>>
          %dma_wait3A_123 = arith.constant 0 : i32
          %dma_wait3A_124 = arith.constant 0 : i32
          %dma_wait3A_125 = tpu.memref_slice %arg2[%dma_wait3A_123, %dma_wait3A_124] : memref<10240x128xf32, #tpu.memory_space<hbm>> -> memref<10240x128xf32, #tpu.memory_space<hbm>>
          tpu.wait_indirect_dma semaphore(%arg7 : memref<!tpu.dma_semaphore, #tpu.memory_space<semaphore_mem>>) src(%dma_wait3A_125 : memref<10240x128xf32, #tpu.memory_space<hbm>>) dst(%run_scoped3A_5 : memref<64x128xf32, #tpu.memory_space<vmem>>)
          %add3A_126 = arith.constant 1 : i32
          %add3A_127 = arith.addi %mul3A_104, %add3A_126 : i32
          "tpu.region"() ({
            %run_scoped3A_163 = tpu.sem_alloc : memref<!tpu.dma_semaphore, #tpu.memory_space<semaphore_mem>>
            %dma_start3A_164 = arith.constant 0 : i32
            %dma_start3A_165 = tpu.memref_slice %run_scoped3A_3[%add3A_127, %dma_start3A_164] : memref<40x64xi32, #tpu.memory_space<vmem>> -> memref<1x64xi32, #tpu.memory_space<vmem>>
            %dma_start3A_166 = tpu.memref_squeeze %dma_start3A_165 : memref<1x64xi32, #tpu.memory_space<vmem>> -> memref<64xi32, #tpu.memory_space<vmem>>
            %dma_start3A_167 = arith.constant 0 : i32
            %dma_start3A_168 = arith.constant 0 : i32
            %dma_start3A_169 = tpu.memref_slice %arg10[%dma_start3A_167, %dma_start3A_168] : memref<10240x128xf32, #tpu.memory_space<vmem_shared>> -> memref<10240x128xf32, #tpu.memory_space<vmem_shared>>
            tpu.enqueue_indirect_dma source(%run_scoped3A_5 : memref<64x128xf32, #tpu.memory_space<vmem>>) target(%dma_start3A_169 : memref<10240x128xf32, #tpu.memory_space<vmem_shared>>) offsets(%dma_start3A_166 : memref<64xi32, #tpu.memory_space<vmem>>) semaphore(%run_scoped3A_163 : memref<!tpu.dma_semaphore, #tpu.memory_space<semaphore_mem>>) {add = true}
            %dma_wait3A_170 = arith.constant 0 : i32
            %dma_wait3A_171 = tpu.memref_slice %run_scoped3A_3[%add3A_127, %dma_wait3A_170] : memref<40x64xi32, #tpu.memory_space<vmem>> -> memref<1x64xi32, #tpu.memory_space<vmem>>
            %dma_wait3A_172 = tpu.memref_squeeze %dma_wait3A_171 : memref<1x64xi32, #tpu.memory_space<vmem>> -> memref<64xi32, #tpu.memory_space<vmem>>
            %dma_wait3A_173 = arith.constant 0 : i32
            %dma_wait3A_174 = arith.constant 0 : i32
            %dma_wait3A_175 = tpu.memref_slice %arg10[%dma_wait3A_173, %dma_wait3A_174] : memref<10240x128xf32, #tpu.memory_space<vmem_shared>> -> memref<10240x128xf32, #tpu.memory_space<vmem_shared>>
            tpu.wait_indirect_dma semaphore(%run_scoped3A_163 : memref<!tpu.dma_semaphore, #tpu.memory_space<semaphore_mem>>) src(%run_scoped3A_5 : memref<64x128xf32, #tpu.memory_space<vmem>>) dst(%dma_wait3A_175 : memref<10240x128xf32, #tpu.memory_space<vmem_shared>>)
            tpu.yield
          }) : () -> ()
          %lt3A_128 = arith.constant 9 : i32
          %lt3A_129 = arith.cmpi slt, %scan3A_102, %lt3A_128 : i32
          %convert_element_type3A_130 = arith.extui %lt3A_129 : i1 to i32
          %cond3A_131 = arith.constant 0 : i32
          %cond3A_132 = arith.cmpi ne, %convert_element_type3A_130, %cond3A_131 : i32
          scf.if %cond3A_132 {
            %add3A_163 = arith.constant 1 : i32
            %add3A_164 = arith.addi %mul3A_104, %add3A_163 : i32
            %add3A_165 = arith.constant 4 : i32
            %add3A_166 = arith.addi %add3A_164, %add3A_165 : i32
            %dma_start3A_167 = arith.constant 0 : i32
            %dma_start3A_168 = tpu.memref_slice %run_scoped3A[%add3A_166, %dma_start3A_167] : memref<40x64xi32, #tpu.memory_space<vmem>> -> memref<1x64xi32, #tpu.memory_space<vmem>>
            %dma_start3A_169 = tpu.memref_squeeze %dma_start3A_168 : memref<1x64xi32, #tpu.memory_space<vmem>> -> memref<64xi32, #tpu.memory_space<vmem>>
            %dma_start3A_170 = arith.constant 0 : i32
            %dma_start3A_171 = arith.constant 0 : i32
            %dma_start3A_172 = tpu.memref_slice %arg2[%dma_start3A_170, %dma_start3A_171] : memref<10240x128xf32, #tpu.memory_space<hbm>> -> memref<10240x128xf32, #tpu.memory_space<hbm>>
            tpu.enqueue_indirect_dma source(%dma_start3A_172 : memref<10240x128xf32, #tpu.memory_space<hbm>>) target(%run_scoped3A_5 : memref<64x128xf32, #tpu.memory_space<vmem>>) offsets(%dma_start3A_169 : memref<64xi32, #tpu.memory_space<vmem>>) semaphore(%arg7 : memref<!tpu.dma_semaphore, #tpu.memory_space<semaphore_mem>>)
          } else {
          }
          %add3A_133 = arith.constant 2 : i32
          %add3A_134 = arith.addi %mul3A_104, %add3A_133 : i32
          %dma_wait3A_135 = arith.constant 0 : i32
          %dma_wait3A_136 = tpu.memref_slice %run_scoped3A[%add3A_134, %dma_wait3A_135] : memref<40x64xi32, #tpu.memory_space<vmem>> -> memref<1x64xi32, #tpu.memory_space<vmem>>
          %dma_wait3A_137 = tpu.memref_squeeze %dma_wait3A_136 : memref<1x64xi32, #tpu.memory_space<vmem>> -> memref<64xi32, #tpu.memory_space<vmem>>
          %dma_wait3A_138 = arith.constant 0 : i32
          %dma_wait3A_139 = arith.constant 0 : i32
          %dma_wait3A_140 = tpu.memref_slice %arg2[%dma_wait3A_138, %dma_wait3A_139] : memref<10240x128xf32, #tpu.memory_space<hbm>> -> memref<10240x128xf32, #tpu.memory_space<hbm>>
          tpu.wait_indirect_dma semaphore(%arg8 : memref<!tpu.dma_semaphore, #tpu.memory_space<semaphore_mem>>) src(%dma_wait3A_140 : memref<10240x128xf32, #tpu.memory_space<hbm>>) dst(%run_scoped3A_6 : memref<64x128xf32, #tpu.memory_space<vmem>>)
          %add3A_141 = arith.constant 2 : i32
          %add3A_142 = arith.addi %mul3A_104, %add3A_141 : i32
          "tpu.region"() ({
            %run_scoped3A_163 = tpu.sem_alloc : memref<!tpu.dma_semaphore, #tpu.memory_space<semaphore_mem>>
            %dma_start3A_164 = arith.constant 0 : i32
            %dma_start3A_165 = tpu.memref_slice %run_scoped3A_3[%add3A_142, %dma_start3A_164] : memref<40x64xi32, #tpu.memory_space<vmem>> -> memref<1x64xi32, #tpu.memory_space<vmem>>
            %dma_start3A_166 = tpu.memref_squeeze %dma_start3A_165 : memref<1x64xi32, #tpu.memory_space<vmem>> -> memref<64xi32, #tpu.memory_space<vmem>>
            %dma_start3A_167 = arith.constant 0 : i32
            %dma_start3A_168 = arith.constant 0 : i32
            %dma_start3A_169 = tpu.memref_slice %arg10[%dma_start3A_167, %dma_start3A_168] : memref<10240x128xf32, #tpu.memory_space<vmem_shared>> -> memref<10240x128xf32, #tpu.memory_space<vmem_shared>>
            tpu.enqueue_indirect_dma source(%run_scoped3A_6 : memref<64x128xf32, #tpu.memory_space<vmem>>) target(%dma_start3A_169 : memref<10240x128xf32, #tpu.memory_space<vmem_shared>>) offsets(%dma_start3A_166 : memref<64xi32, #tpu.memory_space<vmem>>) semaphore(%run_scoped3A_163 : memref<!tpu.dma_semaphore, #tpu.memory_space<semaphore_mem>>) {add = true}
            %dma_wait3A_170 = arith.constant 0 : i32
            %dma_wait3A_171 = tpu.memref_slice %run_scoped3A_3[%add3A_142, %dma_wait3A_170] : memref<40x64xi32, #tpu.memory_space<vmem>> -> memref<1x64xi32, #tpu.memory_space<vmem>>
            %dma_wait3A_172 = tpu.memref_squeeze %dma_wait3A_171 : memref<1x64xi32, #tpu.memory_space<vmem>> -> memref<64xi32, #tpu.memory_space<vmem>>
            %dma_wait3A_173 = arith.constant 0 : i32
            %dma_wait3A_174 = arith.constant 0 : i32
            %dma_wait3A_175 = tpu.memref_slice %arg10[%dma_wait3A_173, %dma_wait3A_174] : memref<10240x128xf32, #tpu.memory_space<vmem_shared>> -> memref<10240x128xf32, #tpu.memory_space<vmem_shared>>
            tpu.wait_indirect_dma semaphore(%run_scoped3A_163 : memref<!tpu.dma_semaphore, #tpu.memory_space<semaphore_mem>>) src(%run_scoped3A_6 : memref<64x128xf32, #tpu.memory_space<vmem>>) dst(%dma_wait3A_175 : memref<10240x128xf32, #tpu.memory_space<vmem_shared>>)
            tpu.yield
          }) : () -> ()
          %lt3A_143 = arith.constant 9 : i32
          %lt3A_144 = arith.cmpi slt, %scan3A_102, %lt3A_143 : i32
          %convert_element_type3A_145 = arith.extui %lt3A_144 : i1 to i32
          %cond3A_146 = arith.constant 0 : i32
          %cond3A_147 = arith.cmpi ne, %convert_element_type3A_145, %cond3A_146 : i32
          scf.if %cond3A_147 {
            %add3A_163 = arith.constant 2 : i32
            %add3A_164 = arith.addi %mul3A_104, %add3A_163 : i32
            %add3A_165 = arith.constant 4 : i32
            %add3A_166 = arith.addi %add3A_164, %add3A_165 : i32
            %dma_start3A_167 = arith.constant 0 : i32
            %dma_start3A_168 = tpu.memref_slice %run_scoped3A[%add3A_166, %dma_start3A_167] : memref<40x64xi32, #tpu.memory_space<vmem>> -> memref<1x64xi32, #tpu.memory_space<vmem>>
            %dma_start3A_169 = tpu.memref_squeeze %dma_start3A_168 : memref<1x64xi32, #tpu.memory_space<vmem>> -> memref<64xi32, #tpu.memory_space<vmem>>
            %dma_start3A_170 = arith.constant 0 : i32
            %dma_start3A_171 = arith.constant 0 : i32
            %dma_start3A_172 = tpu.memref_slice %arg2[%dma_start3A_170, %dma_start3A_171] : memref<10240x128xf32, #tpu.memory_space<hbm>> -> memref<10240x128xf32, #tpu.memory_space<hbm>>
            tpu.enqueue_indirect_dma source(%dma_start3A_172 : memref<10240x128xf32, #tpu.memory_space<hbm>>) target(%run_scoped3A_6 : memref<64x128xf32, #tpu.memory_space<vmem>>) offsets(%dma_start3A_169 : memref<64xi32, #tpu.memory_space<vmem>>) semaphore(%arg8 : memref<!tpu.dma_semaphore, #tpu.memory_space<semaphore_mem>>)
          } else {
          }
          %add3A_148 = arith.constant 3 : i32
          %add3A_149 = arith.addi %mul3A_104, %add3A_148 : i32
          %dma_wait3A_150 = arith.constant 0 : i32
          %dma_wait3A_151 = tpu.memref_slice %run_scoped3A[%add3A_149, %dma_wait3A_150] : memref<40x64xi32, #tpu.memory_space<vmem>> -> memref<1x64xi32, #tpu.memory_space<vmem>>
          %dma_wait3A_152 = tpu.memref_squeeze %dma_wait3A_151 : memref<1x64xi32, #tpu.memory_space<vmem>> -> memref<64xi32, #tpu.memory_space<vmem>>
          %dma_wait3A_153 = arith.constant 0 : i32
          %dma_wait3A_154 = arith.constant 0 : i32
          %dma_wait3A_155 = tpu.memref_slice %arg2[%dma_wait3A_153, %dma_wait3A_154] : memref<10240x128xf32, #tpu.memory_space<hbm>> -> memref<10240x128xf32, #tpu.memory_space<hbm>>
          tpu.wait_indirect_dma semaphore(%arg9 : memref<!tpu.dma_semaphore, #tpu.memory_space<semaphore_mem>>) src(%dma_wait3A_155 : memref<10240x128xf32, #tpu.memory_space<hbm>>) dst(%run_scoped3A_7 : memref<64x128xf32, #tpu.memory_space<vmem>>)
          %add3A_156 = arith.constant 3 : i32
          %add3A_157 = arith.addi %mul3A_104, %add3A_156 : i32
          "tpu.region"() ({
            %run_scoped3A_163 = tpu.sem_alloc : memref<!tpu.dma_semaphore, #tpu.memory_space<semaphore_mem>>
            %dma_start3A_164 = arith.constant 0 : i32
            %dma_start3A_165 = tpu.memref_slice %run_scoped3A_3[%add3A_157, %dma_start3A_164] : memref<40x64xi32, #tpu.memory_space<vmem>> -> memref<1x64xi32, #tpu.memory_space<vmem>>
            %dma_start3A_166 = tpu.memref_squeeze %dma_start3A_165 : memref<1x64xi32, #tpu.memory_space<vmem>> -> memref<64xi32, #tpu.memory_space<vmem>>
            %dma_start3A_167 = arith.constant 0 : i32
            %dma_start3A_168 = arith.constant 0 : i32
            %dma_start3A_169 = tpu.memref_slice %arg10[%dma_start3A_167, %dma_start3A_168] : memref<10240x128xf32, #tpu.memory_space<vmem_shared>> -> memref<10240x128xf32, #tpu.memory_space<vmem_shared>>
            tpu.enqueue_indirect_dma source(%run_scoped3A_7 : memref<64x128xf32, #tpu.memory_space<vmem>>) target(%dma_start3A_169 : memref<10240x128xf32, #tpu.memory_space<vmem_shared>>) offsets(%dma_start3A_166 : memref<64xi32, #tpu.memory_space<vmem>>) semaphore(%run_scoped3A_163 : memref<!tpu.dma_semaphore, #tpu.memory_space<semaphore_mem>>) {add = true}
            %dma_wait3A_170 = arith.constant 0 : i32
            %dma_wait3A_171 = tpu.memref_slice %run_scoped3A_3[%add3A_157, %dma_wait3A_170] : memref<40x64xi32, #tpu.memory_space<vmem>> -> memref<1x64xi32, #tpu.memory_space<vmem>>
            %dma_wait3A_172 = tpu.memref_squeeze %dma_wait3A_171 : memref<1x64xi32, #tpu.memory_space<vmem>> -> memref<64xi32, #tpu.memory_space<vmem>>
            %dma_wait3A_173 = arith.constant 0 : i32
            %dma_wait3A_174 = arith.constant 0 : i32
            %dma_wait3A_175 = tpu.memref_slice %arg10[%dma_wait3A_173, %dma_wait3A_174] : memref<10240x128xf32, #tpu.memory_space<vmem_shared>> -> memref<10240x128xf32, #tpu.memory_space<vmem_shared>>
            tpu.wait_indirect_dma semaphore(%run_scoped3A_163 : memref<!tpu.dma_semaphore, #tpu.memory_space<semaphore_mem>>) src(%run_scoped3A_7 : memref<64x128xf32, #tpu.memory_space<vmem>>) dst(%dma_wait3A_175 : memref<10240x128xf32, #tpu.memory_space<vmem_shared>>)
            tpu.yield
          }) : () -> ()
          %lt3A_158 = arith.constant 9 : i32
          %lt3A_159 = arith.cmpi slt, %scan3A_102, %lt3A_158 : i32
          %convert_element_type3A_160 = arith.extui %lt3A_159 : i1 to i32
          %cond3A_161 = arith.constant 0 : i32
          %cond3A_162 = arith.cmpi ne, %convert_element_type3A_160, %cond3A_161 : i32
          scf.if %cond3A_162 {
            %add3A_163 = arith.constant 3 : i32
            %add3A_164 = arith.addi %mul3A_104, %add3A_163 : i32
            %add3A_165 = arith.constant 4 : i32
            %add3A_166 = arith.addi %add3A_164, %add3A_165 : i32
            %dma_start3A_167 = arith.constant 0 : i32
            %dma_start3A_168 = tpu.memref_slice %run_scoped3A[%add3A_166, %dma_start3A_167] : memref<40x64xi32, #tpu.memory_space<vmem>> -> memref<1x64xi32, #tpu.memory_space<vmem>>
            %dma_start3A_169 = tpu.memref_squeeze %dma_start3A_168 : memref<1x64xi32, #tpu.memory_space<vmem>> -> memref<64xi32, #tpu.memory_space<vmem>>
            %dma_start3A_170 = arith.constant 0 : i32
            %dma_start3A_171 = arith.constant 0 : i32
            %dma_start3A_172 = tpu.memref_slice %arg2[%dma_start3A_170, %dma_start3A_171] : memref<10240x128xf32, #tpu.memory_space<hbm>> -> memref<10240x128xf32, #tpu.memory_space<hbm>>
            tpu.enqueue_indirect_dma source(%dma_start3A_172 : memref<10240x128xf32, #tpu.memory_space<hbm>>) target(%run_scoped3A_7 : memref<64x128xf32, #tpu.memory_space<vmem>>) offsets(%dma_start3A_169 : memref<64xi32, #tpu.memory_space<vmem>>) semaphore(%arg9 : memref<!tpu.dma_semaphore, #tpu.memory_space<semaphore_mem>>)
          } else {
          }
        }
        %scan3A_101 = arith.constant 10 : i32
      } else {
      }
      %gt3A_23 = arith.constant 1 : i32
      %gt3A_24 = arith.cmpi sgt, %select_n3A_20, %gt3A_23 : i32
      %convert_element_type3A_25 = arith.extui %gt3A_24 : i1 to i32
      %cond3A_26 = arith.constant 0 : i32
      %cond3A_27 = arith.cmpi ne, %convert_element_type3A_25, %cond3A_26 : i32
      scf.if %cond3A_27 {
        %add3A_65 = arith.constant 40 : i32
        %add3A_66 = arith.addi %select_n3A_15, %add3A_65 : i32
        "tpu.region"() ({
          %run_scoped3A_102 = tpu.sem_alloc : memref<!tpu.dma_semaphore, #tpu.memory_space<semaphore_mem>>
          %dma_start3A_103 = arith.constant 0 : i32
          %dma_start3A_104 = tpu.memref_slice %arg3[%arg1, %add3A_66, %dma_start3A_103] : memref<16x320x64xi32, #tpu.memory_space<hbm>> -> memref<1x40x64xi32, #tpu.memory_space<hbm>>
          %dma_start3A_105 = tpu.memref_squeeze %dma_start3A_104 : memref<1x40x64xi32, #tpu.memory_space<hbm>> -> memref<40x64xi32, #tpu.memory_space<hbm>>
          %dma_start3A_106 = arith.constant 0 : i32
          %dma_start3A_107 = tpu.memref_slice %arg3[%arg1, %add3A_66, %dma_start3A_106] : memref<16x320x64xi32, #tpu.memory_space<hbm>> -> memref<1x40x64xi32, #tpu.memory_space<hbm>>
          %dma_start3A_108 = tpu.memref_squeeze %dma_start3A_107 : memref<1x40x64xi32, #tpu.memory_space<hbm>> -> memref<40x64xi32, #tpu.memory_space<hbm>>
          tpu.enqueue_dma source(%dma_start3A_108 : memref<40x64xi32, #tpu.memory_space<hbm>>) target(%run_scoped3A : memref<40x64xi32, #tpu.memory_space<vmem>>) target_semaphore(%run_scoped3A_102 : memref<!tpu.dma_semaphore, #tpu.memory_space<semaphore_mem>>)
          %dma_wait3A = arith.constant 0 : i32
          %dma_wait3A_109 = tpu.memref_slice %arg3[%arg1, %add3A_66, %dma_wait3A] : memref<16x320x64xi32, #tpu.memory_space<hbm>> -> memref<1x40x64xi32, #tpu.memory_space<hbm>>
          %dma_wait3A_110 = tpu.memref_squeeze %dma_wait3A_109 : memref<1x40x64xi32, #tpu.memory_space<hbm>> -> memref<40x64xi32, #tpu.memory_space<hbm>>
          %dma_wait3A_111 = arith.constant 0 : i32
          %dma_wait3A_112 = tpu.memref_slice %arg3[%arg1, %add3A_66, %dma_wait3A_111] : memref<16x320x64xi32, #tpu.memory_space<hbm>> -> memref<1x40x64xi32, #tpu.memory_space<hbm>>
          %dma_wait3A_113 = tpu.memref_squeeze %dma_wait3A_112 : memref<1x40x64xi32, #tpu.memory_space<hbm>> -> memref<40x64xi32, #tpu.memory_space<hbm>>
          tpu.wait_dma2 semaphore(%run_scoped3A_102 : memref<!tpu.dma_semaphore, #tpu.memory_space<semaphore_mem>>) src(%dma_wait3A_113 : memref<40x64xi32, #tpu.memory_space<hbm>>) dst(%run_scoped3A : memref<40x64xi32, #tpu.memory_space<vmem>>)
          tpu.yield
        }) : () -> ()
        %add3A_67 = arith.constant 40 : i32
        %add3A_68 = arith.addi %select_n3A_15, %add3A_67 : i32
        "tpu.region"() ({
          %run_scoped3A_102 = tpu.sem_alloc : memref<!tpu.dma_semaphore, #tpu.memory_space<semaphore_mem>>
          %dma_start3A_103 = arith.constant 0 : i32
          %dma_start3A_104 = tpu.memref_slice %arg4[%arg1, %add3A_68, %dma_start3A_103] : memref<16x320x64xi32, #tpu.memory_space<hbm>> -> memref<1x40x64xi32, #tpu.memory_space<hbm>>
          %dma_start3A_105 = tpu.memref_squeeze %dma_start3A_104 : memref<1x40x64xi32, #tpu.memory_space<hbm>> -> memref<40x64xi32, #tpu.memory_space<hbm>>
          %dma_start3A_106 = arith.constant 0 : i32
          %dma_start3A_107 = tpu.memref_slice %arg4[%arg1, %add3A_68, %dma_start3A_106] : memref<16x320x64xi32, #tpu.memory_space<hbm>> -> memref<1x40x64xi32, #tpu.memory_space<hbm>>
          %dma_start3A_108 = tpu.memref_squeeze %dma_start3A_107 : memref<1x40x64xi32, #tpu.memory_space<hbm>> -> memref<40x64xi32, #tpu.memory_space<hbm>>
          tpu.enqueue_dma source(%dma_start3A_108 : memref<40x64xi32, #tpu.memory_space<hbm>>) target(%run_scoped3A_3 : memref<40x64xi32, #tpu.memory_space<vmem>>) target_semaphore(%run_scoped3A_102 : memref<!tpu.dma_semaphore, #tpu.memory_space<semaphore_mem>>)
          %dma_wait3A = arith.constant 0 : i32
          %dma_wait3A_109 = tpu.memref_slice %arg4[%arg1, %add3A_68, %dma_wait3A] : memref<16x320x64xi32, #tpu.memory_space<hbm>> -> memref<1x40x64xi32, #tpu.memory_space<hbm>>
          %dma_wait3A_110 = tpu.memref_squeeze %dma_wait3A_109 : memref<1x40x64xi32, #tpu.memory_space<hbm>> -> memref<40x64xi32, #tpu.memory_space<hbm>>
          %dma_wait3A_111 = arith.constant 0 : i32
          %dma_wait3A_112 = tpu.memref_slice %arg4[%arg1, %add3A_68, %dma_wait3A_111] : memref<16x320x64xi32, #tpu.memory_space<hbm>> -> memref<1x40x64xi32, #tpu.memory_space<hbm>>
          %dma_wait3A_113 = tpu.memref_squeeze %dma_wait3A_112 : memref<1x40x64xi32, #tpu.memory_space<hbm>> -> memref<40x64xi32, #tpu.memory_space<hbm>>
          tpu.wait_dma2 semaphore(%run_scoped3A_102 : memref<!tpu.dma_semaphore, #tpu.memory_space<semaphore_mem>>) src(%dma_wait3A_113 : memref<40x64xi32, #tpu.memory_space<hbm>>) dst(%run_scoped3A_3 : memref<40x64xi32, #tpu.memory_space<vmem>>)
          tpu.yield
        }) : () -> ()
        %dma_start3A = arith.constant 0 : i32
        %dma_start3A_69 = arith.constant 0 : i32
        %dma_start3A_70 = tpu.memref_slice %run_scoped3A[%dma_start3A, %dma_start3A_69] : memref<40x64xi32, #tpu.memory_space<vmem>> -> memref<1x64xi32, #tpu.memory_space<vmem>>
        %dma_start3A_71 = tpu.memref_squeeze %dma_start3A_70 : memref<1x64xi32, #tpu.memory_space<vmem>> -> memref<64xi32, #tpu.memory_space<vmem>>
        %dma_start3A_72 = arith.constant 0 : i32
        %dma_start3A_73 = arith.constant 0 : i32
        %dma_start3A_74 = tpu.memref_slice %arg2[%dma_start3A_72, %dma_start3A_73] : memref<10240x128xf32, #tpu.memory_space<hbm>> -> memref<10240x128xf32, #tpu.memory_space<hbm>>
        tpu.enqueue_indirect_dma source(%dma_start3A_74 : memref<10240x128xf32, #tpu.memory_space<hbm>>) target(%run_scoped3A_4 : memref<64x128xf32, #tpu.memory_space<vmem>>) offsets(%dma_start3A_71 : memref<64xi32, #tpu.memory_space<vmem>>) semaphore(%arg6 : memref<!tpu.dma_semaphore, #tpu.memory_space<semaphore_mem>>)
        %dma_start3A_75 = arith.constant 1 : i32
        %dma_start3A_76 = arith.constant 0 : i32
        %dma_start3A_77 = tpu.memref_slice %run_scoped3A[%dma_start3A_75, %dma_start3A_76] : memref<40x64xi32, #tpu.memory_space<vmem>> -> memref<1x64xi32, #tpu.memory_space<vmem>>
        %dma_start3A_78 = tpu.memref_squeeze %dma_start3A_77 : memref<1x64xi32, #tpu.memory_space<vmem>> -> memref<64xi32, #tpu.memory_space<vmem>>
        %dma_start3A_79 = arith.constant 0 : i32
        %dma_start3A_80 = arith.constant 0 : i32
        %dma_start3A_81 = tpu.memref_slice %arg2[%dma_start3A_79, %dma_start3A_80] : memref<10240x128xf32, #tpu.memory_space<hbm>> -> memref<10240x128xf32, #tpu.memory_space<hbm>>
        tpu.enqueue_indirect_dma source(%dma_start3A_81 : memref<10240x128xf32, #tpu.memory_space<hbm>>) target(%run_scoped3A_5 : memref<64x128xf32, #tpu.memory_space<vmem>>) offsets(%dma_start3A_78 : memref<64xi32, #tpu.memory_space<vmem>>) semaphore(%arg7 : memref<!tpu.dma_semaphore, #tpu.memory_space<semaphore_mem>>)
        %dma_start3A_82 = arith.constant 2 : i32
        %dma_start3A_83 = arith.constant 0 : i32
        %dma_start3A_84 = tpu.memref_slice %run_scoped3A[%dma_start3A_82, %dma_start3A_83] : memref<40x64xi32, #tpu.memory_space<vmem>> -> memref<1x64xi32, #tpu.memory_space<vmem>>
        %dma_start3A_85 = tpu.memref_squeeze %dma_start3A_84 : memref<1x64xi32, #tpu.memory_space<vmem>> -> memref<64xi32, #tpu.memory_space<vmem>>
        %dma_start3A_86 = arith.constant 0 : i32
        %dma_start3A_87 = arith.constant 0 : i32
        %dma_start3A_88 = tpu.memref_slice %arg2[%dma_start3A_86, %dma_start3A_87] : memref<10240x128xf32, #tpu.memory_space<hbm>> -> memref<10240x128xf32, #tpu.memory_space<hbm>>
        tpu.enqueue_indirect_dma source(%dma_start3A_88 : memref<10240x128xf32, #tpu.memory_space<hbm>>) target(%run_scoped3A_6 : memref<64x128xf32, #tpu.memory_space<vmem>>) offsets(%dma_start3A_85 : memref<64xi32, #tpu.memory_space<vmem>>) semaphore(%arg8 : memref<!tpu.dma_semaphore, #tpu.memory_space<semaphore_mem>>)
        %dma_start3A_89 = arith.constant 3 : i32
        %dma_start3A_90 = arith.constant 0 : i32
        %dma_start3A_91 = tpu.memref_slice %run_scoped3A[%dma_start3A_89, %dma_start3A_90] : memref<40x64xi32, #tpu.memory_space<vmem>> -> memref<1x64xi32, #tpu.memory_space<vmem>>
        %dma_start3A_92 = tpu.memref_squeeze %dma_start3A_91 : memref<1x64xi32, #tpu.memory_space<vmem>> -> memref<64xi32, #tpu.memory_space<vmem>>
        %dma_start3A_93 = arith.constant 0 : i32
        %dma_start3A_94 = arith.constant 0 : i32
        %dma_start3A_95 = tpu.memref_slice %arg2[%dma_start3A_93, %dma_start3A_94] : memref<10240x128xf32, #tpu.memory_space<hbm>> -> memref<10240x128xf32, #tpu.memory_space<hbm>>
        tpu.enqueue_indirect_dma source(%dma_start3A_95 : memref<10240x128xf32, #tpu.memory_space<hbm>>) target(%run_scoped3A_7 : memref<64x128xf32, #tpu.memory_space<vmem>>) offsets(%dma_start3A_92 : memref<64xi32, #tpu.memory_space<vmem>>) semaphore(%arg9 : memref<!tpu.dma_semaphore, #tpu.memory_space<semaphore_mem>>)
        %scan3A_96 = arith.constant 0 : i32
        %scan3A_97 = arith.constant 0 : i32
        %scan3A_98 = arith.constant 10 : i32
        %scan3A_99 = arith.addi %scan3A_97, %scan3A_98 : i32
        %scan3A_100 = arith.constant 1 : i32
        scf.for %scan3A_102 = %scan3A_97 to %scan3A_99 step %scan3A_100  : i32 {
          %mul3A_103 = arith.constant 4 : i32
          %mul3A_104 = arith.muli %mul3A_103, %scan3A_102 : i32
          %add3A_105 = arith.constant 0 : i32
          %add3A_106 = arith.addi %mul3A_104, %add3A_105 : i32
          %dma_wait3A = arith.constant 0 : i32
          %dma_wait3A_107 = tpu.memref_slice %run_scoped3A[%add3A_106, %dma_wait3A] : memref<40x64xi32, #tpu.memory_space<vmem>> -> memref<1x64xi32, #tpu.memory_space<vmem>>
          %dma_wait3A_108 = tpu.memref_squeeze %dma_wait3A_107 : memref<1x64xi32, #tpu.memory_space<vmem>> -> memref<64xi32, #tpu.memory_space<vmem>>
          %dma_wait3A_109 = arith.constant 0 : i32
          %dma_wait3A_110 = arith.constant 0 : i32
          %dma_wait3A_111 = tpu.memref_slice %arg2[%dma_wait3A_109, %dma_wait3A_110] : memref<10240x128xf32, #tpu.memory_space<hbm>> -> memref<10240x128xf32, #tpu.memory_space<hbm>>
          tpu.wait_indirect_dma semaphore(%arg6 : memref<!tpu.dma_semaphore, #tpu.memory_space<semaphore_mem>>) src(%dma_wait3A_111 : memref<10240x128xf32, #tpu.memory_space<hbm>>) dst(%run_scoped3A_4 : memref<64x128xf32, #tpu.memory_space<vmem>>)
          %add3A_112 = arith.constant 0 : i32
          %add3A_113 = arith.addi %mul3A_104, %add3A_112 : i32
          "tpu.region"() ({
            %run_scoped3A_163 = tpu.sem_alloc : memref<!tpu.dma_semaphore, #tpu.memory_space<semaphore_mem>>
            %dma_start3A_164 = arith.constant 0 : i32
            %dma_start3A_165 = tpu.memref_slice %run_scoped3A_3[%add3A_113, %dma_start3A_164] : memref<40x64xi32, #tpu.memory_space<vmem>> -> memref<1x64xi32, #tpu.memory_space<vmem>>
            %dma_start3A_166 = tpu.memref_squeeze %dma_start3A_165 : memref<1x64xi32, #tpu.memory_space<vmem>> -> memref<64xi32, #tpu.memory_space<vmem>>
            %dma_start3A_167 = arith.constant 0 : i32
            %dma_start3A_168 = arith.constant 0 : i32
            %dma_start3A_169 = tpu.memref_slice %arg10[%dma_start3A_167, %dma_start3A_168] : memref<10240x128xf32, #tpu.memory_space<vmem_shared>> -> memref<10240x128xf32, #tpu.memory_space<vmem_shared>>
            tpu.enqueue_indirect_dma source(%run_scoped3A_4 : memref<64x128xf32, #tpu.memory_space<vmem>>) target(%dma_start3A_169 : memref<10240x128xf32, #tpu.memory_space<vmem_shared>>) offsets(%dma_start3A_166 : memref<64xi32, #tpu.memory_space<vmem>>) semaphore(%run_scoped3A_163 : memref<!tpu.dma_semaphore, #tpu.memory_space<semaphore_mem>>) {add = true}
            %dma_wait3A_170 = arith.constant 0 : i32
            %dma_wait3A_171 = tpu.memref_slice %run_scoped3A_3[%add3A_113, %dma_wait3A_170] : memref<40x64xi32, #tpu.memory_space<vmem>> -> memref<1x64xi32, #tpu.memory_space<vmem>>
            %dma_wait3A_172 = tpu.memref_squeeze %dma_wait3A_171 : memref<1x64xi32, #tpu.memory_space<vmem>> -> memref<64xi32, #tpu.memory_space<vmem>>
            %dma_wait3A_173 = arith.constant 0 : i32
            %dma_wait3A_174 = arith.constant 0 : i32
            %dma_wait3A_175 = tpu.memref_slice %arg10[%dma_wait3A_173, %dma_wait3A_174] : memref<10240x128xf32, #tpu.memory_space<vmem_shared>> -> memref<10240x128xf32, #tpu.memory_space<vmem_shared>>
            tpu.wait_indirect_dma semaphore(%run_scoped3A_163 : memref<!tpu.dma_semaphore, #tpu.memory_space<semaphore_mem>>) src(%run_scoped3A_4 : memref<64x128xf32, #tpu.memory_space<vmem>>) dst(%dma_wait3A_175 : memref<10240x128xf32, #tpu.memory_space<vmem_shared>>)
            tpu.yield
          }) : () -> ()
          %lt3A = arith.constant 9 : i32
          %lt3A_114 = arith.cmpi slt, %scan3A_102, %lt3A : i32
          %convert_element_type3A_115 = arith.extui %lt3A_114 : i1 to i32
          %cond3A_116 = arith.constant 0 : i32
          %cond3A_117 = arith.cmpi ne, %convert_element_type3A_115, %cond3A_116 : i32
          scf.if %cond3A_117 {
            %add3A_163 = arith.constant 0 : i32
            %add3A_164 = arith.addi %mul3A_104, %add3A_163 : i32
            %add3A_165 = arith.constant 4 : i32
            %add3A_166 = arith.addi %add3A_164, %add3A_165 : i32
            %dma_start3A_167 = arith.constant 0 : i32
            %dma_start3A_168 = tpu.memref_slice %run_scoped3A[%add3A_166, %dma_start3A_167] : memref<40x64xi32, #tpu.memory_space<vmem>> -> memref<1x64xi32, #tpu.memory_space<vmem>>
            %dma_start3A_169 = tpu.memref_squeeze %dma_start3A_168 : memref<1x64xi32, #tpu.memory_space<vmem>> -> memref<64xi32, #tpu.memory_space<vmem>>
            %dma_start3A_170 = arith.constant 0 : i32
            %dma_start3A_171 = arith.constant 0 : i32
            %dma_start3A_172 = tpu.memref_slice %arg2[%dma_start3A_170, %dma_start3A_171] : memref<10240x128xf32, #tpu.memory_space<hbm>> -> memref<10240x128xf32, #tpu.memory_space<hbm>>
            tpu.enqueue_indirect_dma source(%dma_start3A_172 : memref<10240x128xf32, #tpu.memory_space<hbm>>) target(%run_scoped3A_4 : memref<64x128xf32, #tpu.memory_space<vmem>>) offsets(%dma_start3A_169 : memref<64xi32, #tpu.memory_space<vmem>>) semaphore(%arg6 : memref<!tpu.dma_semaphore, #tpu.memory_space<semaphore_mem>>)
          } else {
          }
          %add3A_118 = arith.constant 1 : i32
          %add3A_119 = arith.addi %mul3A_104, %add3A_118 : i32
          %dma_wait3A_120 = arith.constant 0 : i32
          %dma_wait3A_121 = tpu.memref_slice %run_scoped3A[%add3A_119, %dma_wait3A_120] : memref<40x64xi32, #tpu.memory_space<vmem>> -> memref<1x64xi32, #tpu.memory_space<vmem>>
          %dma_wait3A_122 = tpu.memref_squeeze %dma_wait3A_121 : memref<1x64xi32, #tpu.memory_space<vmem>> -> memref<64xi32, #tpu.memory_space<vmem>>
          %dma_wait3A_123 = arith.constant 0 : i32
          %dma_wait3A_124 = arith.constant 0 : i32
          %dma_wait3A_125 = tpu.memref_slice %arg2[%dma_wait3A_123, %dma_wait3A_124] : memref<10240x128xf32, #tpu.memory_space<hbm>> -> memref<10240x128xf32, #tpu.memory_space<hbm>>
          tpu.wait_indirect_dma semaphore(%arg7 : memref<!tpu.dma_semaphore, #tpu.memory_space<semaphore_mem>>) src(%dma_wait3A_125 : memref<10240x128xf32, #tpu.memory_space<hbm>>) dst(%run_scoped3A_5 : memref<64x128xf32, #tpu.memory_space<vmem>>)
          %add3A_126 = arith.constant 1 : i32
          %add3A_127 = arith.addi %mul3A_104, %add3A_126 : i32
          "tpu.region"() ({
            %run_scoped3A_163 = tpu.sem_alloc : memref<!tpu.dma_semaphore, #tpu.memory_space<semaphore_mem>>
            %dma_start3A_164 = arith.constant 0 : i32
            %dma_start3A_165 = tpu.memref_slice %run_scoped3A_3[%add3A_127, %dma_start3A_164] : memref<40x64xi32, #tpu.memory_space<vmem>> -> memref<1x64xi32, #tpu.memory_space<vmem>>
            %dma_start3A_166 = tpu.memref_squeeze %dma_start3A_165 : memref<1x64xi32, #tpu.memory_space<vmem>> -> memref<64xi32, #tpu.memory_space<vmem>>
            %dma_start3A_167 = arith.constant 0 : i32
            %dma_start3A_168 = arith.constant 0 : i32
            %dma_start3A_169 = tpu.memref_slice %arg10[%dma_start3A_167, %dma_start3A_168] : memref<10240x128xf32, #tpu.memory_space<vmem_shared>> -> memref<10240x128xf32, #tpu.memory_space<vmem_shared>>
            tpu.enqueue_indirect_dma source(%run_scoped3A_5 : memref<64x128xf32, #tpu.memory_space<vmem>>) target(%dma_start3A_169 : memref<10240x128xf32, #tpu.memory_space<vmem_shared>>) offsets(%dma_start3A_166 : memref<64xi32, #tpu.memory_space<vmem>>) semaphore(%run_scoped3A_163 : memref<!tpu.dma_semaphore, #tpu.memory_space<semaphore_mem>>) {add = true}
            %dma_wait3A_170 = arith.constant 0 : i32
            %dma_wait3A_171 = tpu.memref_slice %run_scoped3A_3[%add3A_127, %dma_wait3A_170] : memref<40x64xi32, #tpu.memory_space<vmem>> -> memref<1x64xi32, #tpu.memory_space<vmem>>
            %dma_wait3A_172 = tpu.memref_squeeze %dma_wait3A_171 : memref<1x64xi32, #tpu.memory_space<vmem>> -> memref<64xi32, #tpu.memory_space<vmem>>
            %dma_wait3A_173 = arith.constant 0 : i32
            %dma_wait3A_174 = arith.constant 0 : i32
            %dma_wait3A_175 = tpu.memref_slice %arg10[%dma_wait3A_173, %dma_wait3A_174] : memref<10240x128xf32, #tpu.memory_space<vmem_shared>> -> memref<10240x128xf32, #tpu.memory_space<vmem_shared>>
            tpu.wait_indirect_dma semaphore(%run_scoped3A_163 : memref<!tpu.dma_semaphore, #tpu.memory_space<semaphore_mem>>) src(%run_scoped3A_5 : memref<64x128xf32, #tpu.memory_space<vmem>>) dst(%dma_wait3A_175 : memref<10240x128xf32, #tpu.memory_space<vmem_shared>>)
            tpu.yield
          }) : () -> ()
          %lt3A_128 = arith.constant 9 : i32
          %lt3A_129 = arith.cmpi slt, %scan3A_102, %lt3A_128 : i32
          %convert_element_type3A_130 = arith.extui %lt3A_129 : i1 to i32
          %cond3A_131 = arith.constant 0 : i32
          %cond3A_132 = arith.cmpi ne, %convert_element_type3A_130, %cond3A_131 : i32
          scf.if %cond3A_132 {
            %add3A_163 = arith.constant 1 : i32
            %add3A_164 = arith.addi %mul3A_104, %add3A_163 : i32
            %add3A_165 = arith.constant 4 : i32
            %add3A_166 = arith.addi %add3A_164, %add3A_165 : i32
            %dma_start3A_167 = arith.constant 0 : i32
            %dma_start3A_168 = tpu.memref_slice %run_scoped3A[%add3A_166, %dma_start3A_167] : memref<40x64xi32, #tpu.memory_space<vmem>> -> memref<1x64xi32, #tpu.memory_space<vmem>>
            %dma_start3A_169 = tpu.memref_squeeze %dma_start3A_168 : memref<1x64xi32, #tpu.memory_space<vmem>> -> memref<64xi32, #tpu.memory_space<vmem>>
            %dma_start3A_170 = arith.constant 0 : i32
            %dma_start3A_171 = arith.constant 0 : i32
            %dma_start3A_172 = tpu.memref_slice %arg2[%dma_start3A_170, %dma_start3A_171] : memref<10240x128xf32, #tpu.memory_space<hbm>> -> memref<10240x128xf32, #tpu.memory_space<hbm>>
            tpu.enqueue_indirect_dma source(%dma_start3A_172 : memref<10240x128xf32, #tpu.memory_space<hbm>>) target(%run_scoped3A_5 : memref<64x128xf32, #tpu.memory_space<vmem>>) offsets(%dma_start3A_169 : memref<64xi32, #tpu.memory_space<vmem>>) semaphore(%arg7 : memref<!tpu.dma_semaphore, #tpu.memory_space<semaphore_mem>>)
          } else {
          }
          %add3A_133 = arith.constant 2 : i32
          %add3A_134 = arith.addi %mul3A_104, %add3A_133 : i32
          %dma_wait3A_135 = arith.constant 0 : i32
          %dma_wait3A_136 = tpu.memref_slice %run_scoped3A[%add3A_134, %dma_wait3A_135] : memref<40x64xi32, #tpu.memory_space<vmem>> -> memref<1x64xi32, #tpu.memory_space<vmem>>
          %dma_wait3A_137 = tpu.memref_squeeze %dma_wait3A_136 : memref<1x64xi32, #tpu.memory_space<vmem>> -> memref<64xi32, #tpu.memory_space<vmem>>
          %dma_wait3A_138 = arith.constant 0 : i32
          %dma_wait3A_139 = arith.constant 0 : i32
          %dma_wait3A_140 = tpu.memref_slice %arg2[%dma_wait3A_138, %dma_wait3A_139] : memref<10240x128xf32, #tpu.memory_space<hbm>> -> memref<10240x128xf32, #tpu.memory_space<hbm>>
          tpu.wait_indirect_dma semaphore(%arg8 : memref<!tpu.dma_semaphore, #tpu.memory_space<semaphore_mem>>) src(%dma_wait3A_140 : memref<10240x128xf32, #tpu.memory_space<hbm>>) dst(%run_scoped3A_6 : memref<64x128xf32, #tpu.memory_space<vmem>>)
          %add3A_141 = arith.constant 2 : i32
          %add3A_142 = arith.addi %mul3A_104, %add3A_141 : i32
          "tpu.region"() ({
            %run_scoped3A_163 = tpu.sem_alloc : memref<!tpu.dma_semaphore, #tpu.memory_space<semaphore_mem>>
            %dma_start3A_164 = arith.constant 0 : i32
            %dma_start3A_165 = tpu.memref_slice %run_scoped3A_3[%add3A_142, %dma_start3A_164] : memref<40x64xi32, #tpu.memory_space<vmem>> -> memref<1x64xi32, #tpu.memory_space<vmem>>
            %dma_start3A_166 = tpu.memref_squeeze %dma_start3A_165 : memref<1x64xi32, #tpu.memory_space<vmem>> -> memref<64xi32, #tpu.memory_space<vmem>>
            %dma_start3A_167 = arith.constant 0 : i32
            %dma_start3A_168 = arith.constant 0 : i32
            %dma_start3A_169 = tpu.memref_slice %arg10[%dma_start3A_167, %dma_start3A_168] : memref<10240x128xf32, #tpu.memory_space<vmem_shared>> -> memref<10240x128xf32, #tpu.memory_space<vmem_shared>>
            tpu.enqueue_indirect_dma source(%run_scoped3A_6 : memref<64x128xf32, #tpu.memory_space<vmem>>) target(%dma_start3A_169 : memref<10240x128xf32, #tpu.memory_space<vmem_shared>>) offsets(%dma_start3A_166 : memref<64xi32, #tpu.memory_space<vmem>>) semaphore(%run_scoped3A_163 : memref<!tpu.dma_semaphore, #tpu.memory_space<semaphore_mem>>) {add = true}
            %dma_wait3A_170 = arith.constant 0 : i32
            %dma_wait3A_171 = tpu.memref_slice %run_scoped3A_3[%add3A_142, %dma_wait3A_170] : memref<40x64xi32, #tpu.memory_space<vmem>> -> memref<1x64xi32, #tpu.memory_space<vmem>>
            %dma_wait3A_172 = tpu.memref_squeeze %dma_wait3A_171 : memref<1x64xi32, #tpu.memory_space<vmem>> -> memref<64xi32, #tpu.memory_space<vmem>>
            %dma_wait3A_173 = arith.constant 0 : i32
            %dma_wait3A_174 = arith.constant 0 : i32
            %dma_wait3A_175 = tpu.memref_slice %arg10[%dma_wait3A_173, %dma_wait3A_174] : memref<10240x128xf32, #tpu.memory_space<vmem_shared>> -> memref<10240x128xf32, #tpu.memory_space<vmem_shared>>
            tpu.wait_indirect_dma semaphore(%run_scoped3A_163 : memref<!tpu.dma_semaphore, #tpu.memory_space<semaphore_mem>>) src(%run_scoped3A_6 : memref<64x128xf32, #tpu.memory_space<vmem>>) dst(%dma_wait3A_175 : memref<10240x128xf32, #tpu.memory_space<vmem_shared>>)
            tpu.yield
          }) : () -> ()
          %lt3A_143 = arith.constant 9 : i32
          %lt3A_144 = arith.cmpi slt, %scan3A_102, %lt3A_143 : i32
          %convert_element_type3A_145 = arith.extui %lt3A_144 : i1 to i32
          %cond3A_146 = arith.constant 0 : i32
          %cond3A_147 = arith.cmpi ne, %convert_element_type3A_145, %cond3A_146 : i32
          scf.if %cond3A_147 {
            %add3A_163 = arith.constant 2 : i32
            %add3A_164 = arith.addi %mul3A_104, %add3A_163 : i32
            %add3A_165 = arith.constant 4 : i32
            %add3A_166 = arith.addi %add3A_164, %add3A_165 : i32
            %dma_start3A_167 = arith.constant 0 : i32
            %dma_start3A_168 = tpu.memref_slice %run_scoped3A[%add3A_166, %dma_start3A_167] : memref<40x64xi32, #tpu.memory_space<vmem>> -> memref<1x64xi32, #tpu.memory_space<vmem>>
            %dma_start3A_169 = tpu.memref_squeeze %dma_start3A_168 : memref<1x64xi32, #tpu.memory_space<vmem>> -> memref<64xi32, #tpu.memory_space<vmem>>
            %dma_start3A_170 = arith.constant 0 : i32
            %dma_start3A_171 = arith.constant 0 : i32
            %dma_start3A_172 = tpu.memref_slice %arg2[%dma_start3A_170, %dma_start3A_171] : memref<10240x128xf32, #tpu.memory_space<hbm>> -> memref<10240x128xf32, #tpu.memory_space<hbm>>
            tpu.enqueue_indirect_dma source(%dma_start3A_172 : memref<10240x128xf32, #tpu.memory_space<hbm>>) target(%run_scoped3A_6 : memref<64x128xf32, #tpu.memory_space<vmem>>) offsets(%dma_start3A_169 : memref<64xi32, #tpu.memory_space<vmem>>) semaphore(%arg8 : memref<!tpu.dma_semaphore, #tpu.memory_space<semaphore_mem>>)
          } else {
          }
          %add3A_148 = arith.constant 3 : i32
          %add3A_149 = arith.addi %mul3A_104, %add3A_148 : i32
          %dma_wait3A_150 = arith.constant 0 : i32
          %dma_wait3A_151 = tpu.memref_slice %run_scoped3A[%add3A_149, %dma_wait3A_150] : memref<40x64xi32, #tpu.memory_space<vmem>> -> memref<1x64xi32, #tpu.memory_space<vmem>>
          %dma_wait3A_152 = tpu.memref_squeeze %dma_wait3A_151 : memref<1x64xi32, #tpu.memory_space<vmem>> -> memref<64xi32, #tpu.memory_space<vmem>>
          %dma_wait3A_153 = arith.constant 0 : i32
          %dma_wait3A_154 = arith.constant 0 : i32
          %dma_wait3A_155 = tpu.memref_slice %arg2[%dma_wait3A_153, %dma_wait3A_154] : memref<10240x128xf32, #tpu.memory_space<hbm>> -> memref<10240x128xf32, #tpu.memory_space<hbm>>
          tpu.wait_indirect_dma semaphore(%arg9 : memref<!tpu.dma_semaphore, #tpu.memory_space<semaphore_mem>>) src(%dma_wait3A_155 : memref<10240x128xf32, #tpu.memory_space<hbm>>) dst(%run_scoped3A_7 : memref<64x128xf32, #tpu.memory_space<vmem>>)
          %add3A_156 = arith.constant 3 : i32
          %add3A_157 = arith.addi %mul3A_104, %add3A_156 : i32
          "tpu.region"() ({
            %run_scoped3A_163 = tpu.sem_alloc : memref<!tpu.dma_semaphore, #tpu.memory_space<semaphore_mem>>
            %dma_start3A_164 = arith.constant 0 : i32
            %dma_start3A_165 = tpu.memref_slice %run_scoped3A_3[%add3A_157, %dma_start3A_164] : memref<40x64xi32, #tpu.memory_space<vmem>> -> memref<1x64xi32, #tpu.memory_space<vmem>>
            %dma_start3A_166 = tpu.memref_squeeze %dma_start3A_165 : memref<1x64xi32, #tpu.memory_space<vmem>> -> memref<64xi32, #tpu.memory_space<vmem>>
            %dma_start3A_167 = arith.constant 0 : i32
            %dma_start3A_168 = arith.constant 0 : i32
            %dma_start3A_169 = tpu.memref_slice %arg10[%dma_start3A_167, %dma_start3A_168] : memref<10240x128xf32, #tpu.memory_space<vmem_shared>> -> memref<10240x128xf32, #tpu.memory_space<vmem_shared>>
            tpu.enqueue_indirect_dma source(%run_scoped3A_7 : memref<64x128xf32, #tpu.memory_space<vmem>>) target(%dma_start3A_169 : memref<10240x128xf32, #tpu.memory_space<vmem_shared>>) offsets(%dma_start3A_166 : memref<64xi32, #tpu.memory_space<vmem>>) semaphore(%run_scoped3A_163 : memref<!tpu.dma_semaphore, #tpu.memory_space<semaphore_mem>>) {add = true}
            %dma_wait3A_170 = arith.constant 0 : i32
            %dma_wait3A_171 = tpu.memref_slice %run_scoped3A_3[%add3A_157, %dma_wait3A_170] : memref<40x64xi32, #tpu.memory_space<vmem>> -> memref<1x64xi32, #tpu.memory_space<vmem>>
            %dma_wait3A_172 = tpu.memref_squeeze %dma_wait3A_171 : memref<1x64xi32, #tpu.memory_space<vmem>> -> memref<64xi32, #tpu.memory_space<vmem>>
            %dma_wait3A_173 = arith.constant 0 : i32
            %dma_wait3A_174 = arith.constant 0 : i32
            %dma_wait3A_175 = tpu.memref_slice %arg10[%dma_wait3A_173, %dma_wait3A_174] : memref<10240x128xf32, #tpu.memory_space<vmem_shared>> -> memref<10240x128xf32, #tpu.memory_space<vmem_shared>>
            tpu.wait_indirect_dma semaphore(%run_scoped3A_163 : memref<!tpu.dma_semaphore, #tpu.memory_space<semaphore_mem>>) src(%run_scoped3A_7 : memref<64x128xf32, #tpu.memory_space<vmem>>) dst(%dma_wait3A_175 : memref<10240x128xf32, #tpu.memory_space<vmem_shared>>)
            tpu.yield
          }) : () -> ()
          %lt3A_158 = arith.constant 9 : i32
          %lt3A_159 = arith.cmpi slt, %scan3A_102, %lt3A_158 : i32
          %convert_element_type3A_160 = arith.extui %lt3A_159 : i1 to i32
          %cond3A_161 = arith.constant 0 : i32
          %cond3A_162 = arith.cmpi ne, %convert_element_type3A_160, %cond3A_161 : i32
          scf.if %cond3A_162 {
            %add3A_163 = arith.constant 3 : i32
            %add3A_164 = arith.addi %mul3A_104, %add3A_163 : i32
            %add3A_165 = arith.constant 4 : i32
            %add3A_166 = arith.addi %add3A_164, %add3A_165 : i32
            %dma_start3A_167 = arith.constant 0 : i32
            %dma_start3A_168 = tpu.memref_slice %run_scoped3A[%add3A_166, %dma_start3A_167] : memref<40x64xi32, #tpu.memory_space<vmem>> -> memref<1x64xi32, #tpu.memory_space<vmem>>
            %dma_start3A_169 = tpu.memref_squeeze %dma_start3A_168 : memref<1x64xi32, #tpu.memory_space<vmem>> -> memref<64xi32, #tpu.memory_space<vmem>>
            %dma_start3A_170 = arith.constant 0 : i32
            %dma_start3A_171 = arith.constant 0 : i32
            %dma_start3A_172 = tpu.memref_slice %arg2[%dma_start3A_170, %dma_start3A_171] : memref<10240x128xf32, #tpu.memory_space<hbm>> -> memref<10240x128xf32, #tpu.memory_space<hbm>>
            tpu.enqueue_indirect_dma source(%dma_start3A_172 : memref<10240x128xf32, #tpu.memory_space<hbm>>) target(%run_scoped3A_7 : memref<64x128xf32, #tpu.memory_space<vmem>>) offsets(%dma_start3A_169 : memref<64xi32, #tpu.memory_space<vmem>>) semaphore(%arg9 : memref<!tpu.dma_semaphore, #tpu.memory_space<semaphore_mem>>)
          } else {
          }
        }
        %scan3A_101 = arith.constant 10 : i32
      } else {
      }
      %gt3A_28 = arith.constant 2 : i32
      %gt3A_29 = arith.cmpi sgt, %select_n3A_20, %gt3A_28 : i32
      %convert_element_type3A_30 = arith.extui %gt3A_29 : i1 to i32
      %cond3A_31 = arith.constant 0 : i32
      %cond3A_32 = arith.cmpi ne, %convert_element_type3A_30, %cond3A_31 : i32
      scf.if %cond3A_32 {
        %add3A_65 = arith.constant 80 : i32
        %add3A_66 = arith.addi %select_n3A_15, %add3A_65 : i32
        "tpu.region"() ({
          %run_scoped3A_102 = tpu.sem_alloc : memref<!tpu.dma_semaphore, #tpu.memory_space<semaphore_mem>>
          %dma_start3A_103 = arith.constant 0 : i32
          %dma_start3A_104 = tpu.memref_slice %arg3[%arg1, %add3A_66, %dma_start3A_103] : memref<16x320x64xi32, #tpu.memory_space<hbm>> -> memref<1x40x64xi32, #tpu.memory_space<hbm>>
          %dma_start3A_105 = tpu.memref_squeeze %dma_start3A_104 : memref<1x40x64xi32, #tpu.memory_space<hbm>> -> memref<40x64xi32, #tpu.memory_space<hbm>>
          %dma_start3A_106 = arith.constant 0 : i32
          %dma_start3A_107 = tpu.memref_slice %arg3[%arg1, %add3A_66, %dma_start3A_106] : memref<16x320x64xi32, #tpu.memory_space<hbm>> -> memref<1x40x64xi32, #tpu.memory_space<hbm>>
          %dma_start3A_108 = tpu.memref_squeeze %dma_start3A_107 : memref<1x40x64xi32, #tpu.memory_space<hbm>> -> memref<40x64xi32, #tpu.memory_space<hbm>>
          tpu.enqueue_dma source(%dma_start3A_108 : memref<40x64xi32, #tpu.memory_space<hbm>>) target(%run_scoped3A : memref<40x64xi32, #tpu.memory_space<vmem>>) target_semaphore(%run_scoped3A_102 : memref<!tpu.dma_semaphore, #tpu.memory_space<semaphore_mem>>)
          %dma_wait3A = arith.constant 0 : i32
          %dma_wait3A_109 = tpu.memref_slice %arg3[%arg1, %add3A_66, %dma_wait3A] : memref<16x320x64xi32, #tpu.memory_space<hbm>> -> memref<1x40x64xi32, #tpu.memory_space<hbm>>
          %dma_wait3A_110 = tpu.memref_squeeze %dma_wait3A_109 : memref<1x40x64xi32, #tpu.memory_space<hbm>> -> memref<40x64xi32, #tpu.memory_space<hbm>>
          %dma_wait3A_111 = arith.constant 0 : i32
          %dma_wait3A_112 = tpu.memref_slice %arg3[%arg1, %add3A_66, %dma_wait3A_111] : memref<16x320x64xi32, #tpu.memory_space<hbm>> -> memref<1x40x64xi32, #tpu.memory_space<hbm>>
          %dma_wait3A_113 = tpu.memref_squeeze %dma_wait3A_112 : memref<1x40x64xi32, #tpu.memory_space<hbm>> -> memref<40x64xi32, #tpu.memory_space<hbm>>
          tpu.wait_dma2 semaphore(%run_scoped3A_102 : memref<!tpu.dma_semaphore, #tpu.memory_space<semaphore_mem>>) src(%dma_wait3A_113 : memref<40x64xi32, #tpu.memory_space<hbm>>) dst(%run_scoped3A : memref<40x64xi32, #tpu.memory_space<vmem>>)
          tpu.yield
        }) : () -> ()
        %add3A_67 = arith.constant 80 : i32
        %add3A_68 = arith.addi %select_n3A_15, %add3A_67 : i32
        "tpu.region"() ({
          %run_scoped3A_102 = tpu.sem_alloc : memref<!tpu.dma_semaphore, #tpu.memory_space<semaphore_mem>>
          %dma_start3A_103 = arith.constant 0 : i32
          %dma_start3A_104 = tpu.memref_slice %arg4[%arg1, %add3A_68, %dma_start3A_103] : memref<16x320x64xi32, #tpu.memory_space<hbm>> -> memref<1x40x64xi32, #tpu.memory_space<hbm>>
          %dma_start3A_105 = tpu.memref_squeeze %dma_start3A_104 : memref<1x40x64xi32, #tpu.memory_space<hbm>> -> memref<40x64xi32, #tpu.memory_space<hbm>>
          %dma_start3A_106 = arith.constant 0 : i32
          %dma_start3A_107 = tpu.memref_slice %arg4[%arg1, %add3A_68, %dma_start3A_106] : memref<16x320x64xi32, #tpu.memory_space<hbm>> -> memref<1x40x64xi32, #tpu.memory_space<hbm>>
          %dma_start3A_108 = tpu.memref_squeeze %dma_start3A_107 : memref<1x40x64xi32, #tpu.memory_space<hbm>> -> memref<40x64xi32, #tpu.memory_space<hbm>>
          tpu.enqueue_dma source(%dma_start3A_108 : memref<40x64xi32, #tpu.memory_space<hbm>>) target(%run_scoped3A_3 : memref<40x64xi32, #tpu.memory_space<vmem>>) target_semaphore(%run_scoped3A_102 : memref<!tpu.dma_semaphore, #tpu.memory_space<semaphore_mem>>)
          %dma_wait3A = arith.constant 0 : i32
          %dma_wait3A_109 = tpu.memref_slice %arg4[%arg1, %add3A_68, %dma_wait3A] : memref<16x320x64xi32, #tpu.memory_space<hbm>> -> memref<1x40x64xi32, #tpu.memory_space<hbm>>
          %dma_wait3A_110 = tpu.memref_squeeze %dma_wait3A_109 : memref<1x40x64xi32, #tpu.memory_space<hbm>> -> memref<40x64xi32, #tpu.memory_space<hbm>>
          %dma_wait3A_111 = arith.constant 0 : i32
          %dma_wait3A_112 = tpu.memref_slice %arg4[%arg1, %add3A_68, %dma_wait3A_111] : memref<16x320x64xi32, #tpu.memory_space<hbm>> -> memref<1x40x64xi32, #tpu.memory_space<hbm>>
          %dma_wait3A_113 = tpu.memref_squeeze %dma_wait3A_112 : memref<1x40x64xi32, #tpu.memory_space<hbm>> -> memref<40x64xi32, #tpu.memory_space<hbm>>
          tpu.wait_dma2 semaphore(%run_scoped3A_102 : memref<!tpu.dma_semaphore, #tpu.memory_space<semaphore_mem>>) src(%dma_wait3A_113 : memref<40x64xi32, #tpu.memory_space<hbm>>) dst(%run_scoped3A_3 : memref<40x64xi32, #tpu.memory_space<vmem>>)
          tpu.yield
        }) : () -> ()
        %dma_start3A = arith.constant 0 : i32
        %dma_start3A_69 = arith.constant 0 : i32
        %dma_start3A_70 = tpu.memref_slice %run_scoped3A[%dma_start3A, %dma_start3A_69] : memref<40x64xi32, #tpu.memory_space<vmem>> -> memref<1x64xi32, #tpu.memory_space<vmem>>
        %dma_start3A_71 = tpu.memref_squeeze %dma_start3A_70 : memref<1x64xi32, #tpu.memory_space<vmem>> -> memref<64xi32, #tpu.memory_space<vmem>>
        %dma_start3A_72 = arith.constant 0 : i32
        %dma_start3A_73 = arith.constant 0 : i32
        %dma_start3A_74 = tpu.memref_slice %arg2[%dma_start3A_72, %dma_start3A_73] : memref<10240x128xf32, #tpu.memory_space<hbm>> -> memref<10240x128xf32, #tpu.memory_space<hbm>>
        tpu.enqueue_indirect_dma source(%dma_start3A_74 : memref<10240x128xf32, #tpu.memory_space<hbm>>) target(%run_scoped3A_4 : memref<64x128xf32, #tpu.memory_space<vmem>>) offsets(%dma_start3A_71 : memref<64xi32, #tpu.memory_space<vmem>>) semaphore(%arg6 : memref<!tpu.dma_semaphore, #tpu.memory_space<semaphore_mem>>)
        %dma_start3A_75 = arith.constant 1 : i32
        %dma_start3A_76 = arith.constant 0 : i32
        %dma_start3A_77 = tpu.memref_slice %run_scoped3A[%dma_start3A_75, %dma_start3A_76] : memref<40x64xi32, #tpu.memory_space<vmem>> -> memref<1x64xi32, #tpu.memory_space<vmem>>
        %dma_start3A_78 = tpu.memref_squeeze %dma_start3A_77 : memref<1x64xi32, #tpu.memory_space<vmem>> -> memref<64xi32, #tpu.memory_space<vmem>>
        %dma_start3A_79 = arith.constant 0 : i32
        %dma_start3A_80 = arith.constant 0 : i32
        %dma_start3A_81 = tpu.memref_slice %arg2[%dma_start3A_79, %dma_start3A_80] : memref<10240x128xf32, #tpu.memory_space<hbm>> -> memref<10240x128xf32, #tpu.memory_space<hbm>>
        tpu.enqueue_indirect_dma source(%dma_start3A_81 : memref<10240x128xf32, #tpu.memory_space<hbm>>) target(%run_scoped3A_5 : memref<64x128xf32, #tpu.memory_space<vmem>>) offsets(%dma_start3A_78 : memref<64xi32, #tpu.memory_space<vmem>>) semaphore(%arg7 : memref<!tpu.dma_semaphore, #tpu.memory_space<semaphore_mem>>)
        %dma_start3A_82 = arith.constant 2 : i32
        %dma_start3A_83 = arith.constant 0 : i32
        %dma_start3A_84 = tpu.memref_slice %run_scoped3A[%dma_start3A_82, %dma_start3A_83] : memref<40x64xi32, #tpu.memory_space<vmem>> -> memref<1x64xi32, #tpu.memory_space<vmem>>
        %dma_start3A_85 = tpu.memref_squeeze %dma_start3A_84 : memref<1x64xi32, #tpu.memory_space<vmem>> -> memref<64xi32, #tpu.memory_space<vmem>>
        %dma_start3A_86 = arith.constant 0 : i32
        %dma_start3A_87 = arith.constant 0 : i32
        %dma_start3A_88 = tpu.memref_slice %arg2[%dma_start3A_86, %dma_start3A_87] : memref<10240x128xf32, #tpu.memory_space<hbm>> -> memref<10240x128xf32, #tpu.memory_space<hbm>>
        tpu.enqueue_indirect_dma source(%dma_start3A_88 : memref<10240x128xf32, #tpu.memory_space<hbm>>) target(%run_scoped3A_6 : memref<64x128xf32, #tpu.memory_space<vmem>>) offsets(%dma_start3A_85 : memref<64xi32, #tpu.memory_space<vmem>>) semaphore(%arg8 : memref<!tpu.dma_semaphore, #tpu.memory_space<semaphore_mem>>)
        %dma_start3A_89 = arith.constant 3 : i32
        %dma_start3A_90 = arith.constant 0 : i32
        %dma_start3A_91 = tpu.memref_slice %run_scoped3A[%dma_start3A_89, %dma_start3A_90] : memref<40x64xi32, #tpu.memory_space<vmem>> -> memref<1x64xi32, #tpu.memory_space<vmem>>
        %dma_start3A_92 = tpu.memref_squeeze %dma_start3A_91 : memref<1x64xi32, #tpu.memory_space<vmem>> -> memref<64xi32, #tpu.memory_space<vmem>>
        %dma_start3A_93 = arith.constant 0 : i32
        %dma_start3A_94 = arith.constant 0 : i32
        %dma_start3A_95 = tpu.memref_slice %arg2[%dma_start3A_93, %dma_start3A_94] : memref<10240x128xf32, #tpu.memory_space<hbm>> -> memref<10240x128xf32, #tpu.memory_space<hbm>>
        tpu.enqueue_indirect_dma source(%dma_start3A_95 : memref<10240x128xf32, #tpu.memory_space<hbm>>) target(%run_scoped3A_7 : memref<64x128xf32, #tpu.memory_space<vmem>>) offsets(%dma_start3A_92 : memref<64xi32, #tpu.memory_space<vmem>>) semaphore(%arg9 : memref<!tpu.dma_semaphore, #tpu.memory_space<semaphore_mem>>)
        %scan3A_96 = arith.constant 0 : i32
        %scan3A_97 = arith.constant 0 : i32
        %scan3A_98 = arith.constant 10 : i32
        %scan3A_99 = arith.addi %scan3A_97, %scan3A_98 : i32
        %scan3A_100 = arith.constant 1 : i32
        scf.for %scan3A_102 = %scan3A_97 to %scan3A_99 step %scan3A_100  : i32 {
          %mul3A_103 = arith.constant 4 : i32
          %mul3A_104 = arith.muli %mul3A_103, %scan3A_102 : i32
          %add3A_105 = arith.constant 0 : i32
          %add3A_106 = arith.addi %mul3A_104, %add3A_105 : i32
          %dma_wait3A = arith.constant 0 : i32
          %dma_wait3A_107 = tpu.memref_slice %run_scoped3A[%add3A_106, %dma_wait3A] : memref<40x64xi32, #tpu.memory_space<vmem>> -> memref<1x64xi32, #tpu.memory_space<vmem>>
          %dma_wait3A_108 = tpu.memref_squeeze %dma_wait3A_107 : memref<1x64xi32, #tpu.memory_space<vmem>> -> memref<64xi32, #tpu.memory_space<vmem>>
          %dma_wait3A_109 = arith.constant 0 : i32
          %dma_wait3A_110 = arith.constant 0 : i32
          %dma_wait3A_111 = tpu.memref_slice %arg2[%dma_wait3A_109, %dma_wait3A_110] : memref<10240x128xf32, #tpu.memory_space<hbm>> -> memref<10240x128xf32, #tpu.memory_space<hbm>>
          tpu.wait_indirect_dma semaphore(%arg6 : memref<!tpu.dma_semaphore, #tpu.memory_space<semaphore_mem>>) src(%dma_wait3A_111 : memref<10240x128xf32, #tpu.memory_space<hbm>>) dst(%run_scoped3A_4 : memref<64x128xf32, #tpu.memory_space<vmem>>)
          %add3A_112 = arith.constant 0 : i32
          %add3A_113 = arith.addi %mul3A_104, %add3A_112 : i32
          "tpu.region"() ({
            %run_scoped3A_163 = tpu.sem_alloc : memref<!tpu.dma_semaphore, #tpu.memory_space<semaphore_mem>>
            %dma_start3A_164 = arith.constant 0 : i32
            %dma_start3A_165 = tpu.memref_slice %run_scoped3A_3[%add3A_113, %dma_start3A_164] : memref<40x64xi32, #tpu.memory_space<vmem>> -> memref<1x64xi32, #tpu.memory_space<vmem>>
            %dma_start3A_166 = tpu.memref_squeeze %dma_start3A_165 : memref<1x64xi32, #tpu.memory_space<vmem>> -> memref<64xi32, #tpu.memory_space<vmem>>
            %dma_start3A_167 = arith.constant 0 : i32
            %dma_start3A_168 = arith.constant 0 : i32
            %dma_start3A_169 = tpu.memref_slice %arg10[%dma_start3A_167, %dma_start3A_168] : memref<10240x128xf32, #tpu.memory_space<vmem_shared>> -> memref<10240x128xf32, #tpu.memory_space<vmem_shared>>
            tpu.enqueue_indirect_dma source(%run_scoped3A_4 : memref<64x128xf32, #tpu.memory_space<vmem>>) target(%dma_start3A_169 : memref<10240x128xf32, #tpu.memory_space<vmem_shared>>) offsets(%dma_start3A_166 : memref<64xi32, #tpu.memory_space<vmem>>) semaphore(%run_scoped3A_163 : memref<!tpu.dma_semaphore, #tpu.memory_space<semaphore_mem>>) {add = true}
            %dma_wait3A_170 = arith.constant 0 : i32
            %dma_wait3A_171 = tpu.memref_slice %run_scoped3A_3[%add3A_113, %dma_wait3A_170] : memref<40x64xi32, #tpu.memory_space<vmem>> -> memref<1x64xi32, #tpu.memory_space<vmem>>
            %dma_wait3A_172 = tpu.memref_squeeze %dma_wait3A_171 : memref<1x64xi32, #tpu.memory_space<vmem>> -> memref<64xi32, #tpu.memory_space<vmem>>
            %dma_wait3A_173 = arith.constant 0 : i32
            %dma_wait3A_174 = arith.constant 0 : i32
            %dma_wait3A_175 = tpu.memref_slice %arg10[%dma_wait3A_173, %dma_wait3A_174] : memref<10240x128xf32, #tpu.memory_space<vmem_shared>> -> memref<10240x128xf32, #tpu.memory_space<vmem_shared>>
            tpu.wait_indirect_dma semaphore(%run_scoped3A_163 : memref<!tpu.dma_semaphore, #tpu.memory_space<semaphore_mem>>) src(%run_scoped3A_4 : memref<64x128xf32, #tpu.memory_space<vmem>>) dst(%dma_wait3A_175 : memref<10240x128xf32, #tpu.memory_space<vmem_shared>>)
            tpu.yield
          }) : () -> ()
          %lt3A = arith.constant 9 : i32
          %lt3A_114 = arith.cmpi slt, %scan3A_102, %lt3A : i32
          %convert_element_type3A_115 = arith.extui %lt3A_114 : i1 to i32
          %cond3A_116 = arith.constant 0 : i32
          %cond3A_117 = arith.cmpi ne, %convert_element_type3A_115, %cond3A_116 : i32
          scf.if %cond3A_117 {
            %add3A_163 = arith.constant 0 : i32
            %add3A_164 = arith.addi %mul3A_104, %add3A_163 : i32
            %add3A_165 = arith.constant 4 : i32
            %add3A_166 = arith.addi %add3A_164, %add3A_165 : i32
            %dma_start3A_167 = arith.constant 0 : i32
            %dma_start3A_168 = tpu.memref_slice %run_scoped3A[%add3A_166, %dma_start3A_167] : memref<40x64xi32, #tpu.memory_space<vmem>> -> memref<1x64xi32, #tpu.memory_space<vmem>>
            %dma_start3A_169 = tpu.memref_squeeze %dma_start3A_168 : memref<1x64xi32, #tpu.memory_space<vmem>> -> memref<64xi32, #tpu.memory_space<vmem>>
            %dma_start3A_170 = arith.constant 0 : i32
            %dma_start3A_171 = arith.constant 0 : i32
            %dma_start3A_172 = tpu.memref_slice %arg2[%dma_start3A_170, %dma_start3A_171] : memref<10240x128xf32, #tpu.memory_space<hbm>> -> memref<10240x128xf32, #tpu.memory_space<hbm>>
            tpu.enqueue_indirect_dma source(%dma_start3A_172 : memref<10240x128xf32, #tpu.memory_space<hbm>>) target(%run_scoped3A_4 : memref<64x128xf32, #tpu.memory_space<vmem>>) offsets(%dma_start3A_169 : memref<64xi32, #tpu.memory_space<vmem>>) semaphore(%arg6 : memref<!tpu.dma_semaphore, #tpu.memory_space<semaphore_mem>>)
          } else {
          }
          %add3A_118 = arith.constant 1 : i32
          %add3A_119 = arith.addi %mul3A_104, %add3A_118 : i32
          %dma_wait3A_120 = arith.constant 0 : i32
          %dma_wait3A_121 = tpu.memref_slice %run_scoped3A[%add3A_119, %dma_wait3A_120] : memref<40x64xi32, #tpu.memory_space<vmem>> -> memref<1x64xi32, #tpu.memory_space<vmem>>
          %dma_wait3A_122 = tpu.memref_squeeze %dma_wait3A_121 : memref<1x64xi32, #tpu.memory_space<vmem>> -> memref<64xi32, #tpu.memory_space<vmem>>
          %dma_wait3A_123 = arith.constant 0 : i32
          %dma_wait3A_124 = arith.constant 0 : i32
          %dma_wait3A_125 = tpu.memref_slice %arg2[%dma_wait3A_123, %dma_wait3A_124] : memref<10240x128xf32, #tpu.memory_space<hbm>> -> memref<10240x128xf32, #tpu.memory_space<hbm>>
          tpu.wait_indirect_dma semaphore(%arg7 : memref<!tpu.dma_semaphore, #tpu.memory_space<semaphore_mem>>) src(%dma_wait3A_125 : memref<10240x128xf32, #tpu.memory_space<hbm>>) dst(%run_scoped3A_5 : memref<64x128xf32, #tpu.memory_space<vmem>>)
          %add3A_126 = arith.constant 1 : i32
          %add3A_127 = arith.addi %mul3A_104, %add3A_126 : i32
          "tpu.region"() ({
            %run_scoped3A_163 = tpu.sem_alloc : memref<!tpu.dma_semaphore, #tpu.memory_space<semaphore_mem>>
            %dma_start3A_164 = arith.constant 0 : i32
            %dma_start3A_165 = tpu.memref_slice %run_scoped3A_3[%add3A_127, %dma_start3A_164] : memref<40x64xi32, #tpu.memory_space<vmem>> -> memref<1x64xi32, #tpu.memory_space<vmem>>
            %dma_start3A_166 = tpu.memref_squeeze %dma_start3A_165 : memref<1x64xi32, #tpu.memory_space<vmem>> -> memref<64xi32, #tpu.memory_space<vmem>>
            %dma_start3A_167 = arith.constant 0 : i32
            %dma_start3A_168 = arith.constant 0 : i32
            %dma_start3A_169 = tpu.memref_slice %arg10[%dma_start3A_167, %dma_start3A_168] : memref<10240x128xf32, #tpu.memory_space<vmem_shared>> -> memref<10240x128xf32, #tpu.memory_space<vmem_shared>>
            tpu.enqueue_indirect_dma source(%run_scoped3A_5 : memref<64x128xf32, #tpu.memory_space<vmem>>) target(%dma_start3A_169 : memref<10240x128xf32, #tpu.memory_space<vmem_shared>>) offsets(%dma_start3A_166 : memref<64xi32, #tpu.memory_space<vmem>>) semaphore(%run_scoped3A_163 : memref<!tpu.dma_semaphore, #tpu.memory_space<semaphore_mem>>) {add = true}
            %dma_wait3A_170 = arith.constant 0 : i32
            %dma_wait3A_171 = tpu.memref_slice %run_scoped3A_3[%add3A_127, %dma_wait3A_170] : memref<40x64xi32, #tpu.memory_space<vmem>> -> memref<1x64xi32, #tpu.memory_space<vmem>>
            %dma_wait3A_172 = tpu.memref_squeeze %dma_wait3A_171 : memref<1x64xi32, #tpu.memory_space<vmem>> -> memref<64xi32, #tpu.memory_space<vmem>>
            %dma_wait3A_173 = arith.constant 0 : i32
            %dma_wait3A_174 = arith.constant 0 : i32
            %dma_wait3A_175 = tpu.memref_slice %arg10[%dma_wait3A_173, %dma_wait3A_174] : memref<10240x128xf32, #tpu.memory_space<vmem_shared>> -> memref<10240x128xf32, #tpu.memory_space<vmem_shared>>
            tpu.wait_indirect_dma semaphore(%run_scoped3A_163 : memref<!tpu.dma_semaphore, #tpu.memory_space<semaphore_mem>>) src(%run_scoped3A_5 : memref<64x128xf32, #tpu.memory_space<vmem>>) dst(%dma_wait3A_175 : memref<10240x128xf32, #tpu.memory_space<vmem_shared>>)
            tpu.yield
          }) : () -> ()
          %lt3A_128 = arith.constant 9 : i32
          %lt3A_129 = arith.cmpi slt, %scan3A_102, %lt3A_128 : i32
          %convert_element_type3A_130 = arith.extui %lt3A_129 : i1 to i32
          %cond3A_131 = arith.constant 0 : i32
          %cond3A_132 = arith.cmpi ne, %convert_element_type3A_130, %cond3A_131 : i32
          scf.if %cond3A_132 {
            %add3A_163 = arith.constant 1 : i32
            %add3A_164 = arith.addi %mul3A_104, %add3A_163 : i32
            %add3A_165 = arith.constant 4 : i32
            %add3A_166 = arith.addi %add3A_164, %add3A_165 : i32
            %dma_start3A_167 = arith.constant 0 : i32
            %dma_start3A_168 = tpu.memref_slice %run_scoped3A[%add3A_166, %dma_start3A_167] : memref<40x64xi32, #tpu.memory_space<vmem>> -> memref<1x64xi32, #tpu.memory_space<vmem>>
            %dma_start3A_169 = tpu.memref_squeeze %dma_start3A_168 : memref<1x64xi32, #tpu.memory_space<vmem>> -> memref<64xi32, #tpu.memory_space<vmem>>
            %dma_start3A_170 = arith.constant 0 : i32
            %dma_start3A_171 = arith.constant 0 : i32
            %dma_start3A_172 = tpu.memref_slice %arg2[%dma_start3A_170, %dma_start3A_171] : memref<10240x128xf32, #tpu.memory_space<hbm>> -> memref<10240x128xf32, #tpu.memory_space<hbm>>
            tpu.enqueue_indirect_dma source(%dma_start3A_172 : memref<10240x128xf32, #tpu.memory_space<hbm>>) target(%run_scoped3A_5 : memref<64x128xf32, #tpu.memory_space<vmem>>) offsets(%dma_start3A_169 : memref<64xi32, #tpu.memory_space<vmem>>) semaphore(%arg7 : memref<!tpu.dma_semaphore, #tpu.memory_space<semaphore_mem>>)
          } else {
          }
          %add3A_133 = arith.constant 2 : i32
          %add3A_134 = arith.addi %mul3A_104, %add3A_133 : i32
          %dma_wait3A_135 = arith.constant 0 : i32
          %dma_wait3A_136 = tpu.memref_slice %run_scoped3A[%add3A_134, %dma_wait3A_135] : memref<40x64xi32, #tpu.memory_space<vmem>> -> memref<1x64xi32, #tpu.memory_space<vmem>>
          %dma_wait3A_137 = tpu.memref_squeeze %dma_wait3A_136 : memref<1x64xi32, #tpu.memory_space<vmem>> -> memref<64xi32, #tpu.memory_space<vmem>>
          %dma_wait3A_138 = arith.constant 0 : i32
          %dma_wait3A_139 = arith.constant 0 : i32
          %dma_wait3A_140 = tpu.memref_slice %arg2[%dma_wait3A_138, %dma_wait3A_139] : memref<10240x128xf32, #tpu.memory_space<hbm>> -> memref<10240x128xf32, #tpu.memory_space<hbm>>
          tpu.wait_indirect_dma semaphore(%arg8 : memref<!tpu.dma_semaphore, #tpu.memory_space<semaphore_mem>>) src(%dma_wait3A_140 : memref<10240x128xf32, #tpu.memory_space<hbm>>) dst(%run_scoped3A_6 : memref<64x128xf32, #tpu.memory_space<vmem>>)
          %add3A_141 = arith.constant 2 : i32
          %add3A_142 = arith.addi %mul3A_104, %add3A_141 : i32
          "tpu.region"() ({
            %run_scoped3A_163 = tpu.sem_alloc : memref<!tpu.dma_semaphore, #tpu.memory_space<semaphore_mem>>
            %dma_start3A_164 = arith.constant 0 : i32
            %dma_start3A_165 = tpu.memref_slice %run_scoped3A_3[%add3A_142, %dma_start3A_164] : memref<40x64xi32, #tpu.memory_space<vmem>> -> memref<1x64xi32, #tpu.memory_space<vmem>>
            %dma_start3A_166 = tpu.memref_squeeze %dma_start3A_165 : memref<1x64xi32, #tpu.memory_space<vmem>> -> memref<64xi32, #tpu.memory_space<vmem>>
            %dma_start3A_167 = arith.constant 0 : i32
            %dma_start3A_168 = arith.constant 0 : i32
            %dma_start3A_169 = tpu.memref_slice %arg10[%dma_start3A_167, %dma_start3A_168] : memref<10240x128xf32, #tpu.memory_space<vmem_shared>> -> memref<10240x128xf32, #tpu.memory_space<vmem_shared>>
            tpu.enqueue_indirect_dma source(%run_scoped3A_6 : memref<64x128xf32, #tpu.memory_space<vmem>>) target(%dma_start3A_169 : memref<10240x128xf32, #tpu.memory_space<vmem_shared>>) offsets(%dma_start3A_166 : memref<64xi32, #tpu.memory_space<vmem>>) semaphore(%run_scoped3A_163 : memref<!tpu.dma_semaphore, #tpu.memory_space<semaphore_mem>>) {add = true}
            %dma_wait3A_170 = arith.constant 0 : i32
            %dma_wait3A_171 = tpu.memref_slice %run_scoped3A_3[%add3A_142, %dma_wait3A_170] : memref<40x64xi32, #tpu.memory_space<vmem>> -> memref<1x64xi32, #tpu.memory_space<vmem>>
            %dma_wait3A_172 = tpu.memref_squeeze %dma_wait3A_171 : memref<1x64xi32, #tpu.memory_space<vmem>> -> memref<64xi32, #tpu.memory_space<vmem>>
            %dma_wait3A_173 = arith.constant 0 : i32
            %dma_wait3A_174 = arith.constant 0 : i32
            %dma_wait3A_175 = tpu.memref_slice %arg10[%dma_wait3A_173, %dma_wait3A_174] : memref<10240x128xf32, #tpu.memory_space<vmem_shared>> -> memref<10240x128xf32, #tpu.memory_space<vmem_shared>>
            tpu.wait_indirect_dma semaphore(%run_scoped3A_163 : memref<!tpu.dma_semaphore, #tpu.memory_space<semaphore_mem>>) src(%run_scoped3A_6 : memref<64x128xf32, #tpu.memory_space<vmem>>) dst(%dma_wait3A_175 : memref<10240x128xf32, #tpu.memory_space<vmem_shared>>)
            tpu.yield
          }) : () -> ()
          %lt3A_143 = arith.constant 9 : i32
          %lt3A_144 = arith.cmpi slt, %scan3A_102, %lt3A_143 : i32
          %convert_element_type3A_145 = arith.extui %lt3A_144 : i1 to i32
          %cond3A_146 = arith.constant 0 : i32
          %cond3A_147 = arith.cmpi ne, %convert_element_type3A_145, %cond3A_146 : i32
          scf.if %cond3A_147 {
            %add3A_163 = arith.constant 2 : i32
            %add3A_164 = arith.addi %mul3A_104, %add3A_163 : i32
            %add3A_165 = arith.constant 4 : i32
            %add3A_166 = arith.addi %add3A_164, %add3A_165 : i32
            %dma_start3A_167 = arith.constant 0 : i32
            %dma_start3A_168 = tpu.memref_slice %run_scoped3A[%add3A_166, %dma_start3A_167] : memref<40x64xi32, #tpu.memory_space<vmem>> -> memref<1x64xi32, #tpu.memory_space<vmem>>
            %dma_start3A_169 = tpu.memref_squeeze %dma_start3A_168 : memref<1x64xi32, #tpu.memory_space<vmem>> -> memref<64xi32, #tpu.memory_space<vmem>>
            %dma_start3A_170 = arith.constant 0 : i32
            %dma_start3A_171 = arith.constant 0 : i32
            %dma_start3A_172 = tpu.memref_slice %arg2[%dma_start3A_170, %dma_start3A_171] : memref<10240x128xf32, #tpu.memory_space<hbm>> -> memref<10240x128xf32, #tpu.memory_space<hbm>>
            tpu.enqueue_indirect_dma source(%dma_start3A_172 : memref<10240x128xf32, #tpu.memory_space<hbm>>) target(%run_scoped3A_6 : memref<64x128xf32, #tpu.memory_space<vmem>>) offsets(%dma_start3A_169 : memref<64xi32, #tpu.memory_space<vmem>>) semaphore(%arg8 : memref<!tpu.dma_semaphore, #tpu.memory_space<semaphore_mem>>)
          } else {
          }
          %add3A_148 = arith.constant 3 : i32
          %add3A_149 = arith.addi %mul3A_104, %add3A_148 : i32
          %dma_wait3A_150 = arith.constant 0 : i32
          %dma_wait3A_151 = tpu.memref_slice %run_scoped3A[%add3A_149, %dma_wait3A_150] : memref<40x64xi32, #tpu.memory_space<vmem>> -> memref<1x64xi32, #tpu.memory_space<vmem>>
          %dma_wait3A_152 = tpu.memref_squeeze %dma_wait3A_151 : memref<1x64xi32, #tpu.memory_space<vmem>> -> memref<64xi32, #tpu.memory_space<vmem>>
          %dma_wait3A_153 = arith.constant 0 : i32
          %dma_wait3A_154 = arith.constant 0 : i32
          %dma_wait3A_155 = tpu.memref_slice %arg2[%dma_wait3A_153, %dma_wait3A_154] : memref<10240x128xf32, #tpu.memory_space<hbm>> -> memref<10240x128xf32, #tpu.memory_space<hbm>>
          tpu.wait_indirect_dma semaphore(%arg9 : memref<!tpu.dma_semaphore, #tpu.memory_space<semaphore_mem>>) src(%dma_wait3A_155 : memref<10240x128xf32, #tpu.memory_space<hbm>>) dst(%run_scoped3A_7 : memref<64x128xf32, #tpu.memory_space<vmem>>)
          %add3A_156 = arith.constant 3 : i32
          %add3A_157 = arith.addi %mul3A_104, %add3A_156 : i32
          "tpu.region"() ({
            %run_scoped3A_163 = tpu.sem_alloc : memref<!tpu.dma_semaphore, #tpu.memory_space<semaphore_mem>>
            %dma_start3A_164 = arith.constant 0 : i32
            %dma_start3A_165 = tpu.memref_slice %run_scoped3A_3[%add3A_157, %dma_start3A_164] : memref<40x64xi32, #tpu.memory_space<vmem>> -> memref<1x64xi32, #tpu.memory_space<vmem>>
            %dma_start3A_166 = tpu.memref_squeeze %dma_start3A_165 : memref<1x64xi32, #tpu.memory_space<vmem>> -> memref<64xi32, #tpu.memory_space<vmem>>
            %dma_start3A_167 = arith.constant 0 : i32
            %dma_start3A_168 = arith.constant 0 : i32
            %dma_start3A_169 = tpu.memref_slice %arg10[%dma_start3A_167, %dma_start3A_168] : memref<10240x128xf32, #tpu.memory_space<vmem_shared>> -> memref<10240x128xf32, #tpu.memory_space<vmem_shared>>
            tpu.enqueue_indirect_dma source(%run_scoped3A_7 : memref<64x128xf32, #tpu.memory_space<vmem>>) target(%dma_start3A_169 : memref<10240x128xf32, #tpu.memory_space<vmem_shared>>) offsets(%dma_start3A_166 : memref<64xi32, #tpu.memory_space<vmem>>) semaphore(%run_scoped3A_163 : memref<!tpu.dma_semaphore, #tpu.memory_space<semaphore_mem>>) {add = true}
            %dma_wait3A_170 = arith.constant 0 : i32
            %dma_wait3A_171 = tpu.memref_slice %run_scoped3A_3[%add3A_157, %dma_wait3A_170] : memref<40x64xi32, #tpu.memory_space<vmem>> -> memref<1x64xi32, #tpu.memory_space<vmem>>
            %dma_wait3A_172 = tpu.memref_squeeze %dma_wait3A_171 : memref<1x64xi32, #tpu.memory_space<vmem>> -> memref<64xi32, #tpu.memory_space<vmem>>
            %dma_wait3A_173 = arith.constant 0 : i32
            %dma_wait3A_174 = arith.constant 0 : i32
            %dma_wait3A_175 = tpu.memref_slice %arg10[%dma_wait3A_173, %dma_wait3A_174] : memref<10240x128xf32, #tpu.memory_space<vmem_shared>> -> memref<10240x128xf32, #tpu.memory_space<vmem_shared>>
            tpu.wait_indirect_dma semaphore(%run_scoped3A_163 : memref<!tpu.dma_semaphore, #tpu.memory_space<semaphore_mem>>) src(%run_scoped3A_7 : memref<64x128xf32, #tpu.memory_space<vmem>>) dst(%dma_wait3A_175 : memref<10240x128xf32, #tpu.memory_space<vmem_shared>>)
            tpu.yield
          }) : () -> ()
          %lt3A_158 = arith.constant 9 : i32
          %lt3A_159 = arith.cmpi slt, %scan3A_102, %lt3A_158 : i32
          %convert_element_type3A_160 = arith.extui %lt3A_159 : i1 to i32
          %cond3A_161 = arith.constant 0 : i32
          %cond3A_162 = arith.cmpi ne, %convert_element_type3A_160, %cond3A_161 : i32
          scf.if %cond3A_162 {
            %add3A_163 = arith.constant 3 : i32
            %add3A_164 = arith.addi %mul3A_104, %add3A_163 : i32
            %add3A_165 = arith.constant 4 : i32
            %add3A_166 = arith.addi %add3A_164, %add3A_165 : i32
            %dma_start3A_167 = arith.constant 0 : i32
            %dma_start3A_168 = tpu.memref_slice %run_scoped3A[%add3A_166, %dma_start3A_167] : memref<40x64xi32, #tpu.memory_space<vmem>> -> memref<1x64xi32, #tpu.memory_space<vmem>>
            %dma_start3A_169 = tpu.memref_squeeze %dma_start3A_168 : memref<1x64xi32, #tpu.memory_space<vmem>> -> memref<64xi32, #tpu.memory_space<vmem>>
            %dma_start3A_170 = arith.constant 0 : i32
            %dma_start3A_171 = arith.constant 0 : i32
            %dma_start3A_172 = tpu.memref_slice %arg2[%dma_start3A_170, %dma_start3A_171] : memref<10240x128xf32, #tpu.memory_space<hbm>> -> memref<10240x128xf32, #tpu.memory_space<hbm>>
            tpu.enqueue_indirect_dma source(%dma_start3A_172 : memref<10240x128xf32, #tpu.memory_space<hbm>>) target(%run_scoped3A_7 : memref<64x128xf32, #tpu.memory_space<vmem>>) offsets(%dma_start3A_169 : memref<64xi32, #tpu.memory_space<vmem>>) semaphore(%arg9 : memref<!tpu.dma_semaphore, #tpu.memory_space<semaphore_mem>>)
          } else {
          }
        }
        %scan3A_101 = arith.constant 10 : i32
      } else {
      }
      %gt3A_33 = arith.constant 3 : i32
      %gt3A_34 = arith.cmpi sgt, %select_n3A_20, %gt3A_33 : i32
      %convert_element_type3A_35 = arith.extui %gt3A_34 : i1 to i32
      %cond3A_36 = arith.constant 0 : i32
      %cond3A_37 = arith.cmpi ne, %convert_element_type3A_35, %cond3A_36 : i32
      scf.if %cond3A_37 {
        %add3A_65 = arith.constant 120 : i32
        %add3A_66 = arith.addi %select_n3A_15, %add3A_65 : i32
        "tpu.region"() ({
          %run_scoped3A_102 = tpu.sem_alloc : memref<!tpu.dma_semaphore, #tpu.memory_space<semaphore_mem>>
          %dma_start3A_103 = arith.constant 0 : i32
          %dma_start3A_104 = tpu.memref_slice %arg3[%arg1, %add3A_66, %dma_start3A_103] : memref<16x320x64xi32, #tpu.memory_space<hbm>> -> memref<1x40x64xi32, #tpu.memory_space<hbm>>
          %dma_start3A_105 = tpu.memref_squeeze %dma_start3A_104 : memref<1x40x64xi32, #tpu.memory_space<hbm>> -> memref<40x64xi32, #tpu.memory_space<hbm>>
          %dma_start3A_106 = arith.constant 0 : i32
          %dma_start3A_107 = tpu.memref_slice %arg3[%arg1, %add3A_66, %dma_start3A_106] : memref<16x320x64xi32, #tpu.memory_space<hbm>> -> memref<1x40x64xi32, #tpu.memory_space<hbm>>
          %dma_start3A_108 = tpu.memref_squeeze %dma_start3A_107 : memref<1x40x64xi32, #tpu.memory_space<hbm>> -> memref<40x64xi32, #tpu.memory_space<hbm>>
          tpu.enqueue_dma source(%dma_start3A_108 : memref<40x64xi32, #tpu.memory_space<hbm>>) target(%run_scoped3A : memref<40x64xi32, #tpu.memory_space<vmem>>) target_semaphore(%run_scoped3A_102 : memref<!tpu.dma_semaphore, #tpu.memory_space<semaphore_mem>>)
          %dma_wait3A = arith.constant 0 : i32
          %dma_wait3A_109 = tpu.memref_slice %arg3[%arg1, %add3A_66, %dma_wait3A] : memref<16x320x64xi32, #tpu.memory_space<hbm>> -> memref<1x40x64xi32, #tpu.memory_space<hbm>>
          %dma_wait3A_110 = tpu.memref_squeeze %dma_wait3A_109 : memref<1x40x64xi32, #tpu.memory_space<hbm>> -> memref<40x64xi32, #tpu.memory_space<hbm>>
          %dma_wait3A_111 = arith.constant 0 : i32
          %dma_wait3A_112 = tpu.memref_slice %arg3[%arg1, %add3A_66, %dma_wait3A_111] : memref<16x320x64xi32, #tpu.memory_space<hbm>> -> memref<1x40x64xi32, #tpu.memory_space<hbm>>
          %dma_wait3A_113 = tpu.memref_squeeze %dma_wait3A_112 : memref<1x40x64xi32, #tpu.memory_space<hbm>> -> memref<40x64xi32, #tpu.memory_space<hbm>>
          tpu.wait_dma2 semaphore(%run_scoped3A_102 : memref<!tpu.dma_semaphore, #tpu.memory_space<semaphore_mem>>) src(%dma_wait3A_113 : memref<40x64xi32, #tpu.memory_space<hbm>>) dst(%run_scoped3A : memref<40x64xi32, #tpu.memory_space<vmem>>)
          tpu.yield
        }) : () -> ()
        %add3A_67 = arith.constant 120 : i32
        %add3A_68 = arith.addi %select_n3A_15, %add3A_67 : i32
        "tpu.region"() ({
          %run_scoped3A_102 = tpu.sem_alloc : memref<!tpu.dma_semaphore, #tpu.memory_space<semaphore_mem>>
          %dma_start3A_103 = arith.constant 0 : i32
          %dma_start3A_104 = tpu.memref_slice %arg4[%arg1, %add3A_68, %dma_start3A_103] : memref<16x320x64xi32, #tpu.memory_space<hbm>> -> memref<1x40x64xi32, #tpu.memory_space<hbm>>
          %dma_start3A_105 = tpu.memref_squeeze %dma_start3A_104 : memref<1x40x64xi32, #tpu.memory_space<hbm>> -> memref<40x64xi32, #tpu.memory_space<hbm>>
          %dma_start3A_106 = arith.constant 0 : i32
          %dma_start3A_107 = tpu.memref_slice %arg4[%arg1, %add3A_68, %dma_start3A_106] : memref<16x320x64xi32, #tpu.memory_space<hbm>> -> memref<1x40x64xi32, #tpu.memory_space<hbm>>
          %dma_start3A_108 = tpu.memref_squeeze %dma_start3A_107 : memref<1x40x64xi32, #tpu.memory_space<hbm>> -> memref<40x64xi32, #tpu.memory_space<hbm>>
          tpu.enqueue_dma source(%dma_start3A_108 : memref<40x64xi32, #tpu.memory_space<hbm>>) target(%run_scoped3A_3 : memref<40x64xi32, #tpu.memory_space<vmem>>) target_semaphore(%run_scoped3A_102 : memref<!tpu.dma_semaphore, #tpu.memory_space<semaphore_mem>>)
          %dma_wait3A = arith.constant 0 : i32
          %dma_wait3A_109 = tpu.memref_slice %arg4[%arg1, %add3A_68, %dma_wait3A] : memref<16x320x64xi32, #tpu.memory_space<hbm>> -> memref<1x40x64xi32, #tpu.memory_space<hbm>>
          %dma_wait3A_110 = tpu.memref_squeeze %dma_wait3A_109 : memref<1x40x64xi32, #tpu.memory_space<hbm>> -> memref<40x64xi32, #tpu.memory_space<hbm>>
          %dma_wait3A_111 = arith.constant 0 : i32
          %dma_wait3A_112 = tpu.memref_slice %arg4[%arg1, %add3A_68, %dma_wait3A_111] : memref<16x320x64xi32, #tpu.memory_space<hbm>> -> memref<1x40x64xi32, #tpu.memory_space<hbm>>
          %dma_wait3A_113 = tpu.memref_squeeze %dma_wait3A_112 : memref<1x40x64xi32, #tpu.memory_space<hbm>> -> memref<40x64xi32, #tpu.memory_space<hbm>>
          tpu.wait_dma2 semaphore(%run_scoped3A_102 : memref<!tpu.dma_semaphore, #tpu.memory_space<semaphore_mem>>) src(%dma_wait3A_113 : memref<40x64xi32, #tpu.memory_space<hbm>>) dst(%run_scoped3A_3 : memref<40x64xi32, #tpu.memory_space<vmem>>)
          tpu.yield
        }) : () -> ()
        %dma_start3A = arith.constant 0 : i32
        %dma_start3A_69 = arith.constant 0 : i32
        %dma_start3A_70 = tpu.memref_slice %run_scoped3A[%dma_start3A, %dma_start3A_69] : memref<40x64xi32, #tpu.memory_space<vmem>> -> memref<1x64xi32, #tpu.memory_space<vmem>>
        %dma_start3A_71 = tpu.memref_squeeze %dma_start3A_70 : memref<1x64xi32, #tpu.memory_space<vmem>> -> memref<64xi32, #tpu.memory_space<vmem>>
        %dma_start3A_72 = arith.constant 0 : i32
        %dma_start3A_73 = arith.constant 0 : i32
        %dma_start3A_74 = tpu.memref_slice %arg2[%dma_start3A_72, %dma_start3A_73] : memref<10240x128xf32, #tpu.memory_space<hbm>> -> memref<10240x128xf32, #tpu.memory_space<hbm>>
        tpu.enqueue_indirect_dma source(%dma_start3A_74 : memref<10240x128xf32, #tpu.memory_space<hbm>>) target(%run_scoped3A_4 : memref<64x128xf32, #tpu.memory_space<vmem>>) offsets(%dma_start3A_71 : memref<64xi32, #tpu.memory_space<vmem>>) semaphore(%arg6 : memref<!tpu.dma_semaphore, #tpu.memory_space<semaphore_mem>>)
        %dma_start3A_75 = arith.constant 1 : i32
        %dma_start3A_76 = arith.constant 0 : i32
        %dma_start3A_77 = tpu.memref_slice %run_scoped3A[%dma_start3A_75, %dma_start3A_76] : memref<40x64xi32, #tpu.memory_space<vmem>> -> memref<1x64xi32, #tpu.memory_space<vmem>>
        %dma_start3A_78 = tpu.memref_squeeze %dma_start3A_77 : memref<1x64xi32, #tpu.memory_space<vmem>> -> memref<64xi32, #tpu.memory_space<vmem>>
        %dma_start3A_79 = arith.constant 0 : i32
        %dma_start3A_80 = arith.constant 0 : i32
        %dma_start3A_81 = tpu.memref_slice %arg2[%dma_start3A_79, %dma_start3A_80] : memref<10240x128xf32, #tpu.memory_space<hbm>> -> memref<10240x128xf32, #tpu.memory_space<hbm>>
        tpu.enqueue_indirect_dma source(%dma_start3A_81 : memref<10240x128xf32, #tpu.memory_space<hbm>>) target(%run_scoped3A_5 : memref<64x128xf32, #tpu.memory_space<vmem>>) offsets(%dma_start3A_78 : memref<64xi32, #tpu.memory_space<vmem>>) semaphore(%arg7 : memref<!tpu.dma_semaphore, #tpu.memory_space<semaphore_mem>>)
        %dma_start3A_82 = arith.constant 2 : i32
        %dma_start3A_83 = arith.constant 0 : i32
        %dma_start3A_84 = tpu.memref_slice %run_scoped3A[%dma_start3A_82, %dma_start3A_83] : memref<40x64xi32, #tpu.memory_space<vmem>> -> memref<1x64xi32, #tpu.memory_space<vmem>>
        %dma_start3A_85 = tpu.memref_squeeze %dma_start3A_84 : memref<1x64xi32, #tpu.memory_space<vmem>> -> memref<64xi32, #tpu.memory_space<vmem>>
        %dma_start3A_86 = arith.constant 0 : i32
        %dma_start3A_87 = arith.constant 0 : i32
        %dma_start3A_88 = tpu.memref_slice %arg2[%dma_start3A_86, %dma_start3A_87] : memref<10240x128xf32, #tpu.memory_space<hbm>> -> memref<10240x128xf32, #tpu.memory_space<hbm>>
        tpu.enqueue_indirect_dma source(%dma_start3A_88 : memref<10240x128xf32, #tpu.memory_space<hbm>>) target(%run_scoped3A_6 : memref<64x128xf32, #tpu.memory_space<vmem>>) offsets(%dma_start3A_85 : memref<64xi32, #tpu.memory_space<vmem>>) semaphore(%arg8 : memref<!tpu.dma_semaphore, #tpu.memory_space<semaphore_mem>>)
        %dma_start3A_89 = arith.constant 3 : i32
        %dma_start3A_90 = arith.constant 0 : i32
        %dma_start3A_91 = tpu.memref_slice %run_scoped3A[%dma_start3A_89, %dma_start3A_90] : memref<40x64xi32, #tpu.memory_space<vmem>> -> memref<1x64xi32, #tpu.memory_space<vmem>>
        %dma_start3A_92 = tpu.memref_squeeze %dma_start3A_91 : memref<1x64xi32, #tpu.memory_space<vmem>> -> memref<64xi32, #tpu.memory_space<vmem>>
        %dma_start3A_93 = arith.constant 0 : i32
        %dma_start3A_94 = arith.constant 0 : i32
        %dma_start3A_95 = tpu.memref_slice %arg2[%dma_start3A_93, %dma_start3A_94] : memref<10240x128xf32, #tpu.memory_space<hbm>> -> memref<10240x128xf32, #tpu.memory_space<hbm>>
        tpu.enqueue_indirect_dma source(%dma_start3A_95 : memref<10240x128xf32, #tpu.memory_space<hbm>>) target(%run_scoped3A_7 : memref<64x128xf32, #tpu.memory_space<vmem>>) offsets(%dma_start3A_92 : memref<64xi32, #tpu.memory_space<vmem>>) semaphore(%arg9 : memref<!tpu.dma_semaphore, #tpu.memory_space<semaphore_mem>>)
        %scan3A_96 = arith.constant 0 : i32
        %scan3A_97 = arith.constant 0 : i32
        %scan3A_98 = arith.constant 10 : i32
        %scan3A_99 = arith.addi %scan3A_97, %scan3A_98 : i32
        %scan3A_100 = arith.constant 1 : i32
        scf.for %scan3A_102 = %scan3A_97 to %scan3A_99 step %scan3A_100  : i32 {
          %mul3A_103 = arith.constant 4 : i32
          %mul3A_104 = arith.muli %mul3A_103, %scan3A_102 : i32
          %add3A_105 = arith.constant 0 : i32
          %add3A_106 = arith.addi %mul3A_104, %add3A_105 : i32
          %dma_wait3A = arith.constant 0 : i32
          %dma_wait3A_107 = tpu.memref_slice %run_scoped3A[%add3A_106, %dma_wait3A] : memref<40x64xi32, #tpu.memory_space<vmem>> -> memref<1x64xi32, #tpu.memory_space<vmem>>
          %dma_wait3A_108 = tpu.memref_squeeze %dma_wait3A_107 : memref<1x64xi32, #tpu.memory_space<vmem>> -> memref<64xi32, #tpu.memory_space<vmem>>
          %dma_wait3A_109 = arith.constant 0 : i32
          %dma_wait3A_110 = arith.constant 0 : i32
          %dma_wait3A_111 = tpu.memref_slice %arg2[%dma_wait3A_109, %dma_wait3A_110] : memref<10240x128xf32, #tpu.memory_space<hbm>> -> memref<10240x128xf32, #tpu.memory_space<hbm>>
          tpu.wait_indirect_dma semaphore(%arg6 : memref<!tpu.dma_semaphore, #tpu.memory_space<semaphore_mem>>) src(%dma_wait3A_111 : memref<10240x128xf32, #tpu.memory_space<hbm>>) dst(%run_scoped3A_4 : memref<64x128xf32, #tpu.memory_space<vmem>>)
          %add3A_112 = arith.constant 0 : i32
          %add3A_113 = arith.addi %mul3A_104, %add3A_112 : i32
          "tpu.region"() ({
            %run_scoped3A_163 = tpu.sem_alloc : memref<!tpu.dma_semaphore, #tpu.memory_space<semaphore_mem>>
            %dma_start3A_164 = arith.constant 0 : i32
            %dma_start3A_165 = tpu.memref_slice %run_scoped3A_3[%add3A_113, %dma_start3A_164] : memref<40x64xi32, #tpu.memory_space<vmem>> -> memref<1x64xi32, #tpu.memory_space<vmem>>
            %dma_start3A_166 = tpu.memref_squeeze %dma_start3A_165 : memref<1x64xi32, #tpu.memory_space<vmem>> -> memref<64xi32, #tpu.memory_space<vmem>>
            %dma_start3A_167 = arith.constant 0 : i32
            %dma_start3A_168 = arith.constant 0 : i32
            %dma_start3A_169 = tpu.memref_slice %arg10[%dma_start3A_167, %dma_start3A_168] : memref<10240x128xf32, #tpu.memory_space<vmem_shared>> -> memref<10240x128xf32, #tpu.memory_space<vmem_shared>>
            tpu.enqueue_indirect_dma source(%run_scoped3A_4 : memref<64x128xf32, #tpu.memory_space<vmem>>) target(%dma_start3A_169 : memref<10240x128xf32, #tpu.memory_space<vmem_shared>>) offsets(%dma_start3A_166 : memref<64xi32, #tpu.memory_space<vmem>>) semaphore(%run_scoped3A_163 : memref<!tpu.dma_semaphore, #tpu.memory_space<semaphore_mem>>) {add = true}
            %dma_wait3A_170 = arith.constant 0 : i32
            %dma_wait3A_171 = tpu.memref_slice %run_scoped3A_3[%add3A_113, %dma_wait3A_170] : memref<40x64xi32, #tpu.memory_space<vmem>> -> memref<1x64xi32, #tpu.memory_space<vmem>>
            %dma_wait3A_172 = tpu.memref_squeeze %dma_wait3A_171 : memref<1x64xi32, #tpu.memory_space<vmem>> -> memref<64xi32, #tpu.memory_space<vmem>>
            %dma_wait3A_173 = arith.constant 0 : i32
            %dma_wait3A_174 = arith.constant 0 : i32
            %dma_wait3A_175 = tpu.memref_slice %arg10[%dma_wait3A_173, %dma_wait3A_174] : memref<10240x128xf32, #tpu.memory_space<vmem_shared>> -> memref<10240x128xf32, #tpu.memory_space<vmem_shared>>
            tpu.wait_indirect_dma semaphore(%run_scoped3A_163 : memref<!tpu.dma_semaphore, #tpu.memory_space<semaphore_mem>>) src(%run_scoped3A_4 : memref<64x128xf32, #tpu.memory_space<vmem>>) dst(%dma_wait3A_175 : memref<10240x128xf32, #tpu.memory_space<vmem_shared>>)
            tpu.yield
          }) : () -> ()
          %lt3A = arith.constant 9 : i32
          %lt3A_114 = arith.cmpi slt, %scan3A_102, %lt3A : i32
          %convert_element_type3A_115 = arith.extui %lt3A_114 : i1 to i32
          %cond3A_116 = arith.constant 0 : i32
          %cond3A_117 = arith.cmpi ne, %convert_element_type3A_115, %cond3A_116 : i32
          scf.if %cond3A_117 {
            %add3A_163 = arith.constant 0 : i32
            %add3A_164 = arith.addi %mul3A_104, %add3A_163 : i32
            %add3A_165 = arith.constant 4 : i32
            %add3A_166 = arith.addi %add3A_164, %add3A_165 : i32
            %dma_start3A_167 = arith.constant 0 : i32
            %dma_start3A_168 = tpu.memref_slice %run_scoped3A[%add3A_166, %dma_start3A_167] : memref<40x64xi32, #tpu.memory_space<vmem>> -> memref<1x64xi32, #tpu.memory_space<vmem>>
            %dma_start3A_169 = tpu.memref_squeeze %dma_start3A_168 : memref<1x64xi32, #tpu.memory_space<vmem>> -> memref<64xi32, #tpu.memory_space<vmem>>
            %dma_start3A_170 = arith.constant 0 : i32
            %dma_start3A_171 = arith.constant 0 : i32
            %dma_start3A_172 = tpu.memref_slice %arg2[%dma_start3A_170, %dma_start3A_171] : memref<10240x128xf32, #tpu.memory_space<hbm>> -> memref<10240x128xf32, #tpu.memory_space<hbm>>
            tpu.enqueue_indirect_dma source(%dma_start3A_172 : memref<10240x128xf32, #tpu.memory_space<hbm>>) target(%run_scoped3A_4 : memref<64x128xf32, #tpu.memory_space<vmem>>) offsets(%dma_start3A_169 : memref<64xi32, #tpu.memory_space<vmem>>) semaphore(%arg6 : memref<!tpu.dma_semaphore, #tpu.memory_space<semaphore_mem>>)
          } else {
          }
          %add3A_118 = arith.constant 1 : i32
          %add3A_119 = arith.addi %mul3A_104, %add3A_118 : i32
          %dma_wait3A_120 = arith.constant 0 : i32
          %dma_wait3A_121 = tpu.memref_slice %run_scoped3A[%add3A_119, %dma_wait3A_120] : memref<40x64xi32, #tpu.memory_space<vmem>> -> memref<1x64xi32, #tpu.memory_space<vmem>>
          %dma_wait3A_122 = tpu.memref_squeeze %dma_wait3A_121 : memref<1x64xi32, #tpu.memory_space<vmem>> -> memref<64xi32, #tpu.memory_space<vmem>>
          %dma_wait3A_123 = arith.constant 0 : i32
          %dma_wait3A_124 = arith.constant 0 : i32
          %dma_wait3A_125 = tpu.memref_slice %arg2[%dma_wait3A_123, %dma_wait3A_124] : memref<10240x128xf32, #tpu.memory_space<hbm>> -> memref<10240x128xf32, #tpu.memory_space<hbm>>
          tpu.wait_indirect_dma semaphore(%arg7 : memref<!tpu.dma_semaphore, #tpu.memory_space<semaphore_mem>>) src(%dma_wait3A_125 : memref<10240x128xf32, #tpu.memory_space<hbm>>) dst(%run_scoped3A_5 : memref<64x128xf32, #tpu.memory_space<vmem>>)
          %add3A_126 = arith.constant 1 : i32
          %add3A_127 = arith.addi %mul3A_104, %add3A_126 : i32
          "tpu.region"() ({
            %run_scoped3A_163 = tpu.sem_alloc : memref<!tpu.dma_semaphore, #tpu.memory_space<semaphore_mem>>
            %dma_start3A_164 = arith.constant 0 : i32
            %dma_start3A_165 = tpu.memref_slice %run_scoped3A_3[%add3A_127, %dma_start3A_164] : memref<40x64xi32, #tpu.memory_space<vmem>> -> memref<1x64xi32, #tpu.memory_space<vmem>>
            %dma_start3A_166 = tpu.memref_squeeze %dma_start3A_165 : memref<1x64xi32, #tpu.memory_space<vmem>> -> memref<64xi32, #tpu.memory_space<vmem>>
            %dma_start3A_167 = arith.constant 0 : i32
            %dma_start3A_168 = arith.constant 0 : i32
            %dma_start3A_169 = tpu.memref_slice %arg10[%dma_start3A_167, %dma_start3A_168] : memref<10240x128xf32, #tpu.memory_space<vmem_shared>> -> memref<10240x128xf32, #tpu.memory_space<vmem_shared>>
            tpu.enqueue_indirect_dma source(%run_scoped3A_5 : memref<64x128xf32, #tpu.memory_space<vmem>>) target(%dma_start3A_169 : memref<10240x128xf32, #tpu.memory_space<vmem_shared>>) offsets(%dma_start3A_166 : memref<64xi32, #tpu.memory_space<vmem>>) semaphore(%run_scoped3A_163 : memref<!tpu.dma_semaphore, #tpu.memory_space<semaphore_mem>>) {add = true}
            %dma_wait3A_170 = arith.constant 0 : i32
            %dma_wait3A_171 = tpu.memref_slice %run_scoped3A_3[%add3A_127, %dma_wait3A_170] : memref<40x64xi32, #tpu.memory_space<vmem>> -> memref<1x64xi32, #tpu.memory_space<vmem>>
            %dma_wait3A_172 = tpu.memref_squeeze %dma_wait3A_171 : memref<1x64xi32, #tpu.memory_space<vmem>> -> memref<64xi32, #tpu.memory_space<vmem>>
            %dma_wait3A_173 = arith.constant 0 : i32
            %dma_wait3A_174 = arith.constant 0 : i32
            %dma_wait3A_175 = tpu.memref_slice %arg10[%dma_wait3A_173, %dma_wait3A_174] : memref<10240x128xf32, #tpu.memory_space<vmem_shared>> -> memref<10240x128xf32, #tpu.memory_space<vmem_shared>>
            tpu.wait_indirect_dma semaphore(%run_scoped3A_163 : memref<!tpu.dma_semaphore, #tpu.memory_space<semaphore_mem>>) src(%run_scoped3A_5 : memref<64x128xf32, #tpu.memory_space<vmem>>) dst(%dma_wait3A_175 : memref<10240x128xf32, #tpu.memory_space<vmem_shared>>)
            tpu.yield
          }) : () -> ()
          %lt3A_128 = arith.constant 9 : i32
          %lt3A_129 = arith.cmpi slt, %scan3A_102, %lt3A_128 : i32
          %convert_element_type3A_130 = arith.extui %lt3A_129 : i1 to i32
          %cond3A_131 = arith.constant 0 : i32
          %cond3A_132 = arith.cmpi ne, %convert_element_type3A_130, %cond3A_131 : i32
          scf.if %cond3A_132 {
            %add3A_163 = arith.constant 1 : i32
            %add3A_164 = arith.addi %mul3A_104, %add3A_163 : i32
            %add3A_165 = arith.constant 4 : i32
            %add3A_166 = arith.addi %add3A_164, %add3A_165 : i32
            %dma_start3A_167 = arith.constant 0 : i32
            %dma_start3A_168 = tpu.memref_slice %run_scoped3A[%add3A_166, %dma_start3A_167] : memref<40x64xi32, #tpu.memory_space<vmem>> -> memref<1x64xi32, #tpu.memory_space<vmem>>
            %dma_start3A_169 = tpu.memref_squeeze %dma_start3A_168 : memref<1x64xi32, #tpu.memory_space<vmem>> -> memref<64xi32, #tpu.memory_space<vmem>>
            %dma_start3A_170 = arith.constant 0 : i32
            %dma_start3A_171 = arith.constant 0 : i32
            %dma_start3A_172 = tpu.memref_slice %arg2[%dma_start3A_170, %dma_start3A_171] : memref<10240x128xf32, #tpu.memory_space<hbm>> -> memref<10240x128xf32, #tpu.memory_space<hbm>>
            tpu.enqueue_indirect_dma source(%dma_start3A_172 : memref<10240x128xf32, #tpu.memory_space<hbm>>) target(%run_scoped3A_5 : memref<64x128xf32, #tpu.memory_space<vmem>>) offsets(%dma_start3A_169 : memref<64xi32, #tpu.memory_space<vmem>>) semaphore(%arg7 : memref<!tpu.dma_semaphore, #tpu.memory_space<semaphore_mem>>)
          } else {
          }
          %add3A_133 = arith.constant 2 : i32
          %add3A_134 = arith.addi %mul3A_104, %add3A_133 : i32
          %dma_wait3A_135 = arith.constant 0 : i32
          %dma_wait3A_136 = tpu.memref_slice %run_scoped3A[%add3A_134, %dma_wait3A_135] : memref<40x64xi32, #tpu.memory_space<vmem>> -> memref<1x64xi32, #tpu.memory_space<vmem>>
          %dma_wait3A_137 = tpu.memref_squeeze %dma_wait3A_136 : memref<1x64xi32, #tpu.memory_space<vmem>> -> memref<64xi32, #tpu.memory_space<vmem>>
          %dma_wait3A_138 = arith.constant 0 : i32
          %dma_wait3A_139 = arith.constant 0 : i32
          %dma_wait3A_140 = tpu.memref_slice %arg2[%dma_wait3A_138, %dma_wait3A_139] : memref<10240x128xf32, #tpu.memory_space<hbm>> -> memref<10240x128xf32, #tpu.memory_space<hbm>>
          tpu.wait_indirect_dma semaphore(%arg8 : memref<!tpu.dma_semaphore, #tpu.memory_space<semaphore_mem>>) src(%dma_wait3A_140 : memref<10240x128xf32, #tpu.memory_space<hbm>>) dst(%run_scoped3A_6 : memref<64x128xf32, #tpu.memory_space<vmem>>)
          %add3A_141 = arith.constant 2 : i32
          %add3A_142 = arith.addi %mul3A_104, %add3A_141 : i32
          "tpu.region"() ({
            %run_scoped3A_163 = tpu.sem_alloc : memref<!tpu.dma_semaphore, #tpu.memory_space<semaphore_mem>>
            %dma_start3A_164 = arith.constant 0 : i32
            %dma_start3A_165 = tpu.memref_slice %run_scoped3A_3[%add3A_142, %dma_start3A_164] : memref<40x64xi32, #tpu.memory_space<vmem>> -> memref<1x64xi32, #tpu.memory_space<vmem>>
            %dma_start3A_166 = tpu.memref_squeeze %dma_start3A_165 : memref<1x64xi32, #tpu.memory_space<vmem>> -> memref<64xi32, #tpu.memory_space<vmem>>
            %dma_start3A_167 = arith.constant 0 : i32
            %dma_start3A_168 = arith.constant 0 : i32
            %dma_start3A_169 = tpu.memref_slice %arg10[%dma_start3A_167, %dma_start3A_168] : memref<10240x128xf32, #tpu.memory_space<vmem_shared>> -> memref<10240x128xf32, #tpu.memory_space<vmem_shared>>
            tpu.enqueue_indirect_dma source(%run_scoped3A_6 : memref<64x128xf32, #tpu.memory_space<vmem>>) target(%dma_start3A_169 : memref<10240x128xf32, #tpu.memory_space<vmem_shared>>) offsets(%dma_start3A_166 : memref<64xi32, #tpu.memory_space<vmem>>) semaphore(%run_scoped3A_163 : memref<!tpu.dma_semaphore, #tpu.memory_space<semaphore_mem>>) {add = true}
            %dma_wait3A_170 = arith.constant 0 : i32
            %dma_wait3A_171 = tpu.memref_slice %run_scoped3A_3[%add3A_142, %dma_wait3A_170] : memref<40x64xi32, #tpu.memory_space<vmem>> -> memref<1x64xi32, #tpu.memory_space<vmem>>
            %dma_wait3A_172 = tpu.memref_squeeze %dma_wait3A_171 : memref<1x64xi32, #tpu.memory_space<vmem>> -> memref<64xi32, #tpu.memory_space<vmem>>
            %dma_wait3A_173 = arith.constant 0 : i32
            %dma_wait3A_174 = arith.constant 0 : i32
            %dma_wait3A_175 = tpu.memref_slice %arg10[%dma_wait3A_173, %dma_wait3A_174] : memref<10240x128xf32, #tpu.memory_space<vmem_shared>> -> memref<10240x128xf32, #tpu.memory_space<vmem_shared>>
            tpu.wait_indirect_dma semaphore(%run_scoped3A_163 : memref<!tpu.dma_semaphore, #tpu.memory_space<semaphore_mem>>) src(%run_scoped3A_6 : memref<64x128xf32, #tpu.memory_space<vmem>>) dst(%dma_wait3A_175 : memref<10240x128xf32, #tpu.memory_space<vmem_shared>>)
            tpu.yield
          }) : () -> ()
          %lt3A_143 = arith.constant 9 : i32
          %lt3A_144 = arith.cmpi slt, %scan3A_102, %lt3A_143 : i32
          %convert_element_type3A_145 = arith.extui %lt3A_144 : i1 to i32
          %cond3A_146 = arith.constant 0 : i32
          %cond3A_147 = arith.cmpi ne, %convert_element_type3A_145, %cond3A_146 : i32
          scf.if %cond3A_147 {
            %add3A_163 = arith.constant 2 : i32
            %add3A_164 = arith.addi %mul3A_104, %add3A_163 : i32
            %add3A_165 = arith.constant 4 : i32
            %add3A_166 = arith.addi %add3A_164, %add3A_165 : i32
            %dma_start3A_167 = arith.constant 0 : i32
            %dma_start3A_168 = tpu.memref_slice %run_scoped3A[%add3A_166, %dma_start3A_167] : memref<40x64xi32, #tpu.memory_space<vmem>> -> memref<1x64xi32, #tpu.memory_space<vmem>>
            %dma_start3A_169 = tpu.memref_squeeze %dma_start3A_168 : memref<1x64xi32, #tpu.memory_space<vmem>> -> memref<64xi32, #tpu.memory_space<vmem>>
            %dma_start3A_170 = arith.constant 0 : i32
            %dma_start3A_171 = arith.constant 0 : i32
            %dma_start3A_172 = tpu.memref_slice %arg2[%dma_start3A_170, %dma_start3A_171] : memref<10240x128xf32, #tpu.memory_space<hbm>> -> memref<10240x128xf32, #tpu.memory_space<hbm>>
            tpu.enqueue_indirect_dma source(%dma_start3A_172 : memref<10240x128xf32, #tpu.memory_space<hbm>>) target(%run_scoped3A_6 : memref<64x128xf32, #tpu.memory_space<vmem>>) offsets(%dma_start3A_169 : memref<64xi32, #tpu.memory_space<vmem>>) semaphore(%arg8 : memref<!tpu.dma_semaphore, #tpu.memory_space<semaphore_mem>>)
          } else {
          }
          %add3A_148 = arith.constant 3 : i32
          %add3A_149 = arith.addi %mul3A_104, %add3A_148 : i32
          %dma_wait3A_150 = arith.constant 0 : i32
          %dma_wait3A_151 = tpu.memref_slice %run_scoped3A[%add3A_149, %dma_wait3A_150] : memref<40x64xi32, #tpu.memory_space<vmem>> -> memref<1x64xi32, #tpu.memory_space<vmem>>
          %dma_wait3A_152 = tpu.memref_squeeze %dma_wait3A_151 : memref<1x64xi32, #tpu.memory_space<vmem>> -> memref<64xi32, #tpu.memory_space<vmem>>
          %dma_wait3A_153 = arith.constant 0 : i32
          %dma_wait3A_154 = arith.constant 0 : i32
          %dma_wait3A_155 = tpu.memref_slice %arg2[%dma_wait3A_153, %dma_wait3A_154] : memref<10240x128xf32, #tpu.memory_space<hbm>> -> memref<10240x128xf32, #tpu.memory_space<hbm>>
          tpu.wait_indirect_dma semaphore(%arg9 : memref<!tpu.dma_semaphore, #tpu.memory_space<semaphore_mem>>) src(%dma_wait3A_155 : memref<10240x128xf32, #tpu.memory_space<hbm>>) dst(%run_scoped3A_7 : memref<64x128xf32, #tpu.memory_space<vmem>>)
          %add3A_156 = arith.constant 3 : i32
          %add3A_157 = arith.addi %mul3A_104, %add3A_156 : i32
          "tpu.region"() ({
            %run_scoped3A_163 = tpu.sem_alloc : memref<!tpu.dma_semaphore, #tpu.memory_space<semaphore_mem>>
            %dma_start3A_164 = arith.constant 0 : i32
            %dma_start3A_165 = tpu.memref_slice %run_scoped3A_3[%add3A_157, %dma_start3A_164] : memref<40x64xi32, #tpu.memory_space<vmem>> -> memref<1x64xi32, #tpu.memory_space<vmem>>
            %dma_start3A_166 = tpu.memref_squeeze %dma_start3A_165 : memref<1x64xi32, #tpu.memory_space<vmem>> -> memref<64xi32, #tpu.memory_space<vmem>>
            %dma_start3A_167 = arith.constant 0 : i32
            %dma_start3A_168 = arith.constant 0 : i32
            %dma_start3A_169 = tpu.memref_slice %arg10[%dma_start3A_167, %dma_start3A_168] : memref<10240x128xf32, #tpu.memory_space<vmem_shared>> -> memref<10240x128xf32, #tpu.memory_space<vmem_shared>>
            tpu.enqueue_indirect_dma source(%run_scoped3A_7 : memref<64x128xf32, #tpu.memory_space<vmem>>) target(%dma_start3A_169 : memref<10240x128xf32, #tpu.memory_space<vmem_shared>>) offsets(%dma_start3A_166 : memref<64xi32, #tpu.memory_space<vmem>>) semaphore(%run_scoped3A_163 : memref<!tpu.dma_semaphore, #tpu.memory_space<semaphore_mem>>) {add = true}
            %dma_wait3A_170 = arith.constant 0 : i32
            %dma_wait3A_171 = tpu.memref_slice %run_scoped3A_3[%add3A_157, %dma_wait3A_170] : memref<40x64xi32, #tpu.memory_space<vmem>> -> memref<1x64xi32, #tpu.memory_space<vmem>>
            %dma_wait3A_172 = tpu.memref_squeeze %dma_wait3A_171 : memref<1x64xi32, #tpu.memory_space<vmem>> -> memref<64xi32, #tpu.memory_space<vmem>>
            %dma_wait3A_173 = arith.constant 0 : i32
            %dma_wait3A_174 = arith.constant 0 : i32
            %dma_wait3A_175 = tpu.memref_slice %arg10[%dma_wait3A_173, %dma_wait3A_174] : memref<10240x128xf32, #tpu.memory_space<vmem_shared>> -> memref<10240x128xf32, #tpu.memory_space<vmem_shared>>
            tpu.wait_indirect_dma semaphore(%run_scoped3A_163 : memref<!tpu.dma_semaphore, #tpu.memory_space<semaphore_mem>>) src(%run_scoped3A_7 : memref<64x128xf32, #tpu.memory_space<vmem>>) dst(%dma_wait3A_175 : memref<10240x128xf32, #tpu.memory_space<vmem_shared>>)
            tpu.yield
          }) : () -> ()
          %lt3A_158 = arith.constant 9 : i32
          %lt3A_159 = arith.cmpi slt, %scan3A_102, %lt3A_158 : i32
          %convert_element_type3A_160 = arith.extui %lt3A_159 : i1 to i32
          %cond3A_161 = arith.constant 0 : i32
          %cond3A_162 = arith.cmpi ne, %convert_element_type3A_160, %cond3A_161 : i32
          scf.if %cond3A_162 {
            %add3A_163 = arith.constant 3 : i32
            %add3A_164 = arith.addi %mul3A_104, %add3A_163 : i32
            %add3A_165 = arith.constant 4 : i32
            %add3A_166 = arith.addi %add3A_164, %add3A_165 : i32
            %dma_start3A_167 = arith.constant 0 : i32
            %dma_start3A_168 = tpu.memref_slice %run_scoped3A[%add3A_166, %dma_start3A_167] : memref<40x64xi32, #tpu.memory_space<vmem>> -> memref<1x64xi32, #tpu.memory_space<vmem>>
            %dma_start3A_169 = tpu.memref_squeeze %dma_start3A_168 : memref<1x64xi32, #tpu.memory_space<vmem>> -> memref<64xi32, #tpu.memory_space<vmem>>
            %dma_start3A_170 = arith.constant 0 : i32
            %dma_start3A_171 = arith.constant 0 : i32
            %dma_start3A_172 = tpu.memref_slice %arg2[%dma_start3A_170, %dma_start3A_171] : memref<10240x128xf32, #tpu.memory_space<hbm>> -> memref<10240x128xf32, #tpu.memory_space<hbm>>
            tpu.enqueue_indirect_dma source(%dma_start3A_172 : memref<10240x128xf32, #tpu.memory_space<hbm>>) target(%run_scoped3A_7 : memref<64x128xf32, #tpu.memory_space<vmem>>) offsets(%dma_start3A_169 : memref<64xi32, #tpu.memory_space<vmem>>) semaphore(%arg9 : memref<!tpu.dma_semaphore, #tpu.memory_space<semaphore_mem>>)
          } else {
          }
        }
        %scan3A_101 = arith.constant 10 : i32
      } else {
      }
      %gt3A_38 = arith.constant 4 : i32
      %gt3A_39 = arith.cmpi sgt, %select_n3A_20, %gt3A_38 : i32
      %convert_element_type3A_40 = arith.extui %gt3A_39 : i1 to i32
      %cond3A_41 = arith.constant 0 : i32
      %cond3A_42 = arith.cmpi ne, %convert_element_type3A_40, %cond3A_41 : i32
      scf.if %cond3A_42 {
        %add3A_65 = arith.constant 160 : i32
        %add3A_66 = arith.addi %select_n3A_15, %add3A_65 : i32
        "tpu.region"() ({
          %run_scoped3A_102 = tpu.sem_alloc : memref<!tpu.dma_semaphore, #tpu.memory_space<semaphore_mem>>
          %dma_start3A_103 = arith.constant 0 : i32
          %dma_start3A_104 = tpu.memref_slice %arg3[%arg1, %add3A_66, %dma_start3A_103] : memref<16x320x64xi32, #tpu.memory_space<hbm>> -> memref<1x40x64xi32, #tpu.memory_space<hbm>>
          %dma_start3A_105 = tpu.memref_squeeze %dma_start3A_104 : memref<1x40x64xi32, #tpu.memory_space<hbm>> -> memref<40x64xi32, #tpu.memory_space<hbm>>
          %dma_start3A_106 = arith.constant 0 : i32
          %dma_start3A_107 = tpu.memref_slice %arg3[%arg1, %add3A_66, %dma_start3A_106] : memref<16x320x64xi32, #tpu.memory_space<hbm>> -> memref<1x40x64xi32, #tpu.memory_space<hbm>>
          %dma_start3A_108 = tpu.memref_squeeze %dma_start3A_107 : memref<1x40x64xi32, #tpu.memory_space<hbm>> -> memref<40x64xi32, #tpu.memory_space<hbm>>
          tpu.enqueue_dma source(%dma_start3A_108 : memref<40x64xi32, #tpu.memory_space<hbm>>) target(%run_scoped3A : memref<40x64xi32, #tpu.memory_space<vmem>>) target_semaphore(%run_scoped3A_102 : memref<!tpu.dma_semaphore, #tpu.memory_space<semaphore_mem>>)
          %dma_wait3A = arith.constant 0 : i32
          %dma_wait3A_109 = tpu.memref_slice %arg3[%arg1, %add3A_66, %dma_wait3A] : memref<16x320x64xi32, #tpu.memory_space<hbm>> -> memref<1x40x64xi32, #tpu.memory_space<hbm>>
          %dma_wait3A_110 = tpu.memref_squeeze %dma_wait3A_109 : memref<1x40x64xi32, #tpu.memory_space<hbm>> -> memref<40x64xi32, #tpu.memory_space<hbm>>
          %dma_wait3A_111 = arith.constant 0 : i32
          %dma_wait3A_112 = tpu.memref_slice %arg3[%arg1, %add3A_66, %dma_wait3A_111] : memref<16x320x64xi32, #tpu.memory_space<hbm>> -> memref<1x40x64xi32, #tpu.memory_space<hbm>>
          %dma_wait3A_113 = tpu.memref_squeeze %dma_wait3A_112 : memref<1x40x64xi32, #tpu.memory_space<hbm>> -> memref<40x64xi32, #tpu.memory_space<hbm>>
          tpu.wait_dma2 semaphore(%run_scoped3A_102 : memref<!tpu.dma_semaphore, #tpu.memory_space<semaphore_mem>>) src(%dma_wait3A_113 : memref<40x64xi32, #tpu.memory_space<hbm>>) dst(%run_scoped3A : memref<40x64xi32, #tpu.memory_space<vmem>>)
          tpu.yield
        }) : () -> ()
        %add3A_67 = arith.constant 160 : i32
        %add3A_68 = arith.addi %select_n3A_15, %add3A_67 : i32
        "tpu.region"() ({
          %run_scoped3A_102 = tpu.sem_alloc : memref<!tpu.dma_semaphore, #tpu.memory_space<semaphore_mem>>
          %dma_start3A_103 = arith.constant 0 : i32
          %dma_start3A_104 = tpu.memref_slice %arg4[%arg1, %add3A_68, %dma_start3A_103] : memref<16x320x64xi32, #tpu.memory_space<hbm>> -> memref<1x40x64xi32, #tpu.memory_space<hbm>>
          %dma_start3A_105 = tpu.memref_squeeze %dma_start3A_104 : memref<1x40x64xi32, #tpu.memory_space<hbm>> -> memref<40x64xi32, #tpu.memory_space<hbm>>
          %dma_start3A_106 = arith.constant 0 : i32
          %dma_start3A_107 = tpu.memref_slice %arg4[%arg1, %add3A_68, %dma_start3A_106] : memref<16x320x64xi32, #tpu.memory_space<hbm>> -> memref<1x40x64xi32, #tpu.memory_space<hbm>>
          %dma_start3A_108 = tpu.memref_squeeze %dma_start3A_107 : memref<1x40x64xi32, #tpu.memory_space<hbm>> -> memref<40x64xi32, #tpu.memory_space<hbm>>
          tpu.enqueue_dma source(%dma_start3A_108 : memref<40x64xi32, #tpu.memory_space<hbm>>) target(%run_scoped3A_3 : memref<40x64xi32, #tpu.memory_space<vmem>>) target_semaphore(%run_scoped3A_102 : memref<!tpu.dma_semaphore, #tpu.memory_space<semaphore_mem>>)
          %dma_wait3A = arith.constant 0 : i32
          %dma_wait3A_109 = tpu.memref_slice %arg4[%arg1, %add3A_68, %dma_wait3A] : memref<16x320x64xi32, #tpu.memory_space<hbm>> -> memref<1x40x64xi32, #tpu.memory_space<hbm>>
          %dma_wait3A_110 = tpu.memref_squeeze %dma_wait3A_109 : memref<1x40x64xi32, #tpu.memory_space<hbm>> -> memref<40x64xi32, #tpu.memory_space<hbm>>
          %dma_wait3A_111 = arith.constant 0 : i32
          %dma_wait3A_112 = tpu.memref_slice %arg4[%arg1, %add3A_68, %dma_wait3A_111] : memref<16x320x64xi32, #tpu.memory_space<hbm>> -> memref<1x40x64xi32, #tpu.memory_space<hbm>>
          %dma_wait3A_113 = tpu.memref_squeeze %dma_wait3A_112 : memref<1x40x64xi32, #tpu.memory_space<hbm>> -> memref<40x64xi32, #tpu.memory_space<hbm>>
          tpu.wait_dma2 semaphore(%run_scoped3A_102 : memref<!tpu.dma_semaphore, #tpu.memory_space<semaphore_mem>>) src(%dma_wait3A_113 : memref<40x64xi32, #tpu.memory_space<hbm>>) dst(%run_scoped3A_3 : memref<40x64xi32, #tpu.memory_space<vmem>>)
          tpu.yield
        }) : () -> ()
        %dma_start3A = arith.constant 0 : i32
        %dma_start3A_69 = arith.constant 0 : i32
        %dma_start3A_70 = tpu.memref_slice %run_scoped3A[%dma_start3A, %dma_start3A_69] : memref<40x64xi32, #tpu.memory_space<vmem>> -> memref<1x64xi32, #tpu.memory_space<vmem>>
        %dma_start3A_71 = tpu.memref_squeeze %dma_start3A_70 : memref<1x64xi32, #tpu.memory_space<vmem>> -> memref<64xi32, #tpu.memory_space<vmem>>
        %dma_start3A_72 = arith.constant 0 : i32
        %dma_start3A_73 = arith.constant 0 : i32
        %dma_start3A_74 = tpu.memref_slice %arg2[%dma_start3A_72, %dma_start3A_73] : memref<10240x128xf32, #tpu.memory_space<hbm>> -> memref<10240x128xf32, #tpu.memory_space<hbm>>
        tpu.enqueue_indirect_dma source(%dma_start3A_74 : memref<10240x128xf32, #tpu.memory_space<hbm>>) target(%run_scoped3A_4 : memref<64x128xf32, #tpu.memory_space<vmem>>) offsets(%dma_start3A_71 : memref<64xi32, #tpu.memory_space<vmem>>) semaphore(%arg6 : memref<!tpu.dma_semaphore, #tpu.memory_space<semaphore_mem>>)
        %dma_start3A_75 = arith.constant 1 : i32
        %dma_start3A_76 = arith.constant 0 : i32
        %dma_start3A_77 = tpu.memref_slice %run_scoped3A[%dma_start3A_75, %dma_start3A_76] : memref<40x64xi32, #tpu.memory_space<vmem>> -> memref<1x64xi32, #tpu.memory_space<vmem>>
        %dma_start3A_78 = tpu.memref_squeeze %dma_start3A_77 : memref<1x64xi32, #tpu.memory_space<vmem>> -> memref<64xi32, #tpu.memory_space<vmem>>
        %dma_start3A_79 = arith.constant 0 : i32
        %dma_start3A_80 = arith.constant 0 : i32
        %dma_start3A_81 = tpu.memref_slice %arg2[%dma_start3A_79, %dma_start3A_80] : memref<10240x128xf32, #tpu.memory_space<hbm>> -> memref<10240x128xf32, #tpu.memory_space<hbm>>
        tpu.enqueue_indirect_dma source(%dma_start3A_81 : memref<10240x128xf32, #tpu.memory_space<hbm>>) target(%run_scoped3A_5 : memref<64x128xf32, #tpu.memory_space<vmem>>) offsets(%dma_start3A_78 : memref<64xi32, #tpu.memory_space<vmem>>) semaphore(%arg7 : memref<!tpu.dma_semaphore, #tpu.memory_space<semaphore_mem>>)
        %dma_start3A_82 = arith.constant 2 : i32
        %dma_start3A_83 = arith.constant 0 : i32
        %dma_start3A_84 = tpu.memref_slice %run_scoped3A[%dma_start3A_82, %dma_start3A_83] : memref<40x64xi32, #tpu.memory_space<vmem>> -> memref<1x64xi32, #tpu.memory_space<vmem>>
        %dma_start3A_85 = tpu.memref_squeeze %dma_start3A_84 : memref<1x64xi32, #tpu.memory_space<vmem>> -> memref<64xi32, #tpu.memory_space<vmem>>
        %dma_start3A_86 = arith.constant 0 : i32
        %dma_start3A_87 = arith.constant 0 : i32
        %dma_start3A_88 = tpu.memref_slice %arg2[%dma_start3A_86, %dma_start3A_87] : memref<10240x128xf32, #tpu.memory_space<hbm>> -> memref<10240x128xf32, #tpu.memory_space<hbm>>
        tpu.enqueue_indirect_dma source(%dma_start3A_88 : memref<10240x128xf32, #tpu.memory_space<hbm>>) target(%run_scoped3A_6 : memref<64x128xf32, #tpu.memory_space<vmem>>) offsets(%dma_start3A_85 : memref<64xi32, #tpu.memory_space<vmem>>) semaphore(%arg8 : memref<!tpu.dma_semaphore, #tpu.memory_space<semaphore_mem>>)
        %dma_start3A_89 = arith.constant 3 : i32
        %dma_start3A_90 = arith.constant 0 : i32
        %dma_start3A_91 = tpu.memref_slice %run_scoped3A[%dma_start3A_89, %dma_start3A_90] : memref<40x64xi32, #tpu.memory_space<vmem>> -> memref<1x64xi32, #tpu.memory_space<vmem>>
        %dma_start3A_92 = tpu.memref_squeeze %dma_start3A_91 : memref<1x64xi32, #tpu.memory_space<vmem>> -> memref<64xi32, #tpu.memory_space<vmem>>
        %dma_start3A_93 = arith.constant 0 : i32
        %dma_start3A_94 = arith.constant 0 : i32
        %dma_start3A_95 = tpu.memref_slice %arg2[%dma_start3A_93, %dma_start3A_94] : memref<10240x128xf32, #tpu.memory_space<hbm>> -> memref<10240x128xf32, #tpu.memory_space<hbm>>
        tpu.enqueue_indirect_dma source(%dma_start3A_95 : memref<10240x128xf32, #tpu.memory_space<hbm>>) target(%run_scoped3A_7 : memref<64x128xf32, #tpu.memory_space<vmem>>) offsets(%dma_start3A_92 : memref<64xi32, #tpu.memory_space<vmem>>) semaphore(%arg9 : memref<!tpu.dma_semaphore, #tpu.memory_space<semaphore_mem>>)
        %scan3A_96 = arith.constant 0 : i32
        %scan3A_97 = arith.constant 0 : i32
        %scan3A_98 = arith.constant 10 : i32
        %scan3A_99 = arith.addi %scan3A_97, %scan3A_98 : i32
        %scan3A_100 = arith.constant 1 : i32
        scf.for %scan3A_102 = %scan3A_97 to %scan3A_99 step %scan3A_100  : i32 {
          %mul3A_103 = arith.constant 4 : i32
          %mul3A_104 = arith.muli %mul3A_103, %scan3A_102 : i32
          %add3A_105 = arith.constant 0 : i32
          %add3A_106 = arith.addi %mul3A_104, %add3A_105 : i32
          %dma_wait3A = arith.constant 0 : i32
          %dma_wait3A_107 = tpu.memref_slice %run_scoped3A[%add3A_106, %dma_wait3A] : memref<40x64xi32, #tpu.memory_space<vmem>> -> memref<1x64xi32, #tpu.memory_space<vmem>>
          %dma_wait3A_108 = tpu.memref_squeeze %dma_wait3A_107 : memref<1x64xi32, #tpu.memory_space<vmem>> -> memref<64xi32, #tpu.memory_space<vmem>>
          %dma_wait3A_109 = arith.constant 0 : i32
          %dma_wait3A_110 = arith.constant 0 : i32
          %dma_wait3A_111 = tpu.memref_slice %arg2[%dma_wait3A_109, %dma_wait3A_110] : memref<10240x128xf32, #tpu.memory_space<hbm>> -> memref<10240x128xf32, #tpu.memory_space<hbm>>
          tpu.wait_indirect_dma semaphore(%arg6 : memref<!tpu.dma_semaphore, #tpu.memory_space<semaphore_mem>>) src(%dma_wait3A_111 : memref<10240x128xf32, #tpu.memory_space<hbm>>) dst(%run_scoped3A_4 : memref<64x128xf32, #tpu.memory_space<vmem>>)
          %add3A_112 = arith.constant 0 : i32
          %add3A_113 = arith.addi %mul3A_104, %add3A_112 : i32
          "tpu.region"() ({
            %run_scoped3A_163 = tpu.sem_alloc : memref<!tpu.dma_semaphore, #tpu.memory_space<semaphore_mem>>
            %dma_start3A_164 = arith.constant 0 : i32
            %dma_start3A_165 = tpu.memref_slice %run_scoped3A_3[%add3A_113, %dma_start3A_164] : memref<40x64xi32, #tpu.memory_space<vmem>> -> memref<1x64xi32, #tpu.memory_space<vmem>>
            %dma_start3A_166 = tpu.memref_squeeze %dma_start3A_165 : memref<1x64xi32, #tpu.memory_space<vmem>> -> memref<64xi32, #tpu.memory_space<vmem>>
            %dma_start3A_167 = arith.constant 0 : i32
            %dma_start3A_168 = arith.constant 0 : i32
            %dma_start3A_169 = tpu.memref_slice %arg10[%dma_start3A_167, %dma_start3A_168] : memref<10240x128xf32, #tpu.memory_space<vmem_shared>> -> memref<10240x128xf32, #tpu.memory_space<vmem_shared>>
            tpu.enqueue_indirect_dma source(%run_scoped3A_4 : memref<64x128xf32, #tpu.memory_space<vmem>>) target(%dma_start3A_169 : memref<10240x128xf32, #tpu.memory_space<vmem_shared>>) offsets(%dma_start3A_166 : memref<64xi32, #tpu.memory_space<vmem>>) semaphore(%run_scoped3A_163 : memref<!tpu.dma_semaphore, #tpu.memory_space<semaphore_mem>>) {add = true}
            %dma_wait3A_170 = arith.constant 0 : i32
            %dma_wait3A_171 = tpu.memref_slice %run_scoped3A_3[%add3A_113, %dma_wait3A_170] : memref<40x64xi32, #tpu.memory_space<vmem>> -> memref<1x64xi32, #tpu.memory_space<vmem>>
            %dma_wait3A_172 = tpu.memref_squeeze %dma_wait3A_171 : memref<1x64xi32, #tpu.memory_space<vmem>> -> memref<64xi32, #tpu.memory_space<vmem>>
            %dma_wait3A_173 = arith.constant 0 : i32
            %dma_wait3A_174 = arith.constant 0 : i32
            %dma_wait3A_175 = tpu.memref_slice %arg10[%dma_wait3A_173, %dma_wait3A_174] : memref<10240x128xf32, #tpu.memory_space<vmem_shared>> -> memref<10240x128xf32, #tpu.memory_space<vmem_shared>>
            tpu.wait_indirect_dma semaphore(%run_scoped3A_163 : memref<!tpu.dma_semaphore, #tpu.memory_space<semaphore_mem>>) src(%run_scoped3A_4 : memref<64x128xf32, #tpu.memory_space<vmem>>) dst(%dma_wait3A_175 : memref<10240x128xf32, #tpu.memory_space<vmem_shared>>)
            tpu.yield
          }) : () -> ()
          %lt3A = arith.constant 9 : i32
          %lt3A_114 = arith.cmpi slt, %scan3A_102, %lt3A : i32
          %convert_element_type3A_115 = arith.extui %lt3A_114 : i1 to i32
          %cond3A_116 = arith.constant 0 : i32
          %cond3A_117 = arith.cmpi ne, %convert_element_type3A_115, %cond3A_116 : i32
          scf.if %cond3A_117 {
            %add3A_163 = arith.constant 0 : i32
            %add3A_164 = arith.addi %mul3A_104, %add3A_163 : i32
            %add3A_165 = arith.constant 4 : i32
            %add3A_166 = arith.addi %add3A_164, %add3A_165 : i32
            %dma_start3A_167 = arith.constant 0 : i32
            %dma_start3A_168 = tpu.memref_slice %run_scoped3A[%add3A_166, %dma_start3A_167] : memref<40x64xi32, #tpu.memory_space<vmem>> -> memref<1x64xi32, #tpu.memory_space<vmem>>
            %dma_start3A_169 = tpu.memref_squeeze %dma_start3A_168 : memref<1x64xi32, #tpu.memory_space<vmem>> -> memref<64xi32, #tpu.memory_space<vmem>>
            %dma_start3A_170 = arith.constant 0 : i32
            %dma_start3A_171 = arith.constant 0 : i32
            %dma_start3A_172 = tpu.memref_slice %arg2[%dma_start3A_170, %dma_start3A_171] : memref<10240x128xf32, #tpu.memory_space<hbm>> -> memref<10240x128xf32, #tpu.memory_space<hbm>>
            tpu.enqueue_indirect_dma source(%dma_start3A_172 : memref<10240x128xf32, #tpu.memory_space<hbm>>) target(%run_scoped3A_4 : memref<64x128xf32, #tpu.memory_space<vmem>>) offsets(%dma_start3A_169 : memref<64xi32, #tpu.memory_space<vmem>>) semaphore(%arg6 : memref<!tpu.dma_semaphore, #tpu.memory_space<semaphore_mem>>)
          } else {
          }
          %add3A_118 = arith.constant 1 : i32
          %add3A_119 = arith.addi %mul3A_104, %add3A_118 : i32
          %dma_wait3A_120 = arith.constant 0 : i32
          %dma_wait3A_121 = tpu.memref_slice %run_scoped3A[%add3A_119, %dma_wait3A_120] : memref<40x64xi32, #tpu.memory_space<vmem>> -> memref<1x64xi32, #tpu.memory_space<vmem>>
          %dma_wait3A_122 = tpu.memref_squeeze %dma_wait3A_121 : memref<1x64xi32, #tpu.memory_space<vmem>> -> memref<64xi32, #tpu.memory_space<vmem>>
          %dma_wait3A_123 = arith.constant 0 : i32
          %dma_wait3A_124 = arith.constant 0 : i32
          %dma_wait3A_125 = tpu.memref_slice %arg2[%dma_wait3A_123, %dma_wait3A_124] : memref<10240x128xf32, #tpu.memory_space<hbm>> -> memref<10240x128xf32, #tpu.memory_space<hbm>>
          tpu.wait_indirect_dma semaphore(%arg7 : memref<!tpu.dma_semaphore, #tpu.memory_space<semaphore_mem>>) src(%dma_wait3A_125 : memref<10240x128xf32, #tpu.memory_space<hbm>>) dst(%run_scoped3A_5 : memref<64x128xf32, #tpu.memory_space<vmem>>)
          %add3A_126 = arith.constant 1 : i32
          %add3A_127 = arith.addi %mul3A_104, %add3A_126 : i32
          "tpu.region"() ({
            %run_scoped3A_163 = tpu.sem_alloc : memref<!tpu.dma_semaphore, #tpu.memory_space<semaphore_mem>>
            %dma_start3A_164 = arith.constant 0 : i32
            %dma_start3A_165 = tpu.memref_slice %run_scoped3A_3[%add3A_127, %dma_start3A_164] : memref<40x64xi32, #tpu.memory_space<vmem>> -> memref<1x64xi32, #tpu.memory_space<vmem>>
            %dma_start3A_166 = tpu.memref_squeeze %dma_start3A_165 : memref<1x64xi32, #tpu.memory_space<vmem>> -> memref<64xi32, #tpu.memory_space<vmem>>
            %dma_start3A_167 = arith.constant 0 : i32
            %dma_start3A_168 = arith.constant 0 : i32
            %dma_start3A_169 = tpu.memref_slice %arg10[%dma_start3A_167, %dma_start3A_168] : memref<10240x128xf32, #tpu.memory_space<vmem_shared>> -> memref<10240x128xf32, #tpu.memory_space<vmem_shared>>
            tpu.enqueue_indirect_dma source(%run_scoped3A_5 : memref<64x128xf32, #tpu.memory_space<vmem>>) target(%dma_start3A_169 : memref<10240x128xf32, #tpu.memory_space<vmem_shared>>) offsets(%dma_start3A_166 : memref<64xi32, #tpu.memory_space<vmem>>) semaphore(%run_scoped3A_163 : memref<!tpu.dma_semaphore, #tpu.memory_space<semaphore_mem>>) {add = true}
            %dma_wait3A_170 = arith.constant 0 : i32
            %dma_wait3A_171 = tpu.memref_slice %run_scoped3A_3[%add3A_127, %dma_wait3A_170] : memref<40x64xi32, #tpu.memory_space<vmem>> -> memref<1x64xi32, #tpu.memory_space<vmem>>
            %dma_wait3A_172 = tpu.memref_squeeze %dma_wait3A_171 : memref<1x64xi32, #tpu.memory_space<vmem>> -> memref<64xi32, #tpu.memory_space<vmem>>
            %dma_wait3A_173 = arith.constant 0 : i32
            %dma_wait3A_174 = arith.constant 0 : i32
            %dma_wait3A_175 = tpu.memref_slice %arg10[%dma_wait3A_173, %dma_wait3A_174] : memref<10240x128xf32, #tpu.memory_space<vmem_shared>> -> memref<10240x128xf32, #tpu.memory_space<vmem_shared>>
            tpu.wait_indirect_dma semaphore(%run_scoped3A_163 : memref<!tpu.dma_semaphore, #tpu.memory_space<semaphore_mem>>) src(%run_scoped3A_5 : memref<64x128xf32, #tpu.memory_space<vmem>>) dst(%dma_wait3A_175 : memref<10240x128xf32, #tpu.memory_space<vmem_shared>>)
            tpu.yield
          }) : () -> ()
          %lt3A_128 = arith.constant 9 : i32
          %lt3A_129 = arith.cmpi slt, %scan3A_102, %lt3A_128 : i32
          %convert_element_type3A_130 = arith.extui %lt3A_129 : i1 to i32
          %cond3A_131 = arith.constant 0 : i32
          %cond3A_132 = arith.cmpi ne, %convert_element_type3A_130, %cond3A_131 : i32
          scf.if %cond3A_132 {
            %add3A_163 = arith.constant 1 : i32
            %add3A_164 = arith.addi %mul3A_104, %add3A_163 : i32
            %add3A_165 = arith.constant 4 : i32
            %add3A_166 = arith.addi %add3A_164, %add3A_165 : i32
            %dma_start3A_167 = arith.constant 0 : i32
            %dma_start3A_168 = tpu.memref_slice %run_scoped3A[%add3A_166, %dma_start3A_167] : memref<40x64xi32, #tpu.memory_space<vmem>> -> memref<1x64xi32, #tpu.memory_space<vmem>>
            %dma_start3A_169 = tpu.memref_squeeze %dma_start3A_168 : memref<1x64xi32, #tpu.memory_space<vmem>> -> memref<64xi32, #tpu.memory_space<vmem>>
            %dma_start3A_170 = arith.constant 0 : i32
            %dma_start3A_171 = arith.constant 0 : i32
            %dma_start3A_172 = tpu.memref_slice %arg2[%dma_start3A_170, %dma_start3A_171] : memref<10240x128xf32, #tpu.memory_space<hbm>> -> memref<10240x128xf32, #tpu.memory_space<hbm>>
            tpu.enqueue_indirect_dma source(%dma_start3A_172 : memref<10240x128xf32, #tpu.memory_space<hbm>>) target(%run_scoped3A_5 : memref<64x128xf32, #tpu.memory_space<vmem>>) offsets(%dma_start3A_169 : memref<64xi32, #tpu.memory_space<vmem>>) semaphore(%arg7 : memref<!tpu.dma_semaphore, #tpu.memory_space<semaphore_mem>>)
          } else {
          }
          %add3A_133 = arith.constant 2 : i32
          %add3A_134 = arith.addi %mul3A_104, %add3A_133 : i32
          %dma_wait3A_135 = arith.constant 0 : i32
          %dma_wait3A_136 = tpu.memref_slice %run_scoped3A[%add3A_134, %dma_wait3A_135] : memref<40x64xi32, #tpu.memory_space<vmem>> -> memref<1x64xi32, #tpu.memory_space<vmem>>
          %dma_wait3A_137 = tpu.memref_squeeze %dma_wait3A_136 : memref<1x64xi32, #tpu.memory_space<vmem>> -> memref<64xi32, #tpu.memory_space<vmem>>
          %dma_wait3A_138 = arith.constant 0 : i32
          %dma_wait3A_139 = arith.constant 0 : i32
          %dma_wait3A_140 = tpu.memref_slice %arg2[%dma_wait3A_138, %dma_wait3A_139] : memref<10240x128xf32, #tpu.memory_space<hbm>> -> memref<10240x128xf32, #tpu.memory_space<hbm>>
          tpu.wait_indirect_dma semaphore(%arg8 : memref<!tpu.dma_semaphore, #tpu.memory_space<semaphore_mem>>) src(%dma_wait3A_140 : memref<10240x128xf32, #tpu.memory_space<hbm>>) dst(%run_scoped3A_6 : memref<64x128xf32, #tpu.memory_space<vmem>>)
          %add3A_141 = arith.constant 2 : i32
          %add3A_142 = arith.addi %mul3A_104, %add3A_141 : i32
          "tpu.region"() ({
            %run_scoped3A_163 = tpu.sem_alloc : memref<!tpu.dma_semaphore, #tpu.memory_space<semaphore_mem>>
            %dma_start3A_164 = arith.constant 0 : i32
            %dma_start3A_165 = tpu.memref_slice %run_scoped3A_3[%add3A_142, %dma_start3A_164] : memref<40x64xi32, #tpu.memory_space<vmem>> -> memref<1x64xi32, #tpu.memory_space<vmem>>
            %dma_start3A_166 = tpu.memref_squeeze %dma_start3A_165 : memref<1x64xi32, #tpu.memory_space<vmem>> -> memref<64xi32, #tpu.memory_space<vmem>>
            %dma_start3A_167 = arith.constant 0 : i32
            %dma_start3A_168 = arith.constant 0 : i32
            %dma_start3A_169 = tpu.memref_slice %arg10[%dma_start3A_167, %dma_start3A_168] : memref<10240x128xf32, #tpu.memory_space<vmem_shared>> -> memref<10240x128xf32, #tpu.memory_space<vmem_shared>>
            tpu.enqueue_indirect_dma source(%run_scoped3A_6 : memref<64x128xf32, #tpu.memory_space<vmem>>) target(%dma_start3A_169 : memref<10240x128xf32, #tpu.memory_space<vmem_shared>>) offsets(%dma_start3A_166 : memref<64xi32, #tpu.memory_space<vmem>>) semaphore(%run_scoped3A_163 : memref<!tpu.dma_semaphore, #tpu.memory_space<semaphore_mem>>) {add = true}
            %dma_wait3A_170 = arith.constant 0 : i32
            %dma_wait3A_171 = tpu.memref_slice %run_scoped3A_3[%add3A_142, %dma_wait3A_170] : memref<40x64xi32, #tpu.memory_space<vmem>> -> memref<1x64xi32, #tpu.memory_space<vmem>>
            %dma_wait3A_172 = tpu.memref_squeeze %dma_wait3A_171 : memref<1x64xi32, #tpu.memory_space<vmem>> -> memref<64xi32, #tpu.memory_space<vmem>>
            %dma_wait3A_173 = arith.constant 0 : i32
            %dma_wait3A_174 = arith.constant 0 : i32
            %dma_wait3A_175 = tpu.memref_slice %arg10[%dma_wait3A_173, %dma_wait3A_174] : memref<10240x128xf32, #tpu.memory_space<vmem_shared>> -> memref<10240x128xf32, #tpu.memory_space<vmem_shared>>
            tpu.wait_indirect_dma semaphore(%run_scoped3A_163 : memref<!tpu.dma_semaphore, #tpu.memory_space<semaphore_mem>>) src(%run_scoped3A_6 : memref<64x128xf32, #tpu.memory_space<vmem>>) dst(%dma_wait3A_175 : memref<10240x128xf32, #tpu.memory_space<vmem_shared>>)
            tpu.yield
          }) : () -> ()
          %lt3A_143 = arith.constant 9 : i32
          %lt3A_144 = arith.cmpi slt, %scan3A_102, %lt3A_143 : i32
          %convert_element_type3A_145 = arith.extui %lt3A_144 : i1 to i32
          %cond3A_146 = arith.constant 0 : i32
          %cond3A_147 = arith.cmpi ne, %convert_element_type3A_145, %cond3A_146 : i32
          scf.if %cond3A_147 {
            %add3A_163 = arith.constant 2 : i32
            %add3A_164 = arith.addi %mul3A_104, %add3A_163 : i32
            %add3A_165 = arith.constant 4 : i32
            %add3A_166 = arith.addi %add3A_164, %add3A_165 : i32
            %dma_start3A_167 = arith.constant 0 : i32
            %dma_start3A_168 = tpu.memref_slice %run_scoped3A[%add3A_166, %dma_start3A_167] : memref<40x64xi32, #tpu.memory_space<vmem>> -> memref<1x64xi32, #tpu.memory_space<vmem>>
            %dma_start3A_169 = tpu.memref_squeeze %dma_start3A_168 : memref<1x64xi32, #tpu.memory_space<vmem>> -> memref<64xi32, #tpu.memory_space<vmem>>
            %dma_start3A_170 = arith.constant 0 : i32
            %dma_start3A_171 = arith.constant 0 : i32
            %dma_start3A_172 = tpu.memref_slice %arg2[%dma_start3A_170, %dma_start3A_171] : memref<10240x128xf32, #tpu.memory_space<hbm>> -> memref<10240x128xf32, #tpu.memory_space<hbm>>
            tpu.enqueue_indirect_dma source(%dma_start3A_172 : memref<10240x128xf32, #tpu.memory_space<hbm>>) target(%run_scoped3A_6 : memref<64x128xf32, #tpu.memory_space<vmem>>) offsets(%dma_start3A_169 : memref<64xi32, #tpu.memory_space<vmem>>) semaphore(%arg8 : memref<!tpu.dma_semaphore, #tpu.memory_space<semaphore_mem>>)
          } else {
          }
          %add3A_148 = arith.constant 3 : i32
          %add3A_149 = arith.addi %mul3A_104, %add3A_148 : i32
          %dma_wait3A_150 = arith.constant 0 : i32
          %dma_wait3A_151 = tpu.memref_slice %run_scoped3A[%add3A_149, %dma_wait3A_150] : memref<40x64xi32, #tpu.memory_space<vmem>> -> memref<1x64xi32, #tpu.memory_space<vmem>>
          %dma_wait3A_152 = tpu.memref_squeeze %dma_wait3A_151 : memref<1x64xi32, #tpu.memory_space<vmem>> -> memref<64xi32, #tpu.memory_space<vmem>>
          %dma_wait3A_153 = arith.constant 0 : i32
          %dma_wait3A_154 = arith.constant 0 : i32
          %dma_wait3A_155 = tpu.memref_slice %arg2[%dma_wait3A_153, %dma_wait3A_154] : memref<10240x128xf32, #tpu.memory_space<hbm>> -> memref<10240x128xf32, #tpu.memory_space<hbm>>
          tpu.wait_indirect_dma semaphore(%arg9 : memref<!tpu.dma_semaphore, #tpu.memory_space<semaphore_mem>>) src(%dma_wait3A_155 : memref<10240x128xf32, #tpu.memory_space<hbm>>) dst(%run_scoped3A_7 : memref<64x128xf32, #tpu.memory_space<vmem>>)
          %add3A_156 = arith.constant 3 : i32
          %add3A_157 = arith.addi %mul3A_104, %add3A_156 : i32
          "tpu.region"() ({
            %run_scoped3A_163 = tpu.sem_alloc : memref<!tpu.dma_semaphore, #tpu.memory_space<semaphore_mem>>
            %dma_start3A_164 = arith.constant 0 : i32
            %dma_start3A_165 = tpu.memref_slice %run_scoped3A_3[%add3A_157, %dma_start3A_164] : memref<40x64xi32, #tpu.memory_space<vmem>> -> memref<1x64xi32, #tpu.memory_space<vmem>>
            %dma_start3A_166 = tpu.memref_squeeze %dma_start3A_165 : memref<1x64xi32, #tpu.memory_space<vmem>> -> memref<64xi32, #tpu.memory_space<vmem>>
            %dma_start3A_167 = arith.constant 0 : i32
            %dma_start3A_168 = arith.constant 0 : i32
            %dma_start3A_169 = tpu.memref_slice %arg10[%dma_start3A_167, %dma_start3A_168] : memref<10240x128xf32, #tpu.memory_space<vmem_shared>> -> memref<10240x128xf32, #tpu.memory_space<vmem_shared>>
            tpu.enqueue_indirect_dma source(%run_scoped3A_7 : memref<64x128xf32, #tpu.memory_space<vmem>>) target(%dma_start3A_169 : memref<10240x128xf32, #tpu.memory_space<vmem_shared>>) offsets(%dma_start3A_166 : memref<64xi32, #tpu.memory_space<vmem>>) semaphore(%run_scoped3A_163 : memref<!tpu.dma_semaphore, #tpu.memory_space<semaphore_mem>>) {add = true}
            %dma_wait3A_170 = arith.constant 0 : i32
            %dma_wait3A_171 = tpu.memref_slice %run_scoped3A_3[%add3A_157, %dma_wait3A_170] : memref<40x64xi32, #tpu.memory_space<vmem>> -> memref<1x64xi32, #tpu.memory_space<vmem>>
            %dma_wait3A_172 = tpu.memref_squeeze %dma_wait3A_171 : memref<1x64xi32, #tpu.memory_space<vmem>> -> memref<64xi32, #tpu.memory_space<vmem>>
            %dma_wait3A_173 = arith.constant 0 : i32
            %dma_wait3A_174 = arith.constant 0 : i32
            %dma_wait3A_175 = tpu.memref_slice %arg10[%dma_wait3A_173, %dma_wait3A_174] : memref<10240x128xf32, #tpu.memory_space<vmem_shared>> -> memref<10240x128xf32, #tpu.memory_space<vmem_shared>>
            tpu.wait_indirect_dma semaphore(%run_scoped3A_163 : memref<!tpu.dma_semaphore, #tpu.memory_space<semaphore_mem>>) src(%run_scoped3A_7 : memref<64x128xf32, #tpu.memory_space<vmem>>) dst(%dma_wait3A_175 : memref<10240x128xf32, #tpu.memory_space<vmem_shared>>)
            tpu.yield
          }) : () -> ()
          %lt3A_158 = arith.constant 9 : i32
          %lt3A_159 = arith.cmpi slt, %scan3A_102, %lt3A_158 : i32
          %convert_element_type3A_160 = arith.extui %lt3A_159 : i1 to i32
          %cond3A_161 = arith.constant 0 : i32
          %cond3A_162 = arith.cmpi ne, %convert_element_type3A_160, %cond3A_161 : i32
          scf.if %cond3A_162 {
            %add3A_163 = arith.constant 3 : i32
            %add3A_164 = arith.addi %mul3A_104, %add3A_163 : i32
            %add3A_165 = arith.constant 4 : i32
            %add3A_166 = arith.addi %add3A_164, %add3A_165 : i32
            %dma_start3A_167 = arith.constant 0 : i32
            %dma_start3A_168 = tpu.memref_slice %run_scoped3A[%add3A_166, %dma_start3A_167] : memref<40x64xi32, #tpu.memory_space<vmem>> -> memref<1x64xi32, #tpu.memory_space<vmem>>
            %dma_start3A_169 = tpu.memref_squeeze %dma_start3A_168 : memref<1x64xi32, #tpu.memory_space<vmem>> -> memref<64xi32, #tpu.memory_space<vmem>>
            %dma_start3A_170 = arith.constant 0 : i32
            %dma_start3A_171 = arith.constant 0 : i32
            %dma_start3A_172 = tpu.memref_slice %arg2[%dma_start3A_170, %dma_start3A_171] : memref<10240x128xf32, #tpu.memory_space<hbm>> -> memref<10240x128xf32, #tpu.memory_space<hbm>>
            tpu.enqueue_indirect_dma source(%dma_start3A_172 : memref<10240x128xf32, #tpu.memory_space<hbm>>) target(%run_scoped3A_7 : memref<64x128xf32, #tpu.memory_space<vmem>>) offsets(%dma_start3A_169 : memref<64xi32, #tpu.memory_space<vmem>>) semaphore(%arg9 : memref<!tpu.dma_semaphore, #tpu.memory_space<semaphore_mem>>)
          } else {
          }
        }
        %scan3A_101 = arith.constant 10 : i32
      } else {
      }
      %gt3A_43 = arith.constant 5 : i32
      %gt3A_44 = arith.cmpi sgt, %select_n3A_20, %gt3A_43 : i32
      %convert_element_type3A_45 = arith.extui %gt3A_44 : i1 to i32
      %cond3A_46 = arith.constant 0 : i32
      %cond3A_47 = arith.cmpi ne, %convert_element_type3A_45, %cond3A_46 : i32
      scf.if %cond3A_47 {
        %add3A_65 = arith.constant 200 : i32
        %add3A_66 = arith.addi %select_n3A_15, %add3A_65 : i32
        "tpu.region"() ({
          %run_scoped3A_102 = tpu.sem_alloc : memref<!tpu.dma_semaphore, #tpu.memory_space<semaphore_mem>>
          %dma_start3A_103 = arith.constant 0 : i32
          %dma_start3A_104 = tpu.memref_slice %arg3[%arg1, %add3A_66, %dma_start3A_103] : memref<16x320x64xi32, #tpu.memory_space<hbm>> -> memref<1x40x64xi32, #tpu.memory_space<hbm>>
          %dma_start3A_105 = tpu.memref_squeeze %dma_start3A_104 : memref<1x40x64xi32, #tpu.memory_space<hbm>> -> memref<40x64xi32, #tpu.memory_space<hbm>>
          %dma_start3A_106 = arith.constant 0 : i32
          %dma_start3A_107 = tpu.memref_slice %arg3[%arg1, %add3A_66, %dma_start3A_106] : memref<16x320x64xi32, #tpu.memory_space<hbm>> -> memref<1x40x64xi32, #tpu.memory_space<hbm>>
          %dma_start3A_108 = tpu.memref_squeeze %dma_start3A_107 : memref<1x40x64xi32, #tpu.memory_space<hbm>> -> memref<40x64xi32, #tpu.memory_space<hbm>>
          tpu.enqueue_dma source(%dma_start3A_108 : memref<40x64xi32, #tpu.memory_space<hbm>>) target(%run_scoped3A : memref<40x64xi32, #tpu.memory_space<vmem>>) target_semaphore(%run_scoped3A_102 : memref<!tpu.dma_semaphore, #tpu.memory_space<semaphore_mem>>)
          %dma_wait3A = arith.constant 0 : i32
          %dma_wait3A_109 = tpu.memref_slice %arg3[%arg1, %add3A_66, %dma_wait3A] : memref<16x320x64xi32, #tpu.memory_space<hbm>> -> memref<1x40x64xi32, #tpu.memory_space<hbm>>
          %dma_wait3A_110 = tpu.memref_squeeze %dma_wait3A_109 : memref<1x40x64xi32, #tpu.memory_space<hbm>> -> memref<40x64xi32, #tpu.memory_space<hbm>>
          %dma_wait3A_111 = arith.constant 0 : i32
          %dma_wait3A_112 = tpu.memref_slice %arg3[%arg1, %add3A_66, %dma_wait3A_111] : memref<16x320x64xi32, #tpu.memory_space<hbm>> -> memref<1x40x64xi32, #tpu.memory_space<hbm>>
          %dma_wait3A_113 = tpu.memref_squeeze %dma_wait3A_112 : memref<1x40x64xi32, #tpu.memory_space<hbm>> -> memref<40x64xi32, #tpu.memory_space<hbm>>
          tpu.wait_dma2 semaphore(%run_scoped3A_102 : memref<!tpu.dma_semaphore, #tpu.memory_space<semaphore_mem>>) src(%dma_wait3A_113 : memref<40x64xi32, #tpu.memory_space<hbm>>) dst(%run_scoped3A : memref<40x64xi32, #tpu.memory_space<vmem>>)
          tpu.yield
        }) : () -> ()
        %add3A_67 = arith.constant 200 : i32
        %add3A_68 = arith.addi %select_n3A_15, %add3A_67 : i32
        "tpu.region"() ({
          %run_scoped3A_102 = tpu.sem_alloc : memref<!tpu.dma_semaphore, #tpu.memory_space<semaphore_mem>>
          %dma_start3A_103 = arith.constant 0 : i32
          %dma_start3A_104 = tpu.memref_slice %arg4[%arg1, %add3A_68, %dma_start3A_103] : memref<16x320x64xi32, #tpu.memory_space<hbm>> -> memref<1x40x64xi32, #tpu.memory_space<hbm>>
          %dma_start3A_105 = tpu.memref_squeeze %dma_start3A_104 : memref<1x40x64xi32, #tpu.memory_space<hbm>> -> memref<40x64xi32, #tpu.memory_space<hbm>>
          %dma_start3A_106 = arith.constant 0 : i32
          %dma_start3A_107 = tpu.memref_slice %arg4[%arg1, %add3A_68, %dma_start3A_106] : memref<16x320x64xi32, #tpu.memory_space<hbm>> -> memref<1x40x64xi32, #tpu.memory_space<hbm>>
          %dma_start3A_108 = tpu.memref_squeeze %dma_start3A_107 : memref<1x40x64xi32, #tpu.memory_space<hbm>> -> memref<40x64xi32, #tpu.memory_space<hbm>>
          tpu.enqueue_dma source(%dma_start3A_108 : memref<40x64xi32, #tpu.memory_space<hbm>>) target(%run_scoped3A_3 : memref<40x64xi32, #tpu.memory_space<vmem>>) target_semaphore(%run_scoped3A_102 : memref<!tpu.dma_semaphore, #tpu.memory_space<semaphore_mem>>)
          %dma_wait3A = arith.constant 0 : i32
          %dma_wait3A_109 = tpu.memref_slice %arg4[%arg1, %add3A_68, %dma_wait3A] : memref<16x320x64xi32, #tpu.memory_space<hbm>> -> memref<1x40x64xi32, #tpu.memory_space<hbm>>
          %dma_wait3A_110 = tpu.memref_squeeze %dma_wait3A_109 : memref<1x40x64xi32, #tpu.memory_space<hbm>> -> memref<40x64xi32, #tpu.memory_space<hbm>>
          %dma_wait3A_111 = arith.constant 0 : i32
          %dma_wait3A_112 = tpu.memref_slice %arg4[%arg1, %add3A_68, %dma_wait3A_111] : memref<16x320x64xi32, #tpu.memory_space<hbm>> -> memref<1x40x64xi32, #tpu.memory_space<hbm>>
          %dma_wait3A_113 = tpu.memref_squeeze %dma_wait3A_112 : memref<1x40x64xi32, #tpu.memory_space<hbm>> -> memref<40x64xi32, #tpu.memory_space<hbm>>
          tpu.wait_dma2 semaphore(%run_scoped3A_102 : memref<!tpu.dma_semaphore, #tpu.memory_space<semaphore_mem>>) src(%dma_wait3A_113 : memref<40x64xi32, #tpu.memory_space<hbm>>) dst(%run_scoped3A_3 : memref<40x64xi32, #tpu.memory_space<vmem>>)
          tpu.yield
        }) : () -> ()
        %dma_start3A = arith.constant 0 : i32
        %dma_start3A_69 = arith.constant 0 : i32
        %dma_start3A_70 = tpu.memref_slice %run_scoped3A[%dma_start3A, %dma_start3A_69] : memref<40x64xi32, #tpu.memory_space<vmem>> -> memref<1x64xi32, #tpu.memory_space<vmem>>
        %dma_start3A_71 = tpu.memref_squeeze %dma_start3A_70 : memref<1x64xi32, #tpu.memory_space<vmem>> -> memref<64xi32, #tpu.memory_space<vmem>>
        %dma_start3A_72 = arith.constant 0 : i32
        %dma_start3A_73 = arith.constant 0 : i32
        %dma_start3A_74 = tpu.memref_slice %arg2[%dma_start3A_72, %dma_start3A_73] : memref<10240x128xf32, #tpu.memory_space<hbm>> -> memref<10240x128xf32, #tpu.memory_space<hbm>>
        tpu.enqueue_indirect_dma source(%dma_start3A_74 : memref<10240x128xf32, #tpu.memory_space<hbm>>) target(%run_scoped3A_4 : memref<64x128xf32, #tpu.memory_space<vmem>>) offsets(%dma_start3A_71 : memref<64xi32, #tpu.memory_space<vmem>>) semaphore(%arg6 : memref<!tpu.dma_semaphore, #tpu.memory_space<semaphore_mem>>)
        %dma_start3A_75 = arith.constant 1 : i32
        %dma_start3A_76 = arith.constant 0 : i32
        %dma_start3A_77 = tpu.memref_slice %run_scoped3A[%dma_start3A_75, %dma_start3A_76] : memref<40x64xi32, #tpu.memory_space<vmem>> -> memref<1x64xi32, #tpu.memory_space<vmem>>
        %dma_start3A_78 = tpu.memref_squeeze %dma_start3A_77 : memref<1x64xi32, #tpu.memory_space<vmem>> -> memref<64xi32, #tpu.memory_space<vmem>>
        %dma_start3A_79 = arith.constant 0 : i32
        %dma_start3A_80 = arith.constant 0 : i32
        %dma_start3A_81 = tpu.memref_slice %arg2[%dma_start3A_79, %dma_start3A_80] : memref<10240x128xf32, #tpu.memory_space<hbm>> -> memref<10240x128xf32, #tpu.memory_space<hbm>>
        tpu.enqueue_indirect_dma source(%dma_start3A_81 : memref<10240x128xf32, #tpu.memory_space<hbm>>) target(%run_scoped3A_5 : memref<64x128xf32, #tpu.memory_space<vmem>>) offsets(%dma_start3A_78 : memref<64xi32, #tpu.memory_space<vmem>>) semaphore(%arg7 : memref<!tpu.dma_semaphore, #tpu.memory_space<semaphore_mem>>)
        %dma_start3A_82 = arith.constant 2 : i32
        %dma_start3A_83 = arith.constant 0 : i32
        %dma_start3A_84 = tpu.memref_slice %run_scoped3A[%dma_start3A_82, %dma_start3A_83] : memref<40x64xi32, #tpu.memory_space<vmem>> -> memref<1x64xi32, #tpu.memory_space<vmem>>
        %dma_start3A_85 = tpu.memref_squeeze %dma_start3A_84 : memref<1x64xi32, #tpu.memory_space<vmem>> -> memref<64xi32, #tpu.memory_space<vmem>>
        %dma_start3A_86 = arith.constant 0 : i32
        %dma_start3A_87 = arith.constant 0 : i32
        %dma_start3A_88 = tpu.memref_slice %arg2[%dma_start3A_86, %dma_start3A_87] : memref<10240x128xf32, #tpu.memory_space<hbm>> -> memref<10240x128xf32, #tpu.memory_space<hbm>>
        tpu.enqueue_indirect_dma source(%dma_start3A_88 : memref<10240x128xf32, #tpu.memory_space<hbm>>) target(%run_scoped3A_6 : memref<64x128xf32, #tpu.memory_space<vmem>>) offsets(%dma_start3A_85 : memref<64xi32, #tpu.memory_space<vmem>>) semaphore(%arg8 : memref<!tpu.dma_semaphore, #tpu.memory_space<semaphore_mem>>)
        %dma_start3A_89 = arith.constant 3 : i32
        %dma_start3A_90 = arith.constant 0 : i32
        %dma_start3A_91 = tpu.memref_slice %run_scoped3A[%dma_start3A_89, %dma_start3A_90] : memref<40x64xi32, #tpu.memory_space<vmem>> -> memref<1x64xi32, #tpu.memory_space<vmem>>
        %dma_start3A_92 = tpu.memref_squeeze %dma_start3A_91 : memref<1x64xi32, #tpu.memory_space<vmem>> -> memref<64xi32, #tpu.memory_space<vmem>>
        %dma_start3A_93 = arith.constant 0 : i32
        %dma_start3A_94 = arith.constant 0 : i32
        %dma_start3A_95 = tpu.memref_slice %arg2[%dma_start3A_93, %dma_start3A_94] : memref<10240x128xf32, #tpu.memory_space<hbm>> -> memref<10240x128xf32, #tpu.memory_space<hbm>>
        tpu.enqueue_indirect_dma source(%dma_start3A_95 : memref<10240x128xf32, #tpu.memory_space<hbm>>) target(%run_scoped3A_7 : memref<64x128xf32, #tpu.memory_space<vmem>>) offsets(%dma_start3A_92 : memref<64xi32, #tpu.memory_space<vmem>>) semaphore(%arg9 : memref<!tpu.dma_semaphore, #tpu.memory_space<semaphore_mem>>)
        %scan3A_96 = arith.constant 0 : i32
        %scan3A_97 = arith.constant 0 : i32
        %scan3A_98 = arith.constant 10 : i32
        %scan3A_99 = arith.addi %scan3A_97, %scan3A_98 : i32
        %scan3A_100 = arith.constant 1 : i32
        scf.for %scan3A_102 = %scan3A_97 to %scan3A_99 step %scan3A_100  : i32 {
          %mul3A_103 = arith.constant 4 : i32
          %mul3A_104 = arith.muli %mul3A_103, %scan3A_102 : i32
          %add3A_105 = arith.constant 0 : i32
          %add3A_106 = arith.addi %mul3A_104, %add3A_105 : i32
          %dma_wait3A = arith.constant 0 : i32
          %dma_wait3A_107 = tpu.memref_slice %run_scoped3A[%add3A_106, %dma_wait3A] : memref<40x64xi32, #tpu.memory_space<vmem>> -> memref<1x64xi32, #tpu.memory_space<vmem>>
          %dma_wait3A_108 = tpu.memref_squeeze %dma_wait3A_107 : memref<1x64xi32, #tpu.memory_space<vmem>> -> memref<64xi32, #tpu.memory_space<vmem>>
          %dma_wait3A_109 = arith.constant 0 : i32
          %dma_wait3A_110 = arith.constant 0 : i32
          %dma_wait3A_111 = tpu.memref_slice %arg2[%dma_wait3A_109, %dma_wait3A_110] : memref<10240x128xf32, #tpu.memory_space<hbm>> -> memref<10240x128xf32, #tpu.memory_space<hbm>>
          tpu.wait_indirect_dma semaphore(%arg6 : memref<!tpu.dma_semaphore, #tpu.memory_space<semaphore_mem>>) src(%dma_wait3A_111 : memref<10240x128xf32, #tpu.memory_space<hbm>>) dst(%run_scoped3A_4 : memref<64x128xf32, #tpu.memory_space<vmem>>)
          %add3A_112 = arith.constant 0 : i32
          %add3A_113 = arith.addi %mul3A_104, %add3A_112 : i32
          "tpu.region"() ({
            %run_scoped3A_163 = tpu.sem_alloc : memref<!tpu.dma_semaphore, #tpu.memory_space<semaphore_mem>>
            %dma_start3A_164 = arith.constant 0 : i32
            %dma_start3A_165 = tpu.memref_slice %run_scoped3A_3[%add3A_113, %dma_start3A_164] : memref<40x64xi32, #tpu.memory_space<vmem>> -> memref<1x64xi32, #tpu.memory_space<vmem>>
            %dma_start3A_166 = tpu.memref_squeeze %dma_start3A_165 : memref<1x64xi32, #tpu.memory_space<vmem>> -> memref<64xi32, #tpu.memory_space<vmem>>
            %dma_start3A_167 = arith.constant 0 : i32
            %dma_start3A_168 = arith.constant 0 : i32
            %dma_start3A_169 = tpu.memref_slice %arg10[%dma_start3A_167, %dma_start3A_168] : memref<10240x128xf32, #tpu.memory_space<vmem_shared>> -> memref<10240x128xf32, #tpu.memory_space<vmem_shared>>
            tpu.enqueue_indirect_dma source(%run_scoped3A_4 : memref<64x128xf32, #tpu.memory_space<vmem>>) target(%dma_start3A_169 : memref<10240x128xf32, #tpu.memory_space<vmem_shared>>) offsets(%dma_start3A_166 : memref<64xi32, #tpu.memory_space<vmem>>) semaphore(%run_scoped3A_163 : memref<!tpu.dma_semaphore, #tpu.memory_space<semaphore_mem>>) {add = true}
            %dma_wait3A_170 = arith.constant 0 : i32
            %dma_wait3A_171 = tpu.memref_slice %run_scoped3A_3[%add3A_113, %dma_wait3A_170] : memref<40x64xi32, #tpu.memory_space<vmem>> -> memref<1x64xi32, #tpu.memory_space<vmem>>
            %dma_wait3A_172 = tpu.memref_squeeze %dma_wait3A_171 : memref<1x64xi32, #tpu.memory_space<vmem>> -> memref<64xi32, #tpu.memory_space<vmem>>
            %dma_wait3A_173 = arith.constant 0 : i32
            %dma_wait3A_174 = arith.constant 0 : i32
            %dma_wait3A_175 = tpu.memref_slice %arg10[%dma_wait3A_173, %dma_wait3A_174] : memref<10240x128xf32, #tpu.memory_space<vmem_shared>> -> memref<10240x128xf32, #tpu.memory_space<vmem_shared>>
            tpu.wait_indirect_dma semaphore(%run_scoped3A_163 : memref<!tpu.dma_semaphore, #tpu.memory_space<semaphore_mem>>) src(%run_scoped3A_4 : memref<64x128xf32, #tpu.memory_space<vmem>>) dst(%dma_wait3A_175 : memref<10240x128xf32, #tpu.memory_space<vmem_shared>>)
            tpu.yield
          }) : () -> ()
          %lt3A = arith.constant 9 : i32
          %lt3A_114 = arith.cmpi slt, %scan3A_102, %lt3A : i32
          %convert_element_type3A_115 = arith.extui %lt3A_114 : i1 to i32
          %cond3A_116 = arith.constant 0 : i32
          %cond3A_117 = arith.cmpi ne, %convert_element_type3A_115, %cond3A_116 : i32
          scf.if %cond3A_117 {
            %add3A_163 = arith.constant 0 : i32
            %add3A_164 = arith.addi %mul3A_104, %add3A_163 : i32
            %add3A_165 = arith.constant 4 : i32
            %add3A_166 = arith.addi %add3A_164, %add3A_165 : i32
            %dma_start3A_167 = arith.constant 0 : i32
            %dma_start3A_168 = tpu.memref_slice %run_scoped3A[%add3A_166, %dma_start3A_167] : memref<40x64xi32, #tpu.memory_space<vmem>> -> memref<1x64xi32, #tpu.memory_space<vmem>>
            %dma_start3A_169 = tpu.memref_squeeze %dma_start3A_168 : memref<1x64xi32, #tpu.memory_space<vmem>> -> memref<64xi32, #tpu.memory_space<vmem>>
            %dma_start3A_170 = arith.constant 0 : i32
            %dma_start3A_171 = arith.constant 0 : i32
            %dma_start3A_172 = tpu.memref_slice %arg2[%dma_start3A_170, %dma_start3A_171] : memref<10240x128xf32, #tpu.memory_space<hbm>> -> memref<10240x128xf32, #tpu.memory_space<hbm>>
            tpu.enqueue_indirect_dma source(%dma_start3A_172 : memref<10240x128xf32, #tpu.memory_space<hbm>>) target(%run_scoped3A_4 : memref<64x128xf32, #tpu.memory_space<vmem>>) offsets(%dma_start3A_169 : memref<64xi32, #tpu.memory_space<vmem>>) semaphore(%arg6 : memref<!tpu.dma_semaphore, #tpu.memory_space<semaphore_mem>>)
          } else {
          }
          %add3A_118 = arith.constant 1 : i32
          %add3A_119 = arith.addi %mul3A_104, %add3A_118 : i32
          %dma_wait3A_120 = arith.constant 0 : i32
          %dma_wait3A_121 = tpu.memref_slice %run_scoped3A[%add3A_119, %dma_wait3A_120] : memref<40x64xi32, #tpu.memory_space<vmem>> -> memref<1x64xi32, #tpu.memory_space<vmem>>
          %dma_wait3A_122 = tpu.memref_squeeze %dma_wait3A_121 : memref<1x64xi32, #tpu.memory_space<vmem>> -> memref<64xi32, #tpu.memory_space<vmem>>
          %dma_wait3A_123 = arith.constant 0 : i32
          %dma_wait3A_124 = arith.constant 0 : i32
          %dma_wait3A_125 = tpu.memref_slice %arg2[%dma_wait3A_123, %dma_wait3A_124] : memref<10240x128xf32, #tpu.memory_space<hbm>> -> memref<10240x128xf32, #tpu.memory_space<hbm>>
          tpu.wait_indirect_dma semaphore(%arg7 : memref<!tpu.dma_semaphore, #tpu.memory_space<semaphore_mem>>) src(%dma_wait3A_125 : memref<10240x128xf32, #tpu.memory_space<hbm>>) dst(%run_scoped3A_5 : memref<64x128xf32, #tpu.memory_space<vmem>>)
          %add3A_126 = arith.constant 1 : i32
          %add3A_127 = arith.addi %mul3A_104, %add3A_126 : i32
          "tpu.region"() ({
            %run_scoped3A_163 = tpu.sem_alloc : memref<!tpu.dma_semaphore, #tpu.memory_space<semaphore_mem>>
            %dma_start3A_164 = arith.constant 0 : i32
            %dma_start3A_165 = tpu.memref_slice %run_scoped3A_3[%add3A_127, %dma_start3A_164] : memref<40x64xi32, #tpu.memory_space<vmem>> -> memref<1x64xi32, #tpu.memory_space<vmem>>
            %dma_start3A_166 = tpu.memref_squeeze %dma_start3A_165 : memref<1x64xi32, #tpu.memory_space<vmem>> -> memref<64xi32, #tpu.memory_space<vmem>>
            %dma_start3A_167 = arith.constant 0 : i32
            %dma_start3A_168 = arith.constant 0 : i32
            %dma_start3A_169 = tpu.memref_slice %arg10[%dma_start3A_167, %dma_start3A_168] : memref<10240x128xf32, #tpu.memory_space<vmem_shared>> -> memref<10240x128xf32, #tpu.memory_space<vmem_shared>>
            tpu.enqueue_indirect_dma source(%run_scoped3A_5 : memref<64x128xf32, #tpu.memory_space<vmem>>) target(%dma_start3A_169 : memref<10240x128xf32, #tpu.memory_space<vmem_shared>>) offsets(%dma_start3A_166 : memref<64xi32, #tpu.memory_space<vmem>>) semaphore(%run_scoped3A_163 : memref<!tpu.dma_semaphore, #tpu.memory_space<semaphore_mem>>) {add = true}
            %dma_wait3A_170 = arith.constant 0 : i32
            %dma_wait3A_171 = tpu.memref_slice %run_scoped3A_3[%add3A_127, %dma_wait3A_170] : memref<40x64xi32, #tpu.memory_space<vmem>> -> memref<1x64xi32, #tpu.memory_space<vmem>>
            %dma_wait3A_172 = tpu.memref_squeeze %dma_wait3A_171 : memref<1x64xi32, #tpu.memory_space<vmem>> -> memref<64xi32, #tpu.memory_space<vmem>>
            %dma_wait3A_173 = arith.constant 0 : i32
            %dma_wait3A_174 = arith.constant 0 : i32
            %dma_wait3A_175 = tpu.memref_slice %arg10[%dma_wait3A_173, %dma_wait3A_174] : memref<10240x128xf32, #tpu.memory_space<vmem_shared>> -> memref<10240x128xf32, #tpu.memory_space<vmem_shared>>
            tpu.wait_indirect_dma semaphore(%run_scoped3A_163 : memref<!tpu.dma_semaphore, #tpu.memory_space<semaphore_mem>>) src(%run_scoped3A_5 : memref<64x128xf32, #tpu.memory_space<vmem>>) dst(%dma_wait3A_175 : memref<10240x128xf32, #tpu.memory_space<vmem_shared>>)
            tpu.yield
          }) : () -> ()
          %lt3A_128 = arith.constant 9 : i32
          %lt3A_129 = arith.cmpi slt, %scan3A_102, %lt3A_128 : i32
          %convert_element_type3A_130 = arith.extui %lt3A_129 : i1 to i32
          %cond3A_131 = arith.constant 0 : i32
          %cond3A_132 = arith.cmpi ne, %convert_element_type3A_130, %cond3A_131 : i32
          scf.if %cond3A_132 {
            %add3A_163 = arith.constant 1 : i32
            %add3A_164 = arith.addi %mul3A_104, %add3A_163 : i32
            %add3A_165 = arith.constant 4 : i32
            %add3A_166 = arith.addi %add3A_164, %add3A_165 : i32
            %dma_start3A_167 = arith.constant 0 : i32
            %dma_start3A_168 = tpu.memref_slice %run_scoped3A[%add3A_166, %dma_start3A_167] : memref<40x64xi32, #tpu.memory_space<vmem>> -> memref<1x64xi32, #tpu.memory_space<vmem>>
            %dma_start3A_169 = tpu.memref_squeeze %dma_start3A_168 : memref<1x64xi32, #tpu.memory_space<vmem>> -> memref<64xi32, #tpu.memory_space<vmem>>
            %dma_start3A_170 = arith.constant 0 : i32
            %dma_start3A_171 = arith.constant 0 : i32
            %dma_start3A_172 = tpu.memref_slice %arg2[%dma_start3A_170, %dma_start3A_171] : memref<10240x128xf32, #tpu.memory_space<hbm>> -> memref<10240x128xf32, #tpu.memory_space<hbm>>
            tpu.enqueue_indirect_dma source(%dma_start3A_172 : memref<10240x128xf32, #tpu.memory_space<hbm>>) target(%run_scoped3A_5 : memref<64x128xf32, #tpu.memory_space<vmem>>) offsets(%dma_start3A_169 : memref<64xi32, #tpu.memory_space<vmem>>) semaphore(%arg7 : memref<!tpu.dma_semaphore, #tpu.memory_space<semaphore_mem>>)
          } else {
          }
          %add3A_133 = arith.constant 2 : i32
          %add3A_134 = arith.addi %mul3A_104, %add3A_133 : i32
          %dma_wait3A_135 = arith.constant 0 : i32
          %dma_wait3A_136 = tpu.memref_slice %run_scoped3A[%add3A_134, %dma_wait3A_135] : memref<40x64xi32, #tpu.memory_space<vmem>> -> memref<1x64xi32, #tpu.memory_space<vmem>>
          %dma_wait3A_137 = tpu.memref_squeeze %dma_wait3A_136 : memref<1x64xi32, #tpu.memory_space<vmem>> -> memref<64xi32, #tpu.memory_space<vmem>>
          %dma_wait3A_138 = arith.constant 0 : i32
          %dma_wait3A_139 = arith.constant 0 : i32
          %dma_wait3A_140 = tpu.memref_slice %arg2[%dma_wait3A_138, %dma_wait3A_139] : memref<10240x128xf32, #tpu.memory_space<hbm>> -> memref<10240x128xf32, #tpu.memory_space<hbm>>
          tpu.wait_indirect_dma semaphore(%arg8 : memref<!tpu.dma_semaphore, #tpu.memory_space<semaphore_mem>>) src(%dma_wait3A_140 : memref<10240x128xf32, #tpu.memory_space<hbm>>) dst(%run_scoped3A_6 : memref<64x128xf32, #tpu.memory_space<vmem>>)
          %add3A_141 = arith.constant 2 : i32
          %add3A_142 = arith.addi %mul3A_104, %add3A_141 : i32
          "tpu.region"() ({
            %run_scoped3A_163 = tpu.sem_alloc : memref<!tpu.dma_semaphore, #tpu.memory_space<semaphore_mem>>
            %dma_start3A_164 = arith.constant 0 : i32
            %dma_start3A_165 = tpu.memref_slice %run_scoped3A_3[%add3A_142, %dma_start3A_164] : memref<40x64xi32, #tpu.memory_space<vmem>> -> memref<1x64xi32, #tpu.memory_space<vmem>>
            %dma_start3A_166 = tpu.memref_squeeze %dma_start3A_165 : memref<1x64xi32, #tpu.memory_space<vmem>> -> memref<64xi32, #tpu.memory_space<vmem>>
            %dma_start3A_167 = arith.constant 0 : i32
            %dma_start3A_168 = arith.constant 0 : i32
            %dma_start3A_169 = tpu.memref_slice %arg10[%dma_start3A_167, %dma_start3A_168] : memref<10240x128xf32, #tpu.memory_space<vmem_shared>> -> memref<10240x128xf32, #tpu.memory_space<vmem_shared>>
            tpu.enqueue_indirect_dma source(%run_scoped3A_6 : memref<64x128xf32, #tpu.memory_space<vmem>>) target(%dma_start3A_169 : memref<10240x128xf32, #tpu.memory_space<vmem_shared>>) offsets(%dma_start3A_166 : memref<64xi32, #tpu.memory_space<vmem>>) semaphore(%run_scoped3A_163 : memref<!tpu.dma_semaphore, #tpu.memory_space<semaphore_mem>>) {add = true}
            %dma_wait3A_170 = arith.constant 0 : i32
            %dma_wait3A_171 = tpu.memref_slice %run_scoped3A_3[%add3A_142, %dma_wait3A_170] : memref<40x64xi32, #tpu.memory_space<vmem>> -> memref<1x64xi32, #tpu.memory_space<vmem>>
            %dma_wait3A_172 = tpu.memref_squeeze %dma_wait3A_171 : memref<1x64xi32, #tpu.memory_space<vmem>> -> memref<64xi32, #tpu.memory_space<vmem>>
            %dma_wait3A_173 = arith.constant 0 : i32
            %dma_wait3A_174 = arith.constant 0 : i32
            %dma_wait3A_175 = tpu.memref_slice %arg10[%dma_wait3A_173, %dma_wait3A_174] : memref<10240x128xf32, #tpu.memory_space<vmem_shared>> -> memref<10240x128xf32, #tpu.memory_space<vmem_shared>>
            tpu.wait_indirect_dma semaphore(%run_scoped3A_163 : memref<!tpu.dma_semaphore, #tpu.memory_space<semaphore_mem>>) src(%run_scoped3A_6 : memref<64x128xf32, #tpu.memory_space<vmem>>) dst(%dma_wait3A_175 : memref<10240x128xf32, #tpu.memory_space<vmem_shared>>)
            tpu.yield
          }) : () -> ()
          %lt3A_143 = arith.constant 9 : i32
          %lt3A_144 = arith.cmpi slt, %scan3A_102, %lt3A_143 : i32
          %convert_element_type3A_145 = arith.extui %lt3A_144 : i1 to i32
          %cond3A_146 = arith.constant 0 : i32
          %cond3A_147 = arith.cmpi ne, %convert_element_type3A_145, %cond3A_146 : i32
          scf.if %cond3A_147 {
            %add3A_163 = arith.constant 2 : i32
            %add3A_164 = arith.addi %mul3A_104, %add3A_163 : i32
            %add3A_165 = arith.constant 4 : i32
            %add3A_166 = arith.addi %add3A_164, %add3A_165 : i32
            %dma_start3A_167 = arith.constant 0 : i32
            %dma_start3A_168 = tpu.memref_slice %run_scoped3A[%add3A_166, %dma_start3A_167] : memref<40x64xi32, #tpu.memory_space<vmem>> -> memref<1x64xi32, #tpu.memory_space<vmem>>
            %dma_start3A_169 = tpu.memref_squeeze %dma_start3A_168 : memref<1x64xi32, #tpu.memory_space<vmem>> -> memref<64xi32, #tpu.memory_space<vmem>>
            %dma_start3A_170 = arith.constant 0 : i32
            %dma_start3A_171 = arith.constant 0 : i32
            %dma_start3A_172 = tpu.memref_slice %arg2[%dma_start3A_170, %dma_start3A_171] : memref<10240x128xf32, #tpu.memory_space<hbm>> -> memref<10240x128xf32, #tpu.memory_space<hbm>>
            tpu.enqueue_indirect_dma source(%dma_start3A_172 : memref<10240x128xf32, #tpu.memory_space<hbm>>) target(%run_scoped3A_6 : memref<64x128xf32, #tpu.memory_space<vmem>>) offsets(%dma_start3A_169 : memref<64xi32, #tpu.memory_space<vmem>>) semaphore(%arg8 : memref<!tpu.dma_semaphore, #tpu.memory_space<semaphore_mem>>)
          } else {
          }
          %add3A_148 = arith.constant 3 : i32
          %add3A_149 = arith.addi %mul3A_104, %add3A_148 : i32
          %dma_wait3A_150 = arith.constant 0 : i32
          %dma_wait3A_151 = tpu.memref_slice %run_scoped3A[%add3A_149, %dma_wait3A_150] : memref<40x64xi32, #tpu.memory_space<vmem>> -> memref<1x64xi32, #tpu.memory_space<vmem>>
          %dma_wait3A_152 = tpu.memref_squeeze %dma_wait3A_151 : memref<1x64xi32, #tpu.memory_space<vmem>> -> memref<64xi32, #tpu.memory_space<vmem>>
          %dma_wait3A_153 = arith.constant 0 : i32
          %dma_wait3A_154 = arith.constant 0 : i32
          %dma_wait3A_155 = tpu.memref_slice %arg2[%dma_wait3A_153, %dma_wait3A_154] : memref<10240x128xf32, #tpu.memory_space<hbm>> -> memref<10240x128xf32, #tpu.memory_space<hbm>>
          tpu.wait_indirect_dma semaphore(%arg9 : memref<!tpu.dma_semaphore, #tpu.memory_space<semaphore_mem>>) src(%dma_wait3A_155 : memref<10240x128xf32, #tpu.memory_space<hbm>>) dst(%run_scoped3A_7 : memref<64x128xf32, #tpu.memory_space<vmem>>)
          %add3A_156 = arith.constant 3 : i32
          %add3A_157 = arith.addi %mul3A_104, %add3A_156 : i32
          "tpu.region"() ({
            %run_scoped3A_163 = tpu.sem_alloc : memref<!tpu.dma_semaphore, #tpu.memory_space<semaphore_mem>>
            %dma_start3A_164 = arith.constant 0 : i32
            %dma_start3A_165 = tpu.memref_slice %run_scoped3A_3[%add3A_157, %dma_start3A_164] : memref<40x64xi32, #tpu.memory_space<vmem>> -> memref<1x64xi32, #tpu.memory_space<vmem>>
            %dma_start3A_166 = tpu.memref_squeeze %dma_start3A_165 : memref<1x64xi32, #tpu.memory_space<vmem>> -> memref<64xi32, #tpu.memory_space<vmem>>
            %dma_start3A_167 = arith.constant 0 : i32
            %dma_start3A_168 = arith.constant 0 : i32
            %dma_start3A_169 = tpu.memref_slice %arg10[%dma_start3A_167, %dma_start3A_168] : memref<10240x128xf32, #tpu.memory_space<vmem_shared>> -> memref<10240x128xf32, #tpu.memory_space<vmem_shared>>
            tpu.enqueue_indirect_dma source(%run_scoped3A_7 : memref<64x128xf32, #tpu.memory_space<vmem>>) target(%dma_start3A_169 : memref<10240x128xf32, #tpu.memory_space<vmem_shared>>) offsets(%dma_start3A_166 : memref<64xi32, #tpu.memory_space<vmem>>) semaphore(%run_scoped3A_163 : memref<!tpu.dma_semaphore, #tpu.memory_space<semaphore_mem>>) {add = true}
            %dma_wait3A_170 = arith.constant 0 : i32
            %dma_wait3A_171 = tpu.memref_slice %run_scoped3A_3[%add3A_157, %dma_wait3A_170] : memref<40x64xi32, #tpu.memory_space<vmem>> -> memref<1x64xi32, #tpu.memory_space<vmem>>
            %dma_wait3A_172 = tpu.memref_squeeze %dma_wait3A_171 : memref<1x64xi32, #tpu.memory_space<vmem>> -> memref<64xi32, #tpu.memory_space<vmem>>
            %dma_wait3A_173 = arith.constant 0 : i32
            %dma_wait3A_174 = arith.constant 0 : i32
            %dma_wait3A_175 = tpu.memref_slice %arg10[%dma_wait3A_173, %dma_wait3A_174] : memref<10240x128xf32, #tpu.memory_space<vmem_shared>> -> memref<10240x128xf32, #tpu.memory_space<vmem_shared>>
            tpu.wait_indirect_dma semaphore(%run_scoped3A_163 : memref<!tpu.dma_semaphore, #tpu.memory_space<semaphore_mem>>) src(%run_scoped3A_7 : memref<64x128xf32, #tpu.memory_space<vmem>>) dst(%dma_wait3A_175 : memref<10240x128xf32, #tpu.memory_space<vmem_shared>>)
            tpu.yield
          }) : () -> ()
          %lt3A_158 = arith.constant 9 : i32
          %lt3A_159 = arith.cmpi slt, %scan3A_102, %lt3A_158 : i32
          %convert_element_type3A_160 = arith.extui %lt3A_159 : i1 to i32
          %cond3A_161 = arith.constant 0 : i32
          %cond3A_162 = arith.cmpi ne, %convert_element_type3A_160, %cond3A_161 : i32
          scf.if %cond3A_162 {
            %add3A_163 = arith.constant 3 : i32
            %add3A_164 = arith.addi %mul3A_104, %add3A_163 : i32
            %add3A_165 = arith.constant 4 : i32
            %add3A_166 = arith.addi %add3A_164, %add3A_165 : i32
            %dma_start3A_167 = arith.constant 0 : i32
            %dma_start3A_168 = tpu.memref_slice %run_scoped3A[%add3A_166, %dma_start3A_167] : memref<40x64xi32, #tpu.memory_space<vmem>> -> memref<1x64xi32, #tpu.memory_space<vmem>>
            %dma_start3A_169 = tpu.memref_squeeze %dma_start3A_168 : memref<1x64xi32, #tpu.memory_space<vmem>> -> memref<64xi32, #tpu.memory_space<vmem>>
            %dma_start3A_170 = arith.constant 0 : i32
            %dma_start3A_171 = arith.constant 0 : i32
            %dma_start3A_172 = tpu.memref_slice %arg2[%dma_start3A_170, %dma_start3A_171] : memref<10240x128xf32, #tpu.memory_space<hbm>> -> memref<10240x128xf32, #tpu.memory_space<hbm>>
            tpu.enqueue_indirect_dma source(%dma_start3A_172 : memref<10240x128xf32, #tpu.memory_space<hbm>>) target(%run_scoped3A_7 : memref<64x128xf32, #tpu.memory_space<vmem>>) offsets(%dma_start3A_169 : memref<64xi32, #tpu.memory_space<vmem>>) semaphore(%arg9 : memref<!tpu.dma_semaphore, #tpu.memory_space<semaphore_mem>>)
          } else {
          }
        }
        %scan3A_101 = arith.constant 10 : i32
      } else {
      }
      %gt3A_48 = arith.constant 6 : i32
      %gt3A_49 = arith.cmpi sgt, %select_n3A_20, %gt3A_48 : i32
      %convert_element_type3A_50 = arith.extui %gt3A_49 : i1 to i32
      %cond3A_51 = arith.constant 0 : i32
      %cond3A_52 = arith.cmpi ne, %convert_element_type3A_50, %cond3A_51 : i32
      scf.if %cond3A_52 {
        %add3A_65 = arith.constant 240 : i32
        %add3A_66 = arith.addi %select_n3A_15, %add3A_65 : i32
        "tpu.region"() ({
          %run_scoped3A_102 = tpu.sem_alloc : memref<!tpu.dma_semaphore, #tpu.memory_space<semaphore_mem>>
          %dma_start3A_103 = arith.constant 0 : i32
          %dma_start3A_104 = tpu.memref_slice %arg3[%arg1, %add3A_66, %dma_start3A_103] : memref<16x320x64xi32, #tpu.memory_space<hbm>> -> memref<1x40x64xi32, #tpu.memory_space<hbm>>
          %dma_start3A_105 = tpu.memref_squeeze %dma_start3A_104 : memref<1x40x64xi32, #tpu.memory_space<hbm>> -> memref<40x64xi32, #tpu.memory_space<hbm>>
          %dma_start3A_106 = arith.constant 0 : i32
          %dma_start3A_107 = tpu.memref_slice %arg3[%arg1, %add3A_66, %dma_start3A_106] : memref<16x320x64xi32, #tpu.memory_space<hbm>> -> memref<1x40x64xi32, #tpu.memory_space<hbm>>
          %dma_start3A_108 = tpu.memref_squeeze %dma_start3A_107 : memref<1x40x64xi32, #tpu.memory_space<hbm>> -> memref<40x64xi32, #tpu.memory_space<hbm>>
          tpu.enqueue_dma source(%dma_start3A_108 : memref<40x64xi32, #tpu.memory_space<hbm>>) target(%run_scoped3A : memref<40x64xi32, #tpu.memory_space<vmem>>) target_semaphore(%run_scoped3A_102 : memref<!tpu.dma_semaphore, #tpu.memory_space<semaphore_mem>>)
          %dma_wait3A = arith.constant 0 : i32
          %dma_wait3A_109 = tpu.memref_slice %arg3[%arg1, %add3A_66, %dma_wait3A] : memref<16x320x64xi32, #tpu.memory_space<hbm>> -> memref<1x40x64xi32, #tpu.memory_space<hbm>>
          %dma_wait3A_110 = tpu.memref_squeeze %dma_wait3A_109 : memref<1x40x64xi32, #tpu.memory_space<hbm>> -> memref<40x64xi32, #tpu.memory_space<hbm>>
          %dma_wait3A_111 = arith.constant 0 : i32
          %dma_wait3A_112 = tpu.memref_slice %arg3[%arg1, %add3A_66, %dma_wait3A_111] : memref<16x320x64xi32, #tpu.memory_space<hbm>> -> memref<1x40x64xi32, #tpu.memory_space<hbm>>
          %dma_wait3A_113 = tpu.memref_squeeze %dma_wait3A_112 : memref<1x40x64xi32, #tpu.memory_space<hbm>> -> memref<40x64xi32, #tpu.memory_space<hbm>>
          tpu.wait_dma2 semaphore(%run_scoped3A_102 : memref<!tpu.dma_semaphore, #tpu.memory_space<semaphore_mem>>) src(%dma_wait3A_113 : memref<40x64xi32, #tpu.memory_space<hbm>>) dst(%run_scoped3A : memref<40x64xi32, #tpu.memory_space<vmem>>)
          tpu.yield
        }) : () -> ()
        %add3A_67 = arith.constant 240 : i32
        %add3A_68 = arith.addi %select_n3A_15, %add3A_67 : i32
        "tpu.region"() ({
          %run_scoped3A_102 = tpu.sem_alloc : memref<!tpu.dma_semaphore, #tpu.memory_space<semaphore_mem>>
          %dma_start3A_103 = arith.constant 0 : i32
          %dma_start3A_104 = tpu.memref_slice %arg4[%arg1, %add3A_68, %dma_start3A_103] : memref<16x320x64xi32, #tpu.memory_space<hbm>> -> memref<1x40x64xi32, #tpu.memory_space<hbm>>
          %dma_start3A_105 = tpu.memref_squeeze %dma_start3A_104 : memref<1x40x64xi32, #tpu.memory_space<hbm>> -> memref<40x64xi32, #tpu.memory_space<hbm>>
          %dma_start3A_106 = arith.constant 0 : i32
          %dma_start3A_107 = tpu.memref_slice %arg4[%arg1, %add3A_68, %dma_start3A_106] : memref<16x320x64xi32, #tpu.memory_space<hbm>> -> memref<1x40x64xi32, #tpu.memory_space<hbm>>
          %dma_start3A_108 = tpu.memref_squeeze %dma_start3A_107 : memref<1x40x64xi32, #tpu.memory_space<hbm>> -> memref<40x64xi32, #tpu.memory_space<hbm>>
          tpu.enqueue_dma source(%dma_start3A_108 : memref<40x64xi32, #tpu.memory_space<hbm>>) target(%run_scoped3A_3 : memref<40x64xi32, #tpu.memory_space<vmem>>) target_semaphore(%run_scoped3A_102 : memref<!tpu.dma_semaphore, #tpu.memory_space<semaphore_mem>>)
          %dma_wait3A = arith.constant 0 : i32
          %dma_wait3A_109 = tpu.memref_slice %arg4[%arg1, %add3A_68, %dma_wait3A] : memref<16x320x64xi32, #tpu.memory_space<hbm>> -> memref<1x40x64xi32, #tpu.memory_space<hbm>>
          %dma_wait3A_110 = tpu.memref_squeeze %dma_wait3A_109 : memref<1x40x64xi32, #tpu.memory_space<hbm>> -> memref<40x64xi32, #tpu.memory_space<hbm>>
          %dma_wait3A_111 = arith.constant 0 : i32
          %dma_wait3A_112 = tpu.memref_slice %arg4[%arg1, %add3A_68, %dma_wait3A_111] : memref<16x320x64xi32, #tpu.memory_space<hbm>> -> memref<1x40x64xi32, #tpu.memory_space<hbm>>
          %dma_wait3A_113 = tpu.memref_squeeze %dma_wait3A_112 : memref<1x40x64xi32, #tpu.memory_space<hbm>> -> memref<40x64xi32, #tpu.memory_space<hbm>>
          tpu.wait_dma2 semaphore(%run_scoped3A_102 : memref<!tpu.dma_semaphore, #tpu.memory_space<semaphore_mem>>) src(%dma_wait3A_113 : memref<40x64xi32, #tpu.memory_space<hbm>>) dst(%run_scoped3A_3 : memref<40x64xi32, #tpu.memory_space<vmem>>)
          tpu.yield
        }) : () -> ()
        %dma_start3A = arith.constant 0 : i32
        %dma_start3A_69 = arith.constant 0 : i32
        %dma_start3A_70 = tpu.memref_slice %run_scoped3A[%dma_start3A, %dma_start3A_69] : memref<40x64xi32, #tpu.memory_space<vmem>> -> memref<1x64xi32, #tpu.memory_space<vmem>>
        %dma_start3A_71 = tpu.memref_squeeze %dma_start3A_70 : memref<1x64xi32, #tpu.memory_space<vmem>> -> memref<64xi32, #tpu.memory_space<vmem>>
        %dma_start3A_72 = arith.constant 0 : i32
        %dma_start3A_73 = arith.constant 0 : i32
        %dma_start3A_74 = tpu.memref_slice %arg2[%dma_start3A_72, %dma_start3A_73] : memref<10240x128xf32, #tpu.memory_space<hbm>> -> memref<10240x128xf32, #tpu.memory_space<hbm>>
        tpu.enqueue_indirect_dma source(%dma_start3A_74 : memref<10240x128xf32, #tpu.memory_space<hbm>>) target(%run_scoped3A_4 : memref<64x128xf32, #tpu.memory_space<vmem>>) offsets(%dma_start3A_71 : memref<64xi32, #tpu.memory_space<vmem>>) semaphore(%arg6 : memref<!tpu.dma_semaphore, #tpu.memory_space<semaphore_mem>>)
        %dma_start3A_75 = arith.constant 1 : i32
        %dma_start3A_76 = arith.constant 0 : i32
        %dma_start3A_77 = tpu.memref_slice %run_scoped3A[%dma_start3A_75, %dma_start3A_76] : memref<40x64xi32, #tpu.memory_space<vmem>> -> memref<1x64xi32, #tpu.memory_space<vmem>>
        %dma_start3A_78 = tpu.memref_squeeze %dma_start3A_77 : memref<1x64xi32, #tpu.memory_space<vmem>> -> memref<64xi32, #tpu.memory_space<vmem>>
        %dma_start3A_79 = arith.constant 0 : i32
        %dma_start3A_80 = arith.constant 0 : i32
        %dma_start3A_81 = tpu.memref_slice %arg2[%dma_start3A_79, %dma_start3A_80] : memref<10240x128xf32, #tpu.memory_space<hbm>> -> memref<10240x128xf32, #tpu.memory_space<hbm>>
        tpu.enqueue_indirect_dma source(%dma_start3A_81 : memref<10240x128xf32, #tpu.memory_space<hbm>>) target(%run_scoped3A_5 : memref<64x128xf32, #tpu.memory_space<vmem>>) offsets(%dma_start3A_78 : memref<64xi32, #tpu.memory_space<vmem>>) semaphore(%arg7 : memref<!tpu.dma_semaphore, #tpu.memory_space<semaphore_mem>>)
        %dma_start3A_82 = arith.constant 2 : i32
        %dma_start3A_83 = arith.constant 0 : i32
        %dma_start3A_84 = tpu.memref_slice %run_scoped3A[%dma_start3A_82, %dma_start3A_83] : memref<40x64xi32, #tpu.memory_space<vmem>> -> memref<1x64xi32, #tpu.memory_space<vmem>>
        %dma_start3A_85 = tpu.memref_squeeze %dma_start3A_84 : memref<1x64xi32, #tpu.memory_space<vmem>> -> memref<64xi32, #tpu.memory_space<vmem>>
        %dma_start3A_86 = arith.constant 0 : i32
        %dma_start3A_87 = arith.constant 0 : i32
        %dma_start3A_88 = tpu.memref_slice %arg2[%dma_start3A_86, %dma_start3A_87] : memref<10240x128xf32, #tpu.memory_space<hbm>> -> memref<10240x128xf32, #tpu.memory_space<hbm>>
        tpu.enqueue_indirect_dma source(%dma_start3A_88 : memref<10240x128xf32, #tpu.memory_space<hbm>>) target(%run_scoped3A_6 : memref<64x128xf32, #tpu.memory_space<vmem>>) offsets(%dma_start3A_85 : memref<64xi32, #tpu.memory_space<vmem>>) semaphore(%arg8 : memref<!tpu.dma_semaphore, #tpu.memory_space<semaphore_mem>>)
        %dma_start3A_89 = arith.constant 3 : i32
        %dma_start3A_90 = arith.constant 0 : i32
        %dma_start3A_91 = tpu.memref_slice %run_scoped3A[%dma_start3A_89, %dma_start3A_90] : memref<40x64xi32, #tpu.memory_space<vmem>> -> memref<1x64xi32, #tpu.memory_space<vmem>>
        %dma_start3A_92 = tpu.memref_squeeze %dma_start3A_91 : memref<1x64xi32, #tpu.memory_space<vmem>> -> memref<64xi32, #tpu.memory_space<vmem>>
        %dma_start3A_93 = arith.constant 0 : i32
        %dma_start3A_94 = arith.constant 0 : i32
        %dma_start3A_95 = tpu.memref_slice %arg2[%dma_start3A_93, %dma_start3A_94] : memref<10240x128xf32, #tpu.memory_space<hbm>> -> memref<10240x128xf32, #tpu.memory_space<hbm>>
        tpu.enqueue_indirect_dma source(%dma_start3A_95 : memref<10240x128xf32, #tpu.memory_space<hbm>>) target(%run_scoped3A_7 : memref<64x128xf32, #tpu.memory_space<vmem>>) offsets(%dma_start3A_92 : memref<64xi32, #tpu.memory_space<vmem>>) semaphore(%arg9 : memref<!tpu.dma_semaphore, #tpu.memory_space<semaphore_mem>>)
        %scan3A_96 = arith.constant 0 : i32
        %scan3A_97 = arith.constant 0 : i32
        %scan3A_98 = arith.constant 10 : i32
        %scan3A_99 = arith.addi %scan3A_97, %scan3A_98 : i32
        %scan3A_100 = arith.constant 1 : i32
        scf.for %scan3A_102 = %scan3A_97 to %scan3A_99 step %scan3A_100  : i32 {
          %mul3A_103 = arith.constant 4 : i32
          %mul3A_104 = arith.muli %mul3A_103, %scan3A_102 : i32
          %add3A_105 = arith.constant 0 : i32
          %add3A_106 = arith.addi %mul3A_104, %add3A_105 : i32
          %dma_wait3A = arith.constant 0 : i32
          %dma_wait3A_107 = tpu.memref_slice %run_scoped3A[%add3A_106, %dma_wait3A] : memref<40x64xi32, #tpu.memory_space<vmem>> -> memref<1x64xi32, #tpu.memory_space<vmem>>
          %dma_wait3A_108 = tpu.memref_squeeze %dma_wait3A_107 : memref<1x64xi32, #tpu.memory_space<vmem>> -> memref<64xi32, #tpu.memory_space<vmem>>
          %dma_wait3A_109 = arith.constant 0 : i32
          %dma_wait3A_110 = arith.constant 0 : i32
          %dma_wait3A_111 = tpu.memref_slice %arg2[%dma_wait3A_109, %dma_wait3A_110] : memref<10240x128xf32, #tpu.memory_space<hbm>> -> memref<10240x128xf32, #tpu.memory_space<hbm>>
          tpu.wait_indirect_dma semaphore(%arg6 : memref<!tpu.dma_semaphore, #tpu.memory_space<semaphore_mem>>) src(%dma_wait3A_111 : memref<10240x128xf32, #tpu.memory_space<hbm>>) dst(%run_scoped3A_4 : memref<64x128xf32, #tpu.memory_space<vmem>>)
          %add3A_112 = arith.constant 0 : i32
          %add3A_113 = arith.addi %mul3A_104, %add3A_112 : i32
          "tpu.region"() ({
            %run_scoped3A_163 = tpu.sem_alloc : memref<!tpu.dma_semaphore, #tpu.memory_space<semaphore_mem>>
            %dma_start3A_164 = arith.constant 0 : i32
            %dma_start3A_165 = tpu.memref_slice %run_scoped3A_3[%add3A_113, %dma_start3A_164] : memref<40x64xi32, #tpu.memory_space<vmem>> -> memref<1x64xi32, #tpu.memory_space<vmem>>
            %dma_start3A_166 = tpu.memref_squeeze %dma_start3A_165 : memref<1x64xi32, #tpu.memory_space<vmem>> -> memref<64xi32, #tpu.memory_space<vmem>>
            %dma_start3A_167 = arith.constant 0 : i32
            %dma_start3A_168 = arith.constant 0 : i32
            %dma_start3A_169 = tpu.memref_slice %arg10[%dma_start3A_167, %dma_start3A_168] : memref<10240x128xf32, #tpu.memory_space<vmem_shared>> -> memref<10240x128xf32, #tpu.memory_space<vmem_shared>>
            tpu.enqueue_indirect_dma source(%run_scoped3A_4 : memref<64x128xf32, #tpu.memory_space<vmem>>) target(%dma_start3A_169 : memref<10240x128xf32, #tpu.memory_space<vmem_shared>>) offsets(%dma_start3A_166 : memref<64xi32, #tpu.memory_space<vmem>>) semaphore(%run_scoped3A_163 : memref<!tpu.dma_semaphore, #tpu.memory_space<semaphore_mem>>) {add = true}
            %dma_wait3A_170 = arith.constant 0 : i32
            %dma_wait3A_171 = tpu.memref_slice %run_scoped3A_3[%add3A_113, %dma_wait3A_170] : memref<40x64xi32, #tpu.memory_space<vmem>> -> memref<1x64xi32, #tpu.memory_space<vmem>>
            %dma_wait3A_172 = tpu.memref_squeeze %dma_wait3A_171 : memref<1x64xi32, #tpu.memory_space<vmem>> -> memref<64xi32, #tpu.memory_space<vmem>>
            %dma_wait3A_173 = arith.constant 0 : i32
            %dma_wait3A_174 = arith.constant 0 : i32
            %dma_wait3A_175 = tpu.memref_slice %arg10[%dma_wait3A_173, %dma_wait3A_174] : memref<10240x128xf32, #tpu.memory_space<vmem_shared>> -> memref<10240x128xf32, #tpu.memory_space<vmem_shared>>
            tpu.wait_indirect_dma semaphore(%run_scoped3A_163 : memref<!tpu.dma_semaphore, #tpu.memory_space<semaphore_mem>>) src(%run_scoped3A_4 : memref<64x128xf32, #tpu.memory_space<vmem>>) dst(%dma_wait3A_175 : memref<10240x128xf32, #tpu.memory_space<vmem_shared>>)
            tpu.yield
          }) : () -> ()
          %lt3A = arith.constant 9 : i32
          %lt3A_114 = arith.cmpi slt, %scan3A_102, %lt3A : i32
          %convert_element_type3A_115 = arith.extui %lt3A_114 : i1 to i32
          %cond3A_116 = arith.constant 0 : i32
          %cond3A_117 = arith.cmpi ne, %convert_element_type3A_115, %cond3A_116 : i32
          scf.if %cond3A_117 {
            %add3A_163 = arith.constant 0 : i32
            %add3A_164 = arith.addi %mul3A_104, %add3A_163 : i32
            %add3A_165 = arith.constant 4 : i32
            %add3A_166 = arith.addi %add3A_164, %add3A_165 : i32
            %dma_start3A_167 = arith.constant 0 : i32
            %dma_start3A_168 = tpu.memref_slice %run_scoped3A[%add3A_166, %dma_start3A_167] : memref<40x64xi32, #tpu.memory_space<vmem>> -> memref<1x64xi32, #tpu.memory_space<vmem>>
            %dma_start3A_169 = tpu.memref_squeeze %dma_start3A_168 : memref<1x64xi32, #tpu.memory_space<vmem>> -> memref<64xi32, #tpu.memory_space<vmem>>
            %dma_start3A_170 = arith.constant 0 : i32
            %dma_start3A_171 = arith.constant 0 : i32
            %dma_start3A_172 = tpu.memref_slice %arg2[%dma_start3A_170, %dma_start3A_171] : memref<10240x128xf32, #tpu.memory_space<hbm>> -> memref<10240x128xf32, #tpu.memory_space<hbm>>
            tpu.enqueue_indirect_dma source(%dma_start3A_172 : memref<10240x128xf32, #tpu.memory_space<hbm>>) target(%run_scoped3A_4 : memref<64x128xf32, #tpu.memory_space<vmem>>) offsets(%dma_start3A_169 : memref<64xi32, #tpu.memory_space<vmem>>) semaphore(%arg6 : memref<!tpu.dma_semaphore, #tpu.memory_space<semaphore_mem>>)
          } else {
          }
          %add3A_118 = arith.constant 1 : i32
          %add3A_119 = arith.addi %mul3A_104, %add3A_118 : i32
          %dma_wait3A_120 = arith.constant 0 : i32
          %dma_wait3A_121 = tpu.memref_slice %run_scoped3A[%add3A_119, %dma_wait3A_120] : memref<40x64xi32, #tpu.memory_space<vmem>> -> memref<1x64xi32, #tpu.memory_space<vmem>>
          %dma_wait3A_122 = tpu.memref_squeeze %dma_wait3A_121 : memref<1x64xi32, #tpu.memory_space<vmem>> -> memref<64xi32, #tpu.memory_space<vmem>>
          %dma_wait3A_123 = arith.constant 0 : i32
          %dma_wait3A_124 = arith.constant 0 : i32
          %dma_wait3A_125 = tpu.memref_slice %arg2[%dma_wait3A_123, %dma_wait3A_124] : memref<10240x128xf32, #tpu.memory_space<hbm>> -> memref<10240x128xf32, #tpu.memory_space<hbm>>
          tpu.wait_indirect_dma semaphore(%arg7 : memref<!tpu.dma_semaphore, #tpu.memory_space<semaphore_mem>>) src(%dma_wait3A_125 : memref<10240x128xf32, #tpu.memory_space<hbm>>) dst(%run_scoped3A_5 : memref<64x128xf32, #tpu.memory_space<vmem>>)
          %add3A_126 = arith.constant 1 : i32
          %add3A_127 = arith.addi %mul3A_104, %add3A_126 : i32
          "tpu.region"() ({
            %run_scoped3A_163 = tpu.sem_alloc : memref<!tpu.dma_semaphore, #tpu.memory_space<semaphore_mem>>
            %dma_start3A_164 = arith.constant 0 : i32
            %dma_start3A_165 = tpu.memref_slice %run_scoped3A_3[%add3A_127, %dma_start3A_164] : memref<40x64xi32, #tpu.memory_space<vmem>> -> memref<1x64xi32, #tpu.memory_space<vmem>>
            %dma_start3A_166 = tpu.memref_squeeze %dma_start3A_165 : memref<1x64xi32, #tpu.memory_space<vmem>> -> memref<64xi32, #tpu.memory_space<vmem>>
            %dma_start3A_167 = arith.constant 0 : i32
            %dma_start3A_168 = arith.constant 0 : i32
            %dma_start3A_169 = tpu.memref_slice %arg10[%dma_start3A_167, %dma_start3A_168] : memref<10240x128xf32, #tpu.memory_space<vmem_shared>> -> memref<10240x128xf32, #tpu.memory_space<vmem_shared>>
            tpu.enqueue_indirect_dma source(%run_scoped3A_5 : memref<64x128xf32, #tpu.memory_space<vmem>>) target(%dma_start3A_169 : memref<10240x128xf32, #tpu.memory_space<vmem_shared>>) offsets(%dma_start3A_166 : memref<64xi32, #tpu.memory_space<vmem>>) semaphore(%run_scoped3A_163 : memref<!tpu.dma_semaphore, #tpu.memory_space<semaphore_mem>>) {add = true}
            %dma_wait3A_170 = arith.constant 0 : i32
            %dma_wait3A_171 = tpu.memref_slice %run_scoped3A_3[%add3A_127, %dma_wait3A_170] : memref<40x64xi32, #tpu.memory_space<vmem>> -> memref<1x64xi32, #tpu.memory_space<vmem>>
            %dma_wait3A_172 = tpu.memref_squeeze %dma_wait3A_171 : memref<1x64xi32, #tpu.memory_space<vmem>> -> memref<64xi32, #tpu.memory_space<vmem>>
            %dma_wait3A_173 = arith.constant 0 : i32
            %dma_wait3A_174 = arith.constant 0 : i32
            %dma_wait3A_175 = tpu.memref_slice %arg10[%dma_wait3A_173, %dma_wait3A_174] : memref<10240x128xf32, #tpu.memory_space<vmem_shared>> -> memref<10240x128xf32, #tpu.memory_space<vmem_shared>>
            tpu.wait_indirect_dma semaphore(%run_scoped3A_163 : memref<!tpu.dma_semaphore, #tpu.memory_space<semaphore_mem>>) src(%run_scoped3A_5 : memref<64x128xf32, #tpu.memory_space<vmem>>) dst(%dma_wait3A_175 : memref<10240x128xf32, #tpu.memory_space<vmem_shared>>)
            tpu.yield
          }) : () -> ()
          %lt3A_128 = arith.constant 9 : i32
          %lt3A_129 = arith.cmpi slt, %scan3A_102, %lt3A_128 : i32
          %convert_element_type3A_130 = arith.extui %lt3A_129 : i1 to i32
          %cond3A_131 = arith.constant 0 : i32
          %cond3A_132 = arith.cmpi ne, %convert_element_type3A_130, %cond3A_131 : i32
          scf.if %cond3A_132 {
            %add3A_163 = arith.constant 1 : i32
            %add3A_164 = arith.addi %mul3A_104, %add3A_163 : i32
            %add3A_165 = arith.constant 4 : i32
            %add3A_166 = arith.addi %add3A_164, %add3A_165 : i32
            %dma_start3A_167 = arith.constant 0 : i32
            %dma_start3A_168 = tpu.memref_slice %run_scoped3A[%add3A_166, %dma_start3A_167] : memref<40x64xi32, #tpu.memory_space<vmem>> -> memref<1x64xi32, #tpu.memory_space<vmem>>
            %dma_start3A_169 = tpu.memref_squeeze %dma_start3A_168 : memref<1x64xi32, #tpu.memory_space<vmem>> -> memref<64xi32, #tpu.memory_space<vmem>>
            %dma_start3A_170 = arith.constant 0 : i32
            %dma_start3A_171 = arith.constant 0 : i32
            %dma_start3A_172 = tpu.memref_slice %arg2[%dma_start3A_170, %dma_start3A_171] : memref<10240x128xf32, #tpu.memory_space<hbm>> -> memref<10240x128xf32, #tpu.memory_space<hbm>>
            tpu.enqueue_indirect_dma source(%dma_start3A_172 : memref<10240x128xf32, #tpu.memory_space<hbm>>) target(%run_scoped3A_5 : memref<64x128xf32, #tpu.memory_space<vmem>>) offsets(%dma_start3A_169 : memref<64xi32, #tpu.memory_space<vmem>>) semaphore(%arg7 : memref<!tpu.dma_semaphore, #tpu.memory_space<semaphore_mem>>)
          } else {
          }
          %add3A_133 = arith.constant 2 : i32
          %add3A_134 = arith.addi %mul3A_104, %add3A_133 : i32
          %dma_wait3A_135 = arith.constant 0 : i32
          %dma_wait3A_136 = tpu.memref_slice %run_scoped3A[%add3A_134, %dma_wait3A_135] : memref<40x64xi32, #tpu.memory_space<vmem>> -> memref<1x64xi32, #tpu.memory_space<vmem>>
          %dma_wait3A_137 = tpu.memref_squeeze %dma_wait3A_136 : memref<1x64xi32, #tpu.memory_space<vmem>> -> memref<64xi32, #tpu.memory_space<vmem>>
          %dma_wait3A_138 = arith.constant 0 : i32
          %dma_wait3A_139 = arith.constant 0 : i32
          %dma_wait3A_140 = tpu.memref_slice %arg2[%dma_wait3A_138, %dma_wait3A_139] : memref<10240x128xf32, #tpu.memory_space<hbm>> -> memref<10240x128xf32, #tpu.memory_space<hbm>>
          tpu.wait_indirect_dma semaphore(%arg8 : memref<!tpu.dma_semaphore, #tpu.memory_space<semaphore_mem>>) src(%dma_wait3A_140 : memref<10240x128xf32, #tpu.memory_space<hbm>>) dst(%run_scoped3A_6 : memref<64x128xf32, #tpu.memory_space<vmem>>)
          %add3A_141 = arith.constant 2 : i32
          %add3A_142 = arith.addi %mul3A_104, %add3A_141 : i32
          "tpu.region"() ({
            %run_scoped3A_163 = tpu.sem_alloc : memref<!tpu.dma_semaphore, #tpu.memory_space<semaphore_mem>>
            %dma_start3A_164 = arith.constant 0 : i32
            %dma_start3A_165 = tpu.memref_slice %run_scoped3A_3[%add3A_142, %dma_start3A_164] : memref<40x64xi32, #tpu.memory_space<vmem>> -> memref<1x64xi32, #tpu.memory_space<vmem>>
            %dma_start3A_166 = tpu.memref_squeeze %dma_start3A_165 : memref<1x64xi32, #tpu.memory_space<vmem>> -> memref<64xi32, #tpu.memory_space<vmem>>
            %dma_start3A_167 = arith.constant 0 : i32
            %dma_start3A_168 = arith.constant 0 : i32
            %dma_start3A_169 = tpu.memref_slice %arg10[%dma_start3A_167, %dma_start3A_168] : memref<10240x128xf32, #tpu.memory_space<vmem_shared>> -> memref<10240x128xf32, #tpu.memory_space<vmem_shared>>
            tpu.enqueue_indirect_dma source(%run_scoped3A_6 : memref<64x128xf32, #tpu.memory_space<vmem>>) target(%dma_start3A_169 : memref<10240x128xf32, #tpu.memory_space<vmem_shared>>) offsets(%dma_start3A_166 : memref<64xi32, #tpu.memory_space<vmem>>) semaphore(%run_scoped3A_163 : memref<!tpu.dma_semaphore, #tpu.memory_space<semaphore_mem>>) {add = true}
            %dma_wait3A_170 = arith.constant 0 : i32
            %dma_wait3A_171 = tpu.memref_slice %run_scoped3A_3[%add3A_142, %dma_wait3A_170] : memref<40x64xi32, #tpu.memory_space<vmem>> -> memref<1x64xi32, #tpu.memory_space<vmem>>
            %dma_wait3A_172 = tpu.memref_squeeze %dma_wait3A_171 : memref<1x64xi32, #tpu.memory_space<vmem>> -> memref<64xi32, #tpu.memory_space<vmem>>
            %dma_wait3A_173 = arith.constant 0 : i32
            %dma_wait3A_174 = arith.constant 0 : i32
            %dma_wait3A_175 = tpu.memref_slice %arg10[%dma_wait3A_173, %dma_wait3A_174] : memref<10240x128xf32, #tpu.memory_space<vmem_shared>> -> memref<10240x128xf32, #tpu.memory_space<vmem_shared>>
            tpu.wait_indirect_dma semaphore(%run_scoped3A_163 : memref<!tpu.dma_semaphore, #tpu.memory_space<semaphore_mem>>) src(%run_scoped3A_6 : memref<64x128xf32, #tpu.memory_space<vmem>>) dst(%dma_wait3A_175 : memref<10240x128xf32, #tpu.memory_space<vmem_shared>>)
            tpu.yield
          }) : () -> ()
          %lt3A_143 = arith.constant 9 : i32
          %lt3A_144 = arith.cmpi slt, %scan3A_102, %lt3A_143 : i32
          %convert_element_type3A_145 = arith.extui %lt3A_144 : i1 to i32
          %cond3A_146 = arith.constant 0 : i32
          %cond3A_147 = arith.cmpi ne, %convert_element_type3A_145, %cond3A_146 : i32
          scf.if %cond3A_147 {
            %add3A_163 = arith.constant 2 : i32
            %add3A_164 = arith.addi %mul3A_104, %add3A_163 : i32
            %add3A_165 = arith.constant 4 : i32
            %add3A_166 = arith.addi %add3A_164, %add3A_165 : i32
            %dma_start3A_167 = arith.constant 0 : i32
            %dma_start3A_168 = tpu.memref_slice %run_scoped3A[%add3A_166, %dma_start3A_167] : memref<40x64xi32, #tpu.memory_space<vmem>> -> memref<1x64xi32, #tpu.memory_space<vmem>>
            %dma_start3A_169 = tpu.memref_squeeze %dma_start3A_168 : memref<1x64xi32, #tpu.memory_space<vmem>> -> memref<64xi32, #tpu.memory_space<vmem>>
            %dma_start3A_170 = arith.constant 0 : i32
            %dma_start3A_171 = arith.constant 0 : i32
            %dma_start3A_172 = tpu.memref_slice %arg2[%dma_start3A_170, %dma_start3A_171] : memref<10240x128xf32, #tpu.memory_space<hbm>> -> memref<10240x128xf32, #tpu.memory_space<hbm>>
            tpu.enqueue_indirect_dma source(%dma_start3A_172 : memref<10240x128xf32, #tpu.memory_space<hbm>>) target(%run_scoped3A_6 : memref<64x128xf32, #tpu.memory_space<vmem>>) offsets(%dma_start3A_169 : memref<64xi32, #tpu.memory_space<vmem>>) semaphore(%arg8 : memref<!tpu.dma_semaphore, #tpu.memory_space<semaphore_mem>>)
          } else {
          }
          %add3A_148 = arith.constant 3 : i32
          %add3A_149 = arith.addi %mul3A_104, %add3A_148 : i32
          %dma_wait3A_150 = arith.constant 0 : i32
          %dma_wait3A_151 = tpu.memref_slice %run_scoped3A[%add3A_149, %dma_wait3A_150] : memref<40x64xi32, #tpu.memory_space<vmem>> -> memref<1x64xi32, #tpu.memory_space<vmem>>
          %dma_wait3A_152 = tpu.memref_squeeze %dma_wait3A_151 : memref<1x64xi32, #tpu.memory_space<vmem>> -> memref<64xi32, #tpu.memory_space<vmem>>
          %dma_wait3A_153 = arith.constant 0 : i32
          %dma_wait3A_154 = arith.constant 0 : i32
          %dma_wait3A_155 = tpu.memref_slice %arg2[%dma_wait3A_153, %dma_wait3A_154] : memref<10240x128xf32, #tpu.memory_space<hbm>> -> memref<10240x128xf32, #tpu.memory_space<hbm>>
          tpu.wait_indirect_dma semaphore(%arg9 : memref<!tpu.dma_semaphore, #tpu.memory_space<semaphore_mem>>) src(%dma_wait3A_155 : memref<10240x128xf32, #tpu.memory_space<hbm>>) dst(%run_scoped3A_7 : memref<64x128xf32, #tpu.memory_space<vmem>>)
          %add3A_156 = arith.constant 3 : i32
          %add3A_157 = arith.addi %mul3A_104, %add3A_156 : i32
          "tpu.region"() ({
            %run_scoped3A_163 = tpu.sem_alloc : memref<!tpu.dma_semaphore, #tpu.memory_space<semaphore_mem>>
            %dma_start3A_164 = arith.constant 0 : i32
            %dma_start3A_165 = tpu.memref_slice %run_scoped3A_3[%add3A_157, %dma_start3A_164] : memref<40x64xi32, #tpu.memory_space<vmem>> -> memref<1x64xi32, #tpu.memory_space<vmem>>
            %dma_start3A_166 = tpu.memref_squeeze %dma_start3A_165 : memref<1x64xi32, #tpu.memory_space<vmem>> -> memref<64xi32, #tpu.memory_space<vmem>>
            %dma_start3A_167 = arith.constant 0 : i32
            %dma_start3A_168 = arith.constant 0 : i32
            %dma_start3A_169 = tpu.memref_slice %arg10[%dma_start3A_167, %dma_start3A_168] : memref<10240x128xf32, #tpu.memory_space<vmem_shared>> -> memref<10240x128xf32, #tpu.memory_space<vmem_shared>>
            tpu.enqueue_indirect_dma source(%run_scoped3A_7 : memref<64x128xf32, #tpu.memory_space<vmem>>) target(%dma_start3A_169 : memref<10240x128xf32, #tpu.memory_space<vmem_shared>>) offsets(%dma_start3A_166 : memref<64xi32, #tpu.memory_space<vmem>>) semaphore(%run_scoped3A_163 : memref<!tpu.dma_semaphore, #tpu.memory_space<semaphore_mem>>) {add = true}
            %dma_wait3A_170 = arith.constant 0 : i32
            %dma_wait3A_171 = tpu.memref_slice %run_scoped3A_3[%add3A_157, %dma_wait3A_170] : memref<40x64xi32, #tpu.memory_space<vmem>> -> memref<1x64xi32, #tpu.memory_space<vmem>>
            %dma_wait3A_172 = tpu.memref_squeeze %dma_wait3A_171 : memref<1x64xi32, #tpu.memory_space<vmem>> -> memref<64xi32, #tpu.memory_space<vmem>>
            %dma_wait3A_173 = arith.constant 0 : i32
            %dma_wait3A_174 = arith.constant 0 : i32
            %dma_wait3A_175 = tpu.memref_slice %arg10[%dma_wait3A_173, %dma_wait3A_174] : memref<10240x128xf32, #tpu.memory_space<vmem_shared>> -> memref<10240x128xf32, #tpu.memory_space<vmem_shared>>
            tpu.wait_indirect_dma semaphore(%run_scoped3A_163 : memref<!tpu.dma_semaphore, #tpu.memory_space<semaphore_mem>>) src(%run_scoped3A_7 : memref<64x128xf32, #tpu.memory_space<vmem>>) dst(%dma_wait3A_175 : memref<10240x128xf32, #tpu.memory_space<vmem_shared>>)
            tpu.yield
          }) : () -> ()
          %lt3A_158 = arith.constant 9 : i32
          %lt3A_159 = arith.cmpi slt, %scan3A_102, %lt3A_158 : i32
          %convert_element_type3A_160 = arith.extui %lt3A_159 : i1 to i32
          %cond3A_161 = arith.constant 0 : i32
          %cond3A_162 = arith.cmpi ne, %convert_element_type3A_160, %cond3A_161 : i32
          scf.if %cond3A_162 {
            %add3A_163 = arith.constant 3 : i32
            %add3A_164 = arith.addi %mul3A_104, %add3A_163 : i32
            %add3A_165 = arith.constant 4 : i32
            %add3A_166 = arith.addi %add3A_164, %add3A_165 : i32
            %dma_start3A_167 = arith.constant 0 : i32
            %dma_start3A_168 = tpu.memref_slice %run_scoped3A[%add3A_166, %dma_start3A_167] : memref<40x64xi32, #tpu.memory_space<vmem>> -> memref<1x64xi32, #tpu.memory_space<vmem>>
            %dma_start3A_169 = tpu.memref_squeeze %dma_start3A_168 : memref<1x64xi32, #tpu.memory_space<vmem>> -> memref<64xi32, #tpu.memory_space<vmem>>
            %dma_start3A_170 = arith.constant 0 : i32
            %dma_start3A_171 = arith.constant 0 : i32
            %dma_start3A_172 = tpu.memref_slice %arg2[%dma_start3A_170, %dma_start3A_171] : memref<10240x128xf32, #tpu.memory_space<hbm>> -> memref<10240x128xf32, #tpu.memory_space<hbm>>
            tpu.enqueue_indirect_dma source(%dma_start3A_172 : memref<10240x128xf32, #tpu.memory_space<hbm>>) target(%run_scoped3A_7 : memref<64x128xf32, #tpu.memory_space<vmem>>) offsets(%dma_start3A_169 : memref<64xi32, #tpu.memory_space<vmem>>) semaphore(%arg9 : memref<!tpu.dma_semaphore, #tpu.memory_space<semaphore_mem>>)
          } else {
          }
        }
        %scan3A_101 = arith.constant 10 : i32
      } else {
      }
      %gt3A_53 = arith.constant 7 : i32
      %gt3A_54 = arith.cmpi sgt, %select_n3A_20, %gt3A_53 : i32
      %convert_element_type3A_55 = arith.extui %gt3A_54 : i1 to i32
      %cond3A_56 = arith.constant 0 : i32
      %cond3A_57 = arith.cmpi ne, %convert_element_type3A_55, %cond3A_56 : i32
      scf.if %cond3A_57 {
        %add3A_65 = arith.constant 280 : i32
        %add3A_66 = arith.addi %select_n3A_15, %add3A_65 : i32
        "tpu.region"() ({
          %run_scoped3A_102 = tpu.sem_alloc : memref<!tpu.dma_semaphore, #tpu.memory_space<semaphore_mem>>
          %dma_start3A_103 = arith.constant 0 : i32
          %dma_start3A_104 = tpu.memref_slice %arg3[%arg1, %add3A_66, %dma_start3A_103] : memref<16x320x64xi32, #tpu.memory_space<hbm>> -> memref<1x40x64xi32, #tpu.memory_space<hbm>>
          %dma_start3A_105 = tpu.memref_squeeze %dma_start3A_104 : memref<1x40x64xi32, #tpu.memory_space<hbm>> -> memref<40x64xi32, #tpu.memory_space<hbm>>
          %dma_start3A_106 = arith.constant 0 : i32
          %dma_start3A_107 = tpu.memref_slice %arg3[%arg1, %add3A_66, %dma_start3A_106] : memref<16x320x64xi32, #tpu.memory_space<hbm>> -> memref<1x40x64xi32, #tpu.memory_space<hbm>>
          %dma_start3A_108 = tpu.memref_squeeze %dma_start3A_107 : memref<1x40x64xi32, #tpu.memory_space<hbm>> -> memref<40x64xi32, #tpu.memory_space<hbm>>
          tpu.enqueue_dma source(%dma_start3A_108 : memref<40x64xi32, #tpu.memory_space<hbm>>) target(%run_scoped3A : memref<40x64xi32, #tpu.memory_space<vmem>>) target_semaphore(%run_scoped3A_102 : memref<!tpu.dma_semaphore, #tpu.memory_space<semaphore_mem>>)
          %dma_wait3A = arith.constant 0 : i32
          %dma_wait3A_109 = tpu.memref_slice %arg3[%arg1, %add3A_66, %dma_wait3A] : memref<16x320x64xi32, #tpu.memory_space<hbm>> -> memref<1x40x64xi32, #tpu.memory_space<hbm>>
          %dma_wait3A_110 = tpu.memref_squeeze %dma_wait3A_109 : memref<1x40x64xi32, #tpu.memory_space<hbm>> -> memref<40x64xi32, #tpu.memory_space<hbm>>
          %dma_wait3A_111 = arith.constant 0 : i32
          %dma_wait3A_112 = tpu.memref_slice %arg3[%arg1, %add3A_66, %dma_wait3A_111] : memref<16x320x64xi32, #tpu.memory_space<hbm>> -> memref<1x40x64xi32, #tpu.memory_space<hbm>>
          %dma_wait3A_113 = tpu.memref_squeeze %dma_wait3A_112 : memref<1x40x64xi32, #tpu.memory_space<hbm>> -> memref<40x64xi32, #tpu.memory_space<hbm>>
          tpu.wait_dma2 semaphore(%run_scoped3A_102 : memref<!tpu.dma_semaphore, #tpu.memory_space<semaphore_mem>>) src(%dma_wait3A_113 : memref<40x64xi32, #tpu.memory_space<hbm>>) dst(%run_scoped3A : memref<40x64xi32, #tpu.memory_space<vmem>>)
          tpu.yield
        }) : () -> ()
        %add3A_67 = arith.constant 280 : i32
        %add3A_68 = arith.addi %select_n3A_15, %add3A_67 : i32
        "tpu.region"() ({
          %run_scoped3A_102 = tpu.sem_alloc : memref<!tpu.dma_semaphore, #tpu.memory_space<semaphore_mem>>
          %dma_start3A_103 = arith.constant 0 : i32
          %dma_start3A_104 = tpu.memref_slice %arg4[%arg1, %add3A_68, %dma_start3A_103] : memref<16x320x64xi32, #tpu.memory_space<hbm>> -> memref<1x40x64xi32, #tpu.memory_space<hbm>>
          %dma_start3A_105 = tpu.memref_squeeze %dma_start3A_104 : memref<1x40x64xi32, #tpu.memory_space<hbm>> -> memref<40x64xi32, #tpu.memory_space<hbm>>
          %dma_start3A_106 = arith.constant 0 : i32
          %dma_start3A_107 = tpu.memref_slice %arg4[%arg1, %add3A_68, %dma_start3A_106] : memref<16x320x64xi32, #tpu.memory_space<hbm>> -> memref<1x40x64xi32, #tpu.memory_space<hbm>>
          %dma_start3A_108 = tpu.memref_squeeze %dma_start3A_107 : memref<1x40x64xi32, #tpu.memory_space<hbm>> -> memref<40x64xi32, #tpu.memory_space<hbm>>
          tpu.enqueue_dma source(%dma_start3A_108 : memref<40x64xi32, #tpu.memory_space<hbm>>) target(%run_scoped3A_3 : memref<40x64xi32, #tpu.memory_space<vmem>>) target_semaphore(%run_scoped3A_102 : memref<!tpu.dma_semaphore, #tpu.memory_space<semaphore_mem>>)
          %dma_wait3A = arith.constant 0 : i32
          %dma_wait3A_109 = tpu.memref_slice %arg4[%arg1, %add3A_68, %dma_wait3A] : memref<16x320x64xi32, #tpu.memory_space<hbm>> -> memref<1x40x64xi32, #tpu.memory_space<hbm>>
          %dma_wait3A_110 = tpu.memref_squeeze %dma_wait3A_109 : memref<1x40x64xi32, #tpu.memory_space<hbm>> -> memref<40x64xi32, #tpu.memory_space<hbm>>
          %dma_wait3A_111 = arith.constant 0 : i32
          %dma_wait3A_112 = tpu.memref_slice %arg4[%arg1, %add3A_68, %dma_wait3A_111] : memref<16x320x64xi32, #tpu.memory_space<hbm>> -> memref<1x40x64xi32, #tpu.memory_space<hbm>>
          %dma_wait3A_113 = tpu.memref_squeeze %dma_wait3A_112 : memref<1x40x64xi32, #tpu.memory_space<hbm>> -> memref<40x64xi32, #tpu.memory_space<hbm>>
          tpu.wait_dma2 semaphore(%run_scoped3A_102 : memref<!tpu.dma_semaphore, #tpu.memory_space<semaphore_mem>>) src(%dma_wait3A_113 : memref<40x64xi32, #tpu.memory_space<hbm>>) dst(%run_scoped3A_3 : memref<40x64xi32, #tpu.memory_space<vmem>>)
          tpu.yield
        }) : () -> ()
        %dma_start3A = arith.constant 0 : i32
        %dma_start3A_69 = arith.constant 0 : i32
        %dma_start3A_70 = tpu.memref_slice %run_scoped3A[%dma_start3A, %dma_start3A_69] : memref<40x64xi32, #tpu.memory_space<vmem>> -> memref<1x64xi32, #tpu.memory_space<vmem>>
        %dma_start3A_71 = tpu.memref_squeeze %dma_start3A_70 : memref<1x64xi32, #tpu.memory_space<vmem>> -> memref<64xi32, #tpu.memory_space<vmem>>
        %dma_start3A_72 = arith.constant 0 : i32
        %dma_start3A_73 = arith.constant 0 : i32
        %dma_start3A_74 = tpu.memref_slice %arg2[%dma_start3A_72, %dma_start3A_73] : memref<10240x128xf32, #tpu.memory_space<hbm>> -> memref<10240x128xf32, #tpu.memory_space<hbm>>
        tpu.enqueue_indirect_dma source(%dma_start3A_74 : memref<10240x128xf32, #tpu.memory_space<hbm>>) target(%run_scoped3A_4 : memref<64x128xf32, #tpu.memory_space<vmem>>) offsets(%dma_start3A_71 : memref<64xi32, #tpu.memory_space<vmem>>) semaphore(%arg6 : memref<!tpu.dma_semaphore, #tpu.memory_space<semaphore_mem>>)
        %dma_start3A_75 = arith.constant 1 : i32
        %dma_start3A_76 = arith.constant 0 : i32
        %dma_start3A_77 = tpu.memref_slice %run_scoped3A[%dma_start3A_75, %dma_start3A_76] : memref<40x64xi32, #tpu.memory_space<vmem>> -> memref<1x64xi32, #tpu.memory_space<vmem>>
        %dma_start3A_78 = tpu.memref_squeeze %dma_start3A_77 : memref<1x64xi32, #tpu.memory_space<vmem>> -> memref<64xi32, #tpu.memory_space<vmem>>
        %dma_start3A_79 = arith.constant 0 : i32
        %dma_start3A_80 = arith.constant 0 : i32
        %dma_start3A_81 = tpu.memref_slice %arg2[%dma_start3A_79, %dma_start3A_80] : memref<10240x128xf32, #tpu.memory_space<hbm>> -> memref<10240x128xf32, #tpu.memory_space<hbm>>
        tpu.enqueue_indirect_dma source(%dma_start3A_81 : memref<10240x128xf32, #tpu.memory_space<hbm>>) target(%run_scoped3A_5 : memref<64x128xf32, #tpu.memory_space<vmem>>) offsets(%dma_start3A_78 : memref<64xi32, #tpu.memory_space<vmem>>) semaphore(%arg7 : memref<!tpu.dma_semaphore, #tpu.memory_space<semaphore_mem>>)
        %dma_start3A_82 = arith.constant 2 : i32
        %dma_start3A_83 = arith.constant 0 : i32
        %dma_start3A_84 = tpu.memref_slice %run_scoped3A[%dma_start3A_82, %dma_start3A_83] : memref<40x64xi32, #tpu.memory_space<vmem>> -> memref<1x64xi32, #tpu.memory_space<vmem>>
        %dma_start3A_85 = tpu.memref_squeeze %dma_start3A_84 : memref<1x64xi32, #tpu.memory_space<vmem>> -> memref<64xi32, #tpu.memory_space<vmem>>
        %dma_start3A_86 = arith.constant 0 : i32
        %dma_start3A_87 = arith.constant 0 : i32
        %dma_start3A_88 = tpu.memref_slice %arg2[%dma_start3A_86, %dma_start3A_87] : memref<10240x128xf32, #tpu.memory_space<hbm>> -> memref<10240x128xf32, #tpu.memory_space<hbm>>
        tpu.enqueue_indirect_dma source(%dma_start3A_88 : memref<10240x128xf32, #tpu.memory_space<hbm>>) target(%run_scoped3A_6 : memref<64x128xf32, #tpu.memory_space<vmem>>) offsets(%dma_start3A_85 : memref<64xi32, #tpu.memory_space<vmem>>) semaphore(%arg8 : memref<!tpu.dma_semaphore, #tpu.memory_space<semaphore_mem>>)
        %dma_start3A_89 = arith.constant 3 : i32
        %dma_start3A_90 = arith.constant 0 : i32
        %dma_start3A_91 = tpu.memref_slice %run_scoped3A[%dma_start3A_89, %dma_start3A_90] : memref<40x64xi32, #tpu.memory_space<vmem>> -> memref<1x64xi32, #tpu.memory_space<vmem>>
        %dma_start3A_92 = tpu.memref_squeeze %dma_start3A_91 : memref<1x64xi32, #tpu.memory_space<vmem>> -> memref<64xi32, #tpu.memory_space<vmem>>
        %dma_start3A_93 = arith.constant 0 : i32
        %dma_start3A_94 = arith.constant 0 : i32
        %dma_start3A_95 = tpu.memref_slice %arg2[%dma_start3A_93, %dma_start3A_94] : memref<10240x128xf32, #tpu.memory_space<hbm>> -> memref<10240x128xf32, #tpu.memory_space<hbm>>
        tpu.enqueue_indirect_dma source(%dma_start3A_95 : memref<10240x128xf32, #tpu.memory_space<hbm>>) target(%run_scoped3A_7 : memref<64x128xf32, #tpu.memory_space<vmem>>) offsets(%dma_start3A_92 : memref<64xi32, #tpu.memory_space<vmem>>) semaphore(%arg9 : memref<!tpu.dma_semaphore, #tpu.memory_space<semaphore_mem>>)
        %scan3A_96 = arith.constant 0 : i32
        %scan3A_97 = arith.constant 0 : i32
        %scan3A_98 = arith.constant 10 : i32
        %scan3A_99 = arith.addi %scan3A_97, %scan3A_98 : i32
        %scan3A_100 = arith.constant 1 : i32
        scf.for %scan3A_102 = %scan3A_97 to %scan3A_99 step %scan3A_100  : i32 {
          %mul3A_103 = arith.constant 4 : i32
          %mul3A_104 = arith.muli %mul3A_103, %scan3A_102 : i32
          %add3A_105 = arith.constant 0 : i32
          %add3A_106 = arith.addi %mul3A_104, %add3A_105 : i32
          %dma_wait3A = arith.constant 0 : i32
          %dma_wait3A_107 = tpu.memref_slice %run_scoped3A[%add3A_106, %dma_wait3A] : memref<40x64xi32, #tpu.memory_space<vmem>> -> memref<1x64xi32, #tpu.memory_space<vmem>>
          %dma_wait3A_108 = tpu.memref_squeeze %dma_wait3A_107 : memref<1x64xi32, #tpu.memory_space<vmem>> -> memref<64xi32, #tpu.memory_space<vmem>>
          %dma_wait3A_109 = arith.constant 0 : i32
          %dma_wait3A_110 = arith.constant 0 : i32
          %dma_wait3A_111 = tpu.memref_slice %arg2[%dma_wait3A_109, %dma_wait3A_110] : memref<10240x128xf32, #tpu.memory_space<hbm>> -> memref<10240x128xf32, #tpu.memory_space<hbm>>
          tpu.wait_indirect_dma semaphore(%arg6 : memref<!tpu.dma_semaphore, #tpu.memory_space<semaphore_mem>>) src(%dma_wait3A_111 : memref<10240x128xf32, #tpu.memory_space<hbm>>) dst(%run_scoped3A_4 : memref<64x128xf32, #tpu.memory_space<vmem>>)
          %add3A_112 = arith.constant 0 : i32
          %add3A_113 = arith.addi %mul3A_104, %add3A_112 : i32
          "tpu.region"() ({
            %run_scoped3A_163 = tpu.sem_alloc : memref<!tpu.dma_semaphore, #tpu.memory_space<semaphore_mem>>
            %dma_start3A_164 = arith.constant 0 : i32
            %dma_start3A_165 = tpu.memref_slice %run_scoped3A_3[%add3A_113, %dma_start3A_164] : memref<40x64xi32, #tpu.memory_space<vmem>> -> memref<1x64xi32, #tpu.memory_space<vmem>>
            %dma_start3A_166 = tpu.memref_squeeze %dma_start3A_165 : memref<1x64xi32, #tpu.memory_space<vmem>> -> memref<64xi32, #tpu.memory_space<vmem>>
            %dma_start3A_167 = arith.constant 0 : i32
            %dma_start3A_168 = arith.constant 0 : i32
            %dma_start3A_169 = tpu.memref_slice %arg10[%dma_start3A_167, %dma_start3A_168] : memref<10240x128xf32, #tpu.memory_space<vmem_shared>> -> memref<10240x128xf32, #tpu.memory_space<vmem_shared>>
            tpu.enqueue_indirect_dma source(%run_scoped3A_4 : memref<64x128xf32, #tpu.memory_space<vmem>>) target(%dma_start3A_169 : memref<10240x128xf32, #tpu.memory_space<vmem_shared>>) offsets(%dma_start3A_166 : memref<64xi32, #tpu.memory_space<vmem>>) semaphore(%run_scoped3A_163 : memref<!tpu.dma_semaphore, #tpu.memory_space<semaphore_mem>>) {add = true}
            %dma_wait3A_170 = arith.constant 0 : i32
            %dma_wait3A_171 = tpu.memref_slice %run_scoped3A_3[%add3A_113, %dma_wait3A_170] : memref<40x64xi32, #tpu.memory_space<vmem>> -> memref<1x64xi32, #tpu.memory_space<vmem>>
            %dma_wait3A_172 = tpu.memref_squeeze %dma_wait3A_171 : memref<1x64xi32, #tpu.memory_space<vmem>> -> memref<64xi32, #tpu.memory_space<vmem>>
            %dma_wait3A_173 = arith.constant 0 : i32
            %dma_wait3A_174 = arith.constant 0 : i32
            %dma_wait3A_175 = tpu.memref_slice %arg10[%dma_wait3A_173, %dma_wait3A_174] : memref<10240x128xf32, #tpu.memory_space<vmem_shared>> -> memref<10240x128xf32, #tpu.memory_space<vmem_shared>>
            tpu.wait_indirect_dma semaphore(%run_scoped3A_163 : memref<!tpu.dma_semaphore, #tpu.memory_space<semaphore_mem>>) src(%run_scoped3A_4 : memref<64x128xf32, #tpu.memory_space<vmem>>) dst(%dma_wait3A_175 : memref<10240x128xf32, #tpu.memory_space<vmem_shared>>)
            tpu.yield
          }) : () -> ()
          %lt3A = arith.constant 9 : i32
          %lt3A_114 = arith.cmpi slt, %scan3A_102, %lt3A : i32
          %convert_element_type3A_115 = arith.extui %lt3A_114 : i1 to i32
          %cond3A_116 = arith.constant 0 : i32
          %cond3A_117 = arith.cmpi ne, %convert_element_type3A_115, %cond3A_116 : i32
          scf.if %cond3A_117 {
            %add3A_163 = arith.constant 0 : i32
            %add3A_164 = arith.addi %mul3A_104, %add3A_163 : i32
            %add3A_165 = arith.constant 4 : i32
            %add3A_166 = arith.addi %add3A_164, %add3A_165 : i32
            %dma_start3A_167 = arith.constant 0 : i32
            %dma_start3A_168 = tpu.memref_slice %run_scoped3A[%add3A_166, %dma_start3A_167] : memref<40x64xi32, #tpu.memory_space<vmem>> -> memref<1x64xi32, #tpu.memory_space<vmem>>
            %dma_start3A_169 = tpu.memref_squeeze %dma_start3A_168 : memref<1x64xi32, #tpu.memory_space<vmem>> -> memref<64xi32, #tpu.memory_space<vmem>>
            %dma_start3A_170 = arith.constant 0 : i32
            %dma_start3A_171 = arith.constant 0 : i32
            %dma_start3A_172 = tpu.memref_slice %arg2[%dma_start3A_170, %dma_start3A_171] : memref<10240x128xf32, #tpu.memory_space<hbm>> -> memref<10240x128xf32, #tpu.memory_space<hbm>>
            tpu.enqueue_indirect_dma source(%dma_start3A_172 : memref<10240x128xf32, #tpu.memory_space<hbm>>) target(%run_scoped3A_4 : memref<64x128xf32, #tpu.memory_space<vmem>>) offsets(%dma_start3A_169 : memref<64xi32, #tpu.memory_space<vmem>>) semaphore(%arg6 : memref<!tpu.dma_semaphore, #tpu.memory_space<semaphore_mem>>)
          } else {
          }
          %add3A_118 = arith.constant 1 : i32
          %add3A_119 = arith.addi %mul3A_104, %add3A_118 : i32
          %dma_wait3A_120 = arith.constant 0 : i32
          %dma_wait3A_121 = tpu.memref_slice %run_scoped3A[%add3A_119, %dma_wait3A_120] : memref<40x64xi32, #tpu.memory_space<vmem>> -> memref<1x64xi32, #tpu.memory_space<vmem>>
          %dma_wait3A_122 = tpu.memref_squeeze %dma_wait3A_121 : memref<1x64xi32, #tpu.memory_space<vmem>> -> memref<64xi32, #tpu.memory_space<vmem>>
          %dma_wait3A_123 = arith.constant 0 : i32
          %dma_wait3A_124 = arith.constant 0 : i32
          %dma_wait3A_125 = tpu.memref_slice %arg2[%dma_wait3A_123, %dma_wait3A_124] : memref<10240x128xf32, #tpu.memory_space<hbm>> -> memref<10240x128xf32, #tpu.memory_space<hbm>>
          tpu.wait_indirect_dma semaphore(%arg7 : memref<!tpu.dma_semaphore, #tpu.memory_space<semaphore_mem>>) src(%dma_wait3A_125 : memref<10240x128xf32, #tpu.memory_space<hbm>>) dst(%run_scoped3A_5 : memref<64x128xf32, #tpu.memory_space<vmem>>)
          %add3A_126 = arith.constant 1 : i32
          %add3A_127 = arith.addi %mul3A_104, %add3A_126 : i32
          "tpu.region"() ({
            %run_scoped3A_163 = tpu.sem_alloc : memref<!tpu.dma_semaphore, #tpu.memory_space<semaphore_mem>>
            %dma_start3A_164 = arith.constant 0 : i32
            %dma_start3A_165 = tpu.memref_slice %run_scoped3A_3[%add3A_127, %dma_start3A_164] : memref<40x64xi32, #tpu.memory_space<vmem>> -> memref<1x64xi32, #tpu.memory_space<vmem>>
            %dma_start3A_166 = tpu.memref_squeeze %dma_start3A_165 : memref<1x64xi32, #tpu.memory_space<vmem>> -> memref<64xi32, #tpu.memory_space<vmem>>
            %dma_start3A_167 = arith.constant 0 : i32
            %dma_start3A_168 = arith.constant 0 : i32
            %dma_start3A_169 = tpu.memref_slice %arg10[%dma_start3A_167, %dma_start3A_168] : memref<10240x128xf32, #tpu.memory_space<vmem_shared>> -> memref<10240x128xf32, #tpu.memory_space<vmem_shared>>
            tpu.enqueue_indirect_dma source(%run_scoped3A_5 : memref<64x128xf32, #tpu.memory_space<vmem>>) target(%dma_start3A_169 : memref<10240x128xf32, #tpu.memory_space<vmem_shared>>) offsets(%dma_start3A_166 : memref<64xi32, #tpu.memory_space<vmem>>) semaphore(%run_scoped3A_163 : memref<!tpu.dma_semaphore, #tpu.memory_space<semaphore_mem>>) {add = true}
            %dma_wait3A_170 = arith.constant 0 : i32
            %dma_wait3A_171 = tpu.memref_slice %run_scoped3A_3[%add3A_127, %dma_wait3A_170] : memref<40x64xi32, #tpu.memory_space<vmem>> -> memref<1x64xi32, #tpu.memory_space<vmem>>
            %dma_wait3A_172 = tpu.memref_squeeze %dma_wait3A_171 : memref<1x64xi32, #tpu.memory_space<vmem>> -> memref<64xi32, #tpu.memory_space<vmem>>
            %dma_wait3A_173 = arith.constant 0 : i32
            %dma_wait3A_174 = arith.constant 0 : i32
            %dma_wait3A_175 = tpu.memref_slice %arg10[%dma_wait3A_173, %dma_wait3A_174] : memref<10240x128xf32, #tpu.memory_space<vmem_shared>> -> memref<10240x128xf32, #tpu.memory_space<vmem_shared>>
            tpu.wait_indirect_dma semaphore(%run_scoped3A_163 : memref<!tpu.dma_semaphore, #tpu.memory_space<semaphore_mem>>) src(%run_scoped3A_5 : memref<64x128xf32, #tpu.memory_space<vmem>>) dst(%dma_wait3A_175 : memref<10240x128xf32, #tpu.memory_space<vmem_shared>>)
            tpu.yield
          }) : () -> ()
          %lt3A_128 = arith.constant 9 : i32
          %lt3A_129 = arith.cmpi slt, %scan3A_102, %lt3A_128 : i32
          %convert_element_type3A_130 = arith.extui %lt3A_129 : i1 to i32
          %cond3A_131 = arith.constant 0 : i32
          %cond3A_132 = arith.cmpi ne, %convert_element_type3A_130, %cond3A_131 : i32
          scf.if %cond3A_132 {
            %add3A_163 = arith.constant 1 : i32
            %add3A_164 = arith.addi %mul3A_104, %add3A_163 : i32
            %add3A_165 = arith.constant 4 : i32
            %add3A_166 = arith.addi %add3A_164, %add3A_165 : i32
            %dma_start3A_167 = arith.constant 0 : i32
            %dma_start3A_168 = tpu.memref_slice %run_scoped3A[%add3A_166, %dma_start3A_167] : memref<40x64xi32, #tpu.memory_space<vmem>> -> memref<1x64xi32, #tpu.memory_space<vmem>>
            %dma_start3A_169 = tpu.memref_squeeze %dma_start3A_168 : memref<1x64xi32, #tpu.memory_space<vmem>> -> memref<64xi32, #tpu.memory_space<vmem>>
            %dma_start3A_170 = arith.constant 0 : i32
            %dma_start3A_171 = arith.constant 0 : i32
            %dma_start3A_172 = tpu.memref_slice %arg2[%dma_start3A_170, %dma_start3A_171] : memref<10240x128xf32, #tpu.memory_space<hbm>> -> memref<10240x128xf32, #tpu.memory_space<hbm>>
            tpu.enqueue_indirect_dma source(%dma_start3A_172 : memref<10240x128xf32, #tpu.memory_space<hbm>>) target(%run_scoped3A_5 : memref<64x128xf32, #tpu.memory_space<vmem>>) offsets(%dma_start3A_169 : memref<64xi32, #tpu.memory_space<vmem>>) semaphore(%arg7 : memref<!tpu.dma_semaphore, #tpu.memory_space<semaphore_mem>>)
          } else {
          }
          %add3A_133 = arith.constant 2 : i32
          %add3A_134 = arith.addi %mul3A_104, %add3A_133 : i32
          %dma_wait3A_135 = arith.constant 0 : i32
          %dma_wait3A_136 = tpu.memref_slice %run_scoped3A[%add3A_134, %dma_wait3A_135] : memref<40x64xi32, #tpu.memory_space<vmem>> -> memref<1x64xi32, #tpu.memory_space<vmem>>
          %dma_wait3A_137 = tpu.memref_squeeze %dma_wait3A_136 : memref<1x64xi32, #tpu.memory_space<vmem>> -> memref<64xi32, #tpu.memory_space<vmem>>
          %dma_wait3A_138 = arith.constant 0 : i32
          %dma_wait3A_139 = arith.constant 0 : i32
          %dma_wait3A_140 = tpu.memref_slice %arg2[%dma_wait3A_138, %dma_wait3A_139] : memref<10240x128xf32, #tpu.memory_space<hbm>> -> memref<10240x128xf32, #tpu.memory_space<hbm>>
          tpu.wait_indirect_dma semaphore(%arg8 : memref<!tpu.dma_semaphore, #tpu.memory_space<semaphore_mem>>) src(%dma_wait3A_140 : memref<10240x128xf32, #tpu.memory_space<hbm>>) dst(%run_scoped3A_6 : memref<64x128xf32, #tpu.memory_space<vmem>>)
          %add3A_141 = arith.constant 2 : i32
          %add3A_142 = arith.addi %mul3A_104, %add3A_141 : i32
          "tpu.region"() ({
            %run_scoped3A_163 = tpu.sem_alloc : memref<!tpu.dma_semaphore, #tpu.memory_space<semaphore_mem>>
            %dma_start3A_164 = arith.constant 0 : i32
            %dma_start3A_165 = tpu.memref_slice %run_scoped3A_3[%add3A_142, %dma_start3A_164] : memref<40x64xi32, #tpu.memory_space<vmem>> -> memref<1x64xi32, #tpu.memory_space<vmem>>
            %dma_start3A_166 = tpu.memref_squeeze %dma_start3A_165 : memref<1x64xi32, #tpu.memory_space<vmem>> -> memref<64xi32, #tpu.memory_space<vmem>>
            %dma_start3A_167 = arith.constant 0 : i32
            %dma_start3A_168 = arith.constant 0 : i32
            %dma_start3A_169 = tpu.memref_slice %arg10[%dma_start3A_167, %dma_start3A_168] : memref<10240x128xf32, #tpu.memory_space<vmem_shared>> -> memref<10240x128xf32, #tpu.memory_space<vmem_shared>>
            tpu.enqueue_indirect_dma source(%run_scoped3A_6 : memref<64x128xf32, #tpu.memory_space<vmem>>) target(%dma_start3A_169 : memref<10240x128xf32, #tpu.memory_space<vmem_shared>>) offsets(%dma_start3A_166 : memref<64xi32, #tpu.memory_space<vmem>>) semaphore(%run_scoped3A_163 : memref<!tpu.dma_semaphore, #tpu.memory_space<semaphore_mem>>) {add = true}
            %dma_wait3A_170 = arith.constant 0 : i32
            %dma_wait3A_171 = tpu.memref_slice %run_scoped3A_3[%add3A_142, %dma_wait3A_170] : memref<40x64xi32, #tpu.memory_space<vmem>> -> memref<1x64xi32, #tpu.memory_space<vmem>>
            %dma_wait3A_172 = tpu.memref_squeeze %dma_wait3A_171 : memref<1x64xi32, #tpu.memory_space<vmem>> -> memref<64xi32, #tpu.memory_space<vmem>>
            %dma_wait3A_173 = arith.constant 0 : i32
            %dma_wait3A_174 = arith.constant 0 : i32
            %dma_wait3A_175 = tpu.memref_slice %arg10[%dma_wait3A_173, %dma_wait3A_174] : memref<10240x128xf32, #tpu.memory_space<vmem_shared>> -> memref<10240x128xf32, #tpu.memory_space<vmem_shared>>
            tpu.wait_indirect_dma semaphore(%run_scoped3A_163 : memref<!tpu.dma_semaphore, #tpu.memory_space<semaphore_mem>>) src(%run_scoped3A_6 : memref<64x128xf32, #tpu.memory_space<vmem>>) dst(%dma_wait3A_175 : memref<10240x128xf32, #tpu.memory_space<vmem_shared>>)
            tpu.yield
          }) : () -> ()
          %lt3A_143 = arith.constant 9 : i32
          %lt3A_144 = arith.cmpi slt, %scan3A_102, %lt3A_143 : i32
          %convert_element_type3A_145 = arith.extui %lt3A_144 : i1 to i32
          %cond3A_146 = arith.constant 0 : i32
          %cond3A_147 = arith.cmpi ne, %convert_element_type3A_145, %cond3A_146 : i32
          scf.if %cond3A_147 {
            %add3A_163 = arith.constant 2 : i32
            %add3A_164 = arith.addi %mul3A_104, %add3A_163 : i32
            %add3A_165 = arith.constant 4 : i32
            %add3A_166 = arith.addi %add3A_164, %add3A_165 : i32
            %dma_start3A_167 = arith.constant 0 : i32
            %dma_start3A_168 = tpu.memref_slice %run_scoped3A[%add3A_166, %dma_start3A_167] : memref<40x64xi32, #tpu.memory_space<vmem>> -> memref<1x64xi32, #tpu.memory_space<vmem>>
            %dma_start3A_169 = tpu.memref_squeeze %dma_start3A_168 : memref<1x64xi32, #tpu.memory_space<vmem>> -> memref<64xi32, #tpu.memory_space<vmem>>
            %dma_start3A_170 = arith.constant 0 : i32
            %dma_start3A_171 = arith.constant 0 : i32
            %dma_start3A_172 = tpu.memref_slice %arg2[%dma_start3A_170, %dma_start3A_171] : memref<10240x128xf32, #tpu.memory_space<hbm>> -> memref<10240x128xf32, #tpu.memory_space<hbm>>
            tpu.enqueue_indirect_dma source(%dma_start3A_172 : memref<10240x128xf32, #tpu.memory_space<hbm>>) target(%run_scoped3A_6 : memref<64x128xf32, #tpu.memory_space<vmem>>) offsets(%dma_start3A_169 : memref<64xi32, #tpu.memory_space<vmem>>) semaphore(%arg8 : memref<!tpu.dma_semaphore, #tpu.memory_space<semaphore_mem>>)
          } else {
          }
          %add3A_148 = arith.constant 3 : i32
          %add3A_149 = arith.addi %mul3A_104, %add3A_148 : i32
          %dma_wait3A_150 = arith.constant 0 : i32
          %dma_wait3A_151 = tpu.memref_slice %run_scoped3A[%add3A_149, %dma_wait3A_150] : memref<40x64xi32, #tpu.memory_space<vmem>> -> memref<1x64xi32, #tpu.memory_space<vmem>>
          %dma_wait3A_152 = tpu.memref_squeeze %dma_wait3A_151 : memref<1x64xi32, #tpu.memory_space<vmem>> -> memref<64xi32, #tpu.memory_space<vmem>>
          %dma_wait3A_153 = arith.constant 0 : i32
          %dma_wait3A_154 = arith.constant 0 : i32
          %dma_wait3A_155 = tpu.memref_slice %arg2[%dma_wait3A_153, %dma_wait3A_154] : memref<10240x128xf32, #tpu.memory_space<hbm>> -> memref<10240x128xf32, #tpu.memory_space<hbm>>
          tpu.wait_indirect_dma semaphore(%arg9 : memref<!tpu.dma_semaphore, #tpu.memory_space<semaphore_mem>>) src(%dma_wait3A_155 : memref<10240x128xf32, #tpu.memory_space<hbm>>) dst(%run_scoped3A_7 : memref<64x128xf32, #tpu.memory_space<vmem>>)
          %add3A_156 = arith.constant 3 : i32
          %add3A_157 = arith.addi %mul3A_104, %add3A_156 : i32
          "tpu.region"() ({
            %run_scoped3A_163 = tpu.sem_alloc : memref<!tpu.dma_semaphore, #tpu.memory_space<semaphore_mem>>
            %dma_start3A_164 = arith.constant 0 : i32
            %dma_start3A_165 = tpu.memref_slice %run_scoped3A_3[%add3A_157, %dma_start3A_164] : memref<40x64xi32, #tpu.memory_space<vmem>> -> memref<1x64xi32, #tpu.memory_space<vmem>>
            %dma_start3A_166 = tpu.memref_squeeze %dma_start3A_165 : memref<1x64xi32, #tpu.memory_space<vmem>> -> memref<64xi32, #tpu.memory_space<vmem>>
            %dma_start3A_167 = arith.constant 0 : i32
            %dma_start3A_168 = arith.constant 0 : i32
            %dma_start3A_169 = tpu.memref_slice %arg10[%dma_start3A_167, %dma_start3A_168] : memref<10240x128xf32, #tpu.memory_space<vmem_shared>> -> memref<10240x128xf32, #tpu.memory_space<vmem_shared>>
            tpu.enqueue_indirect_dma source(%run_scoped3A_7 : memref<64x128xf32, #tpu.memory_space<vmem>>) target(%dma_start3A_169 : memref<10240x128xf32, #tpu.memory_space<vmem_shared>>) offsets(%dma_start3A_166 : memref<64xi32, #tpu.memory_space<vmem>>) semaphore(%run_scoped3A_163 : memref<!tpu.dma_semaphore, #tpu.memory_space<semaphore_mem>>) {add = true}
            %dma_wait3A_170 = arith.constant 0 : i32
            %dma_wait3A_171 = tpu.memref_slice %run_scoped3A_3[%add3A_157, %dma_wait3A_170] : memref<40x64xi32, #tpu.memory_space<vmem>> -> memref<1x64xi32, #tpu.memory_space<vmem>>
            %dma_wait3A_172 = tpu.memref_squeeze %dma_wait3A_171 : memref<1x64xi32, #tpu.memory_space<vmem>> -> memref<64xi32, #tpu.memory_space<vmem>>
            %dma_wait3A_173 = arith.constant 0 : i32
            %dma_wait3A_174 = arith.constant 0 : i32
            %dma_wait3A_175 = tpu.memref_slice %arg10[%dma_wait3A_173, %dma_wait3A_174] : memref<10240x128xf32, #tpu.memory_space<vmem_shared>> -> memref<10240x128xf32, #tpu.memory_space<vmem_shared>>
            tpu.wait_indirect_dma semaphore(%run_scoped3A_163 : memref<!tpu.dma_semaphore, #tpu.memory_space<semaphore_mem>>) src(%run_scoped3A_7 : memref<64x128xf32, #tpu.memory_space<vmem>>) dst(%dma_wait3A_175 : memref<10240x128xf32, #tpu.memory_space<vmem_shared>>)
            tpu.yield
          }) : () -> ()
          %lt3A_158 = arith.constant 9 : i32
          %lt3A_159 = arith.cmpi slt, %scan3A_102, %lt3A_158 : i32
          %convert_element_type3A_160 = arith.extui %lt3A_159 : i1 to i32
          %cond3A_161 = arith.constant 0 : i32
          %cond3A_162 = arith.cmpi ne, %convert_element_type3A_160, %cond3A_161 : i32
          scf.if %cond3A_162 {
            %add3A_163 = arith.constant 3 : i32
            %add3A_164 = arith.addi %mul3A_104, %add3A_163 : i32
            %add3A_165 = arith.constant 4 : i32
            %add3A_166 = arith.addi %add3A_164, %add3A_165 : i32
            %dma_start3A_167 = arith.constant 0 : i32
            %dma_start3A_168 = tpu.memref_slice %run_scoped3A[%add3A_166, %dma_start3A_167] : memref<40x64xi32, #tpu.memory_space<vmem>> -> memref<1x64xi32, #tpu.memory_space<vmem>>
            %dma_start3A_169 = tpu.memref_squeeze %dma_start3A_168 : memref<1x64xi32, #tpu.memory_space<vmem>> -> memref<64xi32, #tpu.memory_space<vmem>>
            %dma_start3A_170 = arith.constant 0 : i32
            %dma_start3A_171 = arith.constant 0 : i32
            %dma_start3A_172 = tpu.memref_slice %arg2[%dma_start3A_170, %dma_start3A_171] : memref<10240x128xf32, #tpu.memory_space<hbm>> -> memref<10240x128xf32, #tpu.memory_space<hbm>>
            tpu.enqueue_indirect_dma source(%dma_start3A_172 : memref<10240x128xf32, #tpu.memory_space<hbm>>) target(%run_scoped3A_7 : memref<64x128xf32, #tpu.memory_space<vmem>>) offsets(%dma_start3A_169 : memref<64xi32, #tpu.memory_space<vmem>>) semaphore(%arg9 : memref<!tpu.dma_semaphore, #tpu.memory_space<semaphore_mem>>)
          } else {
          }
        }
        %scan3A_101 = arith.constant 10 : i32
      } else {
      }
      %barrier3A_58 = arith.constant 0 : index
      tpu.barrier barrier_id(%barrier3A_58)
      %scan3A_59 = arith.constant 0 : i32
      %scan3A_60 = arith.constant 0 : i32
      %scan3A_61 = arith.constant 10 : i32
      %scan3A_62 = arith.addi %scan3A_60, %scan3A_61 : i32
      %scan3A_63 = arith.constant 1 : i32
      scf.for %scan3A_65 = %scan3A_60 to %scan3A_62 step %scan3A_63  : i32 {
        %mul3A_66 = arith.constant 64 : i32
        %mul3A_67 = arith.muli %scan3A_65, %mul3A_66 : i32
        %add3A_68 = arith.addi %mul3A_2, %mul3A_67 : i32
        "tpu.region"() ({
          %run_scoped3A_69 = tpu.sem_alloc : memref<!tpu.dma_semaphore, #tpu.memory_space<semaphore_mem>>
          %dma_start3A = arith.constant 0 : i32
          %dma_start3A_70 = tpu.memref_slice %arg10[%add3A_68, %dma_start3A] : memref<10240x128xf32, #tpu.memory_space<vmem_shared>> -> memref<64x128xf32, #tpu.memory_space<vmem_shared>>
          %dma_start3A_71 = arith.constant 0 : i32
          %dma_start3A_72 = tpu.memref_slice %arg10[%add3A_68, %dma_start3A_71] : memref<10240x128xf32, #tpu.memory_space<vmem_shared>> -> memref<64x128xf32, #tpu.memory_space<vmem_shared>>
          tpu.enqueue_dma source(%dma_start3A_72 : memref<64x128xf32, #tpu.memory_space<vmem_shared>>) target(%run_scoped3A_4 : memref<64x128xf32, #tpu.memory_space<vmem>>) target_semaphore(%run_scoped3A_69 : memref<!tpu.dma_semaphore, #tpu.memory_space<semaphore_mem>>)
          %dma_wait3A = arith.constant 0 : i32
          %dma_wait3A_73 = tpu.memref_slice %arg10[%add3A_68, %dma_wait3A] : memref<10240x128xf32, #tpu.memory_space<vmem_shared>> -> memref<64x128xf32, #tpu.memory_space<vmem_shared>>
          %dma_wait3A_74 = arith.constant 0 : i32
          %dma_wait3A_75 = tpu.memref_slice %arg10[%add3A_68, %dma_wait3A_74] : memref<10240x128xf32, #tpu.memory_space<vmem_shared>> -> memref<64x128xf32, #tpu.memory_space<vmem_shared>>
          tpu.wait_dma2 semaphore(%run_scoped3A_69 : memref<!tpu.dma_semaphore, #tpu.memory_space<semaphore_mem>>) src(%dma_wait3A_75 : memref<64x128xf32, #tpu.memory_space<vmem_shared>>) dst(%run_scoped3A_4 : memref<64x128xf32, #tpu.memory_space<vmem>>)
          tpu.yield
        }) : () -> ()
        "tpu.region"() ({
          %run_scoped3A_69 = tpu.sem_alloc : memref<!tpu.dma_semaphore, #tpu.memory_space<semaphore_mem>>
          %dma_start3A = arith.constant 0 : i32
          %dma_start3A_70 = tpu.memref_slice %arg5[%arg0, %add3A_68, %dma_start3A] : memref<2x10240x128xf32, #tpu.memory_space<hbm>> -> memref<1x64x128xf32, #tpu.memory_space<hbm>>
          %dma_start3A_71 = tpu.memref_squeeze %dma_start3A_70 : memref<1x64x128xf32, #tpu.memory_space<hbm>> -> memref<64x128xf32, #tpu.memory_space<hbm>>
          %dma_start3A_72 = arith.constant 0 : i32
          %dma_start3A_73 = tpu.memref_slice %arg5[%arg0, %add3A_68, %dma_start3A_72] : memref<2x10240x128xf32, #tpu.memory_space<hbm>> -> memref<1x64x128xf32, #tpu.memory_space<hbm>>
          %dma_start3A_74 = tpu.memref_squeeze %dma_start3A_73 : memref<1x64x128xf32, #tpu.memory_space<hbm>> -> memref<64x128xf32, #tpu.memory_space<hbm>>
          tpu.enqueue_dma source(%run_scoped3A_4 : memref<64x128xf32, #tpu.memory_space<vmem>>) target(%dma_start3A_74 : memref<64x128xf32, #tpu.memory_space<hbm>>) target_semaphore(%run_scoped3A_69 : memref<!tpu.dma_semaphore, #tpu.memory_space<semaphore_mem>>)
          %dma_wait3A = arith.constant 0 : i32
          %dma_wait3A_75 = tpu.memref_slice %arg5[%arg0, %add3A_68, %dma_wait3A] : memref<2x10240x128xf32, #tpu.memory_space<hbm>> -> memref<1x64x128xf32, #tpu.memory_space<hbm>>
          %dma_wait3A_76 = tpu.memref_squeeze %dma_wait3A_75 : memref<1x64x128xf32, #tpu.memory_space<hbm>> -> memref<64x128xf32, #tpu.memory_space<hbm>>
          %dma_wait3A_77 = arith.constant 0 : i32
          %dma_wait3A_78 = tpu.memref_slice %arg5[%arg0, %add3A_68, %dma_wait3A_77] : memref<2x10240x128xf32, #tpu.memory_space<hbm>> -> memref<1x64x128xf32, #tpu.memory_space<hbm>>
          %dma_wait3A_79 = tpu.memref_squeeze %dma_wait3A_78 : memref<1x64x128xf32, #tpu.memory_space<hbm>> -> memref<64x128xf32, #tpu.memory_space<hbm>>
          tpu.wait_dma2 semaphore(%run_scoped3A_69 : memref<!tpu.dma_semaphore, #tpu.memory_space<semaphore_mem>>) src(%run_scoped3A_4 : memref<64x128xf32, #tpu.memory_space<vmem>>) dst(%dma_wait3A_79 : memref<64x128xf32, #tpu.memory_space<hbm>>)
          tpu.yield
        }) : () -> ()
      }
      %scan3A_64 = arith.constant 10 : i32
      tpu.yield
    }) : () -> ()
    return
  }
}

module attributes {stable_mosaic.version = 14 : i64} {
  func.func @_deg_body(%arg0: i32, %arg1: memref<1x1x8192xi32, #tpu.memory_space<vmem>>, %arg2: memref<128x128xf32, #tpu.memory_space<vmem>>) attributes {dimension_semantics = [#tpu.dimension_semantics<arbitrary>], iteration_bounds = array<i64: 40>, scalar_prefetch = 0 : i64, scratch_operands = 0 : i64, tpu.core_type = #tpu.core_type<tc>, window_params = [{transform_indices = @transform_0, window_bounds = array<i64: 1, 1, 8192>}, {pipeline_mode = #tpu.pipeline_mode<synchronous>, transform_indices = @transform_1, window_bounds = array<i64: 128, 128>}]} {
    %eq3A = arith.constant 0 : i32
    %eq3A_0 = arith.cmpi eq, %arg0, %eq3A : i32
    %convert_element_type3A = arith.extui %eq3A_0 : i1 to i32
    %cond3A = arith.constant 0 : i32
    %cond3A_1 = arith.cmpi ne, %convert_element_type3A, %cond3A : i32
    scf.if %cond3A_1 {
      %broadcast_in_dim3A_71 = arith.constant 0.000000e+00 : f32
      %broadcast_in_dim3A_72 = vector.broadcast %broadcast_in_dim3A_71 : f32 to vector<128x128xf32>
      %swap3A_73 = arith.constant 0 : index
      %swap3A_74 = arith.constant 0 : index
      %swap3A_75 = vector.load %arg2[%swap3A_73, %swap3A_74] : memref<128x128xf32, #tpu.memory_space<vmem>>, vector<128x128xf32>
      tpu.vector_store %arg2[%swap3A_73, %swap3A_74], %broadcast_in_dim3A_72 {strides = array<i32>} : memref<128x128xf32, #tpu.memory_space<vmem>>, vector<128x128xf32>,
    } else {
    }
    %get3A = arith.constant 0 : index
    %get3A_2 = arith.constant 0 : index
    %get3A_3 = arith.constant 0 : index
    %get3A_4 = vector.load %arg1[%get3A, %get3A_2, %get3A_3] : memref<1x1x8192xi32, #tpu.memory_space<vmem>>, vector<1x1x8192xi32>
    %get3A_5 = vector.shape_cast %get3A_4 : vector<1x1x8192xi32> to vector<1x8192xi32>
    %jit3A = arith.constant 128 : i32
    %div3A = vector.broadcast %jit3A : i32 to vector<1x8192xi32>
    %div3A_6 = arith.divsi %get3A_5, %div3A : vector<1x8192xi32>
    %sign3A = arith.constant 0 : i32
    %sign3A_7 = vector.broadcast %sign3A : i32 to vector<1x8192xi32>
    %sign3A_8 = arith.cmpi sgt, %get3A_5, %sign3A_7 : vector<1x8192xi32>
    %sign3A_9 = arith.extui %sign3A_8 : vector<1x8192xi1> to vector<1x8192xi32>
    %sign3A_10 = arith.constant 0 : i32
    %sign3A_11 = vector.broadcast %sign3A_10 : i32 to vector<1x8192xi32>
    %sign3A_12 = arith.cmpi slt, %get3A_5, %sign3A_11 : vector<1x8192xi32>
    %sign3A_13 = arith.extui %sign3A_12 : vector<1x8192xi1> to vector<1x8192xi32>
    %sign3A_14 = arith.subi %sign3A_9, %sign3A_13 : vector<1x8192xi32>
    %sign3A_15 = arith.constant 0 : i32
    %sign3A_16 = arith.cmpi sgt, %jit3A, %sign3A_15 : i32
    %sign3A_17 = arith.extui %sign3A_16 : i1 to i32
    %sign3A_18 = arith.constant 0 : i32
    %sign3A_19 = arith.cmpi slt, %jit3A, %sign3A_18 : i32
    %sign3A_20 = arith.extui %sign3A_19 : i1 to i32
    %sign3A_21 = arith.subi %sign3A_17, %sign3A_20 : i32
    %ne3A = vector.broadcast %sign3A_21 : i32 to vector<1x8192xi32>
    %ne3A_22 = arith.cmpi ne, %sign3A_14, %ne3A : vector<1x8192xi32>
    %rem3A = vector.broadcast %jit3A : i32 to vector<1x8192xi32>
    %rem3A_23 = arith.remsi %get3A_5, %rem3A : vector<1x8192xi32>
    %ne3A_24 = arith.constant 0 : i32
    %ne3A_25 = vector.broadcast %ne3A_24 : i32 to vector<1x8192xi32>
    %ne3A_26 = arith.cmpi ne, %rem3A_23, %ne3A_25 : vector<1x8192xi32>
    %and3A = arith.andi %ne3A_22, %ne3A_26 : vector<1x8192xi1>
    %sub3A = arith.constant 1 : i32
    %sub3A_27 = vector.broadcast %sub3A : i32 to vector<1x8192xi32>
    %sub3A_28 = arith.subi %div3A_6, %sub3A_27 : vector<1x8192xi32>
    %select_n3A = arith.select %and3A, %sub3A_28, %div3A_6 : vector<1x8192xi1>, vector<1x8192xi32>
    %convert_element_type3A_29 = arith.trunci %select_n3A : vector<1x8192xi32> to vector<1x8192xi16>
    %jit3A_30 = arith.constant 128 : i32
    %eq3A_31 = arith.constant 0 : i32
    %eq3A_32 = arith.cmpi eq, %jit3A_30, %eq3A_31 : i32
    %jit3A_33 = arith.constant 1 : i32
    %select_n3A_34 = arith.select %eq3A_32, %jit3A_33, %jit3A_30 : i32
    %rem3A_35 = vector.broadcast %select_n3A_34 : i32 to vector<1x8192xi32>
    %rem3A_36 = arith.remsi %get3A_5, %rem3A_35 : vector<1x8192xi32>
    %ne3A_37 = arith.constant 0 : i32
    %ne3A_38 = vector.broadcast %ne3A_37 : i32 to vector<1x8192xi32>
    %ne3A_39 = arith.cmpi ne, %rem3A_36, %ne3A_38 : vector<1x8192xi32>
    %lt3A = arith.constant 0 : i32
    %lt3A_40 = vector.broadcast %lt3A : i32 to vector<1x8192xi32>
    %lt3A_41 = arith.cmpi slt, %rem3A_36, %lt3A_40 : vector<1x8192xi32>
    %lt3A_42 = arith.constant 0 : i32
    %lt3A_43 = arith.cmpi slt, %select_n3A_34, %lt3A_42 : i32
    %ne3A_44 = vector.broadcast %lt3A_43 : i1 to vector<1x8192xi1>
    %ne3A_45 = vector.broadcast %ne3A_44 : vector<1x8192xi1> to vector<1x8192xi1>
    %ne3A_46 = arith.xori %lt3A_41, %ne3A_45 : vector<1x8192xi1>
    %and3A_47 = arith.andi %ne3A_46, %ne3A_39 : vector<1x8192xi1>
    %add3A = vector.broadcast %select_n3A_34 : i32 to vector<1x8192xi32>
    %add3A_48 = arith.addi %rem3A_36, %add3A : vector<1x8192xi32>
    %select_n3A_49 = arith.select %and3A_47, %add3A_48, %rem3A_36 : vector<1x8192xi1>, vector<1x8192xi32>
    %convert_element_type3A_50 = arith.trunci %select_n3A_49 : vector<1x8192xi32> to vector<1x8192xi16>
    %iota3A = tpu.iota {dimensions = array<i32: 0>} : vector<128x8192xi16>
    %eq3A_51 = vector.broadcast %convert_element_type3A_29 : vector<1x8192xi16> to vector<128x8192xi16>
    %eq3A_52 = arith.cmpi eq, %iota3A, %eq3A_51 : vector<128x8192xi16>
    %jit3A_53 = arith.constant 1.000000e+00 : bf16
    %jit3A_54 = arith.constant 0.000000e+00 : bf16
    %broadcast_in_dim3A = vector.broadcast %jit3A_53 : bf16 to vector<128x8192xbf16>
    %broadcast_in_dim3A_55 = vector.broadcast %jit3A_54 : bf16 to vector<128x8192xbf16>
    %select_n3A_56 = arith.select %eq3A_52, %broadcast_in_dim3A, %broadcast_in_dim3A_55 : vector<128x8192xi1>, vector<128x8192xbf16>
    %eq3A_57 = vector.broadcast %convert_element_type3A_50 : vector<1x8192xi16> to vector<128x8192xi16>
    %eq3A_58 = arith.cmpi eq, %iota3A, %eq3A_57 : vector<128x8192xi16>
    %jit3A_59 = arith.constant 1.000000e+00 : bf16
    %jit3A_60 = arith.constant 0.000000e+00 : bf16
    %broadcast_in_dim3A_61 = vector.broadcast %jit3A_59 : bf16 to vector<128x8192xbf16>
    %broadcast_in_dim3A_62 = vector.broadcast %jit3A_60 : bf16 to vector<128x8192xbf16>
    %select_n3A_63 = arith.select %eq3A_58, %broadcast_in_dim3A_61, %broadcast_in_dim3A_62 : vector<128x8192xi1>, vector<128x8192xbf16>
    %get3A_64 = arith.constant 0 : index
    %get3A_65 = arith.constant 0 : index
    %get3A_66 = vector.load %arg2[%get3A_64, %get3A_65] : memref<128x128xf32, #tpu.memory_space<vmem>>, vector<128x128xf32>
    %dot_general3A = arith.constant dense<0.000000e+00> : vector<128x128xf32>
    %dot_general3A_67 = tpu.matmul %select_n3A_56, %select_n3A_63, %dot_general3A {dimension_numbers = #tpu.dot_dimension_numbers<[1], [1], [0], [0], [0, 0, 1, 0], [], []>, transpose_lhs_hint = false} : vector<128x8192xbf16>, vector<128x8192xbf16>, vector<128x128xf32> -> vector<128x128xf32>
    %add3A_68 = arith.addf %get3A_66, %dot_general3A_67 : vector<128x128xf32>
    %swap3A = arith.constant 0 : index
    %swap3A_69 = arith.constant 0 : index
    %swap3A_70 = vector.load %arg2[%swap3A, %swap3A_69] : memref<128x128xf32, #tpu.memory_space<vmem>>, vector<128x128xf32>
    tpu.vector_store %arg2[%swap3A, %swap3A_69], %add3A_68 {strides = array<i32>} : memref<128x128xf32, #tpu.memory_space<vmem>>, vector<128x128xf32>,
    return
  }
  func.func @transform_0(%arg0: i32) -> (i32, i32, i32) {
    %c0_i32 = arith.constant 0 : i32
    %c0_i32_0 = arith.constant 0 : i32
    %c0_i32_1 = arith.constant 0 : i32
    return %arg0, %c0_i32, %c0_i32_0 : i32, i32, i32
  }
  func.func @transform_1(%arg0: i32) -> (i32, i32) {
    %c0_i32 = arith.constant 0 : i32
    %c0_i32_0 = arith.constant 0 : i32
    %c0_i32_1 = arith.constant 0 : i32
    return %c0_i32, %c0_i32_0 : i32, i32
  }
}

module attributes {stable_mosaic.version = 14 : i64} {
  func.func @_fin_body(%arg0: i32, %arg1: memref<2x1024x128xf32, #tpu.memory_space<vmem>>, %arg2: memref<1024x128xf32, #tpu.memory_space<vmem>>, %arg3: memref<1024x1xf32, #tpu.memory_space<vmem>>, %arg4: memref<1x128xf32, #tpu.memory_space<vmem>>, %arg5: memref<1024x128xf32, #tpu.memory_space<vmem>>) attributes {dimension_semantics = [#tpu.dimension_semantics<arbitrary>], iteration_bounds = array<i64: 10>, scalar_prefetch = 0 : i64, scratch_operands = 0 : i64, tpu.core_type = #tpu.core_type<tc>, window_params = [{transform_indices = @transform_0, window_bounds = array<i64: 2, 1024, 128>}, {transform_indices = @transform_1, window_bounds = array<i64: 1024, 128>}, {transform_indices = @transform_2, window_bounds = array<i64: 1024, 1>}, {pipeline_mode = #tpu.pipeline_mode<synchronous>, transform_indices = @transform_3, window_bounds = array<i64: 1, 128>}, {transform_indices = @transform_4, window_bounds = array<i64: 1024, 128>}]} {
    %get3A = arith.constant 0 : index
    %get3A_0 = arith.constant 0 : index
    %get3A_1 = vector.load %arg3[%get3A, %get3A_0] : memref<1024x1xf32, #tpu.memory_space<vmem>>, vector<1024x1xf32>
    %add3A = arith.constant 1.000000e+00 : f32
    %add3A_2 = vector.broadcast %add3A : f32 to vector<1024x1xf32>
    %add3A_3 = arith.addf %get3A_1, %add3A_2 : vector<1024x1xf32>
    %rsqrt3A = math.rsqrt %add3A_3 : vector<1024x1xf32>
    %get3A_4 = arith.constant 0 : index
    %get3A_5 = arith.constant 0 : index
    %get3A_6 = arith.constant 0 : index
    %get3A_7 = vector.load %arg1[%get3A_4, %get3A_5, %get3A_6] : memref<2x1024x128xf32, #tpu.memory_space<vmem>>, vector<1x1024x128xf32>
    %get3A_8 = vector.shape_cast %get3A_7 : vector<1x1024x128xf32> to vector<1024x128xf32>
    %get3A_9 = arith.constant 1 : index
    %get3A_10 = arith.constant 0 : index
    %get3A_11 = arith.constant 0 : index
    %get3A_12 = vector.load %arg1[%get3A_9, %get3A_10, %get3A_11] : memref<2x1024x128xf32, #tpu.memory_space<vmem>>, vector<1x1024x128xf32>
    %get3A_13 = vector.shape_cast %get3A_12 : vector<1x1024x128xf32> to vector<1024x128xf32>
    %add3A_14 = arith.addf %get3A_8, %get3A_13 : vector<1024x128xf32>
    %get3A_15 = arith.constant 0 : index
    %get3A_16 = arith.constant 0 : index
    %get3A_17 = vector.load %arg2[%get3A_15, %get3A_16] : memref<1024x128xf32, #tpu.memory_space<vmem>>, vector<1024x128xf32>
    %sub3A = arith.subf %add3A_14, %get3A_17 : vector<1024x128xf32>
    %mul3A = vector.broadcast %rsqrt3A : vector<1024x1xf32> to vector<1024x128xf32>
    %mul3A_18 = arith.mulf %mul3A, %sub3A : vector<1024x128xf32>
    %get3A_19 = arith.constant 0 : index
    %get3A_20 = arith.constant 0 : index
    %get3A_21 = vector.load %arg4[%get3A_19, %get3A_20] : memref<1x128xf32, #tpu.memory_space<vmem>>, vector<1x128xf32>
    %add3A_22 = vector.broadcast %get3A_21 : vector<1x128xf32> to vector<1024x128xf32>
    %add3A_23 = arith.addf %mul3A_18, %add3A_22 : vector<1024x128xf32>
    %mul3A_24 = arith.constant 5.000000e-01 : f32
    %mul3A_25 = vector.broadcast %mul3A_24 : f32 to vector<1024x128xf32>
    %mul3A_26 = arith.mulf %mul3A_25, %add3A_23 : vector<1024x128xf32>
    %swap3A = arith.constant 0 : index
    %swap3A_27 = arith.constant 0 : index
    %swap3A_28 = vector.load %arg5[%swap3A, %swap3A_27] : memref<1024x128xf32, #tpu.memory_space<vmem>>, vector<1024x128xf32>
    tpu.vector_store %arg5[%swap3A, %swap3A_27], %mul3A_26 {strides = array<i32>} : memref<1024x128xf32, #tpu.memory_space<vmem>>, vector<1024x128xf32>,
    return
  }
  func.func @transform_0(%arg0: i32) -> (i32, i32, i32) {
    %c0_i32 = arith.constant 0 : i32
    %c0_i32_0 = arith.constant 0 : i32
    %c0_i32_1 = arith.constant 0 : i32
    return %c0_i32, %arg0, %c0_i32_0 : i32, i32, i32
  }
  func.func @transform_1(%arg0: i32) -> (i32, i32) {
    %c0_i32 = arith.constant 0 : i32
    %c0_i32_0 = arith.constant 0 : i32
    return %arg0, %c0_i32 : i32, i32
  }
  func.func @transform_2(%arg0: i32) -> (i32, i32) {
    %c0_i32 = arith.constant 0 : i32
    %c0_i32_0 = arith.constant 0 : i32
    return %arg0, %c0_i32 : i32, i32
  }
  func.func @transform_3(%arg0: i32) -> (i32, i32) {
    %c0_i32 = arith.constant 0 : i32
    %c0_i32_0 = arith.constant 0 : i32
    %c0_i32_1 = arith.constant 0 : i32
    return %c0_i32, %c0_i32_0 : i32, i32
  }
  func.func @transform_4(%arg0: i32) -> (i32, i32) {
    %c0_i32 = arith.constant 0 : i32
    %c0_i32_0 = arith.constant 0 : i32
    return %arg0, %c0_i32 : i32, i32
  }
}

module attributes {stable_mosaic.version = 14 : i64} {
  func.func @_mm_body(%arg0: i32, %arg1: memref<1024x128xf32, #tpu.memory_space<vmem>>, %arg2: memref<128x128xf32, #tpu.memory_space<vmem>>, %arg3: memref<1024x1xf32, #tpu.memory_space<vmem>>, %arg4: memref<1024x128xf32, #tpu.memory_space<vmem>>) attributes {dimension_semantics = [#tpu.dimension_semantics<arbitrary>], iteration_bounds = array<i64: 10>, scalar_prefetch = 0 : i64, scratch_operands = 0 : i64, tpu.core_type = #tpu.core_type<tc>, window_params = [{transform_indices = @transform_0, window_bounds = array<i64: 1024, 128>}, {pipeline_mode = #tpu.pipeline_mode<synchronous>, transform_indices = @transform_1, window_bounds = array<i64: 128, 128>}, {transform_indices = @transform_2, window_bounds = array<i64: 1024, 1>}, {transform_indices = @transform_3, window_bounds = array<i64: 1024, 128>}]} {
    %get3A = arith.constant 0 : index
    %get3A_0 = arith.constant 0 : index
    %get3A_1 = vector.load %arg3[%get3A, %get3A_0] : memref<1024x1xf32, #tpu.memory_space<vmem>>, vector<1024x1xf32>
    %add3A = arith.constant 1.000000e+00 : f32
    %add3A_2 = vector.broadcast %add3A : f32 to vector<1024x1xf32>
    %add3A_3 = arith.addf %get3A_1, %add3A_2 : vector<1024x1xf32>
    %rsqrt3A = math.rsqrt %add3A_3 : vector<1024x1xf32>
    %get3A_4 = arith.constant 0 : index
    %get3A_5 = arith.constant 0 : index
    %get3A_6 = vector.load %arg1[%get3A_4, %get3A_5] : memref<1024x128xf32, #tpu.memory_space<vmem>>, vector<1024x128xf32>
    %get3A_7 = arith.constant 0 : index
    %get3A_8 = arith.constant 0 : index
    %get3A_9 = vector.load %arg2[%get3A_7, %get3A_8] : memref<128x128xf32, #tpu.memory_space<vmem>>, vector<128x128xf32>
    %dot_general3A = arith.constant dense<0.000000e+00> : vector<1024x128xf32>
    %dot_general3A_10 = tpu.matmul %get3A_6, %get3A_9, %dot_general3A {dimension_numbers = #tpu.dot_dimension_numbers<[1], [0], [0], [1], [0, 0, 1, 1], [], []>, transpose_lhs_hint = false} : vector<1024x128xf32>, vector<128x128xf32>, vector<1024x128xf32> -> vector<1024x128xf32>
    %mul3A = vector.broadcast %rsqrt3A : vector<1024x1xf32> to vector<1024x128xf32>
    %mul3A_11 = arith.mulf %dot_general3A_10, %mul3A : vector<1024x128xf32>
    %swap3A = arith.constant 0 : index
    %swap3A_12 = arith.constant 0 : index
    %swap3A_13 = vector.load %arg4[%swap3A, %swap3A_12] : memref<1024x128xf32, #tpu.memory_space<vmem>>, vector<1024x128xf32>
    tpu.vector_store %arg4[%swap3A, %swap3A_12], %mul3A_11 {strides = array<i32>} : memref<1024x128xf32, #tpu.memory_space<vmem>>, vector<1024x128xf32>,
    return
  }
  func.func @transform_0(%arg0: i32) -> (i32, i32) {
    %c0_i32 = arith.constant 0 : i32
    %c0_i32_0 = arith.constant 0 : i32
    return %arg0, %c0_i32 : i32, i32
  }
  func.func @transform_1(%arg0: i32) -> (i32, i32) {
    %c0_i32 = arith.constant 0 : i32
    %c0_i32_0 = arith.constant 0 : i32
    %c0_i32_1 = arith.constant 0 : i32
    return %c0_i32, %c0_i32_0 : i32, i32
  }
  func.func @transform_2(%arg0: i32) -> (i32, i32) {
    %c0_i32 = arith.constant 0 : i32
    %c0_i32_0 = arith.constant 0 : i32
    return %arg0, %c0_i32 : i32, i32
  }
  func.func @transform_3(%arg0: i32) -> (i32, i32) {
    %c0_i32 = arith.constant 0 : i32
    %c0_i32_0 = arith.constant 0 : i32
    return %arg0, %c0_i32 : i32, i32
  }
}

</mosaic_0001>

<sc_bundles>
// kernel: kernel.6.cloned.1.call-start
scs
__scs_entry_jumppad:
0x0: {  	(pc) =	sbr.rel $0x88, $3  }
0x1: {  	(tag) =	ssettag $0x0;
	lr =	simm.s32 $0x1  }
0x2: {  	[smem:$0x3F9D] =	sst lr;
	_ =	strace $0xD0000000  }
0x3: {  	_ = 	snop  }
0x4: {  	_ = 	snop  }
0x5: {  	_ = 	snop  }
0x6: {  	_ = 	snop  }
0x7: {  	_ = 	snop  }
__scs_overlays_trampoline_lowered:
0x8: {  	[smem:$0x3FAC] =	sst s0  }
0x9: {  	[smem:$0x3FAD] =	sst s1  }
0xa: {  	[smem:$0x3FAE] =	sst s2  }
0xb: {  	[smem:$0x3FAF] =	sst s3  }
0xc: {  	[smem:$0x3FB0] =	sst s4  }
0xd: {  	[smem:$0x3FB1] =	sst s5  }
0xe: {  	[smem:$0x3FB2] =	sst s6  }
0xf: {  	[smem:$0x3FB3] =	sst s7  }
0x10: {  	[smem:$0x3FB4] =	sst s8  }
0x11: {  	[smem:$0x3FB5] =	sst s9;
	s0 =	simm.s32 @!p0 $0x0  }
0x12: {  	s1 =	sld [smem:$0x3F9B];
	s0 =	simm.s32 @p0 $0x1  }
0x13: {  	[smem:$0x3FB6] =	sst s0;
	s0 =	simm.s32 @!p1 $0x0  }
0x14: {  	s2 =	sld [smem:$0x3F9A];
	s0 =	simm.s32 @p1 $0x1  }
0x15: {  	[smem:$0x3FB7] =	sst s0;
	s0 =	simm.s32 @!p2 $0x0  }
0x16: {  	s3 =	sld [smem:$0x3FDB];
	s0 =	simm.s32 @p2 $0x1  }
0x17: {  	s4 =	simm.s32 $0x1BF5;
	[smem:$0x3FB9] =	sst s0  }
0x18: {  	s0 =	sld [smem:$0x3F9C];
	_ =	swait.ge [sflag:s4], $0x0  }
0x19: {  	s7 =	sld [smem:$0x3F9D]  }
0x1a: {  	s8 =	sadd.s32 $0xFFFFE003, lr  }
0x1b: {  	s9 =	sadd.s32 $0xFFFFFEF7, lr;
	s5 =	simm.s32 $0xFFFFFFFF;
	p2 =	slt.u32 s8, $0xFFFFF086  }
0x1c: {  	p1 =	slt.u32 s9, $0xF7A;
	s5 =	simm.s32 @!p2 $0x0  }
0x1d: {  	s5 =	simm.s32 @p1 $0x1;
	p0 =	seq.s32 s7, s2  }
0x1e: {  	s7 =	smul.u32 @!p0 $0xF7A, s2;
	p2 =	seq.s32 @!p0 s5, $0x0  }
0x1f: {  	s9 =	smul.u32 $0xF7A, s1;
	s8 =	simm.s32 @!p0 $0x1BF5;
	p2 =	por !p2, p0  }
0x20: {  	[sflag:s8] =	ssyncset.s32 @!p0 $0xFFFFF086;
	s6 =	sadd.s32 @!p0 s3, s7;
	s7 =	simm.s32 @!p0 $0x108  }
0x21: {  	s3 =	sadd.s32 s3, s9;
	s6 =	sadd.s32 @!p0 $0x88, s6;
	s7 =	simm.s32 @p2 $0x1082  }
0x22: {  	[simem:s7], [sflag:s8] =	dma.local @!p0 [hbm:s6], $0xF7A  }
0x23: {  	s9 =	sor.u32 $0xD0000000, s2;
	s6 =	simm.s32 $0x108;
	_ =	swait.ge @!p0 [sflag:s8], $0x0  }
0x24: {  	s3 =	sadd.s32 $0x88, s3;
	s6 =	simm.s32 @!p1 $0x1082;
	[sflag:s4] =	ssyncset.s32 $0xFFFFF086  }
0x25: {  	[simem:s6], [sflag:s4] =	dma.local [hbm:s3], $0xF7A  }
0x26: {  	[smem:$0x3F9D] =	sst s1;
	(tag) =	ssettag s2;
	_ =	strace s9  }
0x27: {  	s1 =	sld [smem:$0x3FAD]  }
0x28: {  	s2 =	sld [smem:$0x3FAE]  }
0x29: {  	s4 =	sld [smem:$0x3FB0]  }
0x2a: {  	p0 =	seq.s32 s5, $0x0;
	s5 =	sld [smem:$0x3FB1]  }
0x2b: {  	s6 =	sld [smem:$0x3FB2]  }
0x2c: {  	s7 =	sld [smem:$0x3FB3]  }
0x2d: {  	s3 =	simm.s32 $0x108;
	s8 =	sld [smem:$0x3FB4]  }
0x2e: {  	s3 =	simm.s32 @!p0 $0x1082;
	s9 =	sld [smem:$0x3FB5]  }
0x2f: {  	lr =	sadd.s32 s0, s3;
	s0 =	sld [smem:$0x3FAC]  }
0x30: {  	s3 =	sld [smem:$0x3FAF]  }
0x31: {  	[smem:$0x3FB8] =	sst s10  }
0x32: {  	s10 =	sld [smem:$0x3FB6];
	_ =	sdelay $0x3  }
0x33: {  	p0 =	seq.s32 s10, $0x1;
	s10 =	sld [smem:$0x3FB8];
	_ =	sdelay $0x3  }
0x34: {  	[smem:$0x3FB8] =	sst s10  }
0x35: {  	s10 =	sld [smem:$0x3FB7];
	_ =	sdelay $0x3  }
0x36: {  	p1 =	seq.s32 s10, $0x1;
	s10 =	sld [smem:$0x3FB8];
	_ =	sdelay $0x3  }
0x37: {  	[smem:$0x3FB8] =	sst s10  }
0x38: {  	s10 =	sld [smem:$0x3FB9]  }
0x39: {  	_ = 	snop;
	(pc) =	sbr.ind lr, $3  }
0x3a: {  	_ = 	snop  }
0x3b: {  	_ = 	snop  }
0x3c: {  	p2 =	seq.s32 s10, $0x1;
	s10 =	sld [smem:$0x3FB8]  }
0x3d: {  	_ =	shalt  }
0x3e: {  	_ =	shalt  }
0x3f: {  	_ =	shalt  }
0x40: {  	_ =	shalt  }
0x41: {  	_ =	shalt  }
0x42: {  	_ =	shalt  }
0x43: {  	_ =	shalt  }
0x44: {  	_ =	shalt  }
0x45: {  	_ =	shalt  }
0x46: {  	_ =	shalt  }
0x47: {  	_ =	shalt  }
0x48: {  	_ =	shalt  }
0x49: {  	_ =	shalt  }
0x4a: {  	_ =	shalt  }
0x4b: {  	_ =	shalt  }
0x4c: {  	_ =	shalt  }
0x4d: {  	_ =	shalt  }
0x4e: {  	_ =	shalt  }
0x4f: {  	_ =	shalt  }
0x50: {  	_ =	shalt  }
0x51: {  	_ =	shalt  }
0x52: {  	_ =	shalt  }
0x53: {  	_ =	shalt  }
0x54: {  	_ =	shalt  }
0x55: {  	_ =	shalt  }
0x56: {  	_ =	shalt  }
0x57: {  	_ =	shalt  }
0x58: {  	_ =	shalt  }
0x59: {  	_ =	shalt  }
0x5a: {  	_ =	shalt  }
0x5b: {  	_ =	shalt  }
0x5c: {  	_ =	shalt  }
0x5d: {  	_ =	shalt  }
0x5e: {  	_ =	shalt  }
0x5f: {  	_ =	shalt  }
0x60: {  	_ =	shalt  }
0x61: {  	_ =	shalt  }
0x62: {  	_ =	shalt  }
0x63: {  	_ =	shalt  }
0x64: {  	_ =	shalt  }
0x65: {  	_ =	shalt  }
0x66: {  	_ =	shalt  }
0x67: {  	_ =	shalt  }
0x68: {  	_ =	shalt  }
0x69: {  	_ =	shalt  }
0x6a: {  	_ =	shalt  }
0x6b: {  	_ =	shalt  }
0x6c: {  	_ =	shalt  }
0x6d: {  	_ =	shalt  }
0x6e: {  	_ =	shalt  }
0x6f: {  	_ =	shalt  }
0x70: {  	_ =	shalt  }
0x71: {  	_ =	shalt  }
0x72: {  	_ =	shalt  }
0x73: {  	_ =	shalt  }
0x74: {  	_ =	shalt  }
0x75: {  	_ =	shalt  }
0x76: {  	_ =	shalt  }
0x77: {  	_ =	shalt  }
0x78: {  	_ =	shalt  }
0x79: {  	_ =	shalt  }
0x7a: {  	_ =	shalt  }
0x7b: {  	_ =	shalt  }
0x7c: {  	_ =	shalt  }
0x7d: {  	_ =	shalt  }
0x7e: {  	_ =	shalt  }
0x7f: {  	_ =	shalt  }
0x80: {  	_ =	shalt  }
0x81: {  	_ =	shalt  }
0x82: {  	_ =	shalt  }
0x83: {  	_ =	shalt  }
0x84: {  	_ =	shalt  }
0x85: {  	_ =	shalt  }
0x86: {  	_ =	shalt  }
0x87: {  	_ =	shalt  }
.Lfunc_end0:
.L_simem_size_0:
called_computation_lowered:
.L_overlay_start_0:
0x88: {  	s2 =	sld [smem:$0x3FD9]  }
0x89: {  	s3 =	sld [smem:$0x3FFE];
	_ =	sdelay $0x1  }
0x8a: {  	s1 =	srdreg.scid  }
0x8b: {  	s0 =	sand.u32 $0x1, s1  }
0x8c: {  	s17 =	sshll.u32 s0, $0xA;
	s2 =	sadd.s32 s3, s2  }
0x8d: {  	s2 =	sadd.s32 s2, s17  }
0x8e: {  	[smem:$0x3FC4] =	sst s2  }
0x8f: {  	_ = 	snop  }
0x90: {  	s2 =	sld [smem:$0x3FD0];
	(tm) =	ssettm $0x1  }
0x91: {  	s18 =	sld [smem:$0x3FFB];
	_ =	sdelay $0x3  }
0x92: {  	_ =	strace s18  }
0x93: {  	s3 =	sld [smem:$0x3FFC];
	_ =	sdelay $0x3  }
0x94: {  	_ =	strace s3  }
0x95: {  	s3 =	sld [smem:$0x3FFD];
	_ =	sdelay $0x3  }
0x96: {  	_ =	strace s3  }
0x97: {  	_ =	strace $0x8FFFFFFF  }
0x98: {  	s19 =	sld [smem:$0x3FDB];
	_ =	sdelay $0x1  }
0x99: {  	s4 =	simm.s32 $_scs_section_size  }
0x9a: {  	s5 =	simm.s32 $_size__tile_overlayer_lowered;
	s6 =	simm.s32 $_tile_overlayer_lowered  }
0x9b: {  	s22 =	simm.s32 $0x1BFF;
	s21 =	sshll.u32 s6, $0x1;
	s3 =	sadd.s32 s4, s19  }
0x9c: {  	s7 =	simm.s32 $0x0;
	s20 =	sshll.u32 s5, $0x1;
	s5 =	sadd.s32 s21, s3  }
0x9d: {  	[timem:s7], [sflag:s22] =	dma.local [hbm:s5], s20  }
0x9e: {  	_ =	swait.ge [sflag:s22], s20  }
0x9f: {  	s4 =	ssub.s32 $0x0, s20;
	[sflag:s22] =	ssyncset.done $0x0  }
0xa0: {  	[sflag:s22] =	ssyncadd.s32 s4;
	_ =	sdelay $0x1  }
0xa1: {  	s23 =	simm.s32 $0x1B8B  }
0xa2: {  	_ =	swait.ge [sflag:s23], $0x1  }
0xa3: {  	[sflag:s23] =	ssyncset.done $0x0  }
0xa4: {  	s25 =	simm.s32 $0x1B8E;
	s24 =	sld [smem:$0x3FFE];
	[sflag:s23] =	ssyncadd.s32 $0xFFFFFFFF  }
0xa5: {  	s26 =	simm.s32 $execute0_lowered;
	[smem:$0x3FD2] =	sst s25  }
0xa6: {  	s5 =	sshll.u32 s26, $0x1;
	_ =	strace $0x80000046;
	[dreg:$0x1] =	wrdreg $0xFFFFFFFF  }
0xa7: {  	s28 =	simm.s32 $_size_execute0_lowered;
	s3 =	sadd.s32 s3, s5;
	[dreg:$0x0] =	wrdreg $0x0  }
0xa8: {  	s5 =	sshll.u32 s28, $0x1;
	[dreg:$0x2] =	wrdreg s3  }
0xa9: {  	[dreg:$0x3] =	wrdreg s5  }
0xaa: {  	[dreg:$0x4] =	wrdreg $0xC0  }
0xab: {  	_ =	task [dreg:s7], $0x5FFFF  }
0xac: {  	[dreg:$0x1] =	wrdreg $0xFFFFFFFF  }
0xad: {  	[dreg:$0x0] =	wrdreg $0x60  }
0xae: {  	[dreg:$0x2] =	wrdreg s24  }
0xaf: {  	[dreg:$0x3] =	wrdreg s2  }
0xb0: {  	[dreg:$0x4] =	wrdreg $0x0  }
0xb1: {  	[dreg:$0x5] =	wrdreg $0x9  }
0xb2: {  	_ =	task.clear_ibuf [dreg:s7], $0x6FFFF;
	_ =	strace $0x90000046  }
0xb3: {  	s29 =	simm.s32 $0x9;
	_ =	strace $0x80000048  }
0xb4: {  	_ =	swait.ge [sflag:s29], $0x1  }
0xb5: {  	[sflag:s29] =	ssyncadd.s32 $0xFFFFFFFF  }
0xb6: {  	_ =	strace $0x90000048  }
0xb7: {  	_ =	sfence  }
0xb8: {  	s30 =	sld [smem:$0x0];
	_ =	sdelay $0x2  }
0xb9: {  	s31 =	sshll.u32 s1, $0xD;
	s1 =	sshrl.u32 s1, $0x2  }
0xba: {  	s3 =	sand.u32 $0x4000, s31;
	s1 =	sadd.s32 s1, s30  }
0xbb: {  	s0 =	sor.u32 s3, s0;
	s1 =	sshll.u32 s1, $0x11  }
0xbc: {  	s0 =	sor.u32 s1, s0  }
0xbd: {  	s0 =	sadd.s32 $0x8F2B, s0  }
0xbe: {  	[sflag:s0] =	ssyncadd.remote.s32 $0x1  }
0xbf: {  	_ =	sfence.sel $0xFFFF  }
0xc0: {  	[dreg:$0x0] =	wrdreg $0xFFFFFFFF;
	(pc) =	sbr.abs _section_cstart, $3  }
0xc1: {  	[dreg:$0x1] =	wrdreg $0xFFFFFFFF  }
0xc2: {  	_ =	task.clear_ibuf [dreg:s7], $0x2FFFF;
	_ =	strace $0x9FFFFFFF  }
0xc3: {  	(tm) =	ssettm $0x7FFFFFFF  }
tec
execute0_lowered:
.L_overlay_start_1:
0x0: {  	(tag) =	ssettag $0x1  }
0x1: {  	s0 =	rddreg [dreg:$0x0]  }
0x2: {  	s1 =	srdreg.scid;
	s4 =	rddreg [dreg:$0x1]  }
0x3: {  	s26 =	stileid.u32;
	s29 =	rddreg [dreg:$0x2]  }
0x4: {  	s30 =	simm.s32 $0x18800;
	s3 =	sand.u32 $0x1, s1;
	s5 =	smul.u32 $0xA000, s26  }
0x5: {  	s1 =	simm.s32 $0x0;
	s6 =	sadd.s32 $0xC00, s0;
	s10 =	smul.u32 $0x280, s26  }
0x6: {  	s17 =	smul.u32 $0x14000, s26;
	s2 =	ssub.s32 $0x2, s3;
	s5 =	sshrl.u32 s5, $0x3  }
0x7: {  	[smem:$0x7FF] =	sst s1;
	s7 =	sshrl.u32 s2, $0x1;
	s21 =	sadd.s32 s4, s5  }
0x8: {  	s22 =	sadd.s32 s6, s5;
	s23 =	sor.u32 $0x280, s5;
	[dreg:$0x4] =	wrdreg s21  }
0x9: {  	s2 =	ssub.s32 s2, s7;
	[dreg:$0x5] =	wrdreg s22;
	s8 =	sadd.s32 s4, s23  }
0xa: {  	s24 =	sadd.s32 $0x500, s5;
	s7 =	sadd.s32 s6, s23;
	[dreg:$0x6] =	wrdreg s8  }
0xb: {  	s28 =	sadd.s32 $0x780, s5;
	s25 =	sadd.s32 s4, s24;
	[dreg:$0x7] =	wrdreg s7  }
0xc: {  	s11 =	sadd.s32 $0xA00, s5;
	s9 =	sadd.s32 s4, s28;
	[dreg:$0x8] =	wrdreg s25  }
0xd: {  	s13 =	sadd.s32 $0xC80, s5;
	s12 =	sadd.s32 s4, s11;
	[dreg:$0xa] =	wrdreg s9  }
0xe: {  	s15 =	sadd.s32 $0xF00, s5;
	s14 =	sadd.s32 s4, s13;
	[dreg:$0xc] =	wrdreg s12  }
0xf: {  	s5 =	sadd.s32 $0x1180, s5;
	s16 =	sadd.s32 s4, s15;
	[dreg:$0xe] =	wrdreg s14  }
0x10: {  	s31 =	sadd.s32 $0x14C00, s0;
	s4 =	sadd.s32 s4, s5;
	[dreg:$0x10] =	wrdreg s16  }
0x11: {  	p0 =	sne.s32 s3, $0x0;
	s5 =	sadd.s32 s6, s5;
	[dreg:$0x12] =	wrdreg s4  }
0x12: {  	s2 =	smax.u32 s2, $0x1;
	s7 =	sadd.s32 s6, s24;
	[dreg:$0x13] =	wrdreg s5  }
0x13: {  	s12 =	sor.u32 $0x40, s10;
	s8 =	sadd.s32 $0x100, s10;
	s9 =	sadd.s32 $0x140, s10  }
0x14: {  	s4 =	sadd.s32 $0x200, s10;
	[dreg:$0x9] =	wrdreg s7;
	s7 =	sadd.s32 s6, s28  }
0x15: {  	s5 =	sadd.s32 $0x240, s10;
	[dreg:$0xb] =	wrdreg s7;
	s7 =	sadd.s32 s6, s11  }
0x16: {  	s11 =	smul.u32 $0x140000, s3;
	[dreg:$0xd] =	wrdreg s7;
	s7 =	sadd.s32 s6, s13  }
0x17: {  	s16 =	sshll.u32 s12, $0x7;
	s13 =	sadd.s32 $0x80, s10;
	[dreg:$0xf] =	wrdreg s7  }
0x18: {  	s7 =	sadd.s32 s6, s15;
	s14 =	sadd.s32 s11, s17;
	s15 =	sadd.s32 $0xC0, s10  }
0x19: {  	s6 =	sadd.s32 $0x180, s10;
	s17 =	sshll.u32 s13, $0x7;
	s19 =	sadd.s32 s11, s16  }
0x1a: {  	[dreg:$0x11] =	wrdreg s7;
	s18 =	sshrl.u32 s14, $0x3;
	s14 =	sadd.s32 $0x3CC00, s0  }
0x1b: {  	s7 =	sadd.s32 $0x1C0, s10;
	s10 =	sadd.s32 s14, s18;
	s18 =	sadd.s32 s11, s17  }
0x1c: {  	[dreg:$0x14] =	wrdreg s10;
	s10 =	sshrl.u32 s19, $0x3;
	s18 =	sshrl.u32 s18, $0x3  }
0x1d: {  	s19 =	sshll.u32 s15, $0x7;
	s10 =	sadd.s32 s14, s10;
	s20 =	sadd.s32 s14, s18  }
0x1e: {  	s21 =	sadd.s32 s11, s19;
	s18 =	sshll.u32 s8, $0x7;
	[dreg:$0x15] =	wrdreg s10  }
0x1f: {  	[dreg:$0x16] =	wrdreg s20;
	s10 =	sshrl.u32 s21, $0x3;
	s20 =	sshll.u32 s9, $0x7  }
0x20: {  	s22 =	sadd.s32 s11, s18;
	s18 =	sadd.s32 s18, s29;
	s10 =	sadd.s32 s14, s10  }
0x21: {  	s21 =	sadd.s32 s11, s20;
	[dreg:$0x17] =	wrdreg s10;
	s10 =	sshrl.u32 s22, $0x3  }
0x22: {  	s21 =	sshrl.u32 s21, $0x3;
	s22 =	sshll.u32 s6, $0x7;
	s10 =	sadd.s32 s14, s10  }
0x23: {  	s23 =	sadd.s32 s14, s21;
	s24 =	sadd.s32 s11, s22;
	[dreg:$0x18] =	wrdreg s10  }
0x24: {  	s21 =	sshll.u32 s7, $0x7;
	[dreg:$0x19] =	wrdreg s23;
	s10 =	sshrl.u32 s24, $0x3  }
0x25: {  	s23 =	sshll.u32 s4, $0x7;
	s25 =	sadd.s32 s11, s21;
	s10 =	sadd.s32 s14, s10  }
0x26: {  	s24 =	sadd.s32 s11, s23;
	[dreg:$0x1a] =	wrdreg s10;
	s10 =	sshrl.u32 s25, $0x3  }
0x27: {  	s24 =	sshrl.u32 s24, $0x3;
	s25 =	sshll.u32 s5, $0x7;
	s10 =	sadd.s32 s14, s10  }
0x28: {  	s28 =	sadd.s32 s14, s24;
	s24 =	sadd.s32 s11, s25;
	[dreg:$0x1b] =	wrdreg s10  }
0x29: {  	s20 =	sadd.s32 s20, s29;
	[dreg:$0x1c] =	wrdreg s28;
	s10 =	sshrl.u32 s24, $0x3  }
0x2a: {  	s28 =	smul.u32 $0x50000, s26;
	s24 =	sshll.u32 s12, $0x4;
	s12 =	sadd.s32 s16, s29  }
0x2b: {  	s16 =	sshll.u32 s6, $0x4;
	s10 =	sadd.s32 s14, s10;
	s14 =	smul.u32 $0x2800, s26  }
0x2c: {  	s0 =	sadd.s32 s31, s24;
	s26 =	sshll.u32 s13, $0x4;
	s24 =	sadd.s32 s17, s29  }
0x2d: {  	s13 =	sshll.u32 s8, $0x4;
	s17 =	sshll.u32 s7, $0x4;
	s7 =	simm.s32 $0x1  }
0x2e: {  	[dreg:$0x1d] =	wrdreg s10;
	s11 =	sshrl.u32 s28, $0x2;
	s28 =	sshll.u32 s15, $0x4  }
0x2f: {  	_ =	strace $0x80000047;
	s3 =	sadd.s32 s11, s29;
	[dreg:$0x1f] =	wrdreg s2  }
0x30: {  	s10 =	sadd.s32 s31, s14;
	[smem:$0x7F2] =	sst s0;
	s0 =	sadd.s32 s31, s26  }
0x31: {  	s11 =	sadd.s32 s31, s28;
	s26 =	sadd.s32 s19, s29;
	s14 =	sshll.u32 s9, $0x4  }
0x32: {  	s19 =	sadd.s32 s31, s17;
	s17 =	sadd.s32 s21, s29;
	[smem:$0x7F3] =	sst s0  }
0x33: {  	s21 =	sshll.u32 s4, $0x4;
	s2 =	simm.s32 $0x1A800;
	[smem:$0x7F4] =	sst s11  }
0x34: {  	s9 =	simm.s32 $0x2;
	s4 =	simm.s32 $0x0;
	[smem:$0x7F8] =	sst s19  }
0x35: {  	s8 =	smov.u32 s3;
	s0 =	sadd.s32 s31, s13;
	[smem:$0x7FB] =	sst s10  }
0x36: {  	s15 =	sadd.s32 s31, s14;
	s19 =	sadd.s32 s23, s29;
	[smem:$0x7FD] =	sst s26  }
0x37: {  	s23 =	simm.s32 $0x14000;
	s11 =	simm.s32 $0x3;
	[smem:$0x7F5] =	sst s0  }
0x38: {  	s13 =	simm.s32 $0x4;
	[smem:$0x7F6] =	sst s15;
	s0 =	sadd.s32 s31, s16  }
.Ltmp0:
0x39: {  	s15 =	sadd.s32 s22, s29;
	[dreg:$0x1e] =	wrdreg s8;
	(pc) =	sbr.rel .LBB2_1-.Ltmp0, $4  }
0x3a: {  	s22 =	sshll.u32 s5, $0x4;
	[smem:$0x7F7] =	sst s0;
	s0 =	sadd.s32 s31, s21  }
0x3b: {  	s5 =	simm.s32 $0x1C800;
	s28 =	sadd.s32 s31, s22;
	[smem:$0x7F9] =	sst s0  }
0x3c: {  	s21 =	simm.s32 $0x16800;
	[smem:$0x7FA] =	sst s28;
	s0 =	sadd.s32 s25, s29  }
0x3d: {  	s22 =	simm.s32 $0x5;
	s25 =	simm.s32 $0x40;
	[smem:$0x7FC] =	sst s0  }
.LBB2_18:
0x3e: {  	[tilespmem:s5], [sflag:$0x4] =	stream.indirect.gather [hbm4b:s31+s25], $0x80, s8, s25, $0xb8;
	[tilespmem:$0x1E800] =	vst v63  }
0x3f: {  	_ =	swait.ge [sflag:s7], $0x2000  }
0x40: {  	[sflag:s7] =	ssyncset.done $0x0  }
0x41: {  	[sflag:s7] =	ssyncadd.s32 $0xFFFFE000  }
0x42: {  	[spmem:s29] =	stream.indirect.scatter.add.f32 [tilespmem:s21], [sflag:$0x5], $0x80, s24, s25, $0xb8;
	[tilespmem:$0x1E800] =	vst v63  }
0x43: {  	_ =	swait.ge [sflag:s22], $0x2000  }
0x44: {  	[sflag:s22] =	ssyncset.done $0x0  }
0x45: {  	[sflag:s22] =	ssyncadd.s32 $0xFFFFE000  }
0x46: {  	_ =	swait.ge [sflag:s9], $0x2000  }
0x47: {  	[sflag:s9] =	ssyncset.done $0x0  }
0x48: {  	[sflag:s9] =	ssyncadd.s32 $0xFFFFE000  }
0x49: {  	[spmem:s29] =	stream.indirect.scatter.add.f32 [tilespmem:s30], [sflag:$0x5], $0x80, s26, s25, $0xb8;
	[tilespmem:$0x1E800] =	vst v63  }
0x4a: {  	_ =	swait.ge [sflag:s22], $0x2000  }
0x4b: {  	[sflag:s22] =	ssyncset.done $0x0  }
0x4c: {  	[sflag:s22] =	ssyncadd.s32 $0xFFFFE000  }
0x4d: {  	_ =	swait.ge [sflag:s11], $0x2000  }
0x4e: {  	[sflag:s11] =	ssyncset.done $0x0  }
0x4f: {  	s0 =	simm.s32 $0x16700;
	[sflag:s11] =	ssyncadd.s32 $0xFFFFE000  }
0x50: {  	[spmem:s29] =	stream.indirect.scatter.add.f32 [tilespmem:s2], [sflag:$0x5], $0x80, s0, s25, $0xb8;
	[tilespmem:$0x1E800] =	vst v63  }
0x51: {  	_ =	swait.ge [sflag:s22], $0x2000  }
0x52: {  	[sflag:s22] =	ssyncset.done $0x0  }
0x53: {  	[sflag:s22] =	ssyncadd.s32 $0xFFFFE000  }
0x54: {  	_ =	swait.ge [sflag:s13], $0x2000  }
0x55: {  	[sflag:s13] =	ssyncset.done $0x0  }
0x56: {  	s26 =	simm.s32 $0x16780;
	[sflag:s13] =	ssyncadd.s32 $0xFFFFE000  }
0x57: {  	[spmem:s29] =	stream.indirect.scatter.add.f32 [tilespmem:s5], [sflag:$0x5], $0x80, s26, s25, $0xb8;
	[tilespmem:$0x1E800] =	vst v63  }
0x58: {  	_ =	swait.ge [sflag:s22], $0x2000  }
0x59: {  	[sflag:s22] =	ssyncset.done $0x0;
	s8 =	rddreg [dreg:$0x1e]  }
0x5a: {  	s10 =	sld [smem:$0x7FB];
	[sflag:s22] =	ssyncadd.s32 $0xFFFFE000  }
.LBB2_19:
0x5b: {  	[bflag:$0x0] =	sbarrier.arrive $0xFFFF  }
0x5c: {  	[tilespmem:s21], [sflag:$0x5] =	stream.linear.gather [spmem:s8], $0x2000, $0x38;
	[tilespmem:$0x1E800] =	vst v63  }
0x5d: {  	_ =	swait.ge [sflag:s22], $0x2000  }
0x5e: {  	[sflag:s22] =	ssyncset.done $0x0  }
0x5f: {  	s6 =	rddreg [dreg:$0x14];
	[sflag:s22] =	ssyncadd.s32 $0xFFFFE000  }
0x60: {  	[hbm4b:s6+s1] =	stream.linear.scatter [tilespmem:s21], [sflag:$0x5], $0x2000, $0x38;
	[tilespmem:$0x1E800] =	vst v63  }
0x61: {  	_ =	swait.ge [sflag:s22], $0x2000  }
0x62: {  	[sflag:s22] =	ssyncset.done $0x0  }
0x63: {  	[sflag:s22] =	ssyncadd.s32 $0xFFFFE000  }
0x64: {  	[tilespmem:s21], [sflag:$0x5] =	stream.linear.gather [spmem:s14], $0x2000, $0x38;
	[tilespmem:$0x1E800] =	vst v63  }
0x65: {  	_ =	swait.ge [sflag:s22], $0x2000  }
0x66: {  	[sflag:s22] =	ssyncset.done $0x0  }
0x67: {  	s26 =	rddreg [dreg:$0x15];
	[sflag:s22] =	ssyncadd.s32 $0xFFFFE000  }
0x68: {  	[hbm4b:s26+s1] =	stream.linear.scatter [tilespmem:s21], [sflag:$0x5], $0x2000, $0x38;
	[tilespmem:$0x1E800] =	vst v63  }
0x69: {  	_ =	swait.ge [sflag:s22], $0x2000  }
0x6a: {  	[sflag:s22] =	ssyncset.done $0x0  }
0x6b: {  	[sflag:s22] =	ssyncadd.s32 $0xFFFFE000  }
0x6c: {  	[tilespmem:s21], [sflag:$0x5] =	stream.linear.gather [spmem:s16], $0x2000, $0x38;
	[tilespmem:$0x1E800] =	vst v63  }
0x6d: {  	_ =	swait.ge [sflag:s22], $0x2000  }
0x6e: {  	[sflag:s22] =	ssyncset.done $0x0  }
0x6f: {  	s0 =	rddreg [dreg:$0x16];
	[sflag:s22] =	ssyncadd.s32 $0xFFFFE000  }
0x70: {  	[hbm4b:s0+s1] =	stream.linear.scatter [tilespmem:s21], [sflag:$0x5], $0x2000, $0x38;
	[tilespmem:$0x1E800] =	vst v63  }
0x71: {  	_ =	swait.ge [sflag:s22], $0x2000  }
0x72: {  	s26 =	sld [smem:$0x7FD]  }
0x73: {  	[sflag:s22] =	ssyncset.done $0x0  }
0x74: {  	[sflag:s22] =	ssyncadd.s32 $0xFFFFE000  }
0x75: {  	[tilespmem:s21], [sflag:$0x5] =	stream.linear.gather [spmem:s26], $0x2000, $0x38;
	[tilespmem:$0x1E800] =	vst v63  }
0x76: {  	_ =	swait.ge [sflag:s22], $0x2000  }
0x77: {  	[sflag:s22] =	ssyncset.done $0x0  }
0x78: {  	s12 =	smov.u32 s14;
	s14 =	rddreg [dreg:$0x17];
	[sflag:s22] =	ssyncadd.s32 $0xFFFFE000  }
0x79: {  	[hbm4b:s14+s1] =	stream.linear.scatter [tilespmem:s21], [sflag:$0x5], $0x2000, $0x38;
	[tilespmem:$0x1E800] =	vst v63  }
0x7a: {  	_ =	swait.ge [sflag:s22], $0x2000  }
0x7b: {  	[sflag:s22] =	ssyncset.done $0x0  }
0x7c: {  	[sflag:s22] =	ssyncadd.s32 $0xFFFFE000  }
0x7d: {  	[tilespmem:s21], [sflag:$0x5] =	stream.linear.gather [spmem:s3], $0x2000, $0x38;
	[tilespmem:$0x1E800] =	vst v63  }
0x7e: {  	_ =	swait.ge [sflag:s22], $0x2000  }
0x7f: {  	[sflag:s22] =	ssyncset.done $0x0  }
0x80: {  	s24 =	smov.u32 s16;
	s16 =	rddreg [dreg:$0x18];
	[sflag:s22] =	ssyncadd.s32 $0xFFFFE000  }
0x81: {  	[hbm4b:s16+s1] =	stream.linear.scatter [tilespmem:s21], [sflag:$0x5], $0x2000, $0x38;
	[tilespmem:$0x1E800] =	vst v63  }
0x82: {  	_ =	swait.ge [sflag:s22], $0x2000  }
0x83: {  	[sflag:s22] =	ssyncset.done $0x0  }
0x84: {  	[sflag:s22] =	ssyncadd.s32 $0xFFFFE000  }
0x85: {  	[tilespmem:s21], [sflag:$0x5] =	stream.linear.gather [spmem:s20], $0x2000, $0x38;
	[tilespmem:$0x1E800] =	vst v63  }
0x86: {  	_ =	swait.ge [sflag:s22], $0x2000  }
0x87: {  	[sflag:s22] =	ssyncset.done $0x0  }
0x88: {  	s19 =	rddreg [dreg:$0x19];
	[sflag:s22] =	ssyncadd.s32 $0xFFFFE000  }
0x89: {  	[hbm4b:s19+s1] =	stream.linear.scatter [tilespmem:s21], [sflag:$0x5], $0x2000, $0x38;
	[tilespmem:$0x1E800] =	vst v63  }
0x8a: {  	_ =	swait.ge [sflag:s22], $0x2000  }
0x8b: {  	[sflag:s22] =	ssyncset.done $0x0  }
0x8c: {  	[sflag:s22] =	ssyncadd.s32 $0xFFFFE000  }
0x8d: {  	[tilespmem:s21], [sflag:$0x5] =	stream.linear.gather [spmem:s15], $0x2000, $0x38;
	[tilespmem:$0x1E800] =	vst v63  }
0x8e: {  	_ =	swait.ge [sflag:s22], $0x2000  }
0x8f: {  	[sflag:s22] =	ssyncset.done $0x0  }
0x90: {  	s0 =	rddreg [dreg:$0x1a];
	[sflag:s22] =	ssyncadd.s32 $0xFFFFE000  }
0x91: {  	[hbm4b:s0+s1] =	stream.linear.scatter [tilespmem:s21], [sflag:$0x5], $0x2000, $0x38;
	[tilespmem:$0x1E800] =	vst v63  }
0x92: {  	_ =	swait.ge [sflag:s22], $0x2000  }
0x93: {  	[sflag:s22] =	ssyncset.done $0x0  }
0x94: {  	[sflag:s22] =	ssyncadd.s32 $0xFFFFE000  }
0x95: {  	[tilespmem:s21], [sflag:$0x5] =	stream.linear.gather [spmem:s17], $0x2000, $0x38;
	[tilespmem:$0x1E800] =	vst v63  }
0x96: {  	_ =	swait.ge [sflag:s22], $0x2000  }
0x97: {  	[sflag:s22] =	ssyncset.done $0x0  }
0x98: {  	s18 =	smov.u32 s3;
	s3 =	rddreg [dreg:$0x1b];
	[sflag:s22] =	ssyncadd.s32 $0xFFFFE000  }
0x99: {  	[hbm4b:s3+s1] =	stream.linear.scatter [tilespmem:s21], [sflag:$0x5], $0x2000, $0x38;
	[tilespmem:$0x1E800] =	vst v63  }
0x9a: {  	_ =	swait.ge [sflag:s22], $0x2000  }
0x9b: {  	[sflag:s22] =	ssyncset.done $0x0  }
0x9c: {  	[sflag:s22] =	ssyncadd.s32 $0xFFFFE000  }
0x9d: {  	[tilespmem:s21], [sflag:$0x5] =	stream.linear.gather [spmem:s28], $0x2000, $0x38;
	[tilespmem:$0x1E800] =	vst v63  }
0x9e: {  	_ =	swait.ge [sflag:s22], $0x2000  }
0x9f: {  	[sflag:s22] =	ssyncset.done $0x0  }
0xa0: {  	s14 =	rddreg [dreg:$0x1c];
	[sflag:s22] =	ssyncadd.s32 $0xFFFFE000  }
0xa1: {  	[hbm4b:s14+s1] =	stream.linear.scatter [tilespmem:s21], [sflag:$0x5], $0x2000, $0x38;
	[tilespmem:$0x1E800] =	vst v63  }
0xa2: {  	_ =	swait.ge [sflag:s22], $0x2000  }
0xa3: {  	s0 =	sld [smem:$0x7FC]  }
0xa4: {  	[sflag:s22] =	ssyncset.done $0x0  }
0xa5: {  	[sflag:s22] =	ssyncadd.s32 $0xFFFFE000  }
0xa6: {  	[tilespmem:s21], [sflag:$0x5] =	stream.linear.gather [spmem:s0], $0x2000, $0x38;
	[tilespmem:$0x1E800] =	vst v63  }
0xa7: {  	_ =	swait.ge [sflag:s22], $0x2000  }
0xa8: {  	[sflag:s22] =	ssyncset.done $0x0  }
0xa9: {  	s16 =	rddreg [dreg:$0x1d];
	[sflag:s22] =	ssyncadd.s32 $0xFFFFE000  }
0xaa: {  	[hbm4b:s16+s1] =	stream.linear.scatter [tilespmem:s21], [sflag:$0x5], $0x2000, $0x38;
	[tilespmem:$0x1E800] =	vst v63  }
0xab: {  	_ =	swait.ge [sflag:s22], $0x2000  }
0xac: {  	s4 =	sadd.s32 $0x1, s4;
	s19 =	smov.u32 s28;
	s28 =	rddreg [dreg:$0x1f]  }
0xad: {  	p1 =	sne.s32 s4, s28  }
.Ltmp1:
0xae: {  	_ = 	snop;
	(pc) =	sbr.rel @!p1 .LBB2_20-.Ltmp1, $3  }
0xaf: {  	_ =	sdelay $0x1  }
0xb0: {  	[sflag:s22] =	ssyncset.done $0x0  }
0xb1: {  	[sflag:s22] =	ssyncadd.s32 $0xFFFFE000  }
.LBB2_1:
0xb2: {  	[tilespmem:s21], [sflag:$0x5] =	stream.linear.gather [hbm4b:s10+s1], $0x2000, $0x38;
	[tilespmem:$0x1E800] =	vst v63  }
0xb3: {  	_ =	swait.ge [sflag:s22], $0x2000  }
0xb4: {  	[sflag:s22] =	ssyncset.done $0x0  }
0xb5: {  	[sflag:s22] =	ssyncadd.s32 $0xFFFFE000  }
0xb6: {  	[spmem:s8] =	stream.linear.scatter [tilespmem:s21], [sflag:$0x5], $0x2000, $0x38;
	[tilespmem:$0x1E800] =	vst v63  }
0xb7: {  	_ =	swait.ge [sflag:s22], $0x2000  }
0xb8: {  	s6 =	sld [smem:$0x7F2]  }
0xb9: {  	[sflag:s22] =	ssyncset.done $0x0  }
0xba: {  	[sflag:s22] =	ssyncadd.s32 $0xFFFFE000  }
0xbb: {  	[tilespmem:s21], [sflag:$0x5] =	stream.linear.gather [hbm4b:s6+s1], $0x2000, $0x38;
	[tilespmem:$0x1E800] =	vst v63  }
0xbc: {  	_ =	swait.ge [sflag:s22], $0x2000  }
0xbd: {  	[sflag:s22] =	ssyncset.done $0x0  }
0xbe: {  	[sflag:s22] =	ssyncadd.s32 $0xFFFFE000  }
0xbf: {  	[spmem:s12] =	stream.linear.scatter [tilespmem:s21], [sflag:$0x5], $0x2000, $0x38;
	[tilespmem:$0x1E800] =	vst v63  }
0xc0: {  	_ =	swait.ge [sflag:s22], $0x2000  }
0xc1: {  	s3 =	sld [smem:$0x7F3]  }
0xc2: {  	[sflag:s22] =	ssyncset.done $0x0  }
0xc3: {  	[sflag:s22] =	ssyncadd.s32 $0xFFFFE000  }
0xc4: {  	[tilespmem:s21], [sflag:$0x5] =	stream.linear.gather [hbm4b:s3+s1], $0x2000, $0x38;
	[tilespmem:$0x1E800] =	vst v63  }
0xc5: {  	_ =	swait.ge [sflag:s22], $0x2000  }
0xc6: {  	[sflag:s22] =	ssyncset.done $0x0  }
0xc7: {  	[sflag:s22] =	ssyncadd.s32 $0xFFFFE000  }
0xc8: {  	[spmem:s24] =	stream.linear.scatter [tilespmem:s21], [sflag:$0x5], $0x2000, $0x38;
	[tilespmem:$0x1E800] =	vst v63  }
0xc9: {  	_ =	swait.ge [sflag:s22], $0x2000  }
0xca: {  	s14 =	smov.u32 s12;
	s12 =	sld [smem:$0x7F4]  }
0xcb: {  	[sflag:s22] =	ssyncset.done $0x0  }
0xcc: {  	[sflag:s22] =	ssyncadd.s32 $0xFFFFE000  }
0xcd: {  	[tilespmem:s21], [sflag:$0x5] =	stream.linear.gather [hbm4b:s12+s1], $0x2000, $0x38;
	[tilespmem:$0x1E800] =	vst v63  }
0xce: {  	_ =	swait.ge [sflag:s22], $0x2000  }
0xcf: {  	[sflag:s22] =	ssyncset.done $0x0  }
0xd0: {  	[sflag:s22] =	ssyncadd.s32 $0xFFFFE000  }
0xd1: {  	[spmem:s26] =	stream.linear.scatter [tilespmem:s21], [sflag:$0x5], $0x2000, $0x38;
	[tilespmem:$0x1E800] =	vst v63  }
0xd2: {  	_ =	swait.ge [sflag:s22], $0x2000  }
0xd3: {  	s16 =	smov.u32 s24;
	s24 =	sld [smem:$0x7F5]  }
0xd4: {  	[sflag:s22] =	ssyncset.done $0x0  }
0xd5: {  	[sflag:s22] =	ssyncadd.s32 $0xFFFFE000  }
0xd6: {  	[tilespmem:s21], [sflag:$0x5] =	stream.linear.gather [hbm4b:s24+s1], $0x2000, $0x38;
	[tilespmem:$0x1E800] =	vst v63  }
0xd7: {  	_ =	swait.ge [sflag:s22], $0x2000  }
0xd8: {  	[sflag:s22] =	ssyncset.done $0x0  }
0xd9: {  	[sflag:s22] =	ssyncadd.s32 $0xFFFFE000  }
0xda: {  	[spmem:s18] =	stream.linear.scatter [tilespmem:s21], [sflag:$0x5], $0x2000, $0x38;
	[tilespmem:$0x1E800] =	vst v63  }
0xdb: {  	_ =	swait.ge [sflag:s22], $0x2000  }
0xdc: {  	s26 =	sld [smem:$0x7F6]  }
0xdd: {  	[sflag:s22] =	ssyncset.done $0x0  }
0xde: {  	[sflag:s22] =	ssyncadd.s32 $0xFFFFE000  }
0xdf: {  	[tilespmem:s21], [sflag:$0x5] =	stream.linear.gather [hbm4b:s26+s1], $0x2000, $0x38;
	[tilespmem:$0x1E800] =	vst v63  }
0xe0: {  	_ =	swait.ge [sflag:s22], $0x2000  }
0xe1: {  	[sflag:s22] =	ssyncset.done $0x0  }
0xe2: {  	[sflag:s22] =	ssyncadd.s32 $0xFFFFE000  }
0xe3: {  	[spmem:s20] =	stream.linear.scatter [tilespmem:s21], [sflag:$0x5], $0x2000, $0x38;
	[tilespmem:$0x1E800] =	vst v63  }
0xe4: {  	_ =	swait.ge [sflag:s22], $0x2000  }
0xe5: {  	s12 =	sld [smem:$0x7F7]  }
0xe6: {  	[sflag:s22] =	ssyncset.done $0x0  }
0xe7: {  	[sflag:s22] =	ssyncadd.s32 $0xFFFFE000  }
0xe8: {  	[tilespmem:s21], [sflag:$0x5] =	stream.linear.gather [hbm4b:s12+s1], $0x2000, $0x38;
	[tilespmem:$0x1E800] =	vst v63  }
0xe9: {  	_ =	swait.ge [sflag:s22], $0x2000  }
0xea: {  	[sflag:s22] =	ssyncset.done $0x0  }
0xeb: {  	[sflag:s22] =	ssyncadd.s32 $0xFFFFE000  }
0xec: {  	[spmem:s15] =	stream.linear.scatter [tilespmem:s21], [sflag:$0x5], $0x2000, $0x38;
	[tilespmem:$0x1E800] =	vst v63  }
0xed: {  	_ =	swait.ge [sflag:s22], $0x2000  }
0xee: {  	s3 =	smov.u32 s18;
	s18 =	sld [smem:$0x7F8]  }
0xef: {  	[sflag:s22] =	ssyncset.done $0x0  }
0xf0: {  	[sflag:s22] =	ssyncadd.s32 $0xFFFFE000  }
0xf1: {  	[tilespmem:s21], [sflag:$0x5] =	stream.linear.gather [hbm4b:s18+s1], $0x2000, $0x38;
	[tilespmem:$0x1E800] =	vst v63  }
0xf2: {  	_ =	swait.ge [sflag:s22], $0x2000  }
0xf3: {  	[sflag:s22] =	ssyncset.done $0x0  }
0xf4: {  	[sflag:s22] =	ssyncadd.s32 $0xFFFFE000  }
0xf5: {  	[spmem:s17] =	stream.linear.scatter [tilespmem:s21], [sflag:$0x5], $0x2000, $0x38;
	[tilespmem:$0x1E800] =	vst v63  }
0xf6: {  	_ =	swait.ge [sflag:s22], $0x2000  }
0xf7: {  	s24 =	sld [smem:$0x7F9]  }
0xf8: {  	[sflag:s22] =	ssyncset.done $0x0  }
0xf9: {  	[sflag:s22] =	ssyncadd.s32 $0xFFFFE000  }
0xfa: {  	[tilespmem:s21], [sflag:$0x5] =	stream.linear.gather [hbm4b:s24+s1], $0x2000, $0x38;
	[tilespmem:$0x1E800] =	vst v63  }
0xfb: {  	_ =	swait.ge [sflag:s22], $0x2000  }
0xfc: {  	[sflag:s22] =	ssyncset.done $0x0  }
0xfd: {  	[sflag:s22] =	ssyncadd.s32 $0xFFFFE000  }
0xfe: {  	[spmem:s19] =	stream.linear.scatter [tilespmem:s21], [sflag:$0x5], $0x2000, $0x38;
	[tilespmem:$0x1E800] =	vst v63  }
0xff: {  	_ =	swait.ge [sflag:s22], $0x2000  }
0x100: {  	s26 =	sld [smem:$0x7FA]  }
0x101: {  	[sflag:s22] =	ssyncset.done $0x0  }
0x102: {  	[sflag:s22] =	ssyncadd.s32 $0xFFFFE000  }
0x103: {  	[tilespmem:s21], [sflag:$0x5] =	stream.linear.gather [hbm4b:s26+s1], $0x2000, $0x38;
	[tilespmem:$0x1E800] =	vst v63  }
0x104: {  	_ =	swait.ge [sflag:s22], $0x2000  }
0x105: {  	[sflag:s22] =	ssyncset.done $0x0  }
0x106: {  	[sflag:s22] =	ssyncadd.s32 $0xFFFFE000  }
0x107: {  	[spmem:s0] =	stream.linear.scatter [tilespmem:s21], [sflag:$0x5], $0x2000, $0x38;
	[tilespmem:$0x1E800] =	vst v63  }
.Ltmp2:
0x108: {  	_ =	swait.ge [sflag:s22], $0x2000;
	(pc) =	sbr.rel @p0 .LBB2_19-.Ltmp2, $4  }
0x109: {  	[sflag:s22] =	ssyncset.done $0x0  }
0x10a: {  	[sflag:s22] =	ssyncadd.s32 $0xFFFFE000  }
0x10b: {  	[bflag:$0x0] =	sbarrier.arrive $0xFFFF  }
0x10c: {  	s28 =	smov.u32 s19  }
0x10d: {  	s6 =	simm.s32 $0x0;
	s8 =	rddreg [dreg:$0x4]  }
0x10e: {  	[tilespmem:s23], [sflag:$0x5] =	stream.linear.gather [hbm4b:s8+s6], $0x1400, $0x38;
	[tilespmem:$0x1E800] =	vst v63  }
0x10f: {  	_ =	swait.ge [sflag:s22], $0x1400  }
0x110: {  	[sflag:s22] =	ssyncset.done $0x0  }
0x111: {  	s0 =	simm.s32 $0x15400;
	s26 =	rddreg [dreg:$0x5];
	[sflag:s22] =	ssyncadd.s32 $0xFFFFEC00  }
0x112: {  	[tilespmem:s0], [sflag:$0x5] =	stream.linear.gather [hbm4b:s26+s6], $0x1400, $0x38;
	[tilespmem:$0x1E800] =	vst v63  }
0x113: {  	_ =	swait.ge [sflag:s22], $0x1400  }
0x114: {  	[sflag:s22] =	ssyncset.done $0x0  }
0x115: {  	[sflag:s22] =	ssyncadd.s32 $0xFFFFEC00  }
0x116: {  	[tilespmem:s21], [sflag:$0x1] =	stream.indirect.gather [hbm4b:s31+s25], $0x80, s23, s25, $0xb8;
	[tilespmem:$0x1E800] =	vst v63  }
0x117: {  	s12 =	simm.s32 $0x14080  }
0x118: {  	[tilespmem:s30], [sflag:$0x2] =	stream.indirect.gather [hbm4b:s31+s25], $0x80, s12, s25, $0xb8;
	[tilespmem:$0x1E800] =	vst v63  }
0x119: {  	s18 =	simm.s32 $0x14100  }
0x11a: {  	[tilespmem:s2], [sflag:$0x3] =	stream.indirect.gather [hbm4b:s31+s25], $0x80, s18, s25, $0xb8;
	[tilespmem:$0x1E800] =	vst v63  }
0x11b: {  	s19 =	simm.s32 $0x14180  }
0x11c: {  	[tilespmem:s5], [sflag:$0x4] =	stream.indirect.gather [hbm4b:s31+s25], $0x80, s19, s25, $0xb8;
	[tilespmem:$0x1E800] =	vst v63  }
0x11d: {  	_ =	swait.ge [sflag:s7], $0x2000  }
0x11e: {  	[sflag:s7] =	ssyncset.done $0x0  }
0x11f: {  	s10 =	simm.s32 $0x15400;
	[sflag:s7] =	ssyncadd.s32 $0xFFFFE000  }
0x120: {  	[spmem:s29] =	stream.indirect.scatter.add.f32 [tilespmem:s21], [sflag:$0x5], $0x80, s10, s25, $0xb8;
	[tilespmem:$0x1E800] =	vst v63  }
0x121: {  	_ =	swait.ge [sflag:s22], $0x2000  }
0x122: {  	[sflag:s22] =	ssyncset.done $0x0  }
0x123: {  	s24 =	simm.s32 $0x14200;
	[sflag:s22] =	ssyncadd.s32 $0xFFFFE000  }
0x124: {  	[tilespmem:s21], [sflag:$0x1] =	stream.indirect.gather [hbm4b:s31+s25], $0x80, s24, s25, $0xb8;
	[tilespmem:$0x1E800] =	vst v63  }
0x125: {  	_ =	swait.ge [sflag:s9], $0x2000  }
0x126: {  	[sflag:s9] =	ssyncset.done $0x0  }
0x127: {  	s26 =	simm.s32 $0x15480;
	[sflag:s9] =	ssyncadd.s32 $0xFFFFE000  }
0x128: {  	[spmem:s29] =	stream.indirect.scatter.add.f32 [tilespmem:s30], [sflag:$0x5], $0x80, s26, s25, $0xb8;
	[tilespmem:$0x1E800] =	vst v63  }
0x129: {  	_ =	swait.ge [sflag:s22], $0x2000  }
0x12a: {  	[sflag:s22] =	ssyncset.done $0x0  }
0x12b: {  	s8 =	simm.s32 $0x14280;
	[sflag:s22] =	ssyncadd.s32 $0xFFFFE000  }
0x12c: {  	[tilespmem:s30], [sflag:$0x2] =	stream.indirect.gather [hbm4b:s31+s25], $0x80, s8, s25, $0xb8;
	[tilespmem:$0x1E800] =	vst v63  }
0x12d: {  	_ =	swait.ge [sflag:s11], $0x2000  }
0x12e: {  	[sflag:s11] =	ssyncset.done $0x0  }
0x12f: {  	s10 =	simm.s32 $0x15500;
	[sflag:s11] =	ssyncadd.s32 $0xFFFFE000  }
0x130: {  	[spmem:s29] =	stream.indirect.scatter.add.f32 [tilespmem:s2], [sflag:$0x5], $0x80, s10, s25, $0xb8;
	[tilespmem:$0x1E800] =	vst v63  }
0x131: {  	_ =	swait.ge [sflag:s22], $0x2000  }
0x132: {  	[sflag:s22] =	ssyncset.done $0x0  }
0x133: {  	s24 =	simm.s32 $0x14300;
	[sflag:s22] =	ssyncadd.s32 $0xFFFFE000  }
0x134: {  	[tilespmem:s2], [sflag:$0x3] =	stream.indirect.gather [hbm4b:s31+s25], $0x80, s24, s25, $0xb8;
	[tilespmem:$0x1E800] =	vst v63  }
0x135: {  	_ =	swait.ge [sflag:s13], $0x2000  }
0x136: {  	[sflag:s13] =	ssyncset.done $0x0  }
0x137: {  	s26 =	simm.s32 $0x15580;
	[sflag:s13] =	ssyncadd.s32 $0xFFFFE000  }
0x138: {  	[spmem:s29] =	stream.indirect.scatter.add.f32 [tilespmem:s5], [sflag:$0x5], $0x80, s26, s25, $0xb8;
	[tilespmem:$0x1E800] =	vst v63  }
0x139: {  	_ =	swait.ge [sflag:s22], $0x2000  }
0x13a: {  	[sflag:s22] =	ssyncset.done $0x0  }
0x13b: {  	s6 =	simm.s32 $0x800;
	s8 =	simm.s32 $0x14380;
	[sflag:s22] =	ssyncadd.s32 $0xFFFFE000  }
.LBB2_3:
0x13c: {  	[tilespmem:s5], [sflag:$0x4] =	stream.indirect.gather [hbm4b:s31+s25], $0x80, s8, s25, $0xb8;
	[tilespmem:$0x1E800] =	vst v63  }
0x13d: {  	s8 =	smov.u32 s6  }
0x13e: {  	p1 =	sne.s32 s6, $0x4000;
	s6 =	sadd.s32 $0x800, s6;
	_ =	swait.ge [sflag:s7], $0x2000  }
0x13f: {  	s8 =	sshra.s32 s8, $0x2;
	[sflag:s7] =	ssyncset.done $0x0  }
0x140: {  	s10 =	sadd.s32 $0x15400, s8;
	[sflag:s7] =	ssyncadd.s32 $0xFFFFE000  }
0x141: {  	[spmem:s29] =	stream.indirect.scatter.add.f32 [tilespmem:s21], [sflag:$0x5], $0x80, s10, s25, $0xb8;
	[tilespmem:$0x1E800] =	vst v63  }
0x142: {  	_ =	swait.ge [sflag:s22], $0x2000  }
0x143: {  	[sflag:s22] =	ssyncset.done $0x0  }
0x144: {  	s10 =	sadd.s32 $0x14200, s8;
	[sflag:s22] =	ssyncadd.s32 $0xFFFFE000  }
0x145: {  	[tilespmem:s21], [sflag:$0x1] =	stream.indirect.gather [hbm4b:s31+s25], $0x80, s10, s25, $0xb8;
	[tilespmem:$0x1E800] =	vst v63  }
0x146: {  	_ =	swait.ge [sflag:s9], $0x2000  }
0x147: {  	[sflag:s9] =	ssyncset.done $0x0  }
0x148: {  	s10 =	sadd.s32 $0x15480, s8;
	[sflag:s9] =	ssyncadd.s32 $0xFFFFE000  }
0x149: {  	[spmem:s29] =	stream.indirect.scatter.add.f32 [tilespmem:s30], [sflag:$0x5], $0x80, s10, s25, $0xb8;
	[tilespmem:$0x1E800] =	vst v63  }
0x14a: {  	_ =	swait.ge [sflag:s22], $0x2000  }
0x14b: {  	[sflag:s22] =	ssyncset.done $0x0  }
0x14c: {  	s10 =	sadd.s32 $0x14280, s8;
	[sflag:s22] =	ssyncadd.s32 $0xFFFFE000  }
0x14d: {  	[tilespmem:s30], [sflag:$0x2] =	stream.indirect.gather [hbm4b:s31+s25], $0x80, s10, s25, $0xb8;
	[tilespmem:$0x1E800] =	vst v63  }
0x14e: {  	_ =	swait.ge [sflag:s11], $0x2000  }
0x14f: {  	[sflag:s11] =	ssyncset.done $0x0  }
0x150: {  	s10 =	sadd.s32 $0x15500, s8;
	[sflag:s11] =	ssyncadd.s32 $0xFFFFE000  }
0x151: {  	[spmem:s29] =	stream.indirect.scatter.add.f32 [tilespmem:s2], [sflag:$0x5], $0x80, s10, s25, $0xb8;
	[tilespmem:$0x1E800] =	vst v63  }
0x152: {  	_ =	swait.ge [sflag:s22], $0x2000  }
0x153: {  	[sflag:s22] =	ssyncset.done $0x0  }
0x154: {  	s10 =	sadd.s32 $0x14300, s8;
	[sflag:s22] =	ssyncadd.s32 $0xFFFFE000  }
0x155: {  	[tilespmem:s2], [sflag:$0x3] =	stream.indirect.gather [hbm4b:s31+s25], $0x80, s10, s25, $0xb8;
	[tilespmem:$0x1E800] =	vst v63  }
0x156: {  	_ =	swait.ge [sflag:s13], $0x2000  }
0x157: {  	[sflag:s13] =	ssyncset.done $0x0  }
.Ltmp3:
0x158: {  	s10 =	sadd.s32 $0x15580, s8;
	[sflag:s13] =	ssyncadd.s32 $0xFFFFE000;
	(pc) =	sbr.rel @p1 .LBB2_3-.Ltmp3, $4  }
0x159: {  	[spmem:s29] =	stream.indirect.scatter.add.f32 [tilespmem:s5], [sflag:$0x5], $0x80, s10, s25, $0xb8;
	[tilespmem:$0x1E800] =	vst v63  }
0x15a: {  	_ =	swait.ge [sflag:s22], $0x2000  }
0x15b: {  	[sflag:s22] =	ssyncset.done $0x0  }
0x15c: {  	s8 =	sadd.s32 $0x14380, s8;
	[sflag:s22] =	ssyncadd.s32 $0xFFFFE000  }
0x15d: {  	[tilespmem:s5], [sflag:$0x4] =	stream.indirect.gather [hbm4b:s31+s25], $0x80, s8, s25, $0xb8;
	[tilespmem:$0x1E800] =	vst v63  }
0x15e: {  	_ =	swait.ge [sflag:s7], $0x2000  }
0x15f: {  	[sflag:s7] =	ssyncset.done $0x0  }
0x160: {  	s24 =	simm.s32 $0x16600;
	[sflag:s7] =	ssyncadd.s32 $0xFFFFE000  }
0x161: {  	[spmem:s29] =	stream.indirect.scatter.add.f32 [tilespmem:s21], [sflag:$0x5], $0x80, s24, s25, $0xb8;
	[tilespmem:$0x1E800] =	vst v63  }
0x162: {  	_ =	swait.ge [sflag:s22], $0x2000  }
0x163: {  	[sflag:s22] =	ssyncset.done $0x0  }
0x164: {  	[sflag:s22] =	ssyncadd.s32 $0xFFFFE000  }
0x165: {  	_ =	swait.ge [sflag:s9], $0x2000  }
0x166: {  	[sflag:s9] =	ssyncset.done $0x0  }
0x167: {  	s26 =	simm.s32 $0x16680;
	[sflag:s9] =	ssyncadd.s32 $0xFFFFE000  }
0x168: {  	[spmem:s29] =	stream.indirect.scatter.add.f32 [tilespmem:s30], [sflag:$0x5], $0x80, s26, s25, $0xb8;
	[tilespmem:$0x1E800] =	vst v63  }
0x169: {  	_ =	swait.ge [sflag:s22], $0x2000  }
0x16a: {  	[sflag:s22] =	ssyncset.done $0x0  }
0x16b: {  	[sflag:s22] =	ssyncadd.s32 $0xFFFFE000  }
0x16c: {  	_ =	swait.ge [sflag:s11], $0x2000  }
0x16d: {  	[sflag:s11] =	ssyncset.done $0x0  }
0x16e: {  	s6 =	simm.s32 $0x16700;
	[sflag:s11] =	ssyncadd.s32 $0xFFFFE000  }
0x16f: {  	[spmem:s29] =	stream.indirect.scatter.add.f32 [tilespmem:s2], [sflag:$0x5], $0x80, s6, s25, $0xb8;
	[tilespmem:$0x1E800] =	vst v63  }
0x170: {  	_ =	swait.ge [sflag:s22], $0x2000  }
0x171: {  	[sflag:s22] =	ssyncset.done $0x0  }
0x172: {  	[sflag:s22] =	ssyncadd.s32 $0xFFFFE000  }
0x173: {  	_ =	swait.ge [sflag:s13], $0x2000  }
0x174: {  	[sflag:s13] =	ssyncset.done $0x0  }
0x175: {  	s8 =	simm.s32 $0x16780;
	[sflag:s13] =	ssyncadd.s32 $0xFFFFE000  }
0x176: {  	[spmem:s29] =	stream.indirect.scatter.add.f32 [tilespmem:s5], [sflag:$0x5], $0x80, s8, s25, $0xb8;
	[tilespmem:$0x1E800] =	vst v63  }
0x177: {  	_ =	swait.ge [sflag:s22], $0x2000  }
0x178: {  	[sflag:s22] =	ssyncset.done $0x0  }
0x179: {  	s6 =	simm.s32 $0x0;
	s10 =	rddreg [dreg:$0x6];
	[sflag:s22] =	ssyncadd.s32 $0xFFFFE000  }
0x17a: {  	[tilespmem:s23], [sflag:$0x5] =	stream.linear.gather [hbm4b:s10+s6], $0x1400, $0x38;
	[tilespmem:$0x1E800] =	vst v63  }
0x17b: {  	_ =	swait.ge [sflag:s22], $0x1400  }
0x17c: {  	[sflag:s22] =	ssyncset.done $0x0  }
0x17d: {  	s10 =	rddreg [dreg:$0x7];
	[sflag:s22] =	ssyncadd.s32 $0xFFFFEC00  }
0x17e: {  	[tilespmem:s0], [sflag:$0x5] =	stream.linear.gather [hbm4b:s10+s6], $0x1400, $0x38;
	[tilespmem:$0x1E800] =	vst v63  }
0x17f: {  	_ =	swait.ge [sflag:s22], $0x1400  }
0x180: {  	[sflag:s22] =	ssyncset.done $0x0  }
0x181: {  	[sflag:s22] =	ssyncadd.s32 $0xFFFFEC00  }
0x182: {  	[tilespmem:s21], [sflag:$0x1] =	stream.indirect.gather [hbm4b:s31+s25], $0x80, s23, s25, $0xb8;
	[tilespmem:$0x1E800] =	vst v63  }
0x183: {  	_ = 	snop  }
0x184: {  	[tilespmem:s30], [sflag:$0x2] =	stream.indirect.gather [hbm4b:s31+s25], $0x80, s12, s25, $0xb8;
	[tilespmem:$0x1E800] =	vst v63  }
0x185: {  	_ = 	snop  }
0x186: {  	[tilespmem:s2], [sflag:$0x3] =	stream.indirect.gather [hbm4b:s31+s25], $0x80, s18, s25, $0xb8;
	[tilespmem:$0x1E800] =	vst v63  }
0x187: {  	_ = 	snop  }
0x188: {  	[tilespmem:s5], [sflag:$0x4] =	stream.indirect.gather [hbm4b:s31+s25], $0x80, s19, s25, $0xb8;
	[tilespmem:$0x1E800] =	vst v63  }
0x189: {  	_ =	swait.ge [sflag:s7], $0x2000  }
0x18a: {  	[sflag:s7] =	ssyncset.done $0x0  }
0x18b: {  	s10 =	simm.s32 $0x15400;
	[sflag:s7] =	ssyncadd.s32 $0xFFFFE000  }
0x18c: {  	[spmem:s29] =	stream.indirect.scatter.add.f32 [tilespmem:s21], [sflag:$0x5], $0x80, s10, s25, $0xb8;
	[tilespmem:$0x1E800] =	vst v63  }
0x18d: {  	_ =	swait.ge [sflag:s22], $0x2000  }
0x18e: {  	[sflag:s22] =	ssyncset.done $0x0  }
0x18f: {  	s8 =	simm.s32 $0x14200;
	[sflag:s22] =	ssyncadd.s32 $0xFFFFE000  }
0x190: {  	[tilespmem:s21], [sflag:$0x1] =	stream.indirect.gather [hbm4b:s31+s25], $0x80, s8, s25, $0xb8;
	[tilespmem:$0x1E800] =	vst v63  }
0x191: {  	_ =	swait.ge [sflag:s9], $0x2000  }
0x192: {  	[sflag:s9] =	ssyncset.done $0x0  }
0x193: {  	s10 =	simm.s32 $0x15480;
	[sflag:s9] =	ssyncadd.s32 $0xFFFFE000  }
0x194: {  	[spmem:s29] =	stream.indirect.scatter.add.f32 [tilespmem:s30], [sflag:$0x5], $0x80, s10, s25, $0xb8;
	[tilespmem:$0x1E800] =	vst v63  }
0x195: {  	_ =	swait.ge [sflag:s22], $0x2000  }
0x196: {  	[sflag:s22] =	ssyncset.done $0x0  }
0x197: {  	s8 =	simm.s32 $0x14280;
	[sflag:s22] =	ssyncadd.s32 $0xFFFFE000  }
0x198: {  	[tilespmem:s30], [sflag:$0x2] =	stream.indirect.gather [hbm4b:s31+s25], $0x80, s8, s25, $0xb8;
	[tilespmem:$0x1E800] =	vst v63  }
0x199: {  	_ =	swait.ge [sflag:s11], $0x2000  }
0x19a: {  	[sflag:s11] =	ssyncset.done $0x0  }
0x19b: {  	s10 =	simm.s32 $0x15500;
	[sflag:s11] =	ssyncadd.s32 $0xFFFFE000  }
0x19c: {  	[spmem:s29] =	stream.indirect.scatter.add.f32 [tilespmem:s2], [sflag:$0x5], $0x80, s10, s25, $0xb8;
	[tilespmem:$0x1E800] =	vst v63  }
0x19d: {  	_ =	swait.ge [sflag:s22], $0x2000  }
0x19e: {  	[sflag:s22] =	ssyncset.done $0x0  }
0x19f: {  	s8 =	simm.s32 $0x14300;
	[sflag:s22] =	ssyncadd.s32 $0xFFFFE000  }
0x1a0: {  	[tilespmem:s2], [sflag:$0x3] =	stream.indirect.gather [hbm4b:s31+s25], $0x80, s8, s25, $0xb8;
	[tilespmem:$0x1E800] =	vst v63  }
0x1a1: {  	_ =	swait.ge [sflag:s13], $0x2000  }
0x1a2: {  	[sflag:s13] =	ssyncset.done $0x0  }
0x1a3: {  	s10 =	simm.s32 $0x15580;
	[sflag:s13] =	ssyncadd.s32 $0xFFFFE000  }
0x1a4: {  	[spmem:s29] =	stream.indirect.scatter.add.f32 [tilespmem:s5], [sflag:$0x5], $0x80, s10, s25, $0xb8;
	[tilespmem:$0x1E800] =	vst v63  }
0x1a5: {  	_ =	swait.ge [sflag:s22], $0x2000  }
0x1a6: {  	[sflag:s22] =	ssyncset.done $0x0  }
0x1a7: {  	s6 =	simm.s32 $0x800;
	s8 =	simm.s32 $0x14380;
	[sflag:s22] =	ssyncadd.s32 $0xFFFFE000  }
.LBB2_5:
0x1a8: {  	[tilespmem:s5], [sflag:$0x4] =	stream.indirect.gather [hbm4b:s31+s25], $0x80, s8, s25, $0xb8;
	[tilespmem:$0x1E800] =	vst v63  }
0x1a9: {  	s8 =	smov.u32 s6  }
0x1aa: {  	p1 =	sne.s32 s6, $0x4000;
	s6 =	sadd.s32 $0x800, s6;
	_ =	swait.ge [sflag:s7], $0x2000  }
0x1ab: {  	s8 =	sshra.s32 s8, $0x2;
	[sflag:s7] =	ssyncset.done $0x0  }
0x1ac: {  	s10 =	sadd.s32 $0x15400, s8;
	[sflag:s7] =	ssyncadd.s32 $0xFFFFE000  }
0x1ad: {  	[spmem:s29] =	stream.indirect.scatter.add.f32 [tilespmem:s21], [sflag:$0x5], $0x80, s10, s25, $0xb8;
	[tilespmem:$0x1E800] =	vst v63  }
0x1ae: {  	_ =	swait.ge [sflag:s22], $0x2000  }
0x1af: {  	[sflag:s22] =	ssyncset.done $0x0  }
0x1b0: {  	s10 =	sadd.s32 $0x14200, s8;
	[sflag:s22] =	ssyncadd.s32 $0xFFFFE000  }
0x1b1: {  	[tilespmem:s21], [sflag:$0x1] =	stream.indirect.gather [hbm4b:s31+s25], $0x80, s10, s25, $0xb8;
	[tilespmem:$0x1E800] =	vst v63  }
0x1b2: {  	_ =	swait.ge [sflag:s9], $0x2000  }
0x1b3: {  	[sflag:s9] =	ssyncset.done $0x0  }
0x1b4: {  	s10 =	sadd.s32 $0x15480, s8;
	[sflag:s9] =	ssyncadd.s32 $0xFFFFE000  }
0x1b5: {  	[spmem:s29] =	stream.indirect.scatter.add.f32 [tilespmem:s30], [sflag:$0x5], $0x80, s10, s25, $0xb8;
	[tilespmem:$0x1E800] =	vst v63  }
0x1b6: {  	_ =	swait.ge [sflag:s22], $0x2000  }
0x1b7: {  	[sflag:s22] =	ssyncset.done $0x0  }
0x1b8: {  	s10 =	sadd.s32 $0x14280, s8;
	[sflag:s22] =	ssyncadd.s32 $0xFFFFE000  }
0x1b9: {  	[tilespmem:s30], [sflag:$0x2] =	stream.indirect.gather [hbm4b:s31+s25], $0x80, s10, s25, $0xb8;
	[tilespmem:$0x1E800] =	vst v63  }
0x1ba: {  	_ =	swait.ge [sflag:s11], $0x2000  }
0x1bb: {  	[sflag:s11] =	ssyncset.done $0x0  }
0x1bc: {  	s10 =	sadd.s32 $0x15500, s8;
	[sflag:s11] =	ssyncadd.s32 $0xFFFFE000  }
0x1bd: {  	[spmem:s29] =	stream.indirect.scatter.add.f32 [tilespmem:s2], [sflag:$0x5], $0x80, s10, s25, $0xb8;
	[tilespmem:$0x1E800] =	vst v63  }
0x1be: {  	_ =	swait.ge [sflag:s22], $0x2000  }
0x1bf: {  	[sflag:s22] =	ssyncset.done $0x0  }
0x1c0: {  	s10 =	sadd.s32 $0x14300, s8;
	[sflag:s22] =	ssyncadd.s32 $0xFFFFE000  }
0x1c1: {  	[tilespmem:s2], [sflag:$0x3] =	stream.indirect.gather [hbm4b:s31+s25], $0x80, s10, s25, $0xb8;
	[tilespmem:$0x1E800] =	vst v63  }
0x1c2: {  	_ =	swait.ge [sflag:s13], $0x2000  }
0x1c3: {  	[sflag:s13] =	ssyncset.done $0x0  }
.Ltmp4:
0x1c4: {  	s10 =	sadd.s32 $0x15580, s8;
	[sflag:s13] =	ssyncadd.s32 $0xFFFFE000;
	(pc) =	sbr.rel @p1 .LBB2_5-.Ltmp4, $4  }
0x1c5: {  	[spmem:s29] =	stream.indirect.scatter.add.f32 [tilespmem:s5], [sflag:$0x5], $0x80, s10, s25, $0xb8;
	[tilespmem:$0x1E800] =	vst v63  }
0x1c6: {  	_ =	swait.ge [sflag:s22], $0x2000  }
0x1c7: {  	[sflag:s22] =	ssyncset.done $0x0  }
0x1c8: {  	s8 =	sadd.s32 $0x14380, s8;
	[sflag:s22] =	ssyncadd.s32 $0xFFFFE000  }
0x1c9: {  	[tilespmem:s5], [sflag:$0x4] =	stream.indirect.gather [hbm4b:s31+s25], $0x80, s8, s25, $0xb8;
	[tilespmem:$0x1E800] =	vst v63  }
0x1ca: {  	_ =	swait.ge [sflag:s7], $0x2000  }
0x1cb: {  	[sflag:s7] =	ssyncset.done $0x0  }
0x1cc: {  	[sflag:s7] =	ssyncadd.s32 $0xFFFFE000  }
0x1cd: {  	[spmem:s29] =	stream.indirect.scatter.add.f32 [tilespmem:s21], [sflag:$0x5], $0x80, s24, s25, $0xb8;
	[tilespmem:$0x1E800] =	vst v63  }
0x1ce: {  	_ =	swait.ge [sflag:s22], $0x2000  }
0x1cf: {  	[sflag:s22] =	ssyncset.done $0x0  }
0x1d0: {  	[sflag:s22] =	ssyncadd.s32 $0xFFFFE000  }
0x1d1: {  	_ =	swait.ge [sflag:s9], $0x2000  }
0x1d2: {  	[sflag:s9] =	ssyncset.done $0x0  }
0x1d3: {  	[sflag:s9] =	ssyncadd.s32 $0xFFFFE000  }
0x1d4: {  	[spmem:s29] =	stream.indirect.scatter.add.f32 [tilespmem:s30], [sflag:$0x5], $0x80, s26, s25, $0xb8;
	[tilespmem:$0x1E800] =	vst v63  }
0x1d5: {  	_ =	swait.ge [sflag:s22], $0x2000  }
0x1d6: {  	[sflag:s22] =	ssyncset.done $0x0  }
0x1d7: {  	[sflag:s22] =	ssyncadd.s32 $0xFFFFE000  }
0x1d8: {  	_ =	swait.ge [sflag:s11], $0x2000  }
0x1d9: {  	[sflag:s11] =	ssyncset.done $0x0  }
0x1da: {  	s6 =	simm.s32 $0x16700;
	[sflag:s11] =	ssyncadd.s32 $0xFFFFE000  }
0x1db: {  	[spmem:s29] =	stream.indirect.scatter.add.f32 [tilespmem:s2], [sflag:$0x5], $0x80, s6, s25, $0xb8;
	[tilespmem:$0x1E800] =	vst v63  }
0x1dc: {  	_ =	swait.ge [sflag:s22], $0x2000  }
0x1dd: {  	[sflag:s22] =	ssyncset.done $0x0  }
0x1de: {  	[sflag:s22] =	ssyncadd.s32 $0xFFFFE000  }
0x1df: {  	_ =	swait.ge [sflag:s13], $0x2000  }
0x1e0: {  	[sflag:s13] =	ssyncset.done $0x0  }
0x1e1: {  	s8 =	simm.s32 $0x16780;
	[sflag:s13] =	ssyncadd.s32 $0xFFFFE000  }
0x1e2: {  	[spmem:s29] =	stream.indirect.scatter.add.f32 [tilespmem:s5], [sflag:$0x5], $0x80, s8, s25, $0xb8;
	[tilespmem:$0x1E800] =	vst v63  }
0x1e3: {  	_ =	swait.ge [sflag:s22], $0x2000  }
0x1e4: {  	[sflag:s22] =	ssyncset.done $0x0  }
0x1e5: {  	s6 =	simm.s32 $0x0;
	s10 =	rddreg [dreg:$0x8];
	[sflag:s22] =	ssyncadd.s32 $0xFFFFE000  }
0x1e6: {  	[tilespmem:s23], [sflag:$0x5] =	stream.linear.gather [hbm4b:s10+s6], $0x1400, $0x38;
	[tilespmem:$0x1E800] =	vst v63  }
0x1e7: {  	_ =	swait.ge [sflag:s22], $0x1400  }
0x1e8: {  	[sflag:s22] =	ssyncset.done $0x0  }
0x1e9: {  	s10 =	rddreg [dreg:$0x9];
	[sflag:s22] =	ssyncadd.s32 $0xFFFFEC00  }
0x1ea: {  	[tilespmem:s0], [sflag:$0x5] =	stream.linear.gather [hbm4b:s10+s6], $0x1400, $0x38;
	[tilespmem:$0x1E800] =	vst v63  }
0x1eb: {  	_ =	swait.ge [sflag:s22], $0x1400  }
0x1ec: {  	[sflag:s22] =	ssyncset.done $0x0  }
0x1ed: {  	[sflag:s22] =	ssyncadd.s32 $0xFFFFEC00  }
0x1ee: {  	[tilespmem:s21], [sflag:$0x1] =	stream.indirect.gather [hbm4b:s31+s25], $0x80, s23, s25, $0xb8;
	[tilespmem:$0x1E800] =	vst v63  }
0x1ef: {  	_ = 	snop  }
0x1f0: {  	[tilespmem:s30], [sflag:$0x2] =	stream.indirect.gather [hbm4b:s31+s25], $0x80, s12, s25, $0xb8;
	[tilespmem:$0x1E800] =	vst v63  }
0x1f1: {  	_ = 	snop  }
0x1f2: {  	[tilespmem:s2], [sflag:$0x3] =	stream.indirect.gather [hbm4b:s31+s25], $0x80, s18, s25, $0xb8;
	[tilespmem:$0x1E800] =	vst v63  }
0x1f3: {  	_ = 	snop  }
0x1f4: {  	[tilespmem:s5], [sflag:$0x4] =	stream.indirect.gather [hbm4b:s31+s25], $0x80, s19, s25, $0xb8;
	[tilespmem:$0x1E800] =	vst v63  }
0x1f5: {  	_ =	swait.ge [sflag:s7], $0x2000  }
0x1f6: {  	[sflag:s7] =	ssyncset.done $0x0  }
0x1f7: {  	s10 =	simm.s32 $0x15400;
	[sflag:s7] =	ssyncadd.s32 $0xFFFFE000  }
0x1f8: {  	[spmem:s29] =	stream.indirect.scatter.add.f32 [tilespmem:s21], [sflag:$0x5], $0x80, s10, s25, $0xb8;
	[tilespmem:$0x1E800] =	vst v63  }
0x1f9: {  	_ =	swait.ge [sflag:s22], $0x2000  }
0x1fa: {  	[sflag:s22] =	ssyncset.done $0x0  }
0x1fb: {  	s8 =	simm.s32 $0x14200;
	[sflag:s22] =	ssyncadd.s32 $0xFFFFE000  }
0x1fc: {  	[tilespmem:s21], [sflag:$0x1] =	stream.indirect.gather [hbm4b:s31+s25], $0x80, s8, s25, $0xb8;
	[tilespmem:$0x1E800] =	vst v63  }
0x1fd: {  	_ =	swait.ge [sflag:s9], $0x2000  }
0x1fe: {  	[sflag:s9] =	ssyncset.done $0x0  }
0x1ff: {  	s10 =	simm.s32 $0x15480;
	[sflag:s9] =	ssyncadd.s32 $0xFFFFE000  }
0x200: {  	[spmem:s29] =	stream.indirect.scatter.add.f32 [tilespmem:s30], [sflag:$0x5], $0x80, s10, s25, $0xb8;
	[tilespmem:$0x1E800] =	vst v63  }
0x201: {  	_ =	swait.ge [sflag:s22], $0x2000  }
0x202: {  	[sflag:s22] =	ssyncset.done $0x0  }
0x203: {  	s8 =	simm.s32 $0x14280;
	[sflag:s22] =	ssyncadd.s32 $0xFFFFE000  }
0x204: {  	[tilespmem:s30], [sflag:$0x2] =	stream.indirect.gather [hbm4b:s31+s25], $0x80, s8, s25, $0xb8;
	[tilespmem:$0x1E800] =	vst v63  }
0x205: {  	_ =	swait.ge [sflag:s11], $0x2000  }
0x206: {  	[sflag:s11] =	ssyncset.done $0x0  }
0x207: {  	s10 =	simm.s32 $0x15500;
	[sflag:s11] =	ssyncadd.s32 $0xFFFFE000  }
0x208: {  	[spmem:s29] =	stream.indirect.scatter.add.f32 [tilespmem:s2], [sflag:$0x5], $0x80, s10, s25, $0xb8;
	[tilespmem:$0x1E800] =	vst v63  }
0x209: {  	_ =	swait.ge [sflag:s22], $0x2000  }
0x20a: {  	[sflag:s22] =	ssyncset.done $0x0  }
0x20b: {  	s8 =	simm.s32 $0x14300;
	[sflag:s22] =	ssyncadd.s32 $0xFFFFE000  }
0x20c: {  	[tilespmem:s2], [sflag:$0x3] =	stream.indirect.gather [hbm4b:s31+s25], $0x80, s8, s25, $0xb8;
	[tilespmem:$0x1E800] =	vst v63  }
0x20d: {  	_ =	swait.ge [sflag:s13], $0x2000  }
0x20e: {  	[sflag:s13] =	ssyncset.done $0x0  }
0x20f: {  	s10 =	simm.s32 $0x15580;
	[sflag:s13] =	ssyncadd.s32 $0xFFFFE000  }
0x210: {  	[spmem:s29] =	stream.indirect.scatter.add.f32 [tilespmem:s5], [sflag:$0x5], $0x80, s10, s25, $0xb8;
	[tilespmem:$0x1E800] =	vst v63  }
0x211: {  	_ =	swait.ge [sflag:s22], $0x2000  }
0x212: {  	[sflag:s22] =	ssyncset.done $0x0  }
0x213: {  	s6 =	simm.s32 $0x800;
	s8 =	simm.s32 $0x14380;
	[sflag:s22] =	ssyncadd.s32 $0xFFFFE000  }
.LBB2_7:
0x214: {  	[tilespmem:s5], [sflag:$0x4] =	stream.indirect.gather [hbm4b:s31+s25], $0x80, s8, s25, $0xb8;
	[tilespmem:$0x1E800] =	vst v63  }
0x215: {  	s8 =	smov.u32 s6  }
0x216: {  	p1 =	sne.s32 s6, $0x4000;
	s6 =	sadd.s32 $0x800, s6;
	_ =	swait.ge [sflag:s7], $0x2000  }
0x217: {  	s8 =	sshra.s32 s8, $0x2;
	[sflag:s7] =	ssyncset.done $0x0  }
0x218: {  	s10 =	sadd.s32 $0x15400, s8;
	[sflag:s7] =	ssyncadd.s32 $0xFFFFE000  }
0x219: {  	[spmem:s29] =	stream.indirect.scatter.add.f32 [tilespmem:s21], [sflag:$0x5], $0x80, s10, s25, $0xb8;
	[tilespmem:$0x1E800] =	vst v63  }
0x21a: {  	_ =	swait.ge [sflag:s22], $0x2000  }
0x21b: {  	[sflag:s22] =	ssyncset.done $0x0  }
0x21c: {  	s10 =	sadd.s32 $0x14200, s8;
	[sflag:s22] =	ssyncadd.s32 $0xFFFFE000  }
0x21d: {  	[tilespmem:s21], [sflag:$0x1] =	stream.indirect.gather [hbm4b:s31+s25], $0x80, s10, s25, $0xb8;
	[tilespmem:$0x1E800] =	vst v63  }
0x21e: {  	_ =	swait.ge [sflag:s9], $0x2000  }
0x21f: {  	[sflag:s9] =	ssyncset.done $0x0  }
0x220: {  	s10 =	sadd.s32 $0x15480, s8;
	[sflag:s9] =	ssyncadd.s32 $0xFFFFE000  }
0x221: {  	[spmem:s29] =	stream.indirect.scatter.add.f32 [tilespmem:s30], [sflag:$0x5], $0x80, s10, s25, $0xb8;
	[tilespmem:$0x1E800] =	vst v63  }
0x222: {  	_ =	swait.ge [sflag:s22], $0x2000  }
0x223: {  	[sflag:s22] =	ssyncset.done $0x0  }
0x224: {  	s10 =	sadd.s32 $0x14280, s8;
	[sflag:s22] =	ssyncadd.s32 $0xFFFFE000  }
0x225: {  	[tilespmem:s30], [sflag:$0x2] =	stream.indirect.gather [hbm4b:s31+s25], $0x80, s10, s25, $0xb8;
	[tilespmem:$0x1E800] =	vst v63  }
0x226: {  	_ =	swait.ge [sflag:s11], $0x2000  }
0x227: {  	[sflag:s11] =	ssyncset.done $0x0  }
0x228: {  	s10 =	sadd.s32 $0x15500, s8;
	[sflag:s11] =	ssyncadd.s32 $0xFFFFE000  }
0x229: {  	[spmem:s29] =	stream.indirect.scatter.add.f32 [tilespmem:s2], [sflag:$0x5], $0x80, s10, s25, $0xb8;
	[tilespmem:$0x1E800] =	vst v63  }
0x22a: {  	_ =	swait.ge [sflag:s22], $0x2000  }
0x22b: {  	[sflag:s22] =	ssyncset.done $0x0  }
0x22c: {  	s10 =	sadd.s32 $0x14300, s8;
	[sflag:s22] =	ssyncadd.s32 $0xFFFFE000  }
0x22d: {  	[tilespmem:s2], [sflag:$0x3] =	stream.indirect.gather [hbm4b:s31+s25], $0x80, s10, s25, $0xb8;
	[tilespmem:$0x1E800] =	vst v63  }
0x22e: {  	_ =	swait.ge [sflag:s13], $0x2000  }
0x22f: {  	[sflag:s13] =	ssyncset.done $0x0  }
.Ltmp5:
0x230: {  	s10 =	sadd.s32 $0x15580, s8;
	[sflag:s13] =	ssyncadd.s32 $0xFFFFE000;
	(pc) =	sbr.rel @p1 .LBB2_7-.Ltmp5, $4  }
0x231: {  	[spmem:s29] =	stream.indirect.scatter.add.f32 [tilespmem:s5], [sflag:$0x5], $0x80, s10, s25, $0xb8;
	[tilespmem:$0x1E800] =	vst v63  }
0x232: {  	_ =	swait.ge [sflag:s22], $0x2000  }
0x233: {  	[sflag:s22] =	ssyncset.done $0x0  }
0x234: {  	s8 =	sadd.s32 $0x14380, s8;
	[sflag:s22] =	ssyncadd.s32 $0xFFFFE000  }
0x235: {  	[tilespmem:s5], [sflag:$0x4] =	stream.indirect.gather [hbm4b:s31+s25], $0x80, s8, s25, $0xb8;
	[tilespmem:$0x1E800] =	vst v63  }
0x236: {  	_ =	swait.ge [sflag:s7], $0x2000  }
0x237: {  	[sflag:s7] =	ssyncset.done $0x0  }
0x238: {  	[sflag:s7] =	ssyncadd.s32 $0xFFFFE000  }
0x239: {  	[spmem:s29] =	stream.indirect.scatter.add.f32 [tilespmem:s21], [sflag:$0x5], $0x80, s24, s25, $0xb8;
	[tilespmem:$0x1E800] =	vst v63  }
0x23a: {  	_ =	swait.ge [sflag:s22], $0x2000  }
0x23b: {  	[sflag:s22] =	ssyncset.done $0x0  }
0x23c: {  	[sflag:s22] =	ssyncadd.s32 $0xFFFFE000  }
0x23d: {  	_ =	swait.ge [sflag:s9], $0x2000  }
0x23e: {  	[sflag:s9] =	ssyncset.done $0x0  }
0x23f: {  	[sflag:s9] =	ssyncadd.s32 $0xFFFFE000  }
0x240: {  	[spmem:s29] =	stream.indirect.scatter.add.f32 [tilespmem:s30], [sflag:$0x5], $0x80, s26, s25, $0xb8;
	[tilespmem:$0x1E800] =	vst v63  }
0x241: {  	_ =	swait.ge [sflag:s22], $0x2000  }
0x242: {  	[sflag:s22] =	ssyncset.done $0x0  }
0x243: {  	[sflag:s22] =	ssyncadd.s32 $0xFFFFE000  }
0x244: {  	_ =	swait.ge [sflag:s11], $0x2000  }
0x245: {  	[sflag:s11] =	ssyncset.done $0x0  }
0x246: {  	s6 =	simm.s32 $0x16700;
	[sflag:s11] =	ssyncadd.s32 $0xFFFFE000  }
0x247: {  	[spmem:s29] =	stream.indirect.scatter.add.f32 [tilespmem:s2], [sflag:$0x5], $0x80, s6, s25, $0xb8;
	[tilespmem:$0x1E800] =	vst v63  }
0x248: {  	_ =	swait.ge [sflag:s22], $0x2000  }
0x249: {  	[sflag:s22] =	ssyncset.done $0x0  }
0x24a: {  	[sflag:s22] =	ssyncadd.s32 $0xFFFFE000  }
0x24b: {  	_ =	swait.ge [sflag:s13], $0x2000  }
0x24c: {  	[sflag:s13] =	ssyncset.done $0x0  }
0x24d: {  	s8 =	simm.s32 $0x16780;
	[sflag:s13] =	ssyncadd.s32 $0xFFFFE000  }
0x24e: {  	[spmem:s29] =	stream.indirect.scatter.add.f32 [tilespmem:s5], [sflag:$0x5], $0x80, s8, s25, $0xb8;
	[tilespmem:$0x1E800] =	vst v63  }
0x24f: {  	_ =	swait.ge [sflag:s22], $0x2000  }
0x250: {  	[sflag:s22] =	ssyncset.done $0x0  }
0x251: {  	s6 =	simm.s32 $0x0;
	s10 =	rddreg [dreg:$0xa];
	[sflag:s22] =	ssyncadd.s32 $0xFFFFE000  }
0x252: {  	[tilespmem:s23], [sflag:$0x5] =	stream.linear.gather [hbm4b:s10+s6], $0x1400, $0x38;
	[tilespmem:$0x1E800] =	vst v63  }
0x253: {  	_ =	swait.ge [sflag:s22], $0x1400  }
0x254: {  	[sflag:s22] =	ssyncset.done $0x0  }
0x255: {  	s10 =	rddreg [dreg:$0xb];
	[sflag:s22] =	ssyncadd.s32 $0xFFFFEC00  }
0x256: {  	[tilespmem:s0], [sflag:$0x5] =	stream.linear.gather [hbm4b:s10+s6], $0x1400, $0x38;
	[tilespmem:$0x1E800] =	vst v63  }
0x257: {  	_ =	swait.ge [sflag:s22], $0x1400  }
0x258: {  	[sflag:s22] =	ssyncset.done $0x0  }
0x259: {  	[sflag:s22] =	ssyncadd.s32 $0xFFFFEC00  }
0x25a: {  	[tilespmem:s21], [sflag:$0x1] =	stream.indirect.gather [hbm4b:s31+s25], $0x80, s23, s25, $0xb8;
	[tilespmem:$0x1E800] =	vst v63  }
0x25b: {  	_ = 	snop  }
0x25c: {  	[tilespmem:s30], [sflag:$0x2] =	stream.indirect.gather [hbm4b:s31+s25], $0x80, s12, s25, $0xb8;
	[tilespmem:$0x1E800] =	vst v63  }
0x25d: {  	_ = 	snop  }
0x25e: {  	[tilespmem:s2], [sflag:$0x3] =	stream.indirect.gather [hbm4b:s31+s25], $0x80, s18, s25, $0xb8;
	[tilespmem:$0x1E800] =	vst v63  }
0x25f: {  	_ = 	snop  }
0x260: {  	[tilespmem:s5], [sflag:$0x4] =	stream.indirect.gather [hbm4b:s31+s25], $0x80, s19, s25, $0xb8;
	[tilespmem:$0x1E800] =	vst v63  }
0x261: {  	_ =	swait.ge [sflag:s7], $0x2000  }
0x262: {  	[sflag:s7] =	ssyncset.done $0x0  }
0x263: {  	s10 =	simm.s32 $0x15400;
	[sflag:s7] =	ssyncadd.s32 $0xFFFFE000  }
0x264: {  	[spmem:s29] =	stream.indirect.scatter.add.f32 [tilespmem:s21], [sflag:$0x5], $0x80, s10, s25, $0xb8;
	[tilespmem:$0x1E800] =	vst v63  }
0x265: {  	_ =	swait.ge [sflag:s22], $0x2000  }
0x266: {  	[sflag:s22] =	ssyncset.done $0x0  }
0x267: {  	s8 =	simm.s32 $0x14200;
	[sflag:s22] =	ssyncadd.s32 $0xFFFFE000  }
0x268: {  	[tilespmem:s21], [sflag:$0x1] =	stream.indirect.gather [hbm4b:s31+s25], $0x80, s8, s25, $0xb8;
	[tilespmem:$0x1E800] =	vst v63  }
0x269: {  	_ =	swait.ge [sflag:s9], $0x2000  }
0x26a: {  	[sflag:s9] =	ssyncset.done $0x0  }
0x26b: {  	s10 =	simm.s32 $0x15480;
	[sflag:s9] =	ssyncadd.s32 $0xFFFFE000  }
0x26c: {  	[spmem:s29] =	stream.indirect.scatter.add.f32 [tilespmem:s30], [sflag:$0x5], $0x80, s10, s25, $0xb8;
	[tilespmem:$0x1E800] =	vst v63  }
0x26d: {  	_ =	swait.ge [sflag:s22], $0x2000  }
0x26e: {  	[sflag:s22] =	ssyncset.done $0x0  }
0x26f: {  	s8 =	simm.s32 $0x14280;
	[sflag:s22] =	ssyncadd.s32 $0xFFFFE000  }
0x270: {  	[tilespmem:s30], [sflag:$0x2] =	stream.indirect.gather [hbm4b:s31+s25], $0x80, s8, s25, $0xb8;
	[tilespmem:$0x1E800] =	vst v63  }
0x271: {  	_ =	swait.ge [sflag:s11], $0x2000  }
0x272: {  	[sflag:s11] =	ssyncset.done $0x0  }
0x273: {  	s10 =	simm.s32 $0x15500;
	[sflag:s11] =	ssyncadd.s32 $0xFFFFE000  }
0x274: {  	[spmem:s29] =	stream.indirect.scatter.add.f32 [tilespmem:s2], [sflag:$0x5], $0x80, s10, s25, $0xb8;
	[tilespmem:$0x1E800] =	vst v63  }
0x275: {  	_ =	swait.ge [sflag:s22], $0x2000  }
0x276: {  	[sflag:s22] =	ssyncset.done $0x0  }
0x277: {  	s8 =	simm.s32 $0x14300;
	[sflag:s22] =	ssyncadd.s32 $0xFFFFE000  }
0x278: {  	[tilespmem:s2], [sflag:$0x3] =	stream.indirect.gather [hbm4b:s31+s25], $0x80, s8, s25, $0xb8;
	[tilespmem:$0x1E800] =	vst v63  }
0x279: {  	_ =	swait.ge [sflag:s13], $0x2000  }
0x27a: {  	[sflag:s13] =	ssyncset.done $0x0  }
0x27b: {  	s10 =	simm.s32 $0x15580;
	[sflag:s13] =	ssyncadd.s32 $0xFFFFE000  }
0x27c: {  	[spmem:s29] =	stream.indirect.scatter.add.f32 [tilespmem:s5], [sflag:$0x5], $0x80, s10, s25, $0xb8;
	[tilespmem:$0x1E800] =	vst v63  }
0x27d: {  	_ =	swait.ge [sflag:s22], $0x2000  }
0x27e: {  	[sflag:s22] =	ssyncset.done $0x0  }
0x27f: {  	s6 =	simm.s32 $0x800;
	s8 =	simm.s32 $0x14380;
	[sflag:s22] =	ssyncadd.s32 $0xFFFFE000  }
.LBB2_9:
0x280: {  	[tilespmem:s5], [sflag:$0x4] =	stream.indirect.gather [hbm4b:s31+s25], $0x80, s8, s25, $0xb8;
	[tilespmem:$0x1E800] =	vst v63  }
0x281: {  	s8 =	smov.u32 s6  }
0x282: {  	p1 =	sne.s32 s6, $0x4000;
	s6 =	sadd.s32 $0x800, s6;
	_ =	swait.ge [sflag:s7], $0x2000  }
0x283: {  	s8 =	sshra.s32 s8, $0x2;
	[sflag:s7] =	ssyncset.done $0x0  }
0x284: {  	s10 =	sadd.s32 $0x15400, s8;
	[sflag:s7] =	ssyncadd.s32 $0xFFFFE000  }
0x285: {  	[spmem:s29] =	stream.indirect.scatter.add.f32 [tilespmem:s21], [sflag:$0x5], $0x80, s10, s25, $0xb8;
	[tilespmem:$0x1E800] =	vst v63  }
0x286: {  	_ =	swait.ge [sflag:s22], $0x2000  }
0x287: {  	[sflag:s22] =	ssyncset.done $0x0  }
0x288: {  	s10 =	sadd.s32 $0x14200, s8;
	[sflag:s22] =	ssyncadd.s32 $0xFFFFE000  }
0x289: {  	[tilespmem:s21], [sflag:$0x1] =	stream.indirect.gather [hbm4b:s31+s25], $0x80, s10, s25, $0xb8;
	[tilespmem:$0x1E800] =	vst v63  }
0x28a: {  	_ =	swait.ge [sflag:s9], $0x2000  }
0x28b: {  	[sflag:s9] =	ssyncset.done $0x0  }
0x28c: {  	s10 =	sadd.s32 $0x15480, s8;
	[sflag:s9] =	ssyncadd.s32 $0xFFFFE000  }
0x28d: {  	[spmem:s29] =	stream.indirect.scatter.add.f32 [tilespmem:s30], [sflag:$0x5], $0x80, s10, s25, $0xb8;
	[tilespmem:$0x1E800] =	vst v63  }
0x28e: {  	_ =	swait.ge [sflag:s22], $0x2000  }
0x28f: {  	[sflag:s22] =	ssyncset.done $0x0  }
0x290: {  	s10 =	sadd.s32 $0x14280, s8;
	[sflag:s22] =	ssyncadd.s32 $0xFFFFE000  }
0x291: {  	[tilespmem:s30], [sflag:$0x2] =	stream.indirect.gather [hbm4b:s31+s25], $0x80, s10, s25, $0xb8;
	[tilespmem:$0x1E800] =	vst v63  }
0x292: {  	_ =	swait.ge [sflag:s11], $0x2000  }
0x293: {  	[sflag:s11] =	ssyncset.done $0x0  }
0x294: {  	s10 =	sadd.s32 $0x15500, s8;
	[sflag:s11] =	ssyncadd.s32 $0xFFFFE000  }
0x295: {  	[spmem:s29] =	stream.indirect.scatter.add.f32 [tilespmem:s2], [sflag:$0x5], $0x80, s10, s25, $0xb8;
	[tilespmem:$0x1E800] =	vst v63  }
0x296: {  	_ =	swait.ge [sflag:s22], $0x2000  }
0x297: {  	[sflag:s22] =	ssyncset.done $0x0  }
0x298: {  	s10 =	sadd.s32 $0x14300, s8;
	[sflag:s22] =	ssyncadd.s32 $0xFFFFE000  }
0x299: {  	[tilespmem:s2], [sflag:$0x3] =	stream.indirect.gather [hbm4b:s31+s25], $0x80, s10, s25, $0xb8;
	[tilespmem:$0x1E800] =	vst v63  }
0x29a: {  	_ =	swait.ge [sflag:s13], $0x2000  }
0x29b: {  	[sflag:s13] =	ssyncset.done $0x0  }
.Ltmp6:
0x29c: {  	s10 =	sadd.s32 $0x15580, s8;
	[sflag:s13] =	ssyncadd.s32 $0xFFFFE000;
	(pc) =	sbr.rel @p1 .LBB2_9-.Ltmp6, $4  }
0x29d: {  	[spmem:s29] =	stream.indirect.scatter.add.f32 [tilespmem:s5], [sflag:$0x5], $0x80, s10, s25, $0xb8;
	[tilespmem:$0x1E800] =	vst v63  }
0x29e: {  	_ =	swait.ge [sflag:s22], $0x2000  }
0x29f: {  	[sflag:s22] =	ssyncset.done $0x0  }
0x2a0: {  	s8 =	sadd.s32 $0x14380, s8;
	[sflag:s22] =	ssyncadd.s32 $0xFFFFE000  }
0x2a1: {  	[tilespmem:s5], [sflag:$0x4] =	stream.indirect.gather [hbm4b:s31+s25], $0x80, s8, s25, $0xb8;
	[tilespmem:$0x1E800] =	vst v63  }
0x2a2: {  	_ =	swait.ge [sflag:s7], $0x2000  }
0x2a3: {  	[sflag:s7] =	ssyncset.done $0x0  }
0x2a4: {  	[sflag:s7] =	ssyncadd.s32 $0xFFFFE000  }
0x2a5: {  	[spmem:s29] =	stream.indirect.scatter.add.f32 [tilespmem:s21], [sflag:$0x5], $0x80, s24, s25, $0xb8;
	[tilespmem:$0x1E800] =	vst v63  }
0x2a6: {  	_ =	swait.ge [sflag:s22], $0x2000  }
0x2a7: {  	[sflag:s22] =	ssyncset.done $0x0  }
0x2a8: {  	[sflag:s22] =	ssyncadd.s32 $0xFFFFE000  }
0x2a9: {  	_ =	swait.ge [sflag:s9], $0x2000  }
0x2aa: {  	[sflag:s9] =	ssyncset.done $0x0  }
0x2ab: {  	[sflag:s9] =	ssyncadd.s32 $0xFFFFE000  }
0x2ac: {  	[spmem:s29] =	stream.indirect.scatter.add.f32 [tilespmem:s30], [sflag:$0x5], $0x80, s26, s25, $0xb8;
	[tilespmem:$0x1E800] =	vst v63  }
0x2ad: {  	_ =	swait.ge [sflag:s22], $0x2000  }
0x2ae: {  	[sflag:s22] =	ssyncset.done $0x0  }
0x2af: {  	[sflag:s22] =	ssyncadd.s32 $0xFFFFE000  }
0x2b0: {  	_ =	swait.ge [sflag:s11], $0x2000  }
0x2b1: {  	[sflag:s11] =	ssyncset.done $0x0  }
0x2b2: {  	s6 =	simm.s32 $0x16700;
	[sflag:s11] =	ssyncadd.s32 $0xFFFFE000  }
0x2b3: {  	[spmem:s29] =	stream.indirect.scatter.add.f32 [tilespmem:s2], [sflag:$0x5], $0x80, s6, s25, $0xb8;
	[tilespmem:$0x1E800] =	vst v63  }
0x2b4: {  	_ =	swait.ge [sflag:s22], $0x2000  }
0x2b5: {  	[sflag:s22] =	ssyncset.done $0x0  }
0x2b6: {  	[sflag:s22] =	ssyncadd.s32 $0xFFFFE000  }
0x2b7: {  	_ =	swait.ge [sflag:s13], $0x2000  }
0x2b8: {  	[sflag:s13] =	ssyncset.done $0x0  }
0x2b9: {  	s8 =	simm.s32 $0x16780;
	[sflag:s13] =	ssyncadd.s32 $0xFFFFE000  }
0x2ba: {  	[spmem:s29] =	stream.indirect.scatter.add.f32 [tilespmem:s5], [sflag:$0x5], $0x80, s8, s25, $0xb8;
	[tilespmem:$0x1E800] =	vst v63  }
0x2bb: {  	_ =	swait.ge [sflag:s22], $0x2000  }
0x2bc: {  	[sflag:s22] =	ssyncset.done $0x0  }
0x2bd: {  	s6 =	simm.s32 $0x0;
	s10 =	rddreg [dreg:$0xc];
	[sflag:s22] =	ssyncadd.s32 $0xFFFFE000  }
0x2be: {  	[tilespmem:s23], [sflag:$0x5] =	stream.linear.gather [hbm4b:s10+s6], $0x1400, $0x38;
	[tilespmem:$0x1E800] =	vst v63  }
0x2bf: {  	_ =	swait.ge [sflag:s22], $0x1400  }
0x2c0: {  	[sflag:s22] =	ssyncset.done $0x0  }
0x2c1: {  	s10 =	rddreg [dreg:$0xd];
	[sflag:s22] =	ssyncadd.s32 $0xFFFFEC00  }
0x2c2: {  	[tilespmem:s0], [sflag:$0x5] =	stream.linear.gather [hbm4b:s10+s6], $0x1400, $0x38;
	[tilespmem:$0x1E800] =	vst v63  }
0x2c3: {  	_ =	swait.ge [sflag:s22], $0x1400  }
0x2c4: {  	[sflag:s22] =	ssyncset.done $0x0  }
0x2c5: {  	[sflag:s22] =	ssyncadd.s32 $0xFFFFEC00  }
0x2c6: {  	[tilespmem:s21], [sflag:$0x1] =	stream.indirect.gather [hbm4b:s31+s25], $0x80, s23, s25, $0xb8;
	[tilespmem:$0x1E800] =	vst v63  }
0x2c7: {  	_ = 	snop  }
0x2c8: {  	[tilespmem:s30], [sflag:$0x2] =	stream.indirect.gather [hbm4b:s31+s25], $0x80, s12, s25, $0xb8;
	[tilespmem:$0x1E800] =	vst v63  }
0x2c9: {  	_ = 	snop  }
0x2ca: {  	[tilespmem:s2], [sflag:$0x3] =	stream.indirect.gather [hbm4b:s31+s25], $0x80, s18, s25, $0xb8;
	[tilespmem:$0x1E800] =	vst v63  }
0x2cb: {  	_ = 	snop  }
0x2cc: {  	[tilespmem:s5], [sflag:$0x4] =	stream.indirect.gather [hbm4b:s31+s25], $0x80, s19, s25, $0xb8;
	[tilespmem:$0x1E800] =	vst v63  }
0x2cd: {  	_ =	swait.ge [sflag:s7], $0x2000  }
0x2ce: {  	[sflag:s7] =	ssyncset.done $0x0  }
0x2cf: {  	s10 =	simm.s32 $0x15400;
	[sflag:s7] =	ssyncadd.s32 $0xFFFFE000  }
0x2d0: {  	[spmem:s29] =	stream.indirect.scatter.add.f32 [tilespmem:s21], [sflag:$0x5], $0x80, s10, s25, $0xb8;
	[tilespmem:$0x1E800] =	vst v63  }
0x2d1: {  	_ =	swait.ge [sflag:s22], $0x2000  }
0x2d2: {  	[sflag:s22] =	ssyncset.done $0x0  }
0x2d3: {  	s8 =	simm.s32 $0x14200;
	[sflag:s22] =	ssyncadd.s32 $0xFFFFE000  }
0x2d4: {  	[tilespmem:s21], [sflag:$0x1] =	stream.indirect.gather [hbm4b:s31+s25], $0x80, s8, s25, $0xb8;
	[tilespmem:$0x1E800] =	vst v63  }
0x2d5: {  	_ =	swait.ge [sflag:s9], $0x2000  }
0x2d6: {  	[sflag:s9] =	ssyncset.done $0x0  }
0x2d7: {  	s10 =	simm.s32 $0x15480;
	[sflag:s9] =	ssyncadd.s32 $0xFFFFE000  }
0x2d8: {  	[spmem:s29] =	stream.indirect.scatter.add.f32 [tilespmem:s30], [sflag:$0x5], $0x80, s10, s25, $0xb8;
	[tilespmem:$0x1E800] =	vst v63  }
0x2d9: {  	_ =	swait.ge [sflag:s22], $0x2000  }
0x2da: {  	[sflag:s22] =	ssyncset.done $0x0  }
0x2db: {  	s8 =	simm.s32 $0x14280;
	[sflag:s22] =	ssyncadd.s32 $0xFFFFE000  }
0x2dc: {  	[tilespmem:s30], [sflag:$0x2] =	stream.indirect.gather [hbm4b:s31+s25], $0x80, s8, s25, $0xb8;
	[tilespmem:$0x1E800] =	vst v63  }
0x2dd: {  	_ =	swait.ge [sflag:s11], $0x2000  }
0x2de: {  	[sflag:s11] =	ssyncset.done $0x0  }
0x2df: {  	s10 =	simm.s32 $0x15500;
	[sflag:s11] =	ssyncadd.s32 $0xFFFFE000  }
0x2e0: {  	[spmem:s29] =	stream.indirect.scatter.add.f32 [tilespmem:s2], [sflag:$0x5], $0x80, s10, s25, $0xb8;
	[tilespmem:$0x1E800] =	vst v63  }
0x2e1: {  	_ =	swait.ge [sflag:s22], $0x2000  }
0x2e2: {  	[sflag:s22] =	ssyncset.done $0x0  }
0x2e3: {  	s8 =	simm.s32 $0x14300;
	[sflag:s22] =	ssyncadd.s32 $0xFFFFE000  }
0x2e4: {  	[tilespmem:s2], [sflag:$0x3] =	stream.indirect.gather [hbm4b:s31+s25], $0x80, s8, s25, $0xb8;
	[tilespmem:$0x1E800] =	vst v63  }
0x2e5: {  	_ =	swait.ge [sflag:s13], $0x2000  }
0x2e6: {  	[sflag:s13] =	ssyncset.done $0x0  }
0x2e7: {  	s10 =	simm.s32 $0x15580;
	[sflag:s13] =	ssyncadd.s32 $0xFFFFE000  }
0x2e8: {  	[spmem:s29] =	stream.indirect.scatter.add.f32 [tilespmem:s5], [sflag:$0x5], $0x80, s10, s25, $0xb8;
	[tilespmem:$0x1E800] =	vst v63  }
0x2e9: {  	_ =	swait.ge [sflag:s22], $0x2000  }
0x2ea: {  	[sflag:s22] =	ssyncset.done $0x0  }
0x2eb: {  	s6 =	simm.s32 $0x800;
	s8 =	simm.s32 $0x14380;
	[sflag:s22] =	ssyncadd.s32 $0xFFFFE000  }
.LBB2_11:
0x2ec: {  	[tilespmem:s5], [sflag:$0x4] =	stream.indirect.gather [hbm4b:s31+s25], $0x80, s8, s25, $0xb8;
	[tilespmem:$0x1E800] =	vst v63  }
0x2ed: {  	s8 =	smov.u32 s6  }
0x2ee: {  	p1 =	sne.s32 s6, $0x4000;
	s6 =	sadd.s32 $0x800, s6;
	_ =	swait.ge [sflag:s7], $0x2000  }
0x2ef: {  	s8 =	sshra.s32 s8, $0x2;
	[sflag:s7] =	ssyncset.done $0x0  }
0x2f0: {  	s10 =	sadd.s32 $0x15400, s8;
	[sflag:s7] =	ssyncadd.s32 $0xFFFFE000  }
0x2f1: {  	[spmem:s29] =	stream.indirect.scatter.add.f32 [tilespmem:s21], [sflag:$0x5], $0x80, s10, s25, $0xb8;
	[tilespmem:$0x1E800] =	vst v63  }
0x2f2: {  	_ =	swait.ge [sflag:s22], $0x2000  }
0x2f3: {  	[sflag:s22] =	ssyncset.done $0x0  }
0x2f4: {  	s10 =	sadd.s32 $0x14200, s8;
	[sflag:s22] =	ssyncadd.s32 $0xFFFFE000  }
0x2f5: {  	[tilespmem:s21], [sflag:$0x1] =	stream.indirect.gather [hbm4b:s31+s25], $0x80, s10, s25, $0xb8;
	[tilespmem:$0x1E800] =	vst v63  }
0x2f6: {  	_ =	swait.ge [sflag:s9], $0x2000  }
0x2f7: {  	[sflag:s9] =	ssyncset.done $0x0  }
0x2f8: {  	s10 =	sadd.s32 $0x15480, s8;
	[sflag:s9] =	ssyncadd.s32 $0xFFFFE000  }
0x2f9: {  	[spmem:s29] =	stream.indirect.scatter.add.f32 [tilespmem:s30], [sflag:$0x5], $0x80, s10, s25, $0xb8;
	[tilespmem:$0x1E800] =	vst v63  }
0x2fa: {  	_ =	swait.ge [sflag:s22], $0x2000  }
0x2fb: {  	[sflag:s22] =	ssyncset.done $0x0  }
0x2fc: {  	s10 =	sadd.s32 $0x14280, s8;
	[sflag:s22] =	ssyncadd.s32 $0xFFFFE000  }
0x2fd: {  	[tilespmem:s30], [sflag:$0x2] =	stream.indirect.gather [hbm4b:s31+s25], $0x80, s10, s25, $0xb8;
	[tilespmem:$0x1E800] =	vst v63  }
0x2fe: {  	_ =	swait.ge [sflag:s11], $0x2000  }
0x2ff: {  	[sflag:s11] =	ssyncset.done $0x0  }
0x300: {  	s10 =	sadd.s32 $0x15500, s8;
	[sflag:s11] =	ssyncadd.s32 $0xFFFFE000  }
0x301: {  	[spmem:s29] =	stream.indirect.scatter.add.f32 [tilespmem:s2], [sflag:$0x5], $0x80, s10, s25, $0xb8;
	[tilespmem:$0x1E800] =	vst v63  }
0x302: {  	_ =	swait.ge [sflag:s22], $0x2000  }
0x303: {  	[sflag:s22] =	ssyncset.done $0x0  }
0x304: {  	s10 =	sadd.s32 $0x14300, s8;
	[sflag:s22] =	ssyncadd.s32 $0xFFFFE000  }
0x305: {  	[tilespmem:s2], [sflag:$0x3] =	stream.indirect.gather [hbm4b:s31+s25], $0x80, s10, s25, $0xb8;
	[tilespmem:$0x1E800] =	vst v63  }
0x306: {  	_ =	swait.ge [sflag:s13], $0x2000  }
0x307: {  	[sflag:s13] =	ssyncset.done $0x0  }
.Ltmp7:
0x308: {  	s10 =	sadd.s32 $0x15580, s8;
	[sflag:s13] =	ssyncadd.s32 $0xFFFFE000;
	(pc) =	sbr.rel @p1 .LBB2_11-.Ltmp7, $4  }
0x309: {  	[spmem:s29] =	stream.indirect.scatter.add.f32 [tilespmem:s5], [sflag:$0x5], $0x80, s10, s25, $0xb8;
	[tilespmem:$0x1E800] =	vst v63  }
0x30a: {  	_ =	swait.ge [sflag:s22], $0x2000  }
0x30b: {  	[sflag:s22] =	ssyncset.done $0x0  }
0x30c: {  	s8 =	sadd.s32 $0x14380, s8;
	[sflag:s22] =	ssyncadd.s32 $0xFFFFE000  }
0x30d: {  	[tilespmem:s5], [sflag:$0x4] =	stream.indirect.gather [hbm4b:s31+s25], $0x80, s8, s25, $0xb8;
	[tilespmem:$0x1E800] =	vst v63  }
0x30e: {  	_ =	swait.ge [sflag:s7], $0x2000  }
0x30f: {  	[sflag:s7] =	ssyncset.done $0x0  }
0x310: {  	[sflag:s7] =	ssyncadd.s32 $0xFFFFE000  }
0x311: {  	[spmem:s29] =	stream.indirect.scatter.add.f32 [tilespmem:s21], [sflag:$0x5], $0x80, s24, s25, $0xb8;
	[tilespmem:$0x1E800] =	vst v63  }
0x312: {  	_ =	swait.ge [sflag:s22], $0x2000  }
0x313: {  	[sflag:s22] =	ssyncset.done $0x0  }
0x314: {  	[sflag:s22] =	ssyncadd.s32 $0xFFFFE000  }
0x315: {  	_ =	swait.ge [sflag:s9], $0x2000  }
0x316: {  	[sflag:s9] =	ssyncset.done $0x0  }
0x317: {  	[sflag:s9] =	ssyncadd.s32 $0xFFFFE000  }
0x318: {  	[spmem:s29] =	stream.indirect.scatter.add.f32 [tilespmem:s30], [sflag:$0x5], $0x80, s26, s25, $0xb8;
	[tilespmem:$0x1E800] =	vst v63  }
0x319: {  	_ =	swait.ge [sflag:s22], $0x2000  }
0x31a: {  	[sflag:s22] =	ssyncset.done $0x0  }
0x31b: {  	[sflag:s22] =	ssyncadd.s32 $0xFFFFE000  }
0x31c: {  	_ =	swait.ge [sflag:s11], $0x2000  }
0x31d: {  	[sflag:s11] =	ssyncset.done $0x0  }
0x31e: {  	s6 =	simm.s32 $0x16700;
	[sflag:s11] =	ssyncadd.s32 $0xFFFFE000  }
0x31f: {  	[spmem:s29] =	stream.indirect.scatter.add.f32 [tilespmem:s2], [sflag:$0x5], $0x80, s6, s25, $0xb8;
	[tilespmem:$0x1E800] =	vst v63  }
0x320: {  	_ =	swait.ge [sflag:s22], $0x2000  }
0x321: {  	[sflag:s22] =	ssyncset.done $0x0  }
0x322: {  	[sflag:s22] =	ssyncadd.s32 $0xFFFFE000  }
0x323: {  	_ =	swait.ge [sflag:s13], $0x2000  }
0x324: {  	[sflag:s13] =	ssyncset.done $0x0  }
0x325: {  	s8 =	simm.s32 $0x16780;
	[sflag:s13] =	ssyncadd.s32 $0xFFFFE000  }
0x326: {  	[spmem:s29] =	stream.indirect.scatter.add.f32 [tilespmem:s5], [sflag:$0x5], $0x80, s8, s25, $0xb8;
	[tilespmem:$0x1E800] =	vst v63  }
0x327: {  	_ =	swait.ge [sflag:s22], $0x2000  }
0x328: {  	[sflag:s22] =	ssyncset.done $0x0  }
0x329: {  	s6 =	simm.s32 $0x0;
	s10 =	rddreg [dreg:$0xe];
	[sflag:s22] =	ssyncadd.s32 $0xFFFFE000  }
0x32a: {  	[tilespmem:s23], [sflag:$0x5] =	stream.linear.gather [hbm4b:s10+s6], $0x1400, $0x38;
	[tilespmem:$0x1E800] =	vst v63  }
0x32b: {  	_ =	swait.ge [sflag:s22], $0x1400  }
0x32c: {  	[sflag:s22] =	ssyncset.done $0x0  }
0x32d: {  	s10 =	rddreg [dreg:$0xf];
	[sflag:s22] =	ssyncadd.s32 $0xFFFFEC00  }
0x32e: {  	[tilespmem:s0], [sflag:$0x5] =	stream.linear.gather [hbm4b:s10+s6], $0x1400, $0x38;
	[tilespmem:$0x1E800] =	vst v63  }
0x32f: {  	_ =	swait.ge [sflag:s22], $0x1400  }
0x330: {  	[sflag:s22] =	ssyncset.done $0x0  }
0x331: {  	[sflag:s22] =	ssyncadd.s32 $0xFFFFEC00  }
0x332: {  	[tilespmem:s21], [sflag:$0x1] =	stream.indirect.gather [hbm4b:s31+s25], $0x80, s23, s25, $0xb8;
	[tilespmem:$0x1E800] =	vst v63  }
0x333: {  	_ = 	snop  }
0x334: {  	[tilespmem:s30], [sflag:$0x2] =	stream.indirect.gather [hbm4b:s31+s25], $0x80, s12, s25, $0xb8;
	[tilespmem:$0x1E800] =	vst v63  }
0x335: {  	_ = 	snop  }
0x336: {  	[tilespmem:s2], [sflag:$0x3] =	stream.indirect.gather [hbm4b:s31+s25], $0x80, s18, s25, $0xb8;
	[tilespmem:$0x1E800] =	vst v63  }
0x337: {  	_ = 	snop  }
0x338: {  	[tilespmem:s5], [sflag:$0x4] =	stream.indirect.gather [hbm4b:s31+s25], $0x80, s19, s25, $0xb8;
	[tilespmem:$0x1E800] =	vst v63  }
0x339: {  	_ =	swait.ge [sflag:s7], $0x2000  }
0x33a: {  	[sflag:s7] =	ssyncset.done $0x0  }
0x33b: {  	s10 =	simm.s32 $0x15400;
	[sflag:s7] =	ssyncadd.s32 $0xFFFFE000  }
0x33c: {  	[spmem:s29] =	stream.indirect.scatter.add.f32 [tilespmem:s21], [sflag:$0x5], $0x80, s10, s25, $0xb8;
	[tilespmem:$0x1E800] =	vst v63  }
0x33d: {  	_ =	swait.ge [sflag:s22], $0x2000  }
0x33e: {  	[sflag:s22] =	ssyncset.done $0x0  }
0x33f: {  	s8 =	simm.s32 $0x14200;
	[sflag:s22] =	ssyncadd.s32 $0xFFFFE000  }
0x340: {  	[tilespmem:s21], [sflag:$0x1] =	stream.indirect.gather [hbm4b:s31+s25], $0x80, s8, s25, $0xb8;
	[tilespmem:$0x1E800] =	vst v63  }
0x341: {  	_ =	swait.ge [sflag:s9], $0x2000  }
0x342: {  	[sflag:s9] =	ssyncset.done $0x0  }
0x343: {  	s10 =	simm.s32 $0x15480;
	[sflag:s9] =	ssyncadd.s32 $0xFFFFE000  }
0x344: {  	[spmem:s29] =	stream.indirect.scatter.add.f32 [tilespmem:s30], [sflag:$0x5], $0x80, s10, s25, $0xb8;
	[tilespmem:$0x1E800] =	vst v63  }
0x345: {  	_ =	swait.ge [sflag:s22], $0x2000  }
0x346: {  	[sflag:s22] =	ssyncset.done $0x0  }
0x347: {  	s8 =	simm.s32 $0x14280;
	[sflag:s22] =	ssyncadd.s32 $0xFFFFE000  }
0x348: {  	[tilespmem:s30], [sflag:$0x2] =	stream.indirect.gather [hbm4b:s31+s25], $0x80, s8, s25, $0xb8;
	[tilespmem:$0x1E800] =	vst v63  }
0x349: {  	_ =	swait.ge [sflag:s11], $0x2000  }
0x34a: {  	[sflag:s11] =	ssyncset.done $0x0  }
0x34b: {  	s10 =	simm.s32 $0x15500;
	[sflag:s11] =	ssyncadd.s32 $0xFFFFE000  }
0x34c: {  	[spmem:s29] =	stream.indirect.scatter.add.f32 [tilespmem:s2], [sflag:$0x5], $0x80, s10, s25, $0xb8;
	[tilespmem:$0x1E800] =	vst v63  }
0x34d: {  	_ =	swait.ge [sflag:s22], $0x2000  }
0x34e: {  	[sflag:s22] =	ssyncset.done $0x0  }
0x34f: {  	s8 =	simm.s32 $0x14300;
	[sflag:s22] =	ssyncadd.s32 $0xFFFFE000  }
0x350: {  	[tilespmem:s2], [sflag:$0x3] =	stream.indirect.gather [hbm4b:s31+s25], $0x80, s8, s25, $0xb8;
	[tilespmem:$0x1E800] =	vst v63  }
0x351: {  	_ =	swait.ge [sflag:s13], $0x2000  }
0x352: {  	[sflag:s13] =	ssyncset.done $0x0  }
0x353: {  	s10 =	simm.s32 $0x15580;
	[sflag:s13] =	ssyncadd.s32 $0xFFFFE000  }
0x354: {  	[spmem:s29] =	stream.indirect.scatter.add.f32 [tilespmem:s5], [sflag:$0x5], $0x80, s10, s25, $0xb8;
	[tilespmem:$0x1E800] =	vst v63  }
0x355: {  	_ =	swait.ge [sflag:s22], $0x2000  }
0x356: {  	[sflag:s22] =	ssyncset.done $0x0  }
0x357: {  	s6 =	simm.s32 $0x800;
	s8 =	simm.s32 $0x14380;
	[sflag:s22] =	ssyncadd.s32 $0xFFFFE000  }
.LBB2_13:
0x358: {  	[tilespmem:s5], [sflag:$0x4] =	stream.indirect.gather [hbm4b:s31+s25], $0x80, s8, s25, $0xb8;
	[tilespmem:$0x1E800] =	vst v63  }
0x359: {  	s8 =	smov.u32 s6  }
0x35a: {  	p1 =	sne.s32 s6, $0x4000;
	s6 =	sadd.s32 $0x800, s6;
	_ =	swait.ge [sflag:s7], $0x2000  }
0x35b: {  	s8 =	sshra.s32 s8, $0x2;
	[sflag:s7] =	ssyncset.done $0x0  }
0x35c: {  	s10 =	sadd.s32 $0x15400, s8;
	[sflag:s7] =	ssyncadd.s32 $0xFFFFE000  }
0x35d: {  	[spmem:s29] =	stream.indirect.scatter.add.f32 [tilespmem:s21], [sflag:$0x5], $0x80, s10, s25, $0xb8;
	[tilespmem:$0x1E800] =	vst v63  }
0x35e: {  	_ =	swait.ge [sflag:s22], $0x2000  }
0x35f: {  	[sflag:s22] =	ssyncset.done $0x0  }
0x360: {  	s10 =	sadd.s32 $0x14200, s8;
	[sflag:s22] =	ssyncadd.s32 $0xFFFFE000  }
0x361: {  	[tilespmem:s21], [sflag:$0x1] =	stream.indirect.gather [hbm4b:s31+s25], $0x80, s10, s25, $0xb8;
	[tilespmem:$0x1E800] =	vst v63  }
0x362: {  	_ =	swait.ge [sflag:s9], $0x2000  }
0x363: {  	[sflag:s9] =	ssyncset.done $0x0  }
0x364: {  	s10 =	sadd.s32 $0x15480, s8;
	[sflag:s9] =	ssyncadd.s32 $0xFFFFE000  }
0x365: {  	[spmem:s29] =	stream.indirect.scatter.add.f32 [tilespmem:s30], [sflag:$0x5], $0x80, s10, s25, $0xb8;
	[tilespmem:$0x1E800] =	vst v63  }
0x366: {  	_ =	swait.ge [sflag:s22], $0x2000  }
0x367: {  	[sflag:s22] =	ssyncset.done $0x0  }
0x368: {  	s10 =	sadd.s32 $0x14280, s8;
	[sflag:s22] =	ssyncadd.s32 $0xFFFFE000  }
0x369: {  	[tilespmem:s30], [sflag:$0x2] =	stream.indirect.gather [hbm4b:s31+s25], $0x80, s10, s25, $0xb8;
	[tilespmem:$0x1E800] =	vst v63  }
0x36a: {  	_ =	swait.ge [sflag:s11], $0x2000  }
0x36b: {  	[sflag:s11] =	ssyncset.done $0x0  }
0x36c: {  	s10 =	sadd.s32 $0x15500, s8;
	[sflag:s11] =	ssyncadd.s32 $0xFFFFE000  }
0x36d: {  	[spmem:s29] =	stream.indirect.scatter.add.f32 [tilespmem:s2], [sflag:$0x5], $0x80, s10, s25, $0xb8;
	[tilespmem:$0x1E800] =	vst v63  }
0x36e: {  	_ =	swait.ge [sflag:s22], $0x2000  }
0x36f: {  	[sflag:s22] =	ssyncset.done $0x0  }
0x370: {  	s10 =	sadd.s32 $0x14300, s8;
	[sflag:s22] =	ssyncadd.s32 $0xFFFFE000  }
0x371: {  	[tilespmem:s2], [sflag:$0x3] =	stream.indirect.gather [hbm4b:s31+s25], $0x80, s10, s25, $0xb8;
	[tilespmem:$0x1E800] =	vst v63  }
0x372: {  	_ =	swait.ge [sflag:s13], $0x2000  }
0x373: {  	[sflag:s13] =	ssyncset.done $0x0  }
.Ltmp8:
0x374: {  	s10 =	sadd.s32 $0x15580, s8;
	[sflag:s13] =	ssyncadd.s32 $0xFFFFE000;
	(pc) =	sbr.rel @p1 .LBB2_13-.Ltmp8, $4  }
0x375: {  	[spmem:s29] =	stream.indirect.scatter.add.f32 [tilespmem:s5], [sflag:$0x5], $0x80, s10, s25, $0xb8;
	[tilespmem:$0x1E800] =	vst v63  }
0x376: {  	_ =	swait.ge [sflag:s22], $0x2000  }
0x377: {  	[sflag:s22] =	ssyncset.done $0x0  }
0x378: {  	s8 =	sadd.s32 $0x14380, s8;
	[sflag:s22] =	ssyncadd.s32 $0xFFFFE000  }
0x379: {  	[tilespmem:s5], [sflag:$0x4] =	stream.indirect.gather [hbm4b:s31+s25], $0x80, s8, s25, $0xb8;
	[tilespmem:$0x1E800] =	vst v63  }
0x37a: {  	_ =	swait.ge [sflag:s7], $0x2000  }
0x37b: {  	[sflag:s7] =	ssyncset.done $0x0  }
0x37c: {  	[sflag:s7] =	ssyncadd.s32 $0xFFFFE000  }
0x37d: {  	[spmem:s29] =	stream.indirect.scatter.add.f32 [tilespmem:s21], [sflag:$0x5], $0x80, s24, s25, $0xb8;
	[tilespmem:$0x1E800] =	vst v63  }
0x37e: {  	_ =	swait.ge [sflag:s22], $0x2000  }
0x37f: {  	[sflag:s22] =	ssyncset.done $0x0  }
0x380: {  	[sflag:s22] =	ssyncadd.s32 $0xFFFFE000  }
0x381: {  	_ =	swait.ge [sflag:s9], $0x2000  }
0x382: {  	[sflag:s9] =	ssyncset.done $0x0  }
0x383: {  	[sflag:s9] =	ssyncadd.s32 $0xFFFFE000  }
0x384: {  	[spmem:s29] =	stream.indirect.scatter.add.f32 [tilespmem:s30], [sflag:$0x5], $0x80, s26, s25, $0xb8;
	[tilespmem:$0x1E800] =	vst v63  }
0x385: {  	_ =	swait.ge [sflag:s22], $0x2000  }
0x386: {  	[sflag:s22] =	ssyncset.done $0x0  }
0x387: {  	[sflag:s22] =	ssyncadd.s32 $0xFFFFE000  }
0x388: {  	_ =	swait.ge [sflag:s11], $0x2000  }
0x389: {  	[sflag:s11] =	ssyncset.done $0x0  }
0x38a: {  	s6 =	simm.s32 $0x16700;
	[sflag:s11] =	ssyncadd.s32 $0xFFFFE000  }
0x38b: {  	[spmem:s29] =	stream.indirect.scatter.add.f32 [tilespmem:s2], [sflag:$0x5], $0x80, s6, s25, $0xb8;
	[tilespmem:$0x1E800] =	vst v63  }
0x38c: {  	_ =	swait.ge [sflag:s22], $0x2000  }
0x38d: {  	[sflag:s22] =	ssyncset.done $0x0  }
0x38e: {  	[sflag:s22] =	ssyncadd.s32 $0xFFFFE000  }
0x38f: {  	_ =	swait.ge [sflag:s13], $0x2000  }
0x390: {  	[sflag:s13] =	ssyncset.done $0x0  }
0x391: {  	s8 =	simm.s32 $0x16780;
	[sflag:s13] =	ssyncadd.s32 $0xFFFFE000  }
0x392: {  	[spmem:s29] =	stream.indirect.scatter.add.f32 [tilespmem:s5], [sflag:$0x5], $0x80, s8, s25, $0xb8;
	[tilespmem:$0x1E800] =	vst v63  }
0x393: {  	_ =	swait.ge [sflag:s22], $0x2000  }
0x394: {  	[sflag:s22] =	ssyncset.done $0x0  }
0x395: {  	s6 =	simm.s32 $0x0;
	s10 =	rddreg [dreg:$0x10];
	[sflag:s22] =	ssyncadd.s32 $0xFFFFE000  }
0x396: {  	[tilespmem:s23], [sflag:$0x5] =	stream.linear.gather [hbm4b:s10+s6], $0x1400, $0x38;
	[tilespmem:$0x1E800] =	vst v63  }
0x397: {  	_ =	swait.ge [sflag:s22], $0x1400  }
0x398: {  	[sflag:s22] =	ssyncset.done $0x0  }
0x399: {  	s10 =	rddreg [dreg:$0x11];
	[sflag:s22] =	ssyncadd.s32 $0xFFFFEC00  }
0x39a: {  	[tilespmem:s0], [sflag:$0x5] =	stream.linear.gather [hbm4b:s10+s6], $0x1400, $0x38;
	[tilespmem:$0x1E800] =	vst v63  }
0x39b: {  	_ =	swait.ge [sflag:s22], $0x1400  }
0x39c: {  	[sflag:s22] =	ssyncset.done $0x0  }
0x39d: {  	[sflag:s22] =	ssyncadd.s32 $0xFFFFEC00  }
0x39e: {  	[tilespmem:s21], [sflag:$0x1] =	stream.indirect.gather [hbm4b:s31+s25], $0x80, s23, s25, $0xb8;
	[tilespmem:$0x1E800] =	vst v63  }
0x39f: {  	_ = 	snop  }
0x3a0: {  	[tilespmem:s30], [sflag:$0x2] =	stream.indirect.gather [hbm4b:s31+s25], $0x80, s12, s25, $0xb8;
	[tilespmem:$0x1E800] =	vst v63  }
0x3a1: {  	_ = 	snop  }
0x3a2: {  	[tilespmem:s2], [sflag:$0x3] =	stream.indirect.gather [hbm4b:s31+s25], $0x80, s18, s25, $0xb8;
	[tilespmem:$0x1E800] =	vst v63  }
0x3a3: {  	_ = 	snop  }
0x3a4: {  	[tilespmem:s5], [sflag:$0x4] =	stream.indirect.gather [hbm4b:s31+s25], $0x80, s19, s25, $0xb8;
	[tilespmem:$0x1E800] =	vst v63  }
0x3a5: {  	_ =	swait.ge [sflag:s7], $0x2000  }
0x3a6: {  	[sflag:s7] =	ssyncset.done $0x0  }
0x3a7: {  	s10 =	simm.s32 $0x15400;
	[sflag:s7] =	ssyncadd.s32 $0xFFFFE000  }
0x3a8: {  	[spmem:s29] =	stream.indirect.scatter.add.f32 [tilespmem:s21], [sflag:$0x5], $0x80, s10, s25, $0xb8;
	[tilespmem:$0x1E800] =	vst v63  }
0x3a9: {  	_ =	swait.ge [sflag:s22], $0x2000  }
0x3aa: {  	[sflag:s22] =	ssyncset.done $0x0  }
0x3ab: {  	s8 =	simm.s32 $0x14200;
	[sflag:s22] =	ssyncadd.s32 $0xFFFFE000  }
0x3ac: {  	[tilespmem:s21], [sflag:$0x1] =	stream.indirect.gather [hbm4b:s31+s25], $0x80, s8, s25, $0xb8;
	[tilespmem:$0x1E800] =	vst v63  }
0x3ad: {  	_ =	swait.ge [sflag:s9], $0x2000  }
0x3ae: {  	[sflag:s9] =	ssyncset.done $0x0  }
0x3af: {  	s10 =	simm.s32 $0x15480;
	[sflag:s9] =	ssyncadd.s32 $0xFFFFE000  }
0x3b0: {  	[spmem:s29] =	stream.indirect.scatter.add.f32 [tilespmem:s30], [sflag:$0x5], $0x80, s10, s25, $0xb8;
	[tilespmem:$0x1E800] =	vst v63  }
0x3b1: {  	_ =	swait.ge [sflag:s22], $0x2000  }
0x3b2: {  	[sflag:s22] =	ssyncset.done $0x0  }
0x3b3: {  	s8 =	simm.s32 $0x14280;
	[sflag:s22] =	ssyncadd.s32 $0xFFFFE000  }
0x3b4: {  	[tilespmem:s30], [sflag:$0x2] =	stream.indirect.gather [hbm4b:s31+s25], $0x80, s8, s25, $0xb8;
	[tilespmem:$0x1E800] =	vst v63  }
0x3b5: {  	_ =	swait.ge [sflag:s11], $0x2000  }
0x3b6: {  	[sflag:s11] =	ssyncset.done $0x0  }
0x3b7: {  	s10 =	simm.s32 $0x15500;
	[sflag:s11] =	ssyncadd.s32 $0xFFFFE000  }
0x3b8: {  	[spmem:s29] =	stream.indirect.scatter.add.f32 [tilespmem:s2], [sflag:$0x5], $0x80, s10, s25, $0xb8;
	[tilespmem:$0x1E800] =	vst v63  }
0x3b9: {  	_ =	swait.ge [sflag:s22], $0x2000  }
0x3ba: {  	[sflag:s22] =	ssyncset.done $0x0  }
0x3bb: {  	s8 =	simm.s32 $0x14300;
	[sflag:s22] =	ssyncadd.s32 $0xFFFFE000  }
0x3bc: {  	[tilespmem:s2], [sflag:$0x3] =	stream.indirect.gather [hbm4b:s31+s25], $0x80, s8, s25, $0xb8;
	[tilespmem:$0x1E800] =	vst v63  }
0x3bd: {  	_ =	swait.ge [sflag:s13], $0x2000  }
0x3be: {  	[sflag:s13] =	ssyncset.done $0x0  }
0x3bf: {  	s10 =	simm.s32 $0x15580;
	[sflag:s13] =	ssyncadd.s32 $0xFFFFE000  }
0x3c0: {  	[spmem:s29] =	stream.indirect.scatter.add.f32 [tilespmem:s5], [sflag:$0x5], $0x80, s10, s25, $0xb8;
	[tilespmem:$0x1E800] =	vst v63  }
0x3c1: {  	_ =	swait.ge [sflag:s22], $0x2000  }
0x3c2: {  	[sflag:s22] =	ssyncset.done $0x0  }
0x3c3: {  	s6 =	simm.s32 $0x800;
	s8 =	simm.s32 $0x14380;
	[sflag:s22] =	ssyncadd.s32 $0xFFFFE000  }
.LBB2_15:
0x3c4: {  	[tilespmem:s5], [sflag:$0x4] =	stream.indirect.gather [hbm4b:s31+s25], $0x80, s8, s25, $0xb8;
	[tilespmem:$0x1E800] =	vst v63  }
0x3c5: {  	s8 =	smov.u32 s6  }
0x3c6: {  	p1 =	sne.s32 s6, $0x4000;
	s6 =	sadd.s32 $0x800, s6;
	_ =	swait.ge [sflag:s7], $0x2000  }
0x3c7: {  	s8 =	sshra.s32 s8, $0x2;
	[sflag:s7] =	ssyncset.done $0x0  }
0x3c8: {  	s10 =	sadd.s32 $0x15400, s8;
	[sflag:s7] =	ssyncadd.s32 $0xFFFFE000  }
0x3c9: {  	[spmem:s29] =	stream.indirect.scatter.add.f32 [tilespmem:s21], [sflag:$0x5], $0x80, s10, s25, $0xb8;
	[tilespmem:$0x1E800] =	vst v63  }
0x3ca: {  	_ =	swait.ge [sflag:s22], $0x2000  }
0x3cb: {  	[sflag:s22] =	ssyncset.done $0x0  }
0x3cc: {  	s10 =	sadd.s32 $0x14200, s8;
	[sflag:s22] =	ssyncadd.s32 $0xFFFFE000  }
0x3cd: {  	[tilespmem:s21], [sflag:$0x1] =	stream.indirect.gather [hbm4b:s31+s25], $0x80, s10, s25, $0xb8;
	[tilespmem:$0x1E800] =	vst v63  }
0x3ce: {  	_ =	swait.ge [sflag:s9], $0x2000  }
0x3cf: {  	[sflag:s9] =	ssyncset.done $0x0  }
0x3d0: {  	s10 =	sadd.s32 $0x15480, s8;
	[sflag:s9] =	ssyncadd.s32 $0xFFFFE000  }
0x3d1: {  	[spmem:s29] =	stream.indirect.scatter.add.f32 [tilespmem:s30], [sflag:$0x5], $0x80, s10, s25, $0xb8;
	[tilespmem:$0x1E800] =	vst v63  }
0x3d2: {  	_ =	swait.ge [sflag:s22], $0x2000  }
0x3d3: {  	[sflag:s22] =	ssyncset.done $0x0  }
0x3d4: {  	s10 =	sadd.s32 $0x14280, s8;
	[sflag:s22] =	ssyncadd.s32 $0xFFFFE000  }
0x3d5: {  	[tilespmem:s30], [sflag:$0x2] =	stream.indirect.gather [hbm4b:s31+s25], $0x80, s10, s25, $0xb8;
	[tilespmem:$0x1E800] =	vst v63  }
0x3d6: {  	_ =	swait.ge [sflag:s11], $0x2000  }
0x3d7: {  	[sflag:s11] =	ssyncset.done $0x0  }
0x3d8: {  	s10 =	sadd.s32 $0x15500, s8;
	[sflag:s11] =	ssyncadd.s32 $0xFFFFE000  }
0x3d9: {  	[spmem:s29] =	stream.indirect.scatter.add.f32 [tilespmem:s2], [sflag:$0x5], $0x80, s10, s25, $0xb8;
	[tilespmem:$0x1E800] =	vst v63  }
0x3da: {  	_ =	swait.ge [sflag:s22], $0x2000  }
0x3db: {  	[sflag:s22] =	ssyncset.done $0x0  }
0x3dc: {  	s10 =	sadd.s32 $0x14300, s8;
	[sflag:s22] =	ssyncadd.s32 $0xFFFFE000  }
0x3dd: {  	[tilespmem:s2], [sflag:$0x3] =	stream.indirect.gather [hbm4b:s31+s25], $0x80, s10, s25, $0xb8;
	[tilespmem:$0x1E800] =	vst v63  }
0x3de: {  	_ =	swait.ge [sflag:s13], $0x2000  }
0x3df: {  	[sflag:s13] =	ssyncset.done $0x0  }
.Ltmp9:
0x3e0: {  	s10 =	sadd.s32 $0x15580, s8;
	[sflag:s13] =	ssyncadd.s32 $0xFFFFE000;
	(pc) =	sbr.rel @p1 .LBB2_15-.Ltmp9, $4  }
0x3e1: {  	[spmem:s29] =	stream.indirect.scatter.add.f32 [tilespmem:s5], [sflag:$0x5], $0x80, s10, s25, $0xb8;
	[tilespmem:$0x1E800] =	vst v63  }
0x3e2: {  	_ =	swait.ge [sflag:s22], $0x2000  }
0x3e3: {  	[sflag:s22] =	ssyncset.done $0x0  }
0x3e4: {  	s8 =	sadd.s32 $0x14380, s8;
	[sflag:s22] =	ssyncadd.s32 $0xFFFFE000  }
0x3e5: {  	[tilespmem:s5], [sflag:$0x4] =	stream.indirect.gather [hbm4b:s31+s25], $0x80, s8, s25, $0xb8;
	[tilespmem:$0x1E800] =	vst v63  }
0x3e6: {  	_ =	swait.ge [sflag:s7], $0x2000  }
0x3e7: {  	[sflag:s7] =	ssyncset.done $0x0  }
0x3e8: {  	[sflag:s7] =	ssyncadd.s32 $0xFFFFE000  }
0x3e9: {  	[spmem:s29] =	stream.indirect.scatter.add.f32 [tilespmem:s21], [sflag:$0x5], $0x80, s24, s25, $0xb8;
	[tilespmem:$0x1E800] =	vst v63  }
0x3ea: {  	_ =	swait.ge [sflag:s22], $0x2000  }
0x3eb: {  	[sflag:s22] =	ssyncset.done $0x0  }
0x3ec: {  	[sflag:s22] =	ssyncadd.s32 $0xFFFFE000  }
0x3ed: {  	_ =	swait.ge [sflag:s9], $0x2000  }
0x3ee: {  	[sflag:s9] =	ssyncset.done $0x0  }
0x3ef: {  	[sflag:s9] =	ssyncadd.s32 $0xFFFFE000  }
0x3f0: {  	[spmem:s29] =	stream.indirect.scatter.add.f32 [tilespmem:s30], [sflag:$0x5], $0x80, s26, s25, $0xb8;
	[tilespmem:$0x1E800] =	vst v63  }
0x3f1: {  	_ =	swait.ge [sflag:s22], $0x2000  }
0x3f2: {  	[sflag:s22] =	ssyncset.done $0x0  }
0x3f3: {  	[sflag:s22] =	ssyncadd.s32 $0xFFFFE000  }
0x3f4: {  	_ =	swait.ge [sflag:s11], $0x2000  }
0x3f5: {  	[sflag:s11] =	ssyncset.done $0x0  }
0x3f6: {  	s6 =	simm.s32 $0x16700;
	[sflag:s11] =	ssyncadd.s32 $0xFFFFE000  }
0x3f7: {  	[spmem:s29] =	stream.indirect.scatter.add.f32 [tilespmem:s2], [sflag:$0x5], $0x80, s6, s25, $0xb8;
	[tilespmem:$0x1E800] =	vst v63  }
0x3f8: {  	_ =	swait.ge [sflag:s22], $0x2000  }
0x3f9: {  	[sflag:s22] =	ssyncset.done $0x0  }
0x3fa: {  	[sflag:s22] =	ssyncadd.s32 $0xFFFFE000  }
0x3fb: {  	_ =	swait.ge [sflag:s13], $0x2000  }
0x3fc: {  	[sflag:s13] =	ssyncset.done $0x0  }
0x3fd: {  	s8 =	simm.s32 $0x16780;
	[sflag:s13] =	ssyncadd.s32 $0xFFFFE000  }
0x3fe: {  	[spmem:s29] =	stream.indirect.scatter.add.f32 [tilespmem:s5], [sflag:$0x5], $0x80, s8, s25, $0xb8;
	[tilespmem:$0x1E800] =	vst v63  }
0x3ff: {  	_ =	swait.ge [sflag:s22], $0x2000  }
0x400: {  	[sflag:s22] =	ssyncset.done $0x0  }
0x401: {  	s6 =	simm.s32 $0x0;
	s10 =	rddreg [dreg:$0x12];
	[sflag:s22] =	ssyncadd.s32 $0xFFFFE000  }
0x402: {  	[tilespmem:s23], [sflag:$0x5] =	stream.linear.gather [hbm4b:s10+s6], $0x1400, $0x38;
	[tilespmem:$0x1E800] =	vst v63  }
0x403: {  	_ =	swait.ge [sflag:s22], $0x1400  }
0x404: {  	[sflag:s22] =	ssyncset.done $0x0  }
0x405: {  	s10 =	rddreg [dreg:$0x13];
	[sflag:s22] =	ssyncadd.s32 $0xFFFFEC00  }
0x406: {  	[tilespmem:s0], [sflag:$0x5] =	stream.linear.gather [hbm4b:s10+s6], $0x1400, $0x38;
	[tilespmem:$0x1E800] =	vst v63  }
0x407: {  	_ =	swait.ge [sflag:s22], $0x1400  }
0x408: {  	[sflag:s22] =	ssyncset.done $0x0  }
0x409: {  	[sflag:s22] =	ssyncadd.s32 $0xFFFFEC00  }
0x40a: {  	[tilespmem:s21], [sflag:$0x1] =	stream.indirect.gather [hbm4b:s31+s25], $0x80, s23, s25, $0xb8;
	[tilespmem:$0x1E800] =	vst v63  }
0x40b: {  	_ = 	snop  }
0x40c: {  	[tilespmem:s30], [sflag:$0x2] =	stream.indirect.gather [hbm4b:s31+s25], $0x80, s12, s25, $0xb8;
	[tilespmem:$0x1E800] =	vst v63  }
0x40d: {  	_ = 	snop  }
0x40e: {  	[tilespmem:s2], [sflag:$0x3] =	stream.indirect.gather [hbm4b:s31+s25], $0x80, s18, s25, $0xb8;
	[tilespmem:$0x1E800] =	vst v63  }
0x40f: {  	_ = 	snop  }
0x410: {  	[tilespmem:s5], [sflag:$0x4] =	stream.indirect.gather [hbm4b:s31+s25], $0x80, s19, s25, $0xb8;
	[tilespmem:$0x1E800] =	vst v63  }
0x411: {  	_ =	swait.ge [sflag:s7], $0x2000  }
0x412: {  	[sflag:s7] =	ssyncset.done $0x0  }
0x413: {  	s19 =	simm.s32 $0x15400;
	[sflag:s7] =	ssyncadd.s32 $0xFFFFE000  }
0x414: {  	[spmem:s29] =	stream.indirect.scatter.add.f32 [tilespmem:s21], [sflag:$0x5], $0x80, s19, s25, $0xb8;
	[tilespmem:$0x1E800] =	vst v63  }
0x415: {  	_ =	swait.ge [sflag:s22], $0x2000  }
0x416: {  	[sflag:s22] =	ssyncset.done $0x0  }
0x417: {  	s0 =	simm.s32 $0x14200;
	[sflag:s22] =	ssyncadd.s32 $0xFFFFE000  }
0x418: {  	[tilespmem:s21], [sflag:$0x1] =	stream.indirect.gather [hbm4b:s31+s25], $0x80, s0, s25, $0xb8;
	[tilespmem:$0x1E800] =	vst v63  }
0x419: {  	_ =	swait.ge [sflag:s9], $0x2000  }
0x41a: {  	[sflag:s9] =	ssyncset.done $0x0  }
0x41b: {  	s8 =	simm.s32 $0x15480;
	[sflag:s9] =	ssyncadd.s32 $0xFFFFE000  }
0x41c: {  	[spmem:s29] =	stream.indirect.scatter.add.f32 [tilespmem:s30], [sflag:$0x5], $0x80, s8, s25, $0xb8;
	[tilespmem:$0x1E800] =	vst v63  }
0x41d: {  	_ =	swait.ge [sflag:s22], $0x2000  }
0x41e: {  	[sflag:s22] =	ssyncset.done $0x0  }
0x41f: {  	s10 =	simm.s32 $0x14280;
	[sflag:s22] =	ssyncadd.s32 $0xFFFFE000  }
0x420: {  	[tilespmem:s30], [sflag:$0x2] =	stream.indirect.gather [hbm4b:s31+s25], $0x80, s10, s25, $0xb8;
	[tilespmem:$0x1E800] =	vst v63  }
0x421: {  	_ =	swait.ge [sflag:s11], $0x2000  }
0x422: {  	[sflag:s11] =	ssyncset.done $0x0  }
0x423: {  	s12 =	simm.s32 $0x15500;
	[sflag:s11] =	ssyncadd.s32 $0xFFFFE000  }
0x424: {  	[spmem:s29] =	stream.indirect.scatter.add.f32 [tilespmem:s2], [sflag:$0x5], $0x80, s12, s25, $0xb8;
	[tilespmem:$0x1E800] =	vst v63  }
0x425: {  	_ =	swait.ge [sflag:s22], $0x2000  }
0x426: {  	[sflag:s22] =	ssyncset.done $0x0  }
0x427: {  	s18 =	simm.s32 $0x14300;
	[sflag:s22] =	ssyncadd.s32 $0xFFFFE000  }
0x428: {  	[tilespmem:s2], [sflag:$0x3] =	stream.indirect.gather [hbm4b:s31+s25], $0x80, s18, s25, $0xb8;
	[tilespmem:$0x1E800] =	vst v63  }
0x429: {  	_ =	swait.ge [sflag:s13], $0x2000  }
0x42a: {  	[sflag:s13] =	ssyncset.done $0x0  }
0x42b: {  	s19 =	simm.s32 $0x15580;
	[sflag:s13] =	ssyncadd.s32 $0xFFFFE000  }
0x42c: {  	[spmem:s29] =	stream.indirect.scatter.add.f32 [tilespmem:s5], [sflag:$0x5], $0x80, s19, s25, $0xb8;
	[tilespmem:$0x1E800] =	vst v63  }
0x42d: {  	_ =	swait.ge [sflag:s22], $0x2000  }
0x42e: {  	[sflag:s22] =	ssyncset.done $0x0  }
0x42f: {  	s6 =	simm.s32 $0x800;
	s8 =	simm.s32 $0x14380;
	[sflag:s22] =	ssyncadd.s32 $0xFFFFE000  }
.LBB2_17:
0x430: {  	[tilespmem:s5], [sflag:$0x4] =	stream.indirect.gather [hbm4b:s31+s25], $0x80, s8, s25, $0xb8;
	[tilespmem:$0x1E800] =	vst v63  }
0x431: {  	s8 =	smov.u32 s6  }
0x432: {  	p1 =	sne.s32 s6, $0x4000;
	s6 =	sadd.s32 $0x800, s6;
	_ =	swait.ge [sflag:s7], $0x2000  }
0x433: {  	s8 =	sshra.s32 s8, $0x2;
	[sflag:s7] =	ssyncset.done $0x0  }
0x434: {  	s10 =	sadd.s32 $0x15400, s8;
	[sflag:s7] =	ssyncadd.s32 $0xFFFFE000  }
0x435: {  	[spmem:s29] =	stream.indirect.scatter.add.f32 [tilespmem:s21], [sflag:$0x5], $0x80, s10, s25, $0xb8;
	[tilespmem:$0x1E800] =	vst v63  }
0x436: {  	_ =	swait.ge [sflag:s22], $0x2000  }
0x437: {  	[sflag:s22] =	ssyncset.done $0x0  }
0x438: {  	s10 =	sadd.s32 $0x14200, s8;
	[sflag:s22] =	ssyncadd.s32 $0xFFFFE000  }
0x439: {  	[tilespmem:s21], [sflag:$0x1] =	stream.indirect.gather [hbm4b:s31+s25], $0x80, s10, s25, $0xb8;
	[tilespmem:$0x1E800] =	vst v63  }
0x43a: {  	_ =	swait.ge [sflag:s9], $0x2000  }
0x43b: {  	[sflag:s9] =	ssyncset.done $0x0  }
0x43c: {  	s10 =	sadd.s32 $0x15480, s8;
	[sflag:s9] =	ssyncadd.s32 $0xFFFFE000  }
0x43d: {  	[spmem:s29] =	stream.indirect.scatter.add.f32 [tilespmem:s30], [sflag:$0x5], $0x80, s10, s25, $0xb8;
	[tilespmem:$0x1E800] =	vst v63  }
0x43e: {  	_ =	swait.ge [sflag:s22], $0x2000  }
0x43f: {  	[sflag:s22] =	ssyncset.done $0x0  }
0x440: {  	s10 =	sadd.s32 $0x14280, s8;
	[sflag:s22] =	ssyncadd.s32 $0xFFFFE000  }
0x441: {  	[tilespmem:s30], [sflag:$0x2] =	stream.indirect.gather [hbm4b:s31+s25], $0x80, s10, s25, $0xb8;
	[tilespmem:$0x1E800] =	vst v63  }
0x442: {  	_ =	swait.ge [sflag:s11], $0x2000  }
0x443: {  	[sflag:s11] =	ssyncset.done $0x0  }
0x444: {  	s10 =	sadd.s32 $0x15500, s8;
	[sflag:s11] =	ssyncadd.s32 $0xFFFFE000  }
0x445: {  	[spmem:s29] =	stream.indirect.scatter.add.f32 [tilespmem:s2], [sflag:$0x5], $0x80, s10, s25, $0xb8;
	[tilespmem:$0x1E800] =	vst v63  }
0x446: {  	_ =	swait.ge [sflag:s22], $0x2000  }
0x447: {  	[sflag:s22] =	ssyncset.done $0x0  }
0x448: {  	s10 =	sadd.s32 $0x14300, s8;
	[sflag:s22] =	ssyncadd.s32 $0xFFFFE000  }
0x449: {  	[tilespmem:s2], [sflag:$0x3] =	stream.indirect.gather [hbm4b:s31+s25], $0x80, s10, s25, $0xb8;
	[tilespmem:$0x1E800] =	vst v63  }
0x44a: {  	_ =	swait.ge [sflag:s13], $0x2000  }
0x44b: {  	[sflag:s13] =	ssyncset.done $0x0  }
.Ltmp10:
0x44c: {  	s10 =	sadd.s32 $0x15580, s8;
	[sflag:s13] =	ssyncadd.s32 $0xFFFFE000;
	(pc) =	sbr.rel @p1 .LBB2_17-.Ltmp10, $4  }
0x44d: {  	[spmem:s29] =	stream.indirect.scatter.add.f32 [tilespmem:s5], [sflag:$0x5], $0x80, s10, s25, $0xb8;
	[tilespmem:$0x1E800] =	vst v63  }
0x44e: {  	_ =	swait.ge [sflag:s22], $0x2000  }
0x44f: {  	[sflag:s22] =	ssyncset.done $0x0  }
0x450: {  	s8 =	sadd.s32 $0x14380, s8;
	[sflag:s22] =	ssyncadd.s32 $0xFFFFE000  }
.Ltmp11:
0x451: {  	_ = 	snop;
	(pc) =	sbr.rel .LBB2_18-.Ltmp11, $1  }
0x452: {  	_ =	sdelay $0x3  }
.LBB2_20:
0x453: {  	_ =	sfence.sel $0x180000  }
0x454: {  	[bflag:$0x0] =	sbarrier.arrive $0xFFFF  }
0x455: {  	_ =	strace $0x90000047  }
0x456: {  	s0 =	stileid.u32;
	[bflag:$0x2] =	sbarrier.arrive $0xFFFF  }
0x457: {  	p0 =	sne.s32 s0, $0x0;
	s0 =	rddreg [dreg:$0x3]  }
0x458: {  	s0 =	sadd.s32 @!p0 $0x100000, s0  }
0x459: {  	[sflag:s0] =	ssyncadd.tile.s32 @!p0 $0x1;
	_ =	shalt  }
.Lfunc_end2:
_tile_overlayer_lowered:
.L_overlay_start_2:
0x45a: {  	(tag) =	ssettag $0x2  }
0x45b: {  	s0 =	rddreg [dreg:$0x0];
	s2 =	stileid.u32  }
0x45c: {  	s1 =	rddreg [dreg:$0x1];
	p0 =	sne.s32 s2, $0x0  }
0x45d: {  	s3 =	rddreg [dreg:$0x2];
	[bflag:$0x3] =	sbarrier.arrive $0xFFFF;
	s2 =	simm.s32 @!p0 $0x1C05  }
0x45e: {  	[timem:s3], [sflag:s2] =	dma.local @!p0 [hbm:s0], s1  }
0x45f: {  	s0 =	simm.s32 @!p0 $0x5  }
0x460: {  	_ =	swait.ge @!p0 [sflag:s0], s1  }
0x461: {  	s1 =	ssub.s32 @!p0 $0x0, s1;
	[sflag:s0] =	ssyncset.done @!p0 $0x0  }
0x462: {  	[sflag:s0] =	ssyncadd.s32 @!p0 s1  }
0x463: {  	[bflag:$0x3] =	sbarrier.arrive $0xFFFF  }
0x464: {  	_ =	shalt  }

</sc_bundles>
